<compile_context>
chip_gen: v7x
topology: tpu7x:2x2x1
jax: 0.10.2.dev20260603
libtpu: 0.0.44.dev20260713+nightly
codegen_flags: <defaults>
</compile_context>

<pallas_src>
import functools

import jax
import jax.numpy as jnp
from jax import lax
from jax.experimental import pallas as pl
from jax.experimental.pallas import tpu as pltpu
from jax.experimental.pallas import tpu_sc as plsc

B = 16
N = 16384
D = 128
HW = 256

NODES_PER_TILE = N // 2
CHUNK = 128
NCHUNK = NODES_PER_TILE // CHUNK
ROWS_PER_SC = 8 * HW
ROWS_PER_TILE = ROWS_PER_SC // 16
NBUF = 4


def _sc_body(feat_hbm, ky_hbm, kx_hbm, out_hbm,
             f0, f1, f2, f3, y0, y1, y2, y3, x0, x1, x2, x3,
             c0, c1, c2, c3, hist_a, hist_b, acc, cnt,
             l0, l1, l2, l3, s0, s1, s2, s3):
    c = lax.axis_index("c")
    s = lax.axis_index("s")
    feat_bufs = [f0, f1, f2, f3]
    y_bufs = [y0, y1, y2, y3]
    x_bufs = [x0, x1, x2, x3]
    cell_bufs = [c0, c1, c2, c3]
    load_sems = [l0, l1, l2, l3]
    scat_sems = [s0, s1, s2, s3]

    zeros16f = jnp.zeros((16,), jnp.float32)
    ones16f = jnp.ones((16,), jnp.float32)

    lb = s // 2
    b = c * 8 + lb
    half = s % 2
    n0 = half * NODES_PER_TILE
    row_base = lb * HW

    def _zero_row(i, _):
        for j in range(D // 16):
            f0[i, pl.ds(j * 16, 16)] = zeros16f
        return 0
    lax.fori_loop(0, CHUNK, _zero_row, 0)

    def _zero_hist(i, _):
        hist_a[pl.ds(i * 16, 16)] = zeros16f
        hist_b[pl.ds(i * 16, 16)] = zeros16f
        return 0
    lax.fori_loop(0, HW, _zero_hist, 0)

    for h in range(ROWS_PER_TILE // CHUNK):
        pltpu.sync_copy(f0, acc.at[pl.ds(s * ROWS_PER_TILE + h * CHUNK, CHUNK)])
        pltpu.sync_copy(f0, cnt.at[pl.ds(s * ROWS_PER_TILE + h * CHUNK, CHUNK)])
    plsc.subcore_barrier()

    def start_load(i, k):
        pltpu.async_copy(feat_hbm.at[b, pl.ds(n0 + i * CHUNK, CHUNK)],
                         feat_bufs[k], load_sems[k])
        pltpu.async_copy(ky_hbm.at[b, pl.ds(n0 + i * CHUNK, CHUNK)],
                         y_bufs[k], load_sems[k])
        pltpu.async_copy(kx_hbm.at[b, pl.ds(n0 + i * CHUNK, CHUNK)],
                         x_bufs[k], load_sems[k])

    def wait_load(k):
        pltpu.make_async_copy(feat_hbm.at[b, pl.ds(n0, CHUNK)],
                              feat_bufs[k], load_sems[k]).wait()
        pltpu.make_async_copy(ky_hbm.at[b, pl.ds(n0, CHUNK)],
                              y_bufs[k], load_sems[k]).wait()
        pltpu.make_async_copy(kx_hbm.at[b, pl.ds(n0, CHUNK)],
                              x_bufs[k], load_sems[k]).wait()

    def compute_cells(i, k):
        cb = cell_bufs[k]
        for j in range(CHUNK // 16):
            yv = y_bufs[k][pl.ds(j * 16, 16)]
            xv = x_bufs[k][pl.ds(j * 16, 16)]
            cb[pl.ds(j * 16, 16)] = yv * 16 + xv + row_base

    def start_scats(k):
        pltpu.async_copy(feat_bufs[k], acc.at[cell_bufs[k]], scat_sems[k],
                         add=True)

    def wait_scats(k):
        pltpu.make_async_copy(feat_bufs[k], acc.at[cell_bufs[k]],
                              scat_sems[k]).wait()

    def update_hist(k):
        cb = cell_bufs[k]
        def _upd(j, _):
            cv = (cb[pl.ds(j * 16, 16)] - row_base) * 16
            for l in range(0, 16, 2):
                ca = cv[l]
                cbv = cv[l + 1]
                hist_a[pl.ds(ca, 16)] = hist_a[pl.ds(ca, 16)] + ones16f
                hist_b[pl.ds(cbv, 16)] = hist_b[pl.ds(cbv, 16)] + ones16f
            return 0
        lax.fori_loop(0, CHUNK // 16, _upd, 0)

    start_load(0, 0)
    start_load(1, 1)
    wait_load(0)
    compute_cells(0, 0)
    start_scats(0)
    start_load(2, 2)
    update_hist(0)
    wait_load(1)
    compute_cells(1, 1)
    start_scats(1)
    start_load(3, 3)
    update_hist(1)

    def _round(m, _):
        i0 = 2 + m * 4
        for j in range(4):
            i = i0 + j
            k = (2 + j) % 4
            wait_load(k)
            compute_cells(i, k)
            start_scats(k)
            wait_scats((k + 2) % 4)
            start_load(i + 2, (k + 2) % 4)
            update_hist(k)
        return 0
    lax.fori_loop(0, (NCHUNK - 4) // 4, _round, 0)

    wait_load(2)
    compute_cells(NCHUNK - 2, 2)
    start_scats(2)
    wait_scats(0)
    update_hist(2)
    wait_load(3)
    compute_cells(NCHUNK - 1, 3)
    start_scats(3)
    wait_scats(1)
    update_hist(3)

    wait_scats(2)
    wait_scats(3)
    i0_16 = lax.iota(jnp.int32, 16)
    NG = HW // CHUNK

    for g in range(NG):
        fb = feat_bufs[g]
        cb = cell_bufs[g]

        def _bld(r, _, g=g, fb=fb):
            hv = (hist_a[pl.ds((g * CHUNK + r) * 16, 16)]
                  + hist_b[pl.ds((g * CHUNK + r) * 16, 16)])
            for j in range(D // 16):
                fb[r, pl.ds(j * 16, 16)] = hv
            return 0
        lax.fori_loop(0, CHUNK, _bld, 0)
        for j in range(CHUNK // 16):
            cb[pl.ds(j * 16, 16)] = i0_16 + (row_base + g * CHUNK + j * 16)
        pltpu.async_copy(fb, cnt.at[cb], scat_sems[g], add=True)

    for g in range(NG):
        pltpu.make_async_copy(feat_bufs[g], cnt.at[cell_bufs[g]],
                              scat_sems[g]).wait()
    plsc.subcore_barrier()

    rows0 = s * ROWS_PER_TILE
    cell0 = half * ROWS_PER_TILE
    for h in range(ROWS_PER_TILE // CHUNK):
        pltpu.sync_copy(acc.at[pl.ds(rows0 + h * CHUNK, CHUNK)], f0)
        pltpu.sync_copy(cnt.at[pl.ds(rows0 + h * CHUNK, CHUNK)], f1)

        def _cell(i, _):
            inv = 1.0 / jnp.maximum(f1[i, pl.ds(0, 16)], 1.0)
            for j in range(D // 16):
                f0[i, pl.ds(j * 16, 16)] = f0[i, pl.ds(j * 16, 16)] * inv
            return 0
        lax.fori_loop(0, CHUNK, _cell, 0)
        pltpu.sync_copy(f0, out_hbm.at[b, pl.ds(cell0 + h * CHUNK, CHUNK)])


@jax.jit
def _graph_to_cnn(features, ky, kx):
    mesh = plsc.VectorSubcoreMesh(core_axis_name="c", subcore_axis_name="s")
    run = functools.partial(
        pl.kernel,
        out_type=jax.ShapeDtypeStruct((B, HW, D), jnp.float32),
        mesh=mesh,
        scratch_types=[
        ] + [pltpu.VMEM((CHUNK, D), jnp.float32)] * NBUF
          + [pltpu.VMEM((CHUNK,), jnp.int32)] * NBUF * 2
          + [pltpu.VMEM((CHUNK,), jnp.int32)] * NBUF
          + [
            pltpu.VMEM((HW * 16,), jnp.float32),
            pltpu.VMEM((HW * 16,), jnp.float32),
            pltpu.VMEM_SHARED((ROWS_PER_SC, D), jnp.float32),
            pltpu.VMEM_SHARED((ROWS_PER_SC, D), jnp.float32),
        ] + [pltpu.SemaphoreType.DMA] * (2 * NBUF),
    )(_sc_body)
    return run(features, ky, kx)


def kernel(features, key_locs):
    kl = key_locs.astype(jnp.int32)
    ky = kl[..., 0]
    kx = kl[..., 1]
    out = _graph_to_cnn(features, ky, kx)
    return jnp.transpose(out, (0, 2, 1)).reshape(B, D, 16, 16)

# --- scband reference (transcript-rebuilt; emitter-appended) ---
"""Pipeline reference for scband-graph-to-cnn-56538949484911 (READ-ONLY COPY).

The authoritative reference and input builder live on the scoring server;
editing this copy changes nothing except your own understanding.
"""

import jax, jax.numpy as jnp
import numpy as np

FV_SIZE = 128
FM_W = 16
FM_H = 16

def setup_inputs(seed: int = 0) -> dict:
    key = jax.random.key(seed)
    k1, k2 = jax.random.split(key)
    B, N = 16, 16384
    features = jax.random.normal(k1, (B, N, FV_SIZE), dtype=jnp.float32)
    key_locs = jax.random.randint(k2, (B, N, 2), 0, FM_H, dtype=jnp.int64)
    return {"features": features, "key_locs": key_locs}

def reference(features, key_locs):
    # Faithful translation of make_back_tensor: scatter each node's feature
    # vector into the (y, x) cell of a [H, W] grid, averaging collisions via
    # a per-cell count, producing feature maps of shape [B, D, H, W].
    B, N, D = features.shape
    H, W = FM_H, FM_W
    y = key_locs[..., 0]
    x = key_locs[..., 1]
    cell = y * W + x                                   # [B, N]
    flat_idx = (jnp.arange(B)[:, None] * (H * W) + cell).reshape(-1)  # [B*N]
    flat_feat = features.reshape(-1, D)                # [B*N, D]
    sums = jnp.zeros((B * H * W, D), dtype=features.dtype).at[flat_idx].add(flat_feat)
    counts = jnp.zeros((B * H * W,), dtype=features.dtype).at[flat_idx].add(1.0)
    maps = sums / jnp.maximum(counts, 1.0)[:, None]    # average where count>0, zeros elsewhere
    maps = maps.reshape(B, H, W, D).transpose(0, 3, 1, 2)  # [B, D, H, W]
    return maps

if __name__ == "__main__":
    import jax
    _d = setup_inputs()
    print(jax.jit(kernel)(*tuple(_d.values())))

</pallas_src>

<mosaic_0001>
#map = affine_map<(d0, d1) -> (0, 0, 0)>
#map1 = affine_map<(d0, d1) -> (0, 0)>
module attributes {stable_mosaic.version = 14 : i64} {
  func.func @_sc_body(%arg0: i32, %arg1: i32, %arg2: memref<16x16384x128xf32, #tpu.memory_space<hbm>>, %arg3: memref<16x16384xi32, #tpu.memory_space<hbm>>, %arg4: memref<16x16384xi32, #tpu.memory_space<hbm>>, %arg5: memref<16x256x128xf32, #tpu.memory_space<hbm>>, %arg6: memref<128x128xf32, #tpu.memory_space<vmem>>, %arg7: memref<128x128xf32, #tpu.memory_space<vmem>>, %arg8: memref<128x128xf32, #tpu.memory_space<vmem>>, %arg9: memref<128x128xf32, #tpu.memory_space<vmem>>, %arg10: memref<128xi32, #tpu.memory_space<vmem>>, %arg11: memref<128xi32, #tpu.memory_space<vmem>>, %arg12: memref<128xi32, #tpu.memory_space<vmem>>, %arg13: memref<128xi32, #tpu.memory_space<vmem>>, %arg14: memref<128xi32, #tpu.memory_space<vmem>>, %arg15: memref<128xi32, #tpu.memory_space<vmem>>, %arg16: memref<128xi32, #tpu.memory_space<vmem>>, %arg17: memref<128xi32, #tpu.memory_space<vmem>>, %arg18: memref<128xi32, #tpu.memory_space<vmem>>, %arg19: memref<128xi32, #tpu.memory_space<vmem>>, %arg20: memref<128xi32, #tpu.memory_space<vmem>>, %arg21: memref<128xi32, #tpu.memory_space<vmem>>, %arg22: memref<4096xf32, #tpu.memory_space<vmem>>, %arg23: memref<4096xf32, #tpu.memory_space<vmem>>, %arg24: memref<2048x128xf32, #tpu.memory_space<vmem_shared>>, %arg25: memref<2048x128xf32, #tpu.memory_space<vmem_shared>>, %arg26: memref<!tpu.dma_semaphore, #tpu.memory_space<semaphore_mem>>, %arg27: memref<!tpu.dma_semaphore, #tpu.memory_space<semaphore_mem>>, %arg28: memref<!tpu.dma_semaphore, #tpu.memory_space<semaphore_mem>>, %arg29: memref<!tpu.dma_semaphore, #tpu.memory_space<semaphore_mem>>, %arg30: memref<!tpu.dma_semaphore, #tpu.memory_space<semaphore_mem>>, %arg31: memref<!tpu.dma_semaphore, #tpu.memory_space<semaphore_mem>>, %arg32: memref<!tpu.dma_semaphore, #tpu.memory_space<semaphore_mem>>, %arg33: memref<!tpu.dma_semaphore, #tpu.memory_space<semaphore_mem>>) attributes {dimension_semantics = [#tpu.dimension_semantics<core_parallel>, #tpu.dimension_semantics<subcore_parallel>], iteration_bounds = array<i64: 2, 16>, scalar_prefetch = 0 : i64, scratch_operands = 28 : i64, tpu.core_type = #tpu.core_type<sc_vector_subcore>, window_params = [{transform_indices = #map}, {transform_indices = #map1}, {transform_indices = #map1}, {transform_indices = #map}]} {
    %broadcast_in_dim3A = arith.constant 0.000000e+00 : f32
    %broadcast_in_dim3A_0 = vector.broadcast %broadcast_in_dim3A : f32 to vector<16xf32>
    %broadcast_in_dim3A_1 = arith.constant 1.000000e+00 : f32
    %broadcast_in_dim3A_2 = vector.broadcast %broadcast_in_dim3A_1 : f32 to vector<16xf32>
    %jit3A = arith.constant 2 : i32
    %div3A = arith.divsi %arg1, %jit3A : i32
    %sign3A = arith.constant 0 : i32
    %sign3A_3 = arith.cmpi sgt, %arg1, %sign3A : i32
    %sign3A_4 = arith.extui %sign3A_3 : i1 to i32
    %sign3A_5 = arith.constant 0 : i32
    %sign3A_6 = arith.cmpi slt, %arg1, %sign3A_5 : i32
    %sign3A_7 = arith.extui %sign3A_6 : i1 to i32
    %sign3A_8 = arith.subi %sign3A_4, %sign3A_7 : i32
    %sign3A_9 = arith.constant 0 : i32
    %sign3A_10 = arith.cmpi sgt, %jit3A, %sign3A_9 : i32
    %sign3A_11 = arith.extui %sign3A_10 : i1 to i32
    %sign3A_12 = arith.constant 0 : i32
    %sign3A_13 = arith.cmpi slt, %jit3A, %sign3A_12 : i32
    %sign3A_14 = arith.extui %sign3A_13 : i1 to i32
    %sign3A_15 = arith.subi %sign3A_11, %sign3A_14 : i32
    %ne3A = arith.cmpi ne, %sign3A_8, %sign3A_15 : i32
    %rem3A = arith.remsi %arg1, %jit3A : i32
    %ne3A_16 = arith.constant 0 : i32
    %ne3A_17 = arith.cmpi ne, %rem3A, %ne3A_16 : i32
    %and3A = arith.andi %ne3A, %ne3A_17 : i1
    %sub3A = arith.constant 1 : i32
    %sub3A_18 = arith.subi %div3A, %sub3A : i32
    %select_n3A = arith.select %and3A, %sub3A_18, %div3A : i32
    %mul3A = arith.constant 8 : i32
    %mul3A_19 = arith.muli %arg0, %mul3A : i32
    %add3A = arith.addi %mul3A_19, %select_n3A : i32
    %jit3A_20 = arith.constant 2 : i32
    %eq3A = arith.constant 0 : i32
    %eq3A_21 = arith.cmpi eq, %jit3A_20, %eq3A : i32
    %jit3A_22 = arith.constant 1 : i32
    %select_n3A_23 = arith.select %eq3A_21, %jit3A_22, %jit3A_20 : i32
    %rem3A_24 = arith.remsi %arg1, %select_n3A_23 : i32
    %ne3A_25 = arith.constant 0 : i32
    %ne3A_26 = arith.cmpi ne, %rem3A_24, %ne3A_25 : i32
    %lt3A = arith.constant 0 : i32
    %lt3A_27 = arith.cmpi slt, %rem3A_24, %lt3A : i32
    %lt3A_28 = arith.constant 0 : i32
    %lt3A_29 = arith.cmpi slt, %select_n3A_23, %lt3A_28 : i32
    %ne3A_30 = arith.xori %lt3A_27, %lt3A_29 : i1
    %and3A_31 = arith.andi %ne3A_30, %ne3A_26 : i1
    %add3A_32 = arith.addi %rem3A_24, %select_n3A_23 : i32
    %select_n3A_33 = arith.select %and3A_31, %add3A_32, %rem3A_24 : i32
    %mul3A_34 = arith.constant 8192 : i32
    %mul3A_35 = arith.muli %select_n3A_33, %mul3A_34 : i32
    %mul3A_36 = arith.constant 256 : i32
    %mul3A_37 = arith.muli %select_n3A, %mul3A_36 : i32
    %scan3A = arith.constant 0 : i32
    %scan3A_38 = arith.constant 0 : i32
    %scan3A_39 = arith.constant 128 : i32
    %scan3A_40 = arith.addi %scan3A_38, %scan3A_39 : i32
    %scan3A_41 = arith.constant 1 : i32
    %scan3A_42 = scf.for %scan3A_966 = %scan3A_38 to %scan3A_40 step %scan3A_41 iter_args(%scan3A_967 = %scan3A) -> (i32)  : i32 {
      %swap3A_968 = arith.index_cast %scan3A_966 : i32 to index
      %swap3A_969 = arith.constant 0 : index
      %swap3A_970 = tpu.vector_load %arg6[%swap3A_968, %swap3A_969] {strides = array<i32>} : memref<128x128xf32, #tpu.memory_space<vmem>>, vector<1x16xf32>,
      %swap3A_971 = vector.shape_cast %swap3A_970 : vector<1x16xf32> to vector<16xf32>
      %swap3A_972 = vector.shape_cast %broadcast_in_dim3A_0 : vector<16xf32> to vector<1x16xf32>
      tpu.vector_store %arg6[%swap3A_968, %swap3A_969], %swap3A_972 {strides = array<i32>} : memref<128x128xf32, #tpu.memory_space<vmem>>, vector<1x16xf32>,
      %swap3A_973 = arith.index_cast %scan3A_966 : i32 to index
      %swap3A_974 = arith.constant 16 : index
      %swap3A_975 = tpu.vector_load %arg6[%swap3A_973, %swap3A_974] {strides = array<i32>} : memref<128x128xf32, #tpu.memory_space<vmem>>, vector<1x16xf32>,
      %swap3A_976 = vector.shape_cast %swap3A_975 : vector<1x16xf32> to vector<16xf32>
      %swap3A_977 = vector.shape_cast %broadcast_in_dim3A_0 : vector<16xf32> to vector<1x16xf32>
      tpu.vector_store %arg6[%swap3A_973, %swap3A_974], %swap3A_977 {strides = array<i32>} : memref<128x128xf32, #tpu.memory_space<vmem>>, vector<1x16xf32>,
      %swap3A_978 = arith.index_cast %scan3A_966 : i32 to index
      %swap3A_979 = arith.constant 32 : index
      %swap3A_980 = tpu.vector_load %arg6[%swap3A_978, %swap3A_979] {strides = array<i32>} : memref<128x128xf32, #tpu.memory_space<vmem>>, vector<1x16xf32>,
      %swap3A_981 = vector.shape_cast %swap3A_980 : vector<1x16xf32> to vector<16xf32>
      %swap3A_982 = vector.shape_cast %broadcast_in_dim3A_0 : vector<16xf32> to vector<1x16xf32>
      tpu.vector_store %arg6[%swap3A_978, %swap3A_979], %swap3A_982 {strides = array<i32>} : memref<128x128xf32, #tpu.memory_space<vmem>>, vector<1x16xf32>,
      %swap3A_983 = arith.index_cast %scan3A_966 : i32 to index
      %swap3A_984 = arith.constant 48 : index
      %swap3A_985 = tpu.vector_load %arg6[%swap3A_983, %swap3A_984] {strides = array<i32>} : memref<128x128xf32, #tpu.memory_space<vmem>>, vector<1x16xf32>,
      %swap3A_986 = vector.shape_cast %swap3A_985 : vector<1x16xf32> to vector<16xf32>
      %swap3A_987 = vector.shape_cast %broadcast_in_dim3A_0 : vector<16xf32> to vector<1x16xf32>
      tpu.vector_store %arg6[%swap3A_983, %swap3A_984], %swap3A_987 {strides = array<i32>} : memref<128x128xf32, #tpu.memory_space<vmem>>, vector<1x16xf32>,
      %swap3A_988 = arith.index_cast %scan3A_966 : i32 to index
      %swap3A_989 = arith.constant 64 : index
      %swap3A_990 = tpu.vector_load %arg6[%swap3A_988, %swap3A_989] {strides = array<i32>} : memref<128x128xf32, #tpu.memory_space<vmem>>, vector<1x16xf32>,
      %swap3A_991 = vector.shape_cast %swap3A_990 : vector<1x16xf32> to vector<16xf32>
      %swap3A_992 = vector.shape_cast %broadcast_in_dim3A_0 : vector<16xf32> to vector<1x16xf32>
      tpu.vector_store %arg6[%swap3A_988, %swap3A_989], %swap3A_992 {strides = array<i32>} : memref<128x128xf32, #tpu.memory_space<vmem>>, vector<1x16xf32>,
      %swap3A_993 = arith.index_cast %scan3A_966 : i32 to index
      %swap3A_994 = arith.constant 80 : index
      %swap3A_995 = tpu.vector_load %arg6[%swap3A_993, %swap3A_994] {strides = array<i32>} : memref<128x128xf32, #tpu.memory_space<vmem>>, vector<1x16xf32>,
      %swap3A_996 = vector.shape_cast %swap3A_995 : vector<1x16xf32> to vector<16xf32>
      %swap3A_997 = vector.shape_cast %broadcast_in_dim3A_0 : vector<16xf32> to vector<1x16xf32>
      tpu.vector_store %arg6[%swap3A_993, %swap3A_994], %swap3A_997 {strides = array<i32>} : memref<128x128xf32, #tpu.memory_space<vmem>>, vector<1x16xf32>,
      %swap3A_998 = arith.index_cast %scan3A_966 : i32 to index
      %swap3A_999 = arith.constant 96 : index
      %swap3A_1000 = tpu.vector_load %arg6[%swap3A_998, %swap3A_999] {strides = array<i32>} : memref<128x128xf32, #tpu.memory_space<vmem>>, vector<1x16xf32>,
      %swap3A_1001 = vector.shape_cast %swap3A_1000 : vector<1x16xf32> to vector<16xf32>
      %swap3A_1002 = vector.shape_cast %broadcast_in_dim3A_0 : vector<16xf32> to vector<1x16xf32>
      tpu.vector_store %arg6[%swap3A_998, %swap3A_999], %swap3A_1002 {strides = array<i32>} : memref<128x128xf32, #tpu.memory_space<vmem>>, vector<1x16xf32>,
      %swap3A_1003 = arith.index_cast %scan3A_966 : i32 to index
      %swap3A_1004 = arith.constant 112 : index
      %swap3A_1005 = tpu.vector_load %arg6[%swap3A_1003, %swap3A_1004] {strides = array<i32>} : memref<128x128xf32, #tpu.memory_space<vmem>>, vector<1x16xf32>,
      %swap3A_1006 = vector.shape_cast %swap3A_1005 : vector<1x16xf32> to vector<16xf32>
      %swap3A_1007 = vector.shape_cast %broadcast_in_dim3A_0 : vector<16xf32> to vector<1x16xf32>
      tpu.vector_store %arg6[%swap3A_1003, %swap3A_1004], %swap3A_1007 {strides = array<i32>} : memref<128x128xf32, #tpu.memory_space<vmem>>, vector<1x16xf32>,
      %scan3A_1008 = arith.constant 0 : i32
      scf.yield %scan3A_1008 : i32
    }
    %scan3A_43 = arith.constant 128 : i32
    %scan3A_44 = arith.constant 0 : i32
    %scan3A_45 = arith.constant 0 : i32
    %scan3A_46 = arith.constant 256 : i32
    %scan3A_47 = arith.addi %scan3A_45, %scan3A_46 : i32
    %scan3A_48 = arith.constant 1 : i32
    %scan3A_49 = scf.for %scan3A_966 = %scan3A_45 to %scan3A_47 step %scan3A_48 iter_args(%scan3A_967 = %scan3A_44) -> (i32)  : i32 {
      %mul3A_968 = arith.constant 16 : i32
      %mul3A_969 = arith.muli %scan3A_966, %mul3A_968 : i32
      %swap3A_970 = arith.index_cast %mul3A_969 : i32 to index
      %swap3A_971 = tpu.vector_load %arg22[%swap3A_970] {strides = array<i32>} : memref<4096xf32, #tpu.memory_space<vmem>>, vector<16xf32>,
      %swap3A_972 = vector.shape_cast %swap3A_971 : vector<16xf32> to vector<16xf32>
      %swap3A_973 = vector.shape_cast %broadcast_in_dim3A_0 : vector<16xf32> to vector<16xf32>
      tpu.vector_store %arg22[%swap3A_970], %swap3A_973 {strides = array<i32>} : memref<4096xf32, #tpu.memory_space<vmem>>, vector<16xf32>,
      %mul3A_974 = arith.constant 16 : i32
      %mul3A_975 = arith.muli %scan3A_966, %mul3A_974 : i32
      %swap3A_976 = arith.index_cast %mul3A_975 : i32 to index
      %swap3A_977 = tpu.vector_load %arg23[%swap3A_976] {strides = array<i32>} : memref<4096xf32, #tpu.memory_space<vmem>>, vector<16xf32>,
      %swap3A_978 = vector.shape_cast %swap3A_977 : vector<16xf32> to vector<16xf32>
      %swap3A_979 = vector.shape_cast %broadcast_in_dim3A_0 : vector<16xf32> to vector<16xf32>
      tpu.vector_store %arg23[%swap3A_976], %swap3A_979 {strides = array<i32>} : memref<4096xf32, #tpu.memory_space<vmem>>, vector<16xf32>,
      %scan3A_980 = arith.constant 0 : i32
      scf.yield %scan3A_980 : i32
    }
    %scan3A_50 = arith.constant 256 : i32
    %mul3A_51 = arith.constant 128 : i32
    %mul3A_52 = arith.muli %arg1, %mul3A_51 : i32
    %add3A_53 = arith.constant 0 : i32
    %add3A_54 = arith.addi %mul3A_52, %add3A_53 : i32
    "tpu.region"() ({
      %run_scoped3A = tpu.sem_alloc : memref<!tpu.dma_semaphore, #tpu.memory_space<semaphore_mem>>
      %dma_start3A_966 = arith.constant 0 : i32
      %dma_start3A_967 = tpu.memref_slice %arg24[%add3A_54, %dma_start3A_966] : memref<2048x128xf32, #tpu.memory_space<vmem_shared>> -> memref<128x128xf32, #tpu.memory_space<vmem_shared>>
      %dma_start3A_968 = arith.constant 0 : i32
      %dma_start3A_969 = tpu.memref_slice %arg24[%add3A_54, %dma_start3A_968] : memref<2048x128xf32, #tpu.memory_space<vmem_shared>> -> memref<128x128xf32, #tpu.memory_space<vmem_shared>>
      tpu.enqueue_dma source(%arg6 : memref<128x128xf32, #tpu.memory_space<vmem>>) target(%dma_start3A_969 : memref<128x128xf32, #tpu.memory_space<vmem_shared>>) target_semaphore(%run_scoped3A : memref<!tpu.dma_semaphore, #tpu.memory_space<semaphore_mem>>)
      %dma_wait3A_970 = arith.constant 0 : i32
      %dma_wait3A_971 = tpu.memref_slice %arg24[%add3A_54, %dma_wait3A_970] : memref<2048x128xf32, #tpu.memory_space<vmem_shared>> -> memref<128x128xf32, #tpu.memory_space<vmem_shared>>
      %dma_wait3A_972 = arith.constant 0 : i32
      %dma_wait3A_973 = tpu.memref_slice %arg24[%add3A_54, %dma_wait3A_972] : memref<2048x128xf32, #tpu.memory_space<vmem_shared>> -> memref<128x128xf32, #tpu.memory_space<vmem_shared>>
      tpu.wait_dma2 semaphore(%run_scoped3A : memref<!tpu.dma_semaphore, #tpu.memory_space<semaphore_mem>>) src(%arg6 : memref<128x128xf32, #tpu.memory_space<vmem>>) dst(%dma_wait3A_973 : memref<128x128xf32, #tpu.memory_space<vmem_shared>>)
      tpu.yield
    }) : () -> ()
    %mul3A_55 = arith.constant 128 : i32
    %mul3A_56 = arith.muli %arg1, %mul3A_55 : i32
    %add3A_57 = arith.constant 0 : i32
    %add3A_58 = arith.addi %mul3A_56, %add3A_57 : i32
    "tpu.region"() ({
      %run_scoped3A = tpu.sem_alloc : memref<!tpu.dma_semaphore, #tpu.memory_space<semaphore_mem>>
      %dma_start3A_966 = arith.constant 0 : i32
      %dma_start3A_967 = tpu.memref_slice %arg25[%add3A_58, %dma_start3A_966] : memref<2048x128xf32, #tpu.memory_space<vmem_shared>> -> memref<128x128xf32, #tpu.memory_space<vmem_shared>>
      %dma_start3A_968 = arith.constant 0 : i32
      %dma_start3A_969 = tpu.memref_slice %arg25[%add3A_58, %dma_start3A_968] : memref<2048x128xf32, #tpu.memory_space<vmem_shared>> -> memref<128x128xf32, #tpu.memory_space<vmem_shared>>
      tpu.enqueue_dma source(%arg6 : memref<128x128xf32, #tpu.memory_space<vmem>>) target(%dma_start3A_969 : memref<128x128xf32, #tpu.memory_space<vmem_shared>>) target_semaphore(%run_scoped3A : memref<!tpu.dma_semaphore, #tpu.memory_space<semaphore_mem>>)
      %dma_wait3A_970 = arith.constant 0 : i32
      %dma_wait3A_971 = tpu.memref_slice %arg25[%add3A_58, %dma_wait3A_970] : memref<2048x128xf32, #tpu.memory_space<vmem_shared>> -> memref<128x128xf32, #tpu.memory_space<vmem_shared>>
      %dma_wait3A_972 = arith.constant 0 : i32
      %dma_wait3A_973 = tpu.memref_slice %arg25[%add3A_58, %dma_wait3A_972] : memref<2048x128xf32, #tpu.memory_space<vmem_shared>> -> memref<128x128xf32, #tpu.memory_space<vmem_shared>>
      tpu.wait_dma2 semaphore(%run_scoped3A : memref<!tpu.dma_semaphore, #tpu.memory_space<semaphore_mem>>) src(%arg6 : memref<128x128xf32, #tpu.memory_space<vmem>>) dst(%dma_wait3A_973 : memref<128x128xf32, #tpu.memory_space<vmem_shared>>)
      tpu.yield
    }) : () -> ()
    %barrier3A = arith.constant 0 : index
    tpu.barrier barrier_id(%barrier3A)
    %add3A_59 = arith.constant 0 : i32
    %add3A_60 = arith.addi %mul3A_35, %add3A_59 : i32
    %dma_start3A = arith.constant 0 : i32
    %dma_start3A_61 = tpu.memref_slice %arg2[%add3A, %add3A_60, %dma_start3A] : memref<16x16384x128xf32, #tpu.memory_space<hbm>> -> memref<1x128x128xf32, #tpu.memory_space<hbm>>
    %dma_start3A_62 = tpu.memref_squeeze %dma_start3A_61 : memref<1x128x128xf32, #tpu.memory_space<hbm>> -> memref<128x128xf32, #tpu.memory_space<hbm>>
    %dma_start3A_63 = arith.constant 0 : i32
    %dma_start3A_64 = tpu.memref_slice %arg2[%add3A, %add3A_60, %dma_start3A_63] : memref<16x16384x128xf32, #tpu.memory_space<hbm>> -> memref<1x128x128xf32, #tpu.memory_space<hbm>>
    %dma_start3A_65 = tpu.memref_squeeze %dma_start3A_64 : memref<1x128x128xf32, #tpu.memory_space<hbm>> -> memref<128x128xf32, #tpu.memory_space<hbm>>
    tpu.enqueue_dma source(%dma_start3A_65 : memref<128x128xf32, #tpu.memory_space<hbm>>) target(%arg6 : memref<128x128xf32, #tpu.memory_space<vmem>>) target_semaphore(%arg26 : memref<!tpu.dma_semaphore, #tpu.memory_space<semaphore_mem>>)
    %add3A_66 = arith.constant 0 : i32
    %add3A_67 = arith.addi %mul3A_35, %add3A_66 : i32
    %dma_start3A_68 = tpu.memref_slice %arg3[%add3A, %add3A_67] : memref<16x16384xi32, #tpu.memory_space<hbm>> -> memref<1x128xi32, #tpu.memory_space<hbm>>
    %dma_start3A_69 = tpu.memref_squeeze %dma_start3A_68 : memref<1x128xi32, #tpu.memory_space<hbm>> -> memref<128xi32, #tpu.memory_space<hbm>>
    %dma_start3A_70 = tpu.memref_slice %arg3[%add3A, %add3A_67] : memref<16x16384xi32, #tpu.memory_space<hbm>> -> memref<1x128xi32, #tpu.memory_space<hbm>>
    %dma_start3A_71 = tpu.memref_squeeze %dma_start3A_70 : memref<1x128xi32, #tpu.memory_space<hbm>> -> memref<128xi32, #tpu.memory_space<hbm>>
    tpu.enqueue_dma source(%dma_start3A_71 : memref<128xi32, #tpu.memory_space<hbm>>) target(%arg10 : memref<128xi32, #tpu.memory_space<vmem>>) target_semaphore(%arg26 : memref<!tpu.dma_semaphore, #tpu.memory_space<semaphore_mem>>)
    %add3A_72 = arith.constant 0 : i32
    %add3A_73 = arith.addi %mul3A_35, %add3A_72 : i32
    %dma_start3A_74 = tpu.memref_slice %arg4[%add3A, %add3A_73] : memref<16x16384xi32, #tpu.memory_space<hbm>> -> memref<1x128xi32, #tpu.memory_space<hbm>>
    %dma_start3A_75 = tpu.memref_squeeze %dma_start3A_74 : memref<1x128xi32, #tpu.memory_space<hbm>> -> memref<128xi32, #tpu.memory_space<hbm>>
    %dma_start3A_76 = tpu.memref_slice %arg4[%add3A, %add3A_73] : memref<16x16384xi32, #tpu.memory_space<hbm>> -> memref<1x128xi32, #tpu.memory_space<hbm>>
    %dma_start3A_77 = tpu.memref_squeeze %dma_start3A_76 : memref<1x128xi32, #tpu.memory_space<hbm>> -> memref<128xi32, #tpu.memory_space<hbm>>
    tpu.enqueue_dma source(%dma_start3A_77 : memref<128xi32, #tpu.memory_space<hbm>>) target(%arg14 : memref<128xi32, #tpu.memory_space<vmem>>) target_semaphore(%arg26 : memref<!tpu.dma_semaphore, #tpu.memory_space<semaphore_mem>>)
    %add3A_78 = arith.constant 128 : i32
    %add3A_79 = arith.addi %mul3A_35, %add3A_78 : i32
    %dma_start3A_80 = arith.constant 0 : i32
    %dma_start3A_81 = tpu.memref_slice %arg2[%add3A, %add3A_79, %dma_start3A_80] : memref<16x16384x128xf32, #tpu.memory_space<hbm>> -> memref<1x128x128xf32, #tpu.memory_space<hbm>>
    %dma_start3A_82 = tpu.memref_squeeze %dma_start3A_81 : memref<1x128x128xf32, #tpu.memory_space<hbm>> -> memref<128x128xf32, #tpu.memory_space<hbm>>
    %dma_start3A_83 = arith.constant 0 : i32
    %dma_start3A_84 = tpu.memref_slice %arg2[%add3A, %add3A_79, %dma_start3A_83] : memref<16x16384x128xf32, #tpu.memory_space<hbm>> -> memref<1x128x128xf32, #tpu.memory_space<hbm>>
    %dma_start3A_85 = tpu.memref_squeeze %dma_start3A_84 : memref<1x128x128xf32, #tpu.memory_space<hbm>> -> memref<128x128xf32, #tpu.memory_space<hbm>>
    tpu.enqueue_dma source(%dma_start3A_85 : memref<128x128xf32, #tpu.memory_space<hbm>>) target(%arg7 : memref<128x128xf32, #tpu.memory_space<vmem>>) target_semaphore(%arg27 : memref<!tpu.dma_semaphore, #tpu.memory_space<semaphore_mem>>)
    %add3A_86 = arith.constant 128 : i32
    %add3A_87 = arith.addi %mul3A_35, %add3A_86 : i32
    %dma_start3A_88 = tpu.memref_slice %arg3[%add3A, %add3A_87] : memref<16x16384xi32, #tpu.memory_space<hbm>> -> memref<1x128xi32, #tpu.memory_space<hbm>>
    %dma_start3A_89 = tpu.memref_squeeze %dma_start3A_88 : memref<1x128xi32, #tpu.memory_space<hbm>> -> memref<128xi32, #tpu.memory_space<hbm>>
    %dma_start3A_90 = tpu.memref_slice %arg3[%add3A, %add3A_87] : memref<16x16384xi32, #tpu.memory_space<hbm>> -> memref<1x128xi32, #tpu.memory_space<hbm>>
    %dma_start3A_91 = tpu.memref_squeeze %dma_start3A_90 : memref<1x128xi32, #tpu.memory_space<hbm>> -> memref<128xi32, #tpu.memory_space<hbm>>
    tpu.enqueue_dma source(%dma_start3A_91 : memref<128xi32, #tpu.memory_space<hbm>>) target(%arg11 : memref<128xi32, #tpu.memory_space<vmem>>) target_semaphore(%arg27 : memref<!tpu.dma_semaphore, #tpu.memory_space<semaphore_mem>>)
    %add3A_92 = arith.constant 128 : i32
    %add3A_93 = arith.addi %mul3A_35, %add3A_92 : i32
    %dma_start3A_94 = tpu.memref_slice %arg4[%add3A, %add3A_93] : memref<16x16384xi32, #tpu.memory_space<hbm>> -> memref<1x128xi32, #tpu.memory_space<hbm>>
    %dma_start3A_95 = tpu.memref_squeeze %dma_start3A_94 : memref<1x128xi32, #tpu.memory_space<hbm>> -> memref<128xi32, #tpu.memory_space<hbm>>
    %dma_start3A_96 = tpu.memref_slice %arg4[%add3A, %add3A_93] : memref<16x16384xi32, #tpu.memory_space<hbm>> -> memref<1x128xi32, #tpu.memory_space<hbm>>
    %dma_start3A_97 = tpu.memref_squeeze %dma_start3A_96 : memref<1x128xi32, #tpu.memory_space<hbm>> -> memref<128xi32, #tpu.memory_space<hbm>>
    tpu.enqueue_dma source(%dma_start3A_97 : memref<128xi32, #tpu.memory_space<hbm>>) target(%arg15 : memref<128xi32, #tpu.memory_space<vmem>>) target_semaphore(%arg27 : memref<!tpu.dma_semaphore, #tpu.memory_space<semaphore_mem>>)
    %dma_wait3A = arith.constant 0 : i32
    %dma_wait3A_98 = tpu.memref_slice %arg2[%add3A, %mul3A_35, %dma_wait3A] : memref<16x16384x128xf32, #tpu.memory_space<hbm>> -> memref<1x128x128xf32, #tpu.memory_space<hbm>>
    %dma_wait3A_99 = tpu.memref_squeeze %dma_wait3A_98 : memref<1x128x128xf32, #tpu.memory_space<hbm>> -> memref<128x128xf32, #tpu.memory_space<hbm>>
    %dma_wait3A_100 = arith.constant 0 : i32
    %dma_wait3A_101 = tpu.memref_slice %arg2[%add3A, %mul3A_35, %dma_wait3A_100] : memref<16x16384x128xf32, #tpu.memory_space<hbm>> -> memref<1x128x128xf32, #tpu.memory_space<hbm>>
    %dma_wait3A_102 = tpu.memref_squeeze %dma_wait3A_101 : memref<1x128x128xf32, #tpu.memory_space<hbm>> -> memref<128x128xf32, #tpu.memory_space<hbm>>
    tpu.wait_dma2 semaphore(%arg26 : memref<!tpu.dma_semaphore, #tpu.memory_space<semaphore_mem>>) src(%dma_wait3A_102 : memref<128x128xf32, #tpu.memory_space<hbm>>) dst(%arg6 : memref<128x128xf32, #tpu.memory_space<vmem>>)
    %dma_wait3A_103 = tpu.memref_slice %arg3[%add3A, %mul3A_35] : memref<16x16384xi32, #tpu.memory_space<hbm>> -> memref<1x128xi32, #tpu.memory_space<hbm>>
    %dma_wait3A_104 = tpu.memref_squeeze %dma_wait3A_103 : memref<1x128xi32, #tpu.memory_space<hbm>> -> memref<128xi32, #tpu.memory_space<hbm>>
    %dma_wait3A_105 = tpu.memref_slice %arg3[%add3A, %mul3A_35] : memref<16x16384xi32, #tpu.memory_space<hbm>> -> memref<1x128xi32, #tpu.memory_space<hbm>>
    %dma_wait3A_106 = tpu.memref_squeeze %dma_wait3A_105 : memref<1x128xi32, #tpu.memory_space<hbm>> -> memref<128xi32, #tpu.memory_space<hbm>>
    tpu.wait_dma2 semaphore(%arg26 : memref<!tpu.dma_semaphore, #tpu.memory_space<semaphore_mem>>) src(%dma_wait3A_106 : memref<128xi32, #tpu.memory_space<hbm>>) dst(%arg10 : memref<128xi32, #tpu.memory_space<vmem>>)
    %dma_wait3A_107 = tpu.memref_slice %arg4[%add3A, %mul3A_35] : memref<16x16384xi32, #tpu.memory_space<hbm>> -> memref<1x128xi32, #tpu.memory_space<hbm>>
    %dma_wait3A_108 = tpu.memref_squeeze %dma_wait3A_107 : memref<1x128xi32, #tpu.memory_space<hbm>> -> memref<128xi32, #tpu.memory_space<hbm>>
    %dma_wait3A_109 = tpu.memref_slice %arg4[%add3A, %mul3A_35] : memref<16x16384xi32, #tpu.memory_space<hbm>> -> memref<1x128xi32, #tpu.memory_space<hbm>>
    %dma_wait3A_110 = tpu.memref_squeeze %dma_wait3A_109 : memref<1x128xi32, #tpu.memory_space<hbm>> -> memref<128xi32, #tpu.memory_space<hbm>>
    tpu.wait_dma2 semaphore(%arg26 : memref<!tpu.dma_semaphore, #tpu.memory_space<semaphore_mem>>) src(%dma_wait3A_110 : memref<128xi32, #tpu.memory_space<hbm>>) dst(%arg14 : memref<128xi32, #tpu.memory_space<vmem>>)
    %get3A = arith.constant 0 : index
    %get3A_111 = tpu.vector_load %arg10[%get3A] {strides = array<i32>} : memref<128xi32, #tpu.memory_space<vmem>>, vector<16xi32>,
    %get3A_112 = vector.shape_cast %get3A_111 : vector<16xi32> to vector<16xi32>
    %get3A_113 = arith.constant 0 : index
    %get3A_114 = tpu.vector_load %arg14[%get3A_113] {strides = array<i32>} : memref<128xi32, #tpu.memory_space<vmem>>, vector<16xi32>,
    %get3A_115 = vector.shape_cast %get3A_114 : vector<16xi32> to vector<16xi32>
    %mul3A_116 = arith.constant 16 : i32
    %mul3A_117 = vector.broadcast %mul3A_116 : i32 to vector<16xi32>
    %mul3A_118 = arith.muli %get3A_112, %mul3A_117 : vector<16xi32>
    %add3A_119 = arith.addi %mul3A_118, %get3A_115 : vector<16xi32>
    %add3A_120 = vector.broadcast %mul3A_37 : i32 to vector<16xi32>
    %add3A_121 = arith.addi %add3A_119, %add3A_120 : vector<16xi32>
    %swap3A = arith.constant 0 : index
    %swap3A_122 = tpu.vector_load %arg18[%swap3A] {strides = array<i32>} : memref<128xi32, #tpu.memory_space<vmem>>, vector<16xi32>,
    %swap3A_123 = vector.shape_cast %swap3A_122 : vector<16xi32> to vector<16xi32>
    %swap3A_124 = vector.shape_cast %add3A_121 : vector<16xi32> to vector<16xi32>
    tpu.vector_store %arg18[%swap3A], %swap3A_124 {strides = array<i32>} : memref<128xi32, #tpu.memory_space<vmem>>, vector<16xi32>,
    %get3A_125 = arith.constant 16 : index
    %get3A_126 = tpu.vector_load %arg10[%get3A_125] {strides = array<i32>} : memref<128xi32, #tpu.memory_space<vmem>>, vector<16xi32>,
    %get3A_127 = vector.shape_cast %get3A_126 : vector<16xi32> to vector<16xi32>
    %get3A_128 = arith.constant 16 : index
    %get3A_129 = tpu.vector_load %arg14[%get3A_128] {strides = array<i32>} : memref<128xi32, #tpu.memory_space<vmem>>, vector<16xi32>,
    %get3A_130 = vector.shape_cast %get3A_129 : vector<16xi32> to vector<16xi32>
    %mul3A_131 = arith.constant 16 : i32
    %mul3A_132 = vector.broadcast %mul3A_131 : i32 to vector<16xi32>
    %mul3A_133 = arith.muli %get3A_127, %mul3A_132 : vector<16xi32>
    %add3A_134 = arith.addi %mul3A_133, %get3A_130 : vector<16xi32>
    %add3A_135 = vector.broadcast %mul3A_37 : i32 to vector<16xi32>
    %add3A_136 = arith.addi %add3A_134, %add3A_135 : vector<16xi32>
    %swap3A_137 = arith.constant 16 : index
    %swap3A_138 = tpu.vector_load %arg18[%swap3A_137] {strides = array<i32>} : memref<128xi32, #tpu.memory_space<vmem>>, vector<16xi32>,
    %swap3A_139 = vector.shape_cast %swap3A_138 : vector<16xi32> to vector<16xi32>
    %swap3A_140 = vector.shape_cast %add3A_136 : vector<16xi32> to vector<16xi32>
    tpu.vector_store %arg18[%swap3A_137], %swap3A_140 {strides = array<i32>} : memref<128xi32, #tpu.memory_space<vmem>>, vector<16xi32>,
    %get3A_141 = arith.constant 32 : index
    %get3A_142 = tpu.vector_load %arg10[%get3A_141] {strides = array<i32>} : memref<128xi32, #tpu.memory_space<vmem>>, vector<16xi32>,
    %get3A_143 = vector.shape_cast %get3A_142 : vector<16xi32> to vector<16xi32>
    %get3A_144 = arith.constant 32 : index
    %get3A_145 = tpu.vector_load %arg14[%get3A_144] {strides = array<i32>} : memref<128xi32, #tpu.memory_space<vmem>>, vector<16xi32>,
    %get3A_146 = vector.shape_cast %get3A_145 : vector<16xi32> to vector<16xi32>
    %mul3A_147 = arith.constant 16 : i32
    %mul3A_148 = vector.broadcast %mul3A_147 : i32 to vector<16xi32>
    %mul3A_149 = arith.muli %get3A_143, %mul3A_148 : vector<16xi32>
    %add3A_150 = arith.addi %mul3A_149, %get3A_146 : vector<16xi32>
    %add3A_151 = vector.broadcast %mul3A_37 : i32 to vector<16xi32>
    %add3A_152 = arith.addi %add3A_150, %add3A_151 : vector<16xi32>
    %swap3A_153 = arith.constant 32 : index
    %swap3A_154 = tpu.vector_load %arg18[%swap3A_153] {strides = array<i32>} : memref<128xi32, #tpu.memory_space<vmem>>, vector<16xi32>,
    %swap3A_155 = vector.shape_cast %swap3A_154 : vector<16xi32> to vector<16xi32>
    %swap3A_156 = vector.shape_cast %add3A_152 : vector<16xi32> to vector<16xi32>
    tpu.vector_store %arg18[%swap3A_153], %swap3A_156 {strides = array<i32>} : memref<128xi32, #tpu.memory_space<vmem>>, vector<16xi32>,
    %get3A_157 = arith.constant 48 : index
    %get3A_158 = tpu.vector_load %arg10[%get3A_157] {strides = array<i32>} : memref<128xi32, #tpu.memory_space<vmem>>, vector<16xi32>,
    %get3A_159 = vector.shape_cast %get3A_158 : vector<16xi32> to vector<16xi32>
    %get3A_160 = arith.constant 48 : index
    %get3A_161 = tpu.vector_load %arg14[%get3A_160] {strides = array<i32>} : memref<128xi32, #tpu.memory_space<vmem>>, vector<16xi32>,
    %get3A_162 = vector.shape_cast %get3A_161 : vector<16xi32> to vector<16xi32>
    %mul3A_163 = arith.constant 16 : i32
    %mul3A_164 = vector.broadcast %mul3A_163 : i32 to vector<16xi32>
    %mul3A_165 = arith.muli %get3A_159, %mul3A_164 : vector<16xi32>
    %add3A_166 = arith.addi %mul3A_165, %get3A_162 : vector<16xi32>
    %add3A_167 = vector.broadcast %mul3A_37 : i32 to vector<16xi32>
    %add3A_168 = arith.addi %add3A_166, %add3A_167 : vector<16xi32>
    %swap3A_169 = arith.constant 48 : index
    %swap3A_170 = tpu.vector_load %arg18[%swap3A_169] {strides = array<i32>} : memref<128xi32, #tpu.memory_space<vmem>>, vector<16xi32>,
    %swap3A_171 = vector.shape_cast %swap3A_170 : vector<16xi32> to vector<16xi32>
    %swap3A_172 = vector.shape_cast %add3A_168 : vector<16xi32> to vector<16xi32>
    tpu.vector_store %arg18[%swap3A_169], %swap3A_172 {strides = array<i32>} : memref<128xi32, #tpu.memory_space<vmem>>, vector<16xi32>,
    %get3A_173 = arith.constant 64 : index
    %get3A_174 = tpu.vector_load %arg10[%get3A_173] {strides = array<i32>} : memref<128xi32, #tpu.memory_space<vmem>>, vector<16xi32>,
    %get3A_175 = vector.shape_cast %get3A_174 : vector<16xi32> to vector<16xi32>
    %get3A_176 = arith.constant 64 : index
    %get3A_177 = tpu.vector_load %arg14[%get3A_176] {strides = array<i32>} : memref<128xi32, #tpu.memory_space<vmem>>, vector<16xi32>,
    %get3A_178 = vector.shape_cast %get3A_177 : vector<16xi32> to vector<16xi32>
    %mul3A_179 = arith.constant 16 : i32
    %mul3A_180 = vector.broadcast %mul3A_179 : i32 to vector<16xi32>
    %mul3A_181 = arith.muli %get3A_175, %mul3A_180 : vector<16xi32>
    %add3A_182 = arith.addi %mul3A_181, %get3A_178 : vector<16xi32>
    %add3A_183 = vector.broadcast %mul3A_37 : i32 to vector<16xi32>
    %add3A_184 = arith.addi %add3A_182, %add3A_183 : vector<16xi32>
    %swap3A_185 = arith.constant 64 : index
    %swap3A_186 = tpu.vector_load %arg18[%swap3A_185] {strides = array<i32>} : memref<128xi32, #tpu.memory_space<vmem>>, vector<16xi32>,
    %swap3A_187 = vector.shape_cast %swap3A_186 : vector<16xi32> to vector<16xi32>
    %swap3A_188 = vector.shape_cast %add3A_184 : vector<16xi32> to vector<16xi32>
    tpu.vector_store %arg18[%swap3A_185], %swap3A_188 {strides = array<i32>} : memref<128xi32, #tpu.memory_space<vmem>>, vector<16xi32>,
    %get3A_189 = arith.constant 80 : index
    %get3A_190 = tpu.vector_load %arg10[%get3A_189] {strides = array<i32>} : memref<128xi32, #tpu.memory_space<vmem>>, vector<16xi32>,
    %get3A_191 = vector.shape_cast %get3A_190 : vector<16xi32> to vector<16xi32>
    %get3A_192 = arith.constant 80 : index
    %get3A_193 = tpu.vector_load %arg14[%get3A_192] {strides = array<i32>} : memref<128xi32, #tpu.memory_space<vmem>>, vector<16xi32>,
    %get3A_194 = vector.shape_cast %get3A_193 : vector<16xi32> to vector<16xi32>
    %mul3A_195 = arith.constant 16 : i32
    %mul3A_196 = vector.broadcast %mul3A_195 : i32 to vector<16xi32>
    %mul3A_197 = arith.muli %get3A_191, %mul3A_196 : vector<16xi32>
    %add3A_198 = arith.addi %mul3A_197, %get3A_194 : vector<16xi32>
    %add3A_199 = vector.broadcast %mul3A_37 : i32 to vector<16xi32>
    %add3A_200 = arith.addi %add3A_198, %add3A_199 : vector<16xi32>
    %swap3A_201 = arith.constant 80 : index
    %swap3A_202 = tpu.vector_load %arg18[%swap3A_201] {strides = array<i32>} : memref<128xi32, #tpu.memory_space<vmem>>, vector<16xi32>,
    %swap3A_203 = vector.shape_cast %swap3A_202 : vector<16xi32> to vector<16xi32>
    %swap3A_204 = vector.shape_cast %add3A_200 : vector<16xi32> to vector<16xi32>
    tpu.vector_store %arg18[%swap3A_201], %swap3A_204 {strides = array<i32>} : memref<128xi32, #tpu.memory_space<vmem>>, vector<16xi32>,
    %get3A_205 = arith.constant 96 : index
    %get3A_206 = tpu.vector_load %arg10[%get3A_205] {strides = array<i32>} : memref<128xi32, #tpu.memory_space<vmem>>, vector<16xi32>,
    %get3A_207 = vector.shape_cast %get3A_206 : vector<16xi32> to vector<16xi32>
    %get3A_208 = arith.constant 96 : index
    %get3A_209 = tpu.vector_load %arg14[%get3A_208] {strides = array<i32>} : memref<128xi32, #tpu.memory_space<vmem>>, vector<16xi32>,
    %get3A_210 = vector.shape_cast %get3A_209 : vector<16xi32> to vector<16xi32>
    %mul3A_211 = arith.constant 16 : i32
    %mul3A_212 = vector.broadcast %mul3A_211 : i32 to vector<16xi32>
    %mul3A_213 = arith.muli %get3A_207, %mul3A_212 : vector<16xi32>
    %add3A_214 = arith.addi %mul3A_213, %get3A_210 : vector<16xi32>
    %add3A_215 = vector.broadcast %mul3A_37 : i32 to vector<16xi32>
    %add3A_216 = arith.addi %add3A_214, %add3A_215 : vector<16xi32>
    %swap3A_217 = arith.constant 96 : index
    %swap3A_218 = tpu.vector_load %arg18[%swap3A_217] {strides = array<i32>} : memref<128xi32, #tpu.memory_space<vmem>>, vector<16xi32>,
    %swap3A_219 = vector.shape_cast %swap3A_218 : vector<16xi32> to vector<16xi32>
    %swap3A_220 = vector.shape_cast %add3A_216 : vector<16xi32> to vector<16xi32>
    tpu.vector_store %arg18[%swap3A_217], %swap3A_220 {strides = array<i32>} : memref<128xi32, #tpu.memory_space<vmem>>, vector<16xi32>,
    %get3A_221 = arith.constant 112 : index
    %get3A_222 = tpu.vector_load %arg10[%get3A_221] {strides = array<i32>} : memref<128xi32, #tpu.memory_space<vmem>>, vector<16xi32>,
    %get3A_223 = vector.shape_cast %get3A_222 : vector<16xi32> to vector<16xi32>
    %get3A_224 = arith.constant 112 : index
    %get3A_225 = tpu.vector_load %arg14[%get3A_224] {strides = array<i32>} : memref<128xi32, #tpu.memory_space<vmem>>, vector<16xi32>,
    %get3A_226 = vector.shape_cast %get3A_225 : vector<16xi32> to vector<16xi32>
    %mul3A_227 = arith.constant 16 : i32
    %mul3A_228 = vector.broadcast %mul3A_227 : i32 to vector<16xi32>
    %mul3A_229 = arith.muli %get3A_223, %mul3A_228 : vector<16xi32>
    %add3A_230 = arith.addi %mul3A_229, %get3A_226 : vector<16xi32>
    %add3A_231 = vector.broadcast %mul3A_37 : i32 to vector<16xi32>
    %add3A_232 = arith.addi %add3A_230, %add3A_231 : vector<16xi32>
    %swap3A_233 = arith.constant 112 : index
    %swap3A_234 = tpu.vector_load %arg18[%swap3A_233] {strides = array<i32>} : memref<128xi32, #tpu.memory_space<vmem>>, vector<16xi32>,
    %swap3A_235 = vector.shape_cast %swap3A_234 : vector<16xi32> to vector<16xi32>
    %swap3A_236 = vector.shape_cast %add3A_232 : vector<16xi32> to vector<16xi32>
    tpu.vector_store %arg18[%swap3A_233], %swap3A_236 {strides = array<i32>} : memref<128xi32, #tpu.memory_space<vmem>>, vector<16xi32>,
    %dma_start3A_237 = arith.constant 0 : i32
    %dma_start3A_238 = arith.constant 0 : i32
    %dma_start3A_239 = tpu.memref_slice %arg24[%dma_start3A_237, %dma_start3A_238] : memref<2048x128xf32, #tpu.memory_space<vmem_shared>> -> memref<2048x128xf32, #tpu.memory_space<vmem_shared>>
    tpu.enqueue_indirect_dma source(%arg6 : memref<128x128xf32, #tpu.memory_space<vmem>>) target(%dma_start3A_239 : memref<2048x128xf32, #tpu.memory_space<vmem_shared>>) offsets(%arg18 : memref<128xi32, #tpu.memory_space<vmem>>) semaphore(%arg30 : memref<!tpu.dma_semaphore, #tpu.memory_space<semaphore_mem>>) {add = true}
    %add3A_240 = arith.constant 256 : i32
    %add3A_241 = arith.addi %mul3A_35, %add3A_240 : i32
    %dma_start3A_242 = arith.constant 0 : i32
    %dma_start3A_243 = tpu.memref_slice %arg2[%add3A, %add3A_241, %dma_start3A_242] : memref<16x16384x128xf32, #tpu.memory_space<hbm>> -> memref<1x128x128xf32, #tpu.memory_space<hbm>>
    %dma_start3A_244 = tpu.memref_squeeze %dma_start3A_243 : memref<1x128x128xf32, #tpu.memory_space<hbm>> -> memref<128x128xf32, #tpu.memory_space<hbm>>
    %dma_start3A_245 = arith.constant 0 : i32
    %dma_start3A_246 = tpu.memref_slice %arg2[%add3A, %add3A_241, %dma_start3A_245] : memref<16x16384x128xf32, #tpu.memory_space<hbm>> -> memref<1x128x128xf32, #tpu.memory_space<hbm>>
    %dma_start3A_247 = tpu.memref_squeeze %dma_start3A_246 : memref<1x128x128xf32, #tpu.memory_space<hbm>> -> memref<128x128xf32, #tpu.memory_space<hbm>>
    tpu.enqueue_dma source(%dma_start3A_247 : memref<128x128xf32, #tpu.memory_space<hbm>>) target(%arg8 : memref<128x128xf32, #tpu.memory_space<vmem>>) target_semaphore(%arg28 : memref<!tpu.dma_semaphore, #tpu.memory_space<semaphore_mem>>)
    %add3A_248 = arith.constant 256 : i32
    %add3A_249 = arith.addi %mul3A_35, %add3A_248 : i32
    %dma_start3A_250 = tpu.memref_slice %arg3[%add3A, %add3A_249] : memref<16x16384xi32, #tpu.memory_space<hbm>> -> memref<1x128xi32, #tpu.memory_space<hbm>>
    %dma_start3A_251 = tpu.memref_squeeze %dma_start3A_250 : memref<1x128xi32, #tpu.memory_space<hbm>> -> memref<128xi32, #tpu.memory_space<hbm>>
    %dma_start3A_252 = tpu.memref_slice %arg3[%add3A, %add3A_249] : memref<16x16384xi32, #tpu.memory_space<hbm>> -> memref<1x128xi32, #tpu.memory_space<hbm>>
    %dma_start3A_253 = tpu.memref_squeeze %dma_start3A_252 : memref<1x128xi32, #tpu.memory_space<hbm>> -> memref<128xi32, #tpu.memory_space<hbm>>
    tpu.enqueue_dma source(%dma_start3A_253 : memref<128xi32, #tpu.memory_space<hbm>>) target(%arg12 : memref<128xi32, #tpu.memory_space<vmem>>) target_semaphore(%arg28 : memref<!tpu.dma_semaphore, #tpu.memory_space<semaphore_mem>>)
    %add3A_254 = arith.constant 256 : i32
    %add3A_255 = arith.addi %mul3A_35, %add3A_254 : i32
    %dma_start3A_256 = tpu.memref_slice %arg4[%add3A, %add3A_255] : memref<16x16384xi32, #tpu.memory_space<hbm>> -> memref<1x128xi32, #tpu.memory_space<hbm>>
    %dma_start3A_257 = tpu.memref_squeeze %dma_start3A_256 : memref<1x128xi32, #tpu.memory_space<hbm>> -> memref<128xi32, #tpu.memory_space<hbm>>
    %dma_start3A_258 = tpu.memref_slice %arg4[%add3A, %add3A_255] : memref<16x16384xi32, #tpu.memory_space<hbm>> -> memref<1x128xi32, #tpu.memory_space<hbm>>
    %dma_start3A_259 = tpu.memref_squeeze %dma_start3A_258 : memref<1x128xi32, #tpu.memory_space<hbm>> -> memref<128xi32, #tpu.memory_space<hbm>>
    tpu.enqueue_dma source(%dma_start3A_259 : memref<128xi32, #tpu.memory_space<hbm>>) target(%arg16 : memref<128xi32, #tpu.memory_space<vmem>>) target_semaphore(%arg28 : memref<!tpu.dma_semaphore, #tpu.memory_space<semaphore_mem>>)
    %scan3A_260 = arith.constant 0 : i32
    %scan3A_261 = arith.constant 0 : i32
    %scan3A_262 = arith.constant 8 : i32
    %scan3A_263 = arith.addi %scan3A_261, %scan3A_262 : i32
    %scan3A_264 = arith.constant 1 : i32
    %scan3A_265 = scf.for %scan3A_966 = %scan3A_261 to %scan3A_263 step %scan3A_264 iter_args(%scan3A_967 = %scan3A_260) -> (i32)  : i32 {
      %mul3A_968 = arith.constant 16 : i32
      %mul3A_969 = arith.muli %scan3A_966, %mul3A_968 : i32
      %get3A_970 = arith.index_cast %mul3A_969 : i32 to index
      %get3A_971 = tpu.vector_load %arg18[%get3A_970] {strides = array<i32>} : memref<128xi32, #tpu.memory_space<vmem>>, vector<16xi32>,
      %get3A_972 = vector.shape_cast %get3A_971 : vector<16xi32> to vector<16xi32>
      %sub3A_973 = vector.broadcast %mul3A_37 : i32 to vector<16xi32>
      %sub3A_974 = arith.subi %get3A_972, %sub3A_973 : vector<16xi32>
      %mul3A_975 = arith.constant 16 : i32
      %mul3A_976 = vector.broadcast %mul3A_975 : i32 to vector<16xi32>
      %mul3A_977 = arith.muli %sub3A_974, %mul3A_976 : vector<16xi32>
      %slice3A = vector.extract_strided_slice %mul3A_977 {offsets = [0], sizes = [1], strides = [1]} : vector<16xi32> to vector<1xi32>
      %squeeze3A = vector.extract %slice3A[0] : i32 from vector<1xi32>
      %slice3A_978 = vector.extract_strided_slice %mul3A_977 {offsets = [1], sizes = [1], strides = [1]} : vector<16xi32> to vector<1xi32>
      %squeeze3A_979 = vector.extract %slice3A_978[0] : i32 from vector<1xi32>
      %get3A_980 = arith.index_cast %squeeze3A : i32 to index
      %get3A_981 = tpu.vector_load %arg22[%get3A_980] {strides = array<i32>} : memref<4096xf32, #tpu.memory_space<vmem>>, vector<16xf32>,
      %get3A_982 = vector.shape_cast %get3A_981 : vector<16xf32> to vector<16xf32>
      %add3A_983 = arith.addf %get3A_982, %broadcast_in_dim3A_2 : vector<16xf32>
      %swap3A_984 = arith.index_cast %squeeze3A : i32 to index
      %swap3A_985 = tpu.vector_load %arg22[%swap3A_984] {strides = array<i32>} : memref<4096xf32, #tpu.memory_space<vmem>>, vector<16xf32>,
      %swap3A_986 = vector.shape_cast %swap3A_985 : vector<16xf32> to vector<16xf32>
      %swap3A_987 = vector.shape_cast %add3A_983 : vector<16xf32> to vector<16xf32>
      tpu.vector_store %arg22[%swap3A_984], %swap3A_987 {strides = array<i32>} : memref<4096xf32, #tpu.memory_space<vmem>>, vector<16xf32>,
      %get3A_988 = arith.index_cast %squeeze3A_979 : i32 to index
      %get3A_989 = tpu.vector_load %arg23[%get3A_988] {strides = array<i32>} : memref<4096xf32, #tpu.memory_space<vmem>>, vector<16xf32>,
      %get3A_990 = vector.shape_cast %get3A_989 : vector<16xf32> to vector<16xf32>
      %add3A_991 = arith.addf %get3A_990, %broadcast_in_dim3A_2 : vector<16xf32>
      %swap3A_992 = arith.index_cast %squeeze3A_979 : i32 to index
      %swap3A_993 = tpu.vector_load %arg23[%swap3A_992] {strides = array<i32>} : memref<4096xf32, #tpu.memory_space<vmem>>, vector<16xf32>,
      %swap3A_994 = vector.shape_cast %swap3A_993 : vector<16xf32> to vector<16xf32>
      %swap3A_995 = vector.shape_cast %add3A_991 : vector<16xf32> to vector<16xf32>
      tpu.vector_store %arg23[%swap3A_992], %swap3A_995 {strides = array<i32>} : memref<4096xf32, #tpu.memory_space<vmem>>, vector<16xf32>,
      %slice3A_996 = vector.extract_strided_slice %mul3A_977 {offsets = [2], sizes = [1], strides = [1]} : vector<16xi32> to vector<1xi32>
      %squeeze3A_997 = vector.extract %slice3A_996[0] : i32 from vector<1xi32>
      %slice3A_998 = vector.extract_strided_slice %mul3A_977 {offsets = [3], sizes = [1], strides = [1]} : vector<16xi32> to vector<1xi32>
      %squeeze3A_999 = vector.extract %slice3A_998[0] : i32 from vector<1xi32>
      %get3A_1000 = arith.index_cast %squeeze3A_997 : i32 to index
      %get3A_1001 = tpu.vector_load %arg22[%get3A_1000] {strides = array<i32>} : memref<4096xf32, #tpu.memory_space<vmem>>, vector<16xf32>,
      %get3A_1002 = vector.shape_cast %get3A_1001 : vector<16xf32> to vector<16xf32>
      %add3A_1003 = arith.addf %get3A_1002, %broadcast_in_dim3A_2 : vector<16xf32>
      %swap3A_1004 = arith.index_cast %squeeze3A_997 : i32 to index
      %swap3A_1005 = tpu.vector_load %arg22[%swap3A_1004] {strides = array<i32>} : memref<4096xf32, #tpu.memory_space<vmem>>, vector<16xf32>,
      %swap3A_1006 = vector.shape_cast %swap3A_1005 : vector<16xf32> to vector<16xf32>
      %swap3A_1007 = vector.shape_cast %add3A_1003 : vector<16xf32> to vector<16xf32>
      tpu.vector_store %arg22[%swap3A_1004], %swap3A_1007 {strides = array<i32>} : memref<4096xf32, #tpu.memory_space<vmem>>, vector<16xf32>,
      %get3A_1008 = arith.index_cast %squeeze3A_999 : i32 to index
      %get3A_1009 = tpu.vector_load %arg23[%get3A_1008] {strides = array<i32>} : memref<4096xf32, #tpu.memory_space<vmem>>, vector<16xf32>,
      %get3A_1010 = vector.shape_cast %get3A_1009 : vector<16xf32> to vector<16xf32>
      %add3A_1011 = arith.addf %get3A_1010, %broadcast_in_dim3A_2 : vector<16xf32>
      %swap3A_1012 = arith.index_cast %squeeze3A_999 : i32 to index
      %swap3A_1013 = tpu.vector_load %arg23[%swap3A_1012] {strides = array<i32>} : memref<4096xf32, #tpu.memory_space<vmem>>, vector<16xf32>,
      %swap3A_1014 = vector.shape_cast %swap3A_1013 : vector<16xf32> to vector<16xf32>
      %swap3A_1015 = vector.shape_cast %add3A_1011 : vector<16xf32> to vector<16xf32>
      tpu.vector_store %arg23[%swap3A_1012], %swap3A_1015 {strides = array<i32>} : memref<4096xf32, #tpu.memory_space<vmem>>, vector<16xf32>,
      %slice3A_1016 = vector.extract_strided_slice %mul3A_977 {offsets = [4], sizes = [1], strides = [1]} : vector<16xi32> to vector<1xi32>
      %squeeze3A_1017 = vector.extract %slice3A_1016[0] : i32 from vector<1xi32>
      %slice3A_1018 = vector.extract_strided_slice %mul3A_977 {offsets = [5], sizes = [1], strides = [1]} : vector<16xi32> to vector<1xi32>
      %squeeze3A_1019 = vector.extract %slice3A_1018[0] : i32 from vector<1xi32>
      %get3A_1020 = arith.index_cast %squeeze3A_1017 : i32 to index
      %get3A_1021 = tpu.vector_load %arg22[%get3A_1020] {strides = array<i32>} : memref<4096xf32, #tpu.memory_space<vmem>>, vector<16xf32>,
      %get3A_1022 = vector.shape_cast %get3A_1021 : vector<16xf32> to vector<16xf32>
      %add3A_1023 = arith.addf %get3A_1022, %broadcast_in_dim3A_2 : vector<16xf32>
      %swap3A_1024 = arith.index_cast %squeeze3A_1017 : i32 to index
      %swap3A_1025 = tpu.vector_load %arg22[%swap3A_1024] {strides = array<i32>} : memref<4096xf32, #tpu.memory_space<vmem>>, vector<16xf32>,
      %swap3A_1026 = vector.shape_cast %swap3A_1025 : vector<16xf32> to vector<16xf32>
      %swap3A_1027 = vector.shape_cast %add3A_1023 : vector<16xf32> to vector<16xf32>
      tpu.vector_store %arg22[%swap3A_1024], %swap3A_1027 {strides = array<i32>} : memref<4096xf32, #tpu.memory_space<vmem>>, vector<16xf32>,
      %get3A_1028 = arith.index_cast %squeeze3A_1019 : i32 to index
      %get3A_1029 = tpu.vector_load %arg23[%get3A_1028] {strides = array<i32>} : memref<4096xf32, #tpu.memory_space<vmem>>, vector<16xf32>,
      %get3A_1030 = vector.shape_cast %get3A_1029 : vector<16xf32> to vector<16xf32>
      %add3A_1031 = arith.addf %get3A_1030, %broadcast_in_dim3A_2 : vector<16xf32>
      %swap3A_1032 = arith.index_cast %squeeze3A_1019 : i32 to index
      %swap3A_1033 = tpu.vector_load %arg23[%swap3A_1032] {strides = array<i32>} : memref<4096xf32, #tpu.memory_space<vmem>>, vector<16xf32>,
      %swap3A_1034 = vector.shape_cast %swap3A_1033 : vector<16xf32> to vector<16xf32>
      %swap3A_1035 = vector.shape_cast %add3A_1031 : vector<16xf32> to vector<16xf32>
      tpu.vector_store %arg23[%swap3A_1032], %swap3A_1035 {strides = array<i32>} : memref<4096xf32, #tpu.memory_space<vmem>>, vector<16xf32>,
      %slice3A_1036 = vector.extract_strided_slice %mul3A_977 {offsets = [6], sizes = [1], strides = [1]} : vector<16xi32> to vector<1xi32>
      %squeeze3A_1037 = vector.extract %slice3A_1036[0] : i32 from vector<1xi32>
      %slice3A_1038 = vector.extract_strided_slice %mul3A_977 {offsets = [7], sizes = [1], strides = [1]} : vector<16xi32> to vector<1xi32>
      %squeeze3A_1039 = vector.extract %slice3A_1038[0] : i32 from vector<1xi32>
      %get3A_1040 = arith.index_cast %squeeze3A_1037 : i32 to index
      %get3A_1041 = tpu.vector_load %arg22[%get3A_1040] {strides = array<i32>} : memref<4096xf32, #tpu.memory_space<vmem>>, vector<16xf32>,
      %get3A_1042 = vector.shape_cast %get3A_1041 : vector<16xf32> to vector<16xf32>
      %add3A_1043 = arith.addf %get3A_1042, %broadcast_in_dim3A_2 : vector<16xf32>
      %swap3A_1044 = arith.index_cast %squeeze3A_1037 : i32 to index
      %swap3A_1045 = tpu.vector_load %arg22[%swap3A_1044] {strides = array<i32>} : memref<4096xf32, #tpu.memory_space<vmem>>, vector<16xf32>,
      %swap3A_1046 = vector.shape_cast %swap3A_1045 : vector<16xf32> to vector<16xf32>
      %swap3A_1047 = vector.shape_cast %add3A_1043 : vector<16xf32> to vector<16xf32>
      tpu.vector_store %arg22[%swap3A_1044], %swap3A_1047 {strides = array<i32>} : memref<4096xf32, #tpu.memory_space<vmem>>, vector<16xf32>,
      %get3A_1048 = arith.index_cast %squeeze3A_1039 : i32 to index
      %get3A_1049 = tpu.vector_load %arg23[%get3A_1048] {strides = array<i32>} : memref<4096xf32, #tpu.memory_space<vmem>>, vector<16xf32>,
      %get3A_1050 = vector.shape_cast %get3A_1049 : vector<16xf32> to vector<16xf32>
      %add3A_1051 = arith.addf %get3A_1050, %broadcast_in_dim3A_2 : vector<16xf32>
      %swap3A_1052 = arith.index_cast %squeeze3A_1039 : i32 to index
      %swap3A_1053 = tpu.vector_load %arg23[%swap3A_1052] {strides = array<i32>} : memref<4096xf32, #tpu.memory_space<vmem>>, vector<16xf32>,
      %swap3A_1054 = vector.shape_cast %swap3A_1053 : vector<16xf32> to vector<16xf32>
      %swap3A_1055 = vector.shape_cast %add3A_1051 : vector<16xf32> to vector<16xf32>
      tpu.vector_store %arg23[%swap3A_1052], %swap3A_1055 {strides = array<i32>} : memref<4096xf32, #tpu.memory_space<vmem>>, vector<16xf32>,
      %slice3A_1056 = vector.extract_strided_slice %mul3A_977 {offsets = [8], sizes = [1], strides = [1]} : vector<16xi32> to vector<1xi32>
      %squeeze3A_1057 = vector.extract %slice3A_1056[0] : i32 from vector<1xi32>
      %slice3A_1058 = vector.extract_strided_slice %mul3A_977 {offsets = [9], sizes = [1], strides = [1]} : vector<16xi32> to vector<1xi32>
      %squeeze3A_1059 = vector.extract %slice3A_1058[0] : i32 from vector<1xi32>
      %get3A_1060 = arith.index_cast %squeeze3A_1057 : i32 to index
      %get3A_1061 = tpu.vector_load %arg22[%get3A_1060] {strides = array<i32>} : memref<4096xf32, #tpu.memory_space<vmem>>, vector<16xf32>,
      %get3A_1062 = vector.shape_cast %get3A_1061 : vector<16xf32> to vector<16xf32>
      %add3A_1063 = arith.addf %get3A_1062, %broadcast_in_dim3A_2 : vector<16xf32>
      %swap3A_1064 = arith.index_cast %squeeze3A_1057 : i32 to index
      %swap3A_1065 = tpu.vector_load %arg22[%swap3A_1064] {strides = array<i32>} : memref<4096xf32, #tpu.memory_space<vmem>>, vector<16xf32>,
      %swap3A_1066 = vector.shape_cast %swap3A_1065 : vector<16xf32> to vector<16xf32>
      %swap3A_1067 = vector.shape_cast %add3A_1063 : vector<16xf32> to vector<16xf32>
      tpu.vector_store %arg22[%swap3A_1064], %swap3A_1067 {strides = array<i32>} : memref<4096xf32, #tpu.memory_space<vmem>>, vector<16xf32>,
      %get3A_1068 = arith.index_cast %squeeze3A_1059 : i32 to index
      %get3A_1069 = tpu.vector_load %arg23[%get3A_1068] {strides = array<i32>} : memref<4096xf32, #tpu.memory_space<vmem>>, vector<16xf32>,
      %get3A_1070 = vector.shape_cast %get3A_1069 : vector<16xf32> to vector<16xf32>
      %add3A_1071 = arith.addf %get3A_1070, %broadcast_in_dim3A_2 : vector<16xf32>
      %swap3A_1072 = arith.index_cast %squeeze3A_1059 : i32 to index
      %swap3A_1073 = tpu.vector_load %arg23[%swap3A_1072] {strides = array<i32>} : memref<4096xf32, #tpu.memory_space<vmem>>, vector<16xf32>,
      %swap3A_1074 = vector.shape_cast %swap3A_1073 : vector<16xf32> to vector<16xf32>
      %swap3A_1075 = vector.shape_cast %add3A_1071 : vector<16xf32> to vector<16xf32>
      tpu.vector_store %arg23[%swap3A_1072], %swap3A_1075 {strides = array<i32>} : memref<4096xf32, #tpu.memory_space<vmem>>, vector<16xf32>,
      %slice3A_1076 = vector.extract_strided_slice %mul3A_977 {offsets = [10], sizes = [1], strides = [1]} : vector<16xi32> to vector<1xi32>
      %squeeze3A_1077 = vector.extract %slice3A_1076[0] : i32 from vector<1xi32>
      %slice3A_1078 = vector.extract_strided_slice %mul3A_977 {offsets = [11], sizes = [1], strides = [1]} : vector<16xi32> to vector<1xi32>
      %squeeze3A_1079 = vector.extract %slice3A_1078[0] : i32 from vector<1xi32>
      %get3A_1080 = arith.index_cast %squeeze3A_1077 : i32 to index
      %get3A_1081 = tpu.vector_load %arg22[%get3A_1080] {strides = array<i32>} : memref<4096xf32, #tpu.memory_space<vmem>>, vector<16xf32>,
      %get3A_1082 = vector.shape_cast %get3A_1081 : vector<16xf32> to vector<16xf32>
      %add3A_1083 = arith.addf %get3A_1082, %broadcast_in_dim3A_2 : vector<16xf32>
      %swap3A_1084 = arith.index_cast %squeeze3A_1077 : i32 to index
      %swap3A_1085 = tpu.vector_load %arg22[%swap3A_1084] {strides = array<i32>} : memref<4096xf32, #tpu.memory_space<vmem>>, vector<16xf32>,
      %swap3A_1086 = vector.shape_cast %swap3A_1085 : vector<16xf32> to vector<16xf32>
      %swap3A_1087 = vector.shape_cast %add3A_1083 : vector<16xf32> to vector<16xf32>
      tpu.vector_store %arg22[%swap3A_1084], %swap3A_1087 {strides = array<i32>} : memref<4096xf32, #tpu.memory_space<vmem>>, vector<16xf32>,
      %get3A_1088 = arith.index_cast %squeeze3A_1079 : i32 to index
      %get3A_1089 = tpu.vector_load %arg23[%get3A_1088] {strides = array<i32>} : memref<4096xf32, #tpu.memory_space<vmem>>, vector<16xf32>,
      %get3A_1090 = vector.shape_cast %get3A_1089 : vector<16xf32> to vector<16xf32>
      %add3A_1091 = arith.addf %get3A_1090, %broadcast_in_dim3A_2 : vector<16xf32>
      %swap3A_1092 = arith.index_cast %squeeze3A_1079 : i32 to index
      %swap3A_1093 = tpu.vector_load %arg23[%swap3A_1092] {strides = array<i32>} : memref<4096xf32, #tpu.memory_space<vmem>>, vector<16xf32>,
      %swap3A_1094 = vector.shape_cast %swap3A_1093 : vector<16xf32> to vector<16xf32>
      %swap3A_1095 = vector.shape_cast %add3A_1091 : vector<16xf32> to vector<16xf32>
      tpu.vector_store %arg23[%swap3A_1092], %swap3A_1095 {strides = array<i32>} : memref<4096xf32, #tpu.memory_space<vmem>>, vector<16xf32>,
      %slice3A_1096 = vector.extract_strided_slice %mul3A_977 {offsets = [12], sizes = [1], strides = [1]} : vector<16xi32> to vector<1xi32>
      %squeeze3A_1097 = vector.extract %slice3A_1096[0] : i32 from vector<1xi32>
      %slice3A_1098 = vector.extract_strided_slice %mul3A_977 {offsets = [13], sizes = [1], strides = [1]} : vector<16xi32> to vector<1xi32>
      %squeeze3A_1099 = vector.extract %slice3A_1098[0] : i32 from vector<1xi32>
      %get3A_1100 = arith.index_cast %squeeze3A_1097 : i32 to index
      %get3A_1101 = tpu.vector_load %arg22[%get3A_1100] {strides = array<i32>} : memref<4096xf32, #tpu.memory_space<vmem>>, vector<16xf32>,
      %get3A_1102 = vector.shape_cast %get3A_1101 : vector<16xf32> to vector<16xf32>
      %add3A_1103 = arith.addf %get3A_1102, %broadcast_in_dim3A_2 : vector<16xf32>
      %swap3A_1104 = arith.index_cast %squeeze3A_1097 : i32 to index
      %swap3A_1105 = tpu.vector_load %arg22[%swap3A_1104] {strides = array<i32>} : memref<4096xf32, #tpu.memory_space<vmem>>, vector<16xf32>,
      %swap3A_1106 = vector.shape_cast %swap3A_1105 : vector<16xf32> to vector<16xf32>
      %swap3A_1107 = vector.shape_cast %add3A_1103 : vector<16xf32> to vector<16xf32>
      tpu.vector_store %arg22[%swap3A_1104], %swap3A_1107 {strides = array<i32>} : memref<4096xf32, #tpu.memory_space<vmem>>, vector<16xf32>,
      %get3A_1108 = arith.index_cast %squeeze3A_1099 : i32 to index
      %get3A_1109 = tpu.vector_load %arg23[%get3A_1108] {strides = array<i32>} : memref<4096xf32, #tpu.memory_space<vmem>>, vector<16xf32>,
      %get3A_1110 = vector.shape_cast %get3A_1109 : vector<16xf32> to vector<16xf32>
      %add3A_1111 = arith.addf %get3A_1110, %broadcast_in_dim3A_2 : vector<16xf32>
      %swap3A_1112 = arith.index_cast %squeeze3A_1099 : i32 to index
      %swap3A_1113 = tpu.vector_load %arg23[%swap3A_1112] {strides = array<i32>} : memref<4096xf32, #tpu.memory_space<vmem>>, vector<16xf32>,
      %swap3A_1114 = vector.shape_cast %swap3A_1113 : vector<16xf32> to vector<16xf32>
      %swap3A_1115 = vector.shape_cast %add3A_1111 : vector<16xf32> to vector<16xf32>
      tpu.vector_store %arg23[%swap3A_1112], %swap3A_1115 {strides = array<i32>} : memref<4096xf32, #tpu.memory_space<vmem>>, vector<16xf32>,
      %slice3A_1116 = vector.extract_strided_slice %mul3A_977 {offsets = [14], sizes = [1], strides = [1]} : vector<16xi32> to vector<1xi32>
      %squeeze3A_1117 = vector.extract %slice3A_1116[0] : i32 from vector<1xi32>
      %slice3A_1118 = vector.extract_strided_slice %mul3A_977 {offsets = [15], sizes = [1], strides = [1]} : vector<16xi32> to vector<1xi32>
      %squeeze3A_1119 = vector.extract %slice3A_1118[0] : i32 from vector<1xi32>
      %get3A_1120 = arith.index_cast %squeeze3A_1117 : i32 to index
      %get3A_1121 = tpu.vector_load %arg22[%get3A_1120] {strides = array<i32>} : memref<4096xf32, #tpu.memory_space<vmem>>, vector<16xf32>,
      %get3A_1122 = vector.shape_cast %get3A_1121 : vector<16xf32> to vector<16xf32>
      %add3A_1123 = arith.addf %get3A_1122, %broadcast_in_dim3A_2 : vector<16xf32>
      %swap3A_1124 = arith.index_cast %squeeze3A_1117 : i32 to index
      %swap3A_1125 = tpu.vector_load %arg22[%swap3A_1124] {strides = array<i32>} : memref<4096xf32, #tpu.memory_space<vmem>>, vector<16xf32>,
      %swap3A_1126 = vector.shape_cast %swap3A_1125 : vector<16xf32> to vector<16xf32>
      %swap3A_1127 = vector.shape_cast %add3A_1123 : vector<16xf32> to vector<16xf32>
      tpu.vector_store %arg22[%swap3A_1124], %swap3A_1127 {strides = array<i32>} : memref<4096xf32, #tpu.memory_space<vmem>>, vector<16xf32>,
      %get3A_1128 = arith.index_cast %squeeze3A_1119 : i32 to index
      %get3A_1129 = tpu.vector_load %arg23[%get3A_1128] {strides = array<i32>} : memref<4096xf32, #tpu.memory_space<vmem>>, vector<16xf32>,
      %get3A_1130 = vector.shape_cast %get3A_1129 : vector<16xf32> to vector<16xf32>
      %add3A_1131 = arith.addf %get3A_1130, %broadcast_in_dim3A_2 : vector<16xf32>
      %swap3A_1132 = arith.index_cast %squeeze3A_1119 : i32 to index
      %swap3A_1133 = tpu.vector_load %arg23[%swap3A_1132] {strides = array<i32>} : memref<4096xf32, #tpu.memory_space<vmem>>, vector<16xf32>,
      %swap3A_1134 = vector.shape_cast %swap3A_1133 : vector<16xf32> to vector<16xf32>
      %swap3A_1135 = vector.shape_cast %add3A_1131 : vector<16xf32> to vector<16xf32>
      tpu.vector_store %arg23[%swap3A_1132], %swap3A_1135 {strides = array<i32>} : memref<4096xf32, #tpu.memory_space<vmem>>, vector<16xf32>,
      %scan3A_1136 = arith.constant 0 : i32
      scf.yield %scan3A_1136 : i32
    }
    %scan3A_266 = arith.constant 8 : i32
    %dma_wait3A_267 = arith.constant 0 : i32
    %dma_wait3A_268 = tpu.memref_slice %arg2[%add3A, %mul3A_35, %dma_wait3A_267] : memref<16x16384x128xf32, #tpu.memory_space<hbm>> -> memref<1x128x128xf32, #tpu.memory_space<hbm>>
    %dma_wait3A_269 = tpu.memref_squeeze %dma_wait3A_268 : memref<1x128x128xf32, #tpu.memory_space<hbm>> -> memref<128x128xf32, #tpu.memory_space<hbm>>
    %dma_wait3A_270 = arith.constant 0 : i32
    %dma_wait3A_271 = tpu.memref_slice %arg2[%add3A, %mul3A_35, %dma_wait3A_270] : memref<16x16384x128xf32, #tpu.memory_space<hbm>> -> memref<1x128x128xf32, #tpu.memory_space<hbm>>
    %dma_wait3A_272 = tpu.memref_squeeze %dma_wait3A_271 : memref<1x128x128xf32, #tpu.memory_space<hbm>> -> memref<128x128xf32, #tpu.memory_space<hbm>>
    tpu.wait_dma2 semaphore(%arg27 : memref<!tpu.dma_semaphore, #tpu.memory_space<semaphore_mem>>) src(%dma_wait3A_272 : memref<128x128xf32, #tpu.memory_space<hbm>>) dst(%arg7 : memref<128x128xf32, #tpu.memory_space<vmem>>)
    %dma_wait3A_273 = tpu.memref_slice %arg3[%add3A, %mul3A_35] : memref<16x16384xi32, #tpu.memory_space<hbm>> -> memref<1x128xi32, #tpu.memory_space<hbm>>
    %dma_wait3A_274 = tpu.memref_squeeze %dma_wait3A_273 : memref<1x128xi32, #tpu.memory_space<hbm>> -> memref<128xi32, #tpu.memory_space<hbm>>
    %dma_wait3A_275 = tpu.memref_slice %arg3[%add3A, %mul3A_35] : memref<16x16384xi32, #tpu.memory_space<hbm>> -> memref<1x128xi32, #tpu.memory_space<hbm>>
    %dma_wait3A_276 = tpu.memref_squeeze %dma_wait3A_275 : memref<1x128xi32, #tpu.memory_space<hbm>> -> memref<128xi32, #tpu.memory_space<hbm>>
    tpu.wait_dma2 semaphore(%arg27 : memref<!tpu.dma_semaphore, #tpu.memory_space<semaphore_mem>>) src(%dma_wait3A_276 : memref<128xi32, #tpu.memory_space<hbm>>) dst(%arg11 : memref<128xi32, #tpu.memory_space<vmem>>)
    %dma_wait3A_277 = tpu.memref_slice %arg4[%add3A, %mul3A_35] : memref<16x16384xi32, #tpu.memory_space<hbm>> -> memref<1x128xi32, #tpu.memory_space<hbm>>
    %dma_wait3A_278 = tpu.memref_squeeze %dma_wait3A_277 : memref<1x128xi32, #tpu.memory_space<hbm>> -> memref<128xi32, #tpu.memory_space<hbm>>
    %dma_wait3A_279 = tpu.memref_slice %arg4[%add3A, %mul3A_35] : memref<16x16384xi32, #tpu.memory_space<hbm>> -> memref<1x128xi32, #tpu.memory_space<hbm>>
    %dma_wait3A_280 = tpu.memref_squeeze %dma_wait3A_279 : memref<1x128xi32, #tpu.memory_space<hbm>> -> memref<128xi32, #tpu.memory_space<hbm>>
    tpu.wait_dma2 semaphore(%arg27 : memref<!tpu.dma_semaphore, #tpu.memory_space<semaphore_mem>>) src(%dma_wait3A_280 : memref<128xi32, #tpu.memory_space<hbm>>) dst(%arg15 : memref<128xi32, #tpu.memory_space<vmem>>)
    %get3A_281 = arith.constant 0 : index
    %get3A_282 = tpu.vector_load %arg11[%get3A_281] {strides = array<i32>} : memref<128xi32, #tpu.memory_space<vmem>>, vector<16xi32>,
    %get3A_283 = vector.shape_cast %get3A_282 : vector<16xi32> to vector<16xi32>
    %get3A_284 = arith.constant 0 : index
    %get3A_285 = tpu.vector_load %arg15[%get3A_284] {strides = array<i32>} : memref<128xi32, #tpu.memory_space<vmem>>, vector<16xi32>,
    %get3A_286 = vector.shape_cast %get3A_285 : vector<16xi32> to vector<16xi32>
    %mul3A_287 = arith.constant 16 : i32
    %mul3A_288 = vector.broadcast %mul3A_287 : i32 to vector<16xi32>
    %mul3A_289 = arith.muli %get3A_283, %mul3A_288 : vector<16xi32>
    %add3A_290 = arith.addi %mul3A_289, %get3A_286 : vector<16xi32>
    %add3A_291 = vector.broadcast %mul3A_37 : i32 to vector<16xi32>
    %add3A_292 = arith.addi %add3A_290, %add3A_291 : vector<16xi32>
    %swap3A_293 = arith.constant 0 : index
    %swap3A_294 = tpu.vector_load %arg19[%swap3A_293] {strides = array<i32>} : memref<128xi32, #tpu.memory_space<vmem>>, vector<16xi32>,
    %swap3A_295 = vector.shape_cast %swap3A_294 : vector<16xi32> to vector<16xi32>
    %swap3A_296 = vector.shape_cast %add3A_292 : vector<16xi32> to vector<16xi32>
    tpu.vector_store %arg19[%swap3A_293], %swap3A_296 {strides = array<i32>} : memref<128xi32, #tpu.memory_space<vmem>>, vector<16xi32>,
    %get3A_297 = arith.constant 16 : index
    %get3A_298 = tpu.vector_load %arg11[%get3A_297] {strides = array<i32>} : memref<128xi32, #tpu.memory_space<vmem>>, vector<16xi32>,
    %get3A_299 = vector.shape_cast %get3A_298 : vector<16xi32> to vector<16xi32>
    %get3A_300 = arith.constant 16 : index
    %get3A_301 = tpu.vector_load %arg15[%get3A_300] {strides = array<i32>} : memref<128xi32, #tpu.memory_space<vmem>>, vector<16xi32>,
    %get3A_302 = vector.shape_cast %get3A_301 : vector<16xi32> to vector<16xi32>
    %mul3A_303 = arith.constant 16 : i32
    %mul3A_304 = vector.broadcast %mul3A_303 : i32 to vector<16xi32>
    %mul3A_305 = arith.muli %get3A_299, %mul3A_304 : vector<16xi32>
    %add3A_306 = arith.addi %mul3A_305, %get3A_302 : vector<16xi32>
    %add3A_307 = vector.broadcast %mul3A_37 : i32 to vector<16xi32>
    %add3A_308 = arith.addi %add3A_306, %add3A_307 : vector<16xi32>
    %swap3A_309 = arith.constant 16 : index
    %swap3A_310 = tpu.vector_load %arg19[%swap3A_309] {strides = array<i32>} : memref<128xi32, #tpu.memory_space<vmem>>, vector<16xi32>,
    %swap3A_311 = vector.shape_cast %swap3A_310 : vector<16xi32> to vector<16xi32>
    %swap3A_312 = vector.shape_cast %add3A_308 : vector<16xi32> to vector<16xi32>
    tpu.vector_store %arg19[%swap3A_309], %swap3A_312 {strides = array<i32>} : memref<128xi32, #tpu.memory_space<vmem>>, vector<16xi32>,
    %get3A_313 = arith.constant 32 : index
    %get3A_314 = tpu.vector_load %arg11[%get3A_313] {strides = array<i32>} : memref<128xi32, #tpu.memory_space<vmem>>, vector<16xi32>,
    %get3A_315 = vector.shape_cast %get3A_314 : vector<16xi32> to vector<16xi32>
    %get3A_316 = arith.constant 32 : index
    %get3A_317 = tpu.vector_load %arg15[%get3A_316] {strides = array<i32>} : memref<128xi32, #tpu.memory_space<vmem>>, vector<16xi32>,
    %get3A_318 = vector.shape_cast %get3A_317 : vector<16xi32> to vector<16xi32>
    %mul3A_319 = arith.constant 16 : i32
    %mul3A_320 = vector.broadcast %mul3A_319 : i32 to vector<16xi32>
    %mul3A_321 = arith.muli %get3A_315, %mul3A_320 : vector<16xi32>
    %add3A_322 = arith.addi %mul3A_321, %get3A_318 : vector<16xi32>
    %add3A_323 = vector.broadcast %mul3A_37 : i32 to vector<16xi32>
    %add3A_324 = arith.addi %add3A_322, %add3A_323 : vector<16xi32>
    %swap3A_325 = arith.constant 32 : index
    %swap3A_326 = tpu.vector_load %arg19[%swap3A_325] {strides = array<i32>} : memref<128xi32, #tpu.memory_space<vmem>>, vector<16xi32>,
    %swap3A_327 = vector.shape_cast %swap3A_326 : vector<16xi32> to vector<16xi32>
    %swap3A_328 = vector.shape_cast %add3A_324 : vector<16xi32> to vector<16xi32>
    tpu.vector_store %arg19[%swap3A_325], %swap3A_328 {strides = array<i32>} : memref<128xi32, #tpu.memory_space<vmem>>, vector<16xi32>,
    %get3A_329 = arith.constant 48 : index
    %get3A_330 = tpu.vector_load %arg11[%get3A_329] {strides = array<i32>} : memref<128xi32, #tpu.memory_space<vmem>>, vector<16xi32>,
    %get3A_331 = vector.shape_cast %get3A_330 : vector<16xi32> to vector<16xi32>
    %get3A_332 = arith.constant 48 : index
    %get3A_333 = tpu.vector_load %arg15[%get3A_332] {strides = array<i32>} : memref<128xi32, #tpu.memory_space<vmem>>, vector<16xi32>,
    %get3A_334 = vector.shape_cast %get3A_333 : vector<16xi32> to vector<16xi32>
    %mul3A_335 = arith.constant 16 : i32
    %mul3A_336 = vector.broadcast %mul3A_335 : i32 to vector<16xi32>
    %mul3A_337 = arith.muli %get3A_331, %mul3A_336 : vector<16xi32>
    %add3A_338 = arith.addi %mul3A_337, %get3A_334 : vector<16xi32>
    %add3A_339 = vector.broadcast %mul3A_37 : i32 to vector<16xi32>
    %add3A_340 = arith.addi %add3A_338, %add3A_339 : vector<16xi32>
    %swap3A_341 = arith.constant 48 : index
    %swap3A_342 = tpu.vector_load %arg19[%swap3A_341] {strides = array<i32>} : memref<128xi32, #tpu.memory_space<vmem>>, vector<16xi32>,
    %swap3A_343 = vector.shape_cast %swap3A_342 : vector<16xi32> to vector<16xi32>
    %swap3A_344 = vector.shape_cast %add3A_340 : vector<16xi32> to vector<16xi32>
    tpu.vector_store %arg19[%swap3A_341], %swap3A_344 {strides = array<i32>} : memref<128xi32, #tpu.memory_space<vmem>>, vector<16xi32>,
    %get3A_345 = arith.constant 64 : index
    %get3A_346 = tpu.vector_load %arg11[%get3A_345] {strides = array<i32>} : memref<128xi32, #tpu.memory_space<vmem>>, vector<16xi32>,
    %get3A_347 = vector.shape_cast %get3A_346 : vector<16xi32> to vector<16xi32>
    %get3A_348 = arith.constant 64 : index
    %get3A_349 = tpu.vector_load %arg15[%get3A_348] {strides = array<i32>} : memref<128xi32, #tpu.memory_space<vmem>>, vector<16xi32>,
    %get3A_350 = vector.shape_cast %get3A_349 : vector<16xi32> to vector<16xi32>
    %mul3A_351 = arith.constant 16 : i32
    %mul3A_352 = vector.broadcast %mul3A_351 : i32 to vector<16xi32>
    %mul3A_353 = arith.muli %get3A_347, %mul3A_352 : vector<16xi32>
    %add3A_354 = arith.addi %mul3A_353, %get3A_350 : vector<16xi32>
    %add3A_355 = vector.broadcast %mul3A_37 : i32 to vector<16xi32>
    %add3A_356 = arith.addi %add3A_354, %add3A_355 : vector<16xi32>
    %swap3A_357 = arith.constant 64 : index
    %swap3A_358 = tpu.vector_load %arg19[%swap3A_357] {strides = array<i32>} : memref<128xi32, #tpu.memory_space<vmem>>, vector<16xi32>,
    %swap3A_359 = vector.shape_cast %swap3A_358 : vector<16xi32> to vector<16xi32>
    %swap3A_360 = vector.shape_cast %add3A_356 : vector<16xi32> to vector<16xi32>
    tpu.vector_store %arg19[%swap3A_357], %swap3A_360 {strides = array<i32>} : memref<128xi32, #tpu.memory_space<vmem>>, vector<16xi32>,
    %get3A_361 = arith.constant 80 : index
    %get3A_362 = tpu.vector_load %arg11[%get3A_361] {strides = array<i32>} : memref<128xi32, #tpu.memory_space<vmem>>, vector<16xi32>,
    %get3A_363 = vector.shape_cast %get3A_362 : vector<16xi32> to vector<16xi32>
    %get3A_364 = arith.constant 80 : index
    %get3A_365 = tpu.vector_load %arg15[%get3A_364] {strides = array<i32>} : memref<128xi32, #tpu.memory_space<vmem>>, vector<16xi32>,
    %get3A_366 = vector.shape_cast %get3A_365 : vector<16xi32> to vector<16xi32>
    %mul3A_367 = arith.constant 16 : i32
    %mul3A_368 = vector.broadcast %mul3A_367 : i32 to vector<16xi32>
    %mul3A_369 = arith.muli %get3A_363, %mul3A_368 : vector<16xi32>
    %add3A_370 = arith.addi %mul3A_369, %get3A_366 : vector<16xi32>
    %add3A_371 = vector.broadcast %mul3A_37 : i32 to vector<16xi32>
    %add3A_372 = arith.addi %add3A_370, %add3A_371 : vector<16xi32>
    %swap3A_373 = arith.constant 80 : index
    %swap3A_374 = tpu.vector_load %arg19[%swap3A_373] {strides = array<i32>} : memref<128xi32, #tpu.memory_space<vmem>>, vector<16xi32>,
    %swap3A_375 = vector.shape_cast %swap3A_374 : vector<16xi32> to vector<16xi32>
    %swap3A_376 = vector.shape_cast %add3A_372 : vector<16xi32> to vector<16xi32>
    tpu.vector_store %arg19[%swap3A_373], %swap3A_376 {strides = array<i32>} : memref<128xi32, #tpu.memory_space<vmem>>, vector<16xi32>,
    %get3A_377 = arith.constant 96 : index
    %get3A_378 = tpu.vector_load %arg11[%get3A_377] {strides = array<i32>} : memref<128xi32, #tpu.memory_space<vmem>>, vector<16xi32>,
    %get3A_379 = vector.shape_cast %get3A_378 : vector<16xi32> to vector<16xi32>
    %get3A_380 = arith.constant 96 : index
    %get3A_381 = tpu.vector_load %arg15[%get3A_380] {strides = array<i32>} : memref<128xi32, #tpu.memory_space<vmem>>, vector<16xi32>,
    %get3A_382 = vector.shape_cast %get3A_381 : vector<16xi32> to vector<16xi32>
    %mul3A_383 = arith.constant 16 : i32
    %mul3A_384 = vector.broadcast %mul3A_383 : i32 to vector<16xi32>
    %mul3A_385 = arith.muli %get3A_379, %mul3A_384 : vector<16xi32>
    %add3A_386 = arith.addi %mul3A_385, %get3A_382 : vector<16xi32>
    %add3A_387 = vector.broadcast %mul3A_37 : i32 to vector<16xi32>
    %add3A_388 = arith.addi %add3A_386, %add3A_387 : vector<16xi32>
    %swap3A_389 = arith.constant 96 : index
    %swap3A_390 = tpu.vector_load %arg19[%swap3A_389] {strides = array<i32>} : memref<128xi32, #tpu.memory_space<vmem>>, vector<16xi32>,
    %swap3A_391 = vector.shape_cast %swap3A_390 : vector<16xi32> to vector<16xi32>
    %swap3A_392 = vector.shape_cast %add3A_388 : vector<16xi32> to vector<16xi32>
    tpu.vector_store %arg19[%swap3A_389], %swap3A_392 {strides = array<i32>} : memref<128xi32, #tpu.memory_space<vmem>>, vector<16xi32>,
    %get3A_393 = arith.constant 112 : index
    %get3A_394 = tpu.vector_load %arg11[%get3A_393] {strides = array<i32>} : memref<128xi32, #tpu.memory_space<vmem>>, vector<16xi32>,
    %get3A_395 = vector.shape_cast %get3A_394 : vector<16xi32> to vector<16xi32>
    %get3A_396 = arith.constant 112 : index
    %get3A_397 = tpu.vector_load %arg15[%get3A_396] {strides = array<i32>} : memref<128xi32, #tpu.memory_space<vmem>>, vector<16xi32>,
    %get3A_398 = vector.shape_cast %get3A_397 : vector<16xi32> to vector<16xi32>
    %mul3A_399 = arith.constant 16 : i32
    %mul3A_400 = vector.broadcast %mul3A_399 : i32 to vector<16xi32>
    %mul3A_401 = arith.muli %get3A_395, %mul3A_400 : vector<16xi32>
    %add3A_402 = arith.addi %mul3A_401, %get3A_398 : vector<16xi32>
    %add3A_403 = vector.broadcast %mul3A_37 : i32 to vector<16xi32>
    %add3A_404 = arith.addi %add3A_402, %add3A_403 : vector<16xi32>
    %swap3A_405 = arith.constant 112 : index
    %swap3A_406 = tpu.vector_load %arg19[%swap3A_405] {strides = array<i32>} : memref<128xi32, #tpu.memory_space<vmem>>, vector<16xi32>,
    %swap3A_407 = vector.shape_cast %swap3A_406 : vector<16xi32> to vector<16xi32>
    %swap3A_408 = vector.shape_cast %add3A_404 : vector<16xi32> to vector<16xi32>
    tpu.vector_store %arg19[%swap3A_405], %swap3A_408 {strides = array<i32>} : memref<128xi32, #tpu.memory_space<vmem>>, vector<16xi32>,
    %dma_start3A_409 = arith.constant 0 : i32
    %dma_start3A_410 = arith.constant 0 : i32
    %dma_start3A_411 = tpu.memref_slice %arg24[%dma_start3A_409, %dma_start3A_410] : memref<2048x128xf32, #tpu.memory_space<vmem_shared>> -> memref<2048x128xf32, #tpu.memory_space<vmem_shared>>
    tpu.enqueue_indirect_dma source(%arg7 : memref<128x128xf32, #tpu.memory_space<vmem>>) target(%dma_start3A_411 : memref<2048x128xf32, #tpu.memory_space<vmem_shared>>) offsets(%arg19 : memref<128xi32, #tpu.memory_space<vmem>>) semaphore(%arg31 : memref<!tpu.dma_semaphore, #tpu.memory_space<semaphore_mem>>) {add = true}
    %add3A_412 = arith.constant 384 : i32
    %add3A_413 = arith.addi %mul3A_35, %add3A_412 : i32
    %dma_start3A_414 = arith.constant 0 : i32
    %dma_start3A_415 = tpu.memref_slice %arg2[%add3A, %add3A_413, %dma_start3A_414] : memref<16x16384x128xf32, #tpu.memory_space<hbm>> -> memref<1x128x128xf32, #tpu.memory_space<hbm>>
    %dma_start3A_416 = tpu.memref_squeeze %dma_start3A_415 : memref<1x128x128xf32, #tpu.memory_space<hbm>> -> memref<128x128xf32, #tpu.memory_space<hbm>>
    %dma_start3A_417 = arith.constant 0 : i32
    %dma_start3A_418 = tpu.memref_slice %arg2[%add3A, %add3A_413, %dma_start3A_417] : memref<16x16384x128xf32, #tpu.memory_space<hbm>> -> memref<1x128x128xf32, #tpu.memory_space<hbm>>
    %dma_start3A_419 = tpu.memref_squeeze %dma_start3A_418 : memref<1x128x128xf32, #tpu.memory_space<hbm>> -> memref<128x128xf32, #tpu.memory_space<hbm>>
    tpu.enqueue_dma source(%dma_start3A_419 : memref<128x128xf32, #tpu.memory_space<hbm>>) target(%arg9 : memref<128x128xf32, #tpu.memory_space<vmem>>) target_semaphore(%arg29 : memref<!tpu.dma_semaphore, #tpu.memory_space<semaphore_mem>>)
    %add3A_420 = arith.constant 384 : i32
    %add3A_421 = arith.addi %mul3A_35, %add3A_420 : i32
    %dma_start3A_422 = tpu.memref_slice %arg3[%add3A, %add3A_421] : memref<16x16384xi32, #tpu.memory_space<hbm>> -> memref<1x128xi32, #tpu.memory_space<hbm>>
    %dma_start3A_423 = tpu.memref_squeeze %dma_start3A_422 : memref<1x128xi32, #tpu.memory_space<hbm>> -> memref<128xi32, #tpu.memory_space<hbm>>
    %dma_start3A_424 = tpu.memref_slice %arg3[%add3A, %add3A_421] : memref<16x16384xi32, #tpu.memory_space<hbm>> -> memref<1x128xi32, #tpu.memory_space<hbm>>
    %dma_start3A_425 = tpu.memref_squeeze %dma_start3A_424 : memref<1x128xi32, #tpu.memory_space<hbm>> -> memref<128xi32, #tpu.memory_space<hbm>>
    tpu.enqueue_dma source(%dma_start3A_425 : memref<128xi32, #tpu.memory_space<hbm>>) target(%arg13 : memref<128xi32, #tpu.memory_space<vmem>>) target_semaphore(%arg29 : memref<!tpu.dma_semaphore, #tpu.memory_space<semaphore_mem>>)
    %add3A_426 = arith.constant 384 : i32
    %add3A_427 = arith.addi %mul3A_35, %add3A_426 : i32
    %dma_start3A_428 = tpu.memref_slice %arg4[%add3A, %add3A_427] : memref<16x16384xi32, #tpu.memory_space<hbm>> -> memref<1x128xi32, #tpu.memory_space<hbm>>
    %dma_start3A_429 = tpu.memref_squeeze %dma_start3A_428 : memref<1x128xi32, #tpu.memory_space<hbm>> -> memref<128xi32, #tpu.memory_space<hbm>>
    %dma_start3A_430 = tpu.memref_slice %arg4[%add3A, %add3A_427] : memref<16x16384xi32, #tpu.memory_space<hbm>> -> memref<1x128xi32, #tpu.memory_space<hbm>>
    %dma_start3A_431 = tpu.memref_squeeze %dma_start3A_430 : memref<1x128xi32, #tpu.memory_space<hbm>> -> memref<128xi32, #tpu.memory_space<hbm>>
    tpu.enqueue_dma source(%dma_start3A_431 : memref<128xi32, #tpu.memory_space<hbm>>) target(%arg17 : memref<128xi32, #tpu.memory_space<vmem>>) target_semaphore(%arg29 : memref<!tpu.dma_semaphore, #tpu.memory_space<semaphore_mem>>)
    %scan3A_432 = arith.constant 0 : i32
    %scan3A_433 = arith.constant 0 : i32
    %scan3A_434 = arith.constant 8 : i32
    %scan3A_435 = arith.addi %scan3A_433, %scan3A_434 : i32
    %scan3A_436 = arith.constant 1 : i32
    %scan3A_437 = scf.for %scan3A_966 = %scan3A_433 to %scan3A_435 step %scan3A_436 iter_args(%scan3A_967 = %scan3A_432) -> (i32)  : i32 {
      %mul3A_968 = arith.constant 16 : i32
      %mul3A_969 = arith.muli %scan3A_966, %mul3A_968 : i32
      %get3A_970 = arith.index_cast %mul3A_969 : i32 to index
      %get3A_971 = tpu.vector_load %arg19[%get3A_970] {strides = array<i32>} : memref<128xi32, #tpu.memory_space<vmem>>, vector<16xi32>,
      %get3A_972 = vector.shape_cast %get3A_971 : vector<16xi32> to vector<16xi32>
      %sub3A_973 = vector.broadcast %mul3A_37 : i32 to vector<16xi32>
      %sub3A_974 = arith.subi %get3A_972, %sub3A_973 : vector<16xi32>
      %mul3A_975 = arith.constant 16 : i32
      %mul3A_976 = vector.broadcast %mul3A_975 : i32 to vector<16xi32>
      %mul3A_977 = arith.muli %sub3A_974, %mul3A_976 : vector<16xi32>
      %slice3A = vector.extract_strided_slice %mul3A_977 {offsets = [0], sizes = [1], strides = [1]} : vector<16xi32> to vector<1xi32>
      %squeeze3A = vector.extract %slice3A[0] : i32 from vector<1xi32>
      %slice3A_978 = vector.extract_strided_slice %mul3A_977 {offsets = [1], sizes = [1], strides = [1]} : vector<16xi32> to vector<1xi32>
      %squeeze3A_979 = vector.extract %slice3A_978[0] : i32 from vector<1xi32>
      %get3A_980 = arith.index_cast %squeeze3A : i32 to index
      %get3A_981 = tpu.vector_load %arg22[%get3A_980] {strides = array<i32>} : memref<4096xf32, #tpu.memory_space<vmem>>, vector<16xf32>,
      %get3A_982 = vector.shape_cast %get3A_981 : vector<16xf32> to vector<16xf32>
      %add3A_983 = arith.addf %get3A_982, %broadcast_in_dim3A_2 : vector<16xf32>
      %swap3A_984 = arith.index_cast %squeeze3A : i32 to index
      %swap3A_985 = tpu.vector_load %arg22[%swap3A_984] {strides = array<i32>} : memref<4096xf32, #tpu.memory_space<vmem>>, vector<16xf32>,
      %swap3A_986 = vector.shape_cast %swap3A_985 : vector<16xf32> to vector<16xf32>
      %swap3A_987 = vector.shape_cast %add3A_983 : vector<16xf32> to vector<16xf32>
      tpu.vector_store %arg22[%swap3A_984], %swap3A_987 {strides = array<i32>} : memref<4096xf32, #tpu.memory_space<vmem>>, vector<16xf32>,
      %get3A_988 = arith.index_cast %squeeze3A_979 : i32 to index
      %get3A_989 = tpu.vector_load %arg23[%get3A_988] {strides = array<i32>} : memref<4096xf32, #tpu.memory_space<vmem>>, vector<16xf32>,
      %get3A_990 = vector.shape_cast %get3A_989 : vector<16xf32> to vector<16xf32>
      %add3A_991 = arith.addf %get3A_990, %broadcast_in_dim3A_2 : vector<16xf32>
      %swap3A_992 = arith.index_cast %squeeze3A_979 : i32 to index
      %swap3A_993 = tpu.vector_load %arg23[%swap3A_992] {strides = array<i32>} : memref<4096xf32, #tpu.memory_space<vmem>>, vector<16xf32>,
      %swap3A_994 = vector.shape_cast %swap3A_993 : vector<16xf32> to vector<16xf32>
      %swap3A_995 = vector.shape_cast %add3A_991 : vector<16xf32> to vector<16xf32>
      tpu.vector_store %arg23[%swap3A_992], %swap3A_995 {strides = array<i32>} : memref<4096xf32, #tpu.memory_space<vmem>>, vector<16xf32>,
      %slice3A_996 = vector.extract_strided_slice %mul3A_977 {offsets = [2], sizes = [1], strides = [1]} : vector<16xi32> to vector<1xi32>
      %squeeze3A_997 = vector.extract %slice3A_996[0] : i32 from vector<1xi32>
      %slice3A_998 = vector.extract_strided_slice %mul3A_977 {offsets = [3], sizes = [1], strides = [1]} : vector<16xi32> to vector<1xi32>
      %squeeze3A_999 = vector.extract %slice3A_998[0] : i32 from vector<1xi32>
      %get3A_1000 = arith.index_cast %squeeze3A_997 : i32 to index
      %get3A_1001 = tpu.vector_load %arg22[%get3A_1000] {strides = array<i32>} : memref<4096xf32, #tpu.memory_space<vmem>>, vector<16xf32>,
      %get3A_1002 = vector.shape_cast %get3A_1001 : vector<16xf32> to vector<16xf32>
      %add3A_1003 = arith.addf %get3A_1002, %broadcast_in_dim3A_2 : vector<16xf32>
      %swap3A_1004 = arith.index_cast %squeeze3A_997 : i32 to index
      %swap3A_1005 = tpu.vector_load %arg22[%swap3A_1004] {strides = array<i32>} : memref<4096xf32, #tpu.memory_space<vmem>>, vector<16xf32>,
      %swap3A_1006 = vector.shape_cast %swap3A_1005 : vector<16xf32> to vector<16xf32>
      %swap3A_1007 = vector.shape_cast %add3A_1003 : vector<16xf32> to vector<16xf32>
      tpu.vector_store %arg22[%swap3A_1004], %swap3A_1007 {strides = array<i32>} : memref<4096xf32, #tpu.memory_space<vmem>>, vector<16xf32>,
      %get3A_1008 = arith.index_cast %squeeze3A_999 : i32 to index
      %get3A_1009 = tpu.vector_load %arg23[%get3A_1008] {strides = array<i32>} : memref<4096xf32, #tpu.memory_space<vmem>>, vector<16xf32>,
      %get3A_1010 = vector.shape_cast %get3A_1009 : vector<16xf32> to vector<16xf32>
      %add3A_1011 = arith.addf %get3A_1010, %broadcast_in_dim3A_2 : vector<16xf32>
      %swap3A_1012 = arith.index_cast %squeeze3A_999 : i32 to index
      %swap3A_1013 = tpu.vector_load %arg23[%swap3A_1012] {strides = array<i32>} : memref<4096xf32, #tpu.memory_space<vmem>>, vector<16xf32>,
      %swap3A_1014 = vector.shape_cast %swap3A_1013 : vector<16xf32> to vector<16xf32>
      %swap3A_1015 = vector.shape_cast %add3A_1011 : vector<16xf32> to vector<16xf32>
      tpu.vector_store %arg23[%swap3A_1012], %swap3A_1015 {strides = array<i32>} : memref<4096xf32, #tpu.memory_space<vmem>>, vector<16xf32>,
      %slice3A_1016 = vector.extract_strided_slice %mul3A_977 {offsets = [4], sizes = [1], strides = [1]} : vector<16xi32> to vector<1xi32>
      %squeeze3A_1017 = vector.extract %slice3A_1016[0] : i32 from vector<1xi32>
      %slice3A_1018 = vector.extract_strided_slice %mul3A_977 {offsets = [5], sizes = [1], strides = [1]} : vector<16xi32> to vector<1xi32>
      %squeeze3A_1019 = vector.extract %slice3A_1018[0] : i32 from vector<1xi32>
      %get3A_1020 = arith.index_cast %squeeze3A_1017 : i32 to index
      %get3A_1021 = tpu.vector_load %arg22[%get3A_1020] {strides = array<i32>} : memref<4096xf32, #tpu.memory_space<vmem>>, vector<16xf32>,
      %get3A_1022 = vector.shape_cast %get3A_1021 : vector<16xf32> to vector<16xf32>
      %add3A_1023 = arith.addf %get3A_1022, %broadcast_in_dim3A_2 : vector<16xf32>
      %swap3A_1024 = arith.index_cast %squeeze3A_1017 : i32 to index
      %swap3A_1025 = tpu.vector_load %arg22[%swap3A_1024] {strides = array<i32>} : memref<4096xf32, #tpu.memory_space<vmem>>, vector<16xf32>,
      %swap3A_1026 = vector.shape_cast %swap3A_1025 : vector<16xf32> to vector<16xf32>
      %swap3A_1027 = vector.shape_cast %add3A_1023 : vector<16xf32> to vector<16xf32>
      tpu.vector_store %arg22[%swap3A_1024], %swap3A_1027 {strides = array<i32>} : memref<4096xf32, #tpu.memory_space<vmem>>, vector<16xf32>,
      %get3A_1028 = arith.index_cast %squeeze3A_1019 : i32 to index
      %get3A_1029 = tpu.vector_load %arg23[%get3A_1028] {strides = array<i32>} : memref<4096xf32, #tpu.memory_space<vmem>>, vector<16xf32>,
      %get3A_1030 = vector.shape_cast %get3A_1029 : vector<16xf32> to vector<16xf32>
      %add3A_1031 = arith.addf %get3A_1030, %broadcast_in_dim3A_2 : vector<16xf32>
      %swap3A_1032 = arith.index_cast %squeeze3A_1019 : i32 to index
      %swap3A_1033 = tpu.vector_load %arg23[%swap3A_1032] {strides = array<i32>} : memref<4096xf32, #tpu.memory_space<vmem>>, vector<16xf32>,
      %swap3A_1034 = vector.shape_cast %swap3A_1033 : vector<16xf32> to vector<16xf32>
      %swap3A_1035 = vector.shape_cast %add3A_1031 : vector<16xf32> to vector<16xf32>
      tpu.vector_store %arg23[%swap3A_1032], %swap3A_1035 {strides = array<i32>} : memref<4096xf32, #tpu.memory_space<vmem>>, vector<16xf32>,
      %slice3A_1036 = vector.extract_strided_slice %mul3A_977 {offsets = [6], sizes = [1], strides = [1]} : vector<16xi32> to vector<1xi32>
      %squeeze3A_1037 = vector.extract %slice3A_1036[0] : i32 from vector<1xi32>
      %slice3A_1038 = vector.extract_strided_slice %mul3A_977 {offsets = [7], sizes = [1], strides = [1]} : vector<16xi32> to vector<1xi32>
      %squeeze3A_1039 = vector.extract %slice3A_1038[0] : i32 from vector<1xi32>
      %get3A_1040 = arith.index_cast %squeeze3A_1037 : i32 to index
      %get3A_1041 = tpu.vector_load %arg22[%get3A_1040] {strides = array<i32>} : memref<4096xf32, #tpu.memory_space<vmem>>, vector<16xf32>,
      %get3A_1042 = vector.shape_cast %get3A_1041 : vector<16xf32> to vector<16xf32>
      %add3A_1043 = arith.addf %get3A_1042, %broadcast_in_dim3A_2 : vector<16xf32>
      %swap3A_1044 = arith.index_cast %squeeze3A_1037 : i32 to index
      %swap3A_1045 = tpu.vector_load %arg22[%swap3A_1044] {strides = array<i32>} : memref<4096xf32, #tpu.memory_space<vmem>>, vector<16xf32>,
      %swap3A_1046 = vector.shape_cast %swap3A_1045 : vector<16xf32> to vector<16xf32>
      %swap3A_1047 = vector.shape_cast %add3A_1043 : vector<16xf32> to vector<16xf32>
      tpu.vector_store %arg22[%swap3A_1044], %swap3A_1047 {strides = array<i32>} : memref<4096xf32, #tpu.memory_space<vmem>>, vector<16xf32>,
      %get3A_1048 = arith.index_cast %squeeze3A_1039 : i32 to index
      %get3A_1049 = tpu.vector_load %arg23[%get3A_1048] {strides = array<i32>} : memref<4096xf32, #tpu.memory_space<vmem>>, vector<16xf32>,
      %get3A_1050 = vector.shape_cast %get3A_1049 : vector<16xf32> to vector<16xf32>
      %add3A_1051 = arith.addf %get3A_1050, %broadcast_in_dim3A_2 : vector<16xf32>
      %swap3A_1052 = arith.index_cast %squeeze3A_1039 : i32 to index
      %swap3A_1053 = tpu.vector_load %arg23[%swap3A_1052] {strides = array<i32>} : memref<4096xf32, #tpu.memory_space<vmem>>, vector<16xf32>,
      %swap3A_1054 = vector.shape_cast %swap3A_1053 : vector<16xf32> to vector<16xf32>
      %swap3A_1055 = vector.shape_cast %add3A_1051 : vector<16xf32> to vector<16xf32>
      tpu.vector_store %arg23[%swap3A_1052], %swap3A_1055 {strides = array<i32>} : memref<4096xf32, #tpu.memory_space<vmem>>, vector<16xf32>,
      %slice3A_1056 = vector.extract_strided_slice %mul3A_977 {offsets = [8], sizes = [1], strides = [1]} : vector<16xi32> to vector<1xi32>
      %squeeze3A_1057 = vector.extract %slice3A_1056[0] : i32 from vector<1xi32>
      %slice3A_1058 = vector.extract_strided_slice %mul3A_977 {offsets = [9], sizes = [1], strides = [1]} : vector<16xi32> to vector<1xi32>
      %squeeze3A_1059 = vector.extract %slice3A_1058[0] : i32 from vector<1xi32>
      %get3A_1060 = arith.index_cast %squeeze3A_1057 : i32 to index
      %get3A_1061 = tpu.vector_load %arg22[%get3A_1060] {strides = array<i32>} : memref<4096xf32, #tpu.memory_space<vmem>>, vector<16xf32>,
      %get3A_1062 = vector.shape_cast %get3A_1061 : vector<16xf32> to vector<16xf32>
      %add3A_1063 = arith.addf %get3A_1062, %broadcast_in_dim3A_2 : vector<16xf32>
      %swap3A_1064 = arith.index_cast %squeeze3A_1057 : i32 to index
      %swap3A_1065 = tpu.vector_load %arg22[%swap3A_1064] {strides = array<i32>} : memref<4096xf32, #tpu.memory_space<vmem>>, vector<16xf32>,
      %swap3A_1066 = vector.shape_cast %swap3A_1065 : vector<16xf32> to vector<16xf32>
      %swap3A_1067 = vector.shape_cast %add3A_1063 : vector<16xf32> to vector<16xf32>
      tpu.vector_store %arg22[%swap3A_1064], %swap3A_1067 {strides = array<i32>} : memref<4096xf32, #tpu.memory_space<vmem>>, vector<16xf32>,
      %get3A_1068 = arith.index_cast %squeeze3A_1059 : i32 to index
      %get3A_1069 = tpu.vector_load %arg23[%get3A_1068] {strides = array<i32>} : memref<4096xf32, #tpu.memory_space<vmem>>, vector<16xf32>,
      %get3A_1070 = vector.shape_cast %get3A_1069 : vector<16xf32> to vector<16xf32>
      %add3A_1071 = arith.addf %get3A_1070, %broadcast_in_dim3A_2 : vector<16xf32>
      %swap3A_1072 = arith.index_cast %squeeze3A_1059 : i32 to index
      %swap3A_1073 = tpu.vector_load %arg23[%swap3A_1072] {strides = array<i32>} : memref<4096xf32, #tpu.memory_space<vmem>>, vector<16xf32>,
      %swap3A_1074 = vector.shape_cast %swap3A_1073 : vector<16xf32> to vector<16xf32>
      %swap3A_1075 = vector.shape_cast %add3A_1071 : vector<16xf32> to vector<16xf32>
      tpu.vector_store %arg23[%swap3A_1072], %swap3A_1075 {strides = array<i32>} : memref<4096xf32, #tpu.memory_space<vmem>>, vector<16xf32>,
      %slice3A_1076 = vector.extract_strided_slice %mul3A_977 {offsets = [10], sizes = [1], strides = [1]} : vector<16xi32> to vector<1xi32>
      %squeeze3A_1077 = vector.extract %slice3A_1076[0] : i32 from vector<1xi32>
      %slice3A_1078 = vector.extract_strided_slice %mul3A_977 {offsets = [11], sizes = [1], strides = [1]} : vector<16xi32> to vector<1xi32>
      %squeeze3A_1079 = vector.extract %slice3A_1078[0] : i32 from vector<1xi32>
      %get3A_1080 = arith.index_cast %squeeze3A_1077 : i32 to index
      %get3A_1081 = tpu.vector_load %arg22[%get3A_1080] {strides = array<i32>} : memref<4096xf32, #tpu.memory_space<vmem>>, vector<16xf32>,
      %get3A_1082 = vector.shape_cast %get3A_1081 : vector<16xf32> to vector<16xf32>
      %add3A_1083 = arith.addf %get3A_1082, %broadcast_in_dim3A_2 : vector<16xf32>
      %swap3A_1084 = arith.index_cast %squeeze3A_1077 : i32 to index
      %swap3A_1085 = tpu.vector_load %arg22[%swap3A_1084] {strides = array<i32>} : memref<4096xf32, #tpu.memory_space<vmem>>, vector<16xf32>,
      %swap3A_1086 = vector.shape_cast %swap3A_1085 : vector<16xf32> to vector<16xf32>
      %swap3A_1087 = vector.shape_cast %add3A_1083 : vector<16xf32> to vector<16xf32>
      tpu.vector_store %arg22[%swap3A_1084], %swap3A_1087 {strides = array<i32>} : memref<4096xf32, #tpu.memory_space<vmem>>, vector<16xf32>,
      %get3A_1088 = arith.index_cast %squeeze3A_1079 : i32 to index
      %get3A_1089 = tpu.vector_load %arg23[%get3A_1088] {strides = array<i32>} : memref<4096xf32, #tpu.memory_space<vmem>>, vector<16xf32>,
      %get3A_1090 = vector.shape_cast %get3A_1089 : vector<16xf32> to vector<16xf32>
      %add3A_1091 = arith.addf %get3A_1090, %broadcast_in_dim3A_2 : vector<16xf32>
      %swap3A_1092 = arith.index_cast %squeeze3A_1079 : i32 to index
      %swap3A_1093 = tpu.vector_load %arg23[%swap3A_1092] {strides = array<i32>} : memref<4096xf32, #tpu.memory_space<vmem>>, vector<16xf32>,
      %swap3A_1094 = vector.shape_cast %swap3A_1093 : vector<16xf32> to vector<16xf32>
      %swap3A_1095 = vector.shape_cast %add3A_1091 : vector<16xf32> to vector<16xf32>
      tpu.vector_store %arg23[%swap3A_1092], %swap3A_1095 {strides = array<i32>} : memref<4096xf32, #tpu.memory_space<vmem>>, vector<16xf32>,
      %slice3A_1096 = vector.extract_strided_slice %mul3A_977 {offsets = [12], sizes = [1], strides = [1]} : vector<16xi32> to vector<1xi32>
      %squeeze3A_1097 = vector.extract %slice3A_1096[0] : i32 from vector<1xi32>
      %slice3A_1098 = vector.extract_strided_slice %mul3A_977 {offsets = [13], sizes = [1], strides = [1]} : vector<16xi32> to vector<1xi32>
      %squeeze3A_1099 = vector.extract %slice3A_1098[0] : i32 from vector<1xi32>
      %get3A_1100 = arith.index_cast %squeeze3A_1097 : i32 to index
      %get3A_1101 = tpu.vector_load %arg22[%get3A_1100] {strides = array<i32>} : memref<4096xf32, #tpu.memory_space<vmem>>, vector<16xf32>,
      %get3A_1102 = vector.shape_cast %get3A_1101 : vector<16xf32> to vector<16xf32>
      %add3A_1103 = arith.addf %get3A_1102, %broadcast_in_dim3A_2 : vector<16xf32>
      %swap3A_1104 = arith.index_cast %squeeze3A_1097 : i32 to index
      %swap3A_1105 = tpu.vector_load %arg22[%swap3A_1104] {strides = array<i32>} : memref<4096xf32, #tpu.memory_space<vmem>>, vector<16xf32>,
      %swap3A_1106 = vector.shape_cast %swap3A_1105 : vector<16xf32> to vector<16xf32>
      %swap3A_1107 = vector.shape_cast %add3A_1103 : vector<16xf32> to vector<16xf32>
      tpu.vector_store %arg22[%swap3A_1104], %swap3A_1107 {strides = array<i32>} : memref<4096xf32, #tpu.memory_space<vmem>>, vector<16xf32>,
      %get3A_1108 = arith.index_cast %squeeze3A_1099 : i32 to index
      %get3A_1109 = tpu.vector_load %arg23[%get3A_1108] {strides = array<i32>} : memref<4096xf32, #tpu.memory_space<vmem>>, vector<16xf32>,
      %get3A_1110 = vector.shape_cast %get3A_1109 : vector<16xf32> to vector<16xf32>
      %add3A_1111 = arith.addf %get3A_1110, %broadcast_in_dim3A_2 : vector<16xf32>
      %swap3A_1112 = arith.index_cast %squeeze3A_1099 : i32 to index
      %swap3A_1113 = tpu.vector_load %arg23[%swap3A_1112] {strides = array<i32>} : memref<4096xf32, #tpu.memory_space<vmem>>, vector<16xf32>,
      %swap3A_1114 = vector.shape_cast %swap3A_1113 : vector<16xf32> to vector<16xf32>
      %swap3A_1115 = vector.shape_cast %add3A_1111 : vector<16xf32> to vector<16xf32>
      tpu.vector_store %arg23[%swap3A_1112], %swap3A_1115 {strides = array<i32>} : memref<4096xf32, #tpu.memory_space<vmem>>, vector<16xf32>,
      %slice3A_1116 = vector.extract_strided_slice %mul3A_977 {offsets = [14], sizes = [1], strides = [1]} : vector<16xi32> to vector<1xi32>
      %squeeze3A_1117 = vector.extract %slice3A_1116[0] : i32 from vector<1xi32>
      %slice3A_1118 = vector.extract_strided_slice %mul3A_977 {offsets = [15], sizes = [1], strides = [1]} : vector<16xi32> to vector<1xi32>
      %squeeze3A_1119 = vector.extract %slice3A_1118[0] : i32 from vector<1xi32>
      %get3A_1120 = arith.index_cast %squeeze3A_1117 : i32 to index
      %get3A_1121 = tpu.vector_load %arg22[%get3A_1120] {strides = array<i32>} : memref<4096xf32, #tpu.memory_space<vmem>>, vector<16xf32>,
      %get3A_1122 = vector.shape_cast %get3A_1121 : vector<16xf32> to vector<16xf32>
      %add3A_1123 = arith.addf %get3A_1122, %broadcast_in_dim3A_2 : vector<16xf32>
      %swap3A_1124 = arith.index_cast %squeeze3A_1117 : i32 to index
      %swap3A_1125 = tpu.vector_load %arg22[%swap3A_1124] {strides = array<i32>} : memref<4096xf32, #tpu.memory_space<vmem>>, vector<16xf32>,
      %swap3A_1126 = vector.shape_cast %swap3A_1125 : vector<16xf32> to vector<16xf32>
      %swap3A_1127 = vector.shape_cast %add3A_1123 : vector<16xf32> to vector<16xf32>
      tpu.vector_store %arg22[%swap3A_1124], %swap3A_1127 {strides = array<i32>} : memref<4096xf32, #tpu.memory_space<vmem>>, vector<16xf32>,
      %get3A_1128 = arith.index_cast %squeeze3A_1119 : i32 to index
      %get3A_1129 = tpu.vector_load %arg23[%get3A_1128] {strides = array<i32>} : memref<4096xf32, #tpu.memory_space<vmem>>, vector<16xf32>,
      %get3A_1130 = vector.shape_cast %get3A_1129 : vector<16xf32> to vector<16xf32>
      %add3A_1131 = arith.addf %get3A_1130, %broadcast_in_dim3A_2 : vector<16xf32>
      %swap3A_1132 = arith.index_cast %squeeze3A_1119 : i32 to index
      %swap3A_1133 = tpu.vector_load %arg23[%swap3A_1132] {strides = array<i32>} : memref<4096xf32, #tpu.memory_space<vmem>>, vector<16xf32>,
      %swap3A_1134 = vector.shape_cast %swap3A_1133 : vector<16xf32> to vector<16xf32>
      %swap3A_1135 = vector.shape_cast %add3A_1131 : vector<16xf32> to vector<16xf32>
      tpu.vector_store %arg23[%swap3A_1132], %swap3A_1135 {strides = array<i32>} : memref<4096xf32, #tpu.memory_space<vmem>>, vector<16xf32>,
      %scan3A_1136 = arith.constant 0 : i32
      scf.yield %scan3A_1136 : i32
    }
    %scan3A_438 = arith.constant 8 : i32
    %scan3A_439 = arith.constant 0 : i32
    %scan3A_440 = arith.constant 0 : i32
    %scan3A_441 = arith.constant 15 : i32
    %scan3A_442 = arith.addi %scan3A_440, %scan3A_441 : i32
    %scan3A_443 = arith.constant 1 : i32
    %scan3A_444 = scf.for %scan3A_966 = %scan3A_440 to %scan3A_442 step %scan3A_443 iter_args(%scan3A_967 = %scan3A_439) -> (i32)  : i32 {
      %mul3A_968 = arith.constant 4 : i32
      %mul3A_969 = arith.muli %scan3A_966, %mul3A_968 : i32
      %add3A_970 = arith.constant 2 : i32
      %add3A_971 = arith.addi %add3A_970, %mul3A_969 : i32
      %add3A_972 = arith.constant 0 : i32
      %add3A_973 = arith.addi %add3A_971, %add3A_972 : i32
      %dma_wait3A_974 = arith.constant 0 : i32
      %dma_wait3A_975 = tpu.memref_slice %arg2[%add3A, %mul3A_35, %dma_wait3A_974] : memref<16x16384x128xf32, #tpu.memory_space<hbm>> -> memref<1x128x128xf32, #tpu.memory_space<hbm>>
      %dma_wait3A_976 = tpu.memref_squeeze %dma_wait3A_975 : memref<1x128x128xf32, #tpu.memory_space<hbm>> -> memref<128x128xf32, #tpu.memory_space<hbm>>
      %dma_wait3A_977 = arith.constant 0 : i32
      %dma_wait3A_978 = tpu.memref_slice %arg2[%add3A, %mul3A_35, %dma_wait3A_977] : memref<16x16384x128xf32, #tpu.memory_space<hbm>> -> memref<1x128x128xf32, #tpu.memory_space<hbm>>
      %dma_wait3A_979 = tpu.memref_squeeze %dma_wait3A_978 : memref<1x128x128xf32, #tpu.memory_space<hbm>> -> memref<128x128xf32, #tpu.memory_space<hbm>>
      tpu.wait_dma2 semaphore(%arg28 : memref<!tpu.dma_semaphore, #tpu.memory_space<semaphore_mem>>) src(%dma_wait3A_979 : memref<128x128xf32, #tpu.memory_space<hbm>>) dst(%arg8 : memref<128x128xf32, #tpu.memory_space<vmem>>)
      %dma_wait3A_980 = tpu.memref_slice %arg3[%add3A, %mul3A_35] : memref<16x16384xi32, #tpu.memory_space<hbm>> -> memref<1x128xi32, #tpu.memory_space<hbm>>
      %dma_wait3A_981 = tpu.memref_squeeze %dma_wait3A_980 : memref<1x128xi32, #tpu.memory_space<hbm>> -> memref<128xi32, #tpu.memory_space<hbm>>
      %dma_wait3A_982 = tpu.memref_slice %arg3[%add3A, %mul3A_35] : memref<16x16384xi32, #tpu.memory_space<hbm>> -> memref<1x128xi32, #tpu.memory_space<hbm>>
      %dma_wait3A_983 = tpu.memref_squeeze %dma_wait3A_982 : memref<1x128xi32, #tpu.memory_space<hbm>> -> memref<128xi32, #tpu.memory_space<hbm>>
      tpu.wait_dma2 semaphore(%arg28 : memref<!tpu.dma_semaphore, #tpu.memory_space<semaphore_mem>>) src(%dma_wait3A_983 : memref<128xi32, #tpu.memory_space<hbm>>) dst(%arg12 : memref<128xi32, #tpu.memory_space<vmem>>)
      %dma_wait3A_984 = tpu.memref_slice %arg4[%add3A, %mul3A_35] : memref<16x16384xi32, #tpu.memory_space<hbm>> -> memref<1x128xi32, #tpu.memory_space<hbm>>
      %dma_wait3A_985 = tpu.memref_squeeze %dma_wait3A_984 : memref<1x128xi32, #tpu.memory_space<hbm>> -> memref<128xi32, #tpu.memory_space<hbm>>
      %dma_wait3A_986 = tpu.memref_slice %arg4[%add3A, %mul3A_35] : memref<16x16384xi32, #tpu.memory_space<hbm>> -> memref<1x128xi32, #tpu.memory_space<hbm>>
      %dma_wait3A_987 = tpu.memref_squeeze %dma_wait3A_986 : memref<1x128xi32, #tpu.memory_space<hbm>> -> memref<128xi32, #tpu.memory_space<hbm>>
      tpu.wait_dma2 semaphore(%arg28 : memref<!tpu.dma_semaphore, #tpu.memory_space<semaphore_mem>>) src(%dma_wait3A_987 : memref<128xi32, #tpu.memory_space<hbm>>) dst(%arg16 : memref<128xi32, #tpu.memory_space<vmem>>)
      %get3A_988 = arith.constant 0 : index
      %get3A_989 = tpu.vector_load %arg12[%get3A_988] {strides = array<i32>} : memref<128xi32, #tpu.memory_space<vmem>>, vector<16xi32>,
      %get3A_990 = vector.shape_cast %get3A_989 : vector<16xi32> to vector<16xi32>
      %get3A_991 = arith.constant 0 : index
      %get3A_992 = tpu.vector_load %arg16[%get3A_991] {strides = array<i32>} : memref<128xi32, #tpu.memory_space<vmem>>, vector<16xi32>,
      %get3A_993 = vector.shape_cast %get3A_992 : vector<16xi32> to vector<16xi32>
      %mul3A_994 = arith.constant 16 : i32
      %mul3A_995 = vector.broadcast %mul3A_994 : i32 to vector<16xi32>
      %mul3A_996 = arith.muli %get3A_990, %mul3A_995 : vector<16xi32>
      %add3A_997 = arith.addi %mul3A_996, %get3A_993 : vector<16xi32>
      %add3A_998 = vector.broadcast %mul3A_37 : i32 to vector<16xi32>
      %add3A_999 = arith.addi %add3A_997, %add3A_998 : vector<16xi32>
      %swap3A_1000 = arith.constant 0 : index
      %swap3A_1001 = tpu.vector_load %arg20[%swap3A_1000] {strides = array<i32>} : memref<128xi32, #tpu.memory_space<vmem>>, vector<16xi32>,
      %swap3A_1002 = vector.shape_cast %swap3A_1001 : vector<16xi32> to vector<16xi32>
      %swap3A_1003 = vector.shape_cast %add3A_999 : vector<16xi32> to vector<16xi32>
      tpu.vector_store %arg20[%swap3A_1000], %swap3A_1003 {strides = array<i32>} : memref<128xi32, #tpu.memory_space<vmem>>, vector<16xi32>,
      %get3A_1004 = arith.constant 16 : index
      %get3A_1005 = tpu.vector_load %arg12[%get3A_1004] {strides = array<i32>} : memref<128xi32, #tpu.memory_space<vmem>>, vector<16xi32>,
      %get3A_1006 = vector.shape_cast %get3A_1005 : vector<16xi32> to vector<16xi32>
      %get3A_1007 = arith.constant 16 : index
      %get3A_1008 = tpu.vector_load %arg16[%get3A_1007] {strides = array<i32>} : memref<128xi32, #tpu.memory_space<vmem>>, vector<16xi32>,
      %get3A_1009 = vector.shape_cast %get3A_1008 : vector<16xi32> to vector<16xi32>
      %mul3A_1010 = arith.constant 16 : i32
      %mul3A_1011 = vector.broadcast %mul3A_1010 : i32 to vector<16xi32>
      %mul3A_1012 = arith.muli %get3A_1006, %mul3A_1011 : vector<16xi32>
      %add3A_1013 = arith.addi %mul3A_1012, %get3A_1009 : vector<16xi32>
      %add3A_1014 = vector.broadcast %mul3A_37 : i32 to vector<16xi32>
      %add3A_1015 = arith.addi %add3A_1013, %add3A_1014 : vector<16xi32>
      %swap3A_1016 = arith.constant 16 : index
      %swap3A_1017 = tpu.vector_load %arg20[%swap3A_1016] {strides = array<i32>} : memref<128xi32, #tpu.memory_space<vmem>>, vector<16xi32>,
      %swap3A_1018 = vector.shape_cast %swap3A_1017 : vector<16xi32> to vector<16xi32>
      %swap3A_1019 = vector.shape_cast %add3A_1015 : vector<16xi32> to vector<16xi32>
      tpu.vector_store %arg20[%swap3A_1016], %swap3A_1019 {strides = array<i32>} : memref<128xi32, #tpu.memory_space<vmem>>, vector<16xi32>,
      %get3A_1020 = arith.constant 32 : index
      %get3A_1021 = tpu.vector_load %arg12[%get3A_1020] {strides = array<i32>} : memref<128xi32, #tpu.memory_space<vmem>>, vector<16xi32>,
      %get3A_1022 = vector.shape_cast %get3A_1021 : vector<16xi32> to vector<16xi32>
      %get3A_1023 = arith.constant 32 : index
      %get3A_1024 = tpu.vector_load %arg16[%get3A_1023] {strides = array<i32>} : memref<128xi32, #tpu.memory_space<vmem>>, vector<16xi32>,
      %get3A_1025 = vector.shape_cast %get3A_1024 : vector<16xi32> to vector<16xi32>
      %mul3A_1026 = arith.constant 16 : i32
      %mul3A_1027 = vector.broadcast %mul3A_1026 : i32 to vector<16xi32>
      %mul3A_1028 = arith.muli %get3A_1022, %mul3A_1027 : vector<16xi32>
      %add3A_1029 = arith.addi %mul3A_1028, %get3A_1025 : vector<16xi32>
      %add3A_1030 = vector.broadcast %mul3A_37 : i32 to vector<16xi32>
      %add3A_1031 = arith.addi %add3A_1029, %add3A_1030 : vector<16xi32>
      %swap3A_1032 = arith.constant 32 : index
      %swap3A_1033 = tpu.vector_load %arg20[%swap3A_1032] {strides = array<i32>} : memref<128xi32, #tpu.memory_space<vmem>>, vector<16xi32>,
      %swap3A_1034 = vector.shape_cast %swap3A_1033 : vector<16xi32> to vector<16xi32>
      %swap3A_1035 = vector.shape_cast %add3A_1031 : vector<16xi32> to vector<16xi32>
      tpu.vector_store %arg20[%swap3A_1032], %swap3A_1035 {strides = array<i32>} : memref<128xi32, #tpu.memory_space<vmem>>, vector<16xi32>,
      %get3A_1036 = arith.constant 48 : index
      %get3A_1037 = tpu.vector_load %arg12[%get3A_1036] {strides = array<i32>} : memref<128xi32, #tpu.memory_space<vmem>>, vector<16xi32>,
      %get3A_1038 = vector.shape_cast %get3A_1037 : vector<16xi32> to vector<16xi32>
      %get3A_1039 = arith.constant 48 : index
      %get3A_1040 = tpu.vector_load %arg16[%get3A_1039] {strides = array<i32>} : memref<128xi32, #tpu.memory_space<vmem>>, vector<16xi32>,
      %get3A_1041 = vector.shape_cast %get3A_1040 : vector<16xi32> to vector<16xi32>
      %mul3A_1042 = arith.constant 16 : i32
      %mul3A_1043 = vector.broadcast %mul3A_1042 : i32 to vector<16xi32>
      %mul3A_1044 = arith.muli %get3A_1038, %mul3A_1043 : vector<16xi32>
      %add3A_1045 = arith.addi %mul3A_1044, %get3A_1041 : vector<16xi32>
      %add3A_1046 = vector.broadcast %mul3A_37 : i32 to vector<16xi32>
      %add3A_1047 = arith.addi %add3A_1045, %add3A_1046 : vector<16xi32>
      %swap3A_1048 = arith.constant 48 : index
      %swap3A_1049 = tpu.vector_load %arg20[%swap3A_1048] {strides = array<i32>} : memref<128xi32, #tpu.memory_space<vmem>>, vector<16xi32>,
      %swap3A_1050 = vector.shape_cast %swap3A_1049 : vector<16xi32> to vector<16xi32>
      %swap3A_1051 = vector.shape_cast %add3A_1047 : vector<16xi32> to vector<16xi32>
      tpu.vector_store %arg20[%swap3A_1048], %swap3A_1051 {strides = array<i32>} : memref<128xi32, #tpu.memory_space<vmem>>, vector<16xi32>,
      %get3A_1052 = arith.constant 64 : index
      %get3A_1053 = tpu.vector_load %arg12[%get3A_1052] {strides = array<i32>} : memref<128xi32, #tpu.memory_space<vmem>>, vector<16xi32>,
      %get3A_1054 = vector.shape_cast %get3A_1053 : vector<16xi32> to vector<16xi32>
      %get3A_1055 = arith.constant 64 : index
      %get3A_1056 = tpu.vector_load %arg16[%get3A_1055] {strides = array<i32>} : memref<128xi32, #tpu.memory_space<vmem>>, vector<16xi32>,
      %get3A_1057 = vector.shape_cast %get3A_1056 : vector<16xi32> to vector<16xi32>
      %mul3A_1058 = arith.constant 16 : i32
      %mul3A_1059 = vector.broadcast %mul3A_1058 : i32 to vector<16xi32>
      %mul3A_1060 = arith.muli %get3A_1054, %mul3A_1059 : vector<16xi32>
      %add3A_1061 = arith.addi %mul3A_1060, %get3A_1057 : vector<16xi32>
      %add3A_1062 = vector.broadcast %mul3A_37 : i32 to vector<16xi32>
      %add3A_1063 = arith.addi %add3A_1061, %add3A_1062 : vector<16xi32>
      %swap3A_1064 = arith.constant 64 : index
      %swap3A_1065 = tpu.vector_load %arg20[%swap3A_1064] {strides = array<i32>} : memref<128xi32, #tpu.memory_space<vmem>>, vector<16xi32>,
      %swap3A_1066 = vector.shape_cast %swap3A_1065 : vector<16xi32> to vector<16xi32>
      %swap3A_1067 = vector.shape_cast %add3A_1063 : vector<16xi32> to vector<16xi32>
      tpu.vector_store %arg20[%swap3A_1064], %swap3A_1067 {strides = array<i32>} : memref<128xi32, #tpu.memory_space<vmem>>, vector<16xi32>,
      %get3A_1068 = arith.constant 80 : index
      %get3A_1069 = tpu.vector_load %arg12[%get3A_1068] {strides = array<i32>} : memref<128xi32, #tpu.memory_space<vmem>>, vector<16xi32>,
      %get3A_1070 = vector.shape_cast %get3A_1069 : vector<16xi32> to vector<16xi32>
      %get3A_1071 = arith.constant 80 : index
      %get3A_1072 = tpu.vector_load %arg16[%get3A_1071] {strides = array<i32>} : memref<128xi32, #tpu.memory_space<vmem>>, vector<16xi32>,
      %get3A_1073 = vector.shape_cast %get3A_1072 : vector<16xi32> to vector<16xi32>
      %mul3A_1074 = arith.constant 16 : i32
      %mul3A_1075 = vector.broadcast %mul3A_1074 : i32 to vector<16xi32>
      %mul3A_1076 = arith.muli %get3A_1070, %mul3A_1075 : vector<16xi32>
      %add3A_1077 = arith.addi %mul3A_1076, %get3A_1073 : vector<16xi32>
      %add3A_1078 = vector.broadcast %mul3A_37 : i32 to vector<16xi32>
      %add3A_1079 = arith.addi %add3A_1077, %add3A_1078 : vector<16xi32>
      %swap3A_1080 = arith.constant 80 : index
      %swap3A_1081 = tpu.vector_load %arg20[%swap3A_1080] {strides = array<i32>} : memref<128xi32, #tpu.memory_space<vmem>>, vector<16xi32>,
      %swap3A_1082 = vector.shape_cast %swap3A_1081 : vector<16xi32> to vector<16xi32>
      %swap3A_1083 = vector.shape_cast %add3A_1079 : vector<16xi32> to vector<16xi32>
      tpu.vector_store %arg20[%swap3A_1080], %swap3A_1083 {strides = array<i32>} : memref<128xi32, #tpu.memory_space<vmem>>, vector<16xi32>,
      %get3A_1084 = arith.constant 96 : index
      %get3A_1085 = tpu.vector_load %arg12[%get3A_1084] {strides = array<i32>} : memref<128xi32, #tpu.memory_space<vmem>>, vector<16xi32>,
      %get3A_1086 = vector.shape_cast %get3A_1085 : vector<16xi32> to vector<16xi32>
      %get3A_1087 = arith.constant 96 : index
      %get3A_1088 = tpu.vector_load %arg16[%get3A_1087] {strides = array<i32>} : memref<128xi32, #tpu.memory_space<vmem>>, vector<16xi32>,
      %get3A_1089 = vector.shape_cast %get3A_1088 : vector<16xi32> to vector<16xi32>
      %mul3A_1090 = arith.constant 16 : i32
      %mul3A_1091 = vector.broadcast %mul3A_1090 : i32 to vector<16xi32>
      %mul3A_1092 = arith.muli %get3A_1086, %mul3A_1091 : vector<16xi32>
      %add3A_1093 = arith.addi %mul3A_1092, %get3A_1089 : vector<16xi32>
      %add3A_1094 = vector.broadcast %mul3A_37 : i32 to vector<16xi32>
      %add3A_1095 = arith.addi %add3A_1093, %add3A_1094 : vector<16xi32>
      %swap3A_1096 = arith.constant 96 : index
      %swap3A_1097 = tpu.vector_load %arg20[%swap3A_1096] {strides = array<i32>} : memref<128xi32, #tpu.memory_space<vmem>>, vector<16xi32>,
      %swap3A_1098 = vector.shape_cast %swap3A_1097 : vector<16xi32> to vector<16xi32>
      %swap3A_1099 = vector.shape_cast %add3A_1095 : vector<16xi32> to vector<16xi32>
      tpu.vector_store %arg20[%swap3A_1096], %swap3A_1099 {strides = array<i32>} : memref<128xi32, #tpu.memory_space<vmem>>, vector<16xi32>,
      %get3A_1100 = arith.constant 112 : index
      %get3A_1101 = tpu.vector_load %arg12[%get3A_1100] {strides = array<i32>} : memref<128xi32, #tpu.memory_space<vmem>>, vector<16xi32>,
      %get3A_1102 = vector.shape_cast %get3A_1101 : vector<16xi32> to vector<16xi32>
      %get3A_1103 = arith.constant 112 : index
      %get3A_1104 = tpu.vector_load %arg16[%get3A_1103] {strides = array<i32>} : memref<128xi32, #tpu.memory_space<vmem>>, vector<16xi32>,
      %get3A_1105 = vector.shape_cast %get3A_1104 : vector<16xi32> to vector<16xi32>
      %mul3A_1106 = arith.constant 16 : i32
      %mul3A_1107 = vector.broadcast %mul3A_1106 : i32 to vector<16xi32>
      %mul3A_1108 = arith.muli %get3A_1102, %mul3A_1107 : vector<16xi32>
      %add3A_1109 = arith.addi %mul3A_1108, %get3A_1105 : vector<16xi32>
      %add3A_1110 = vector.broadcast %mul3A_37 : i32 to vector<16xi32>
      %add3A_1111 = arith.addi %add3A_1109, %add3A_1110 : vector<16xi32>
      %swap3A_1112 = arith.constant 112 : index
      %swap3A_1113 = tpu.vector_load %arg20[%swap3A_1112] {strides = array<i32>} : memref<128xi32, #tpu.memory_space<vmem>>, vector<16xi32>,
      %swap3A_1114 = vector.shape_cast %swap3A_1113 : vector<16xi32> to vector<16xi32>
      %swap3A_1115 = vector.shape_cast %add3A_1111 : vector<16xi32> to vector<16xi32>
      tpu.vector_store %arg20[%swap3A_1112], %swap3A_1115 {strides = array<i32>} : memref<128xi32, #tpu.memory_space<vmem>>, vector<16xi32>,
      %dma_start3A_1116 = arith.constant 0 : i32
      %dma_start3A_1117 = arith.constant 0 : i32
      %dma_start3A_1118 = tpu.memref_slice %arg24[%dma_start3A_1116, %dma_start3A_1117] : memref<2048x128xf32, #tpu.memory_space<vmem_shared>> -> memref<2048x128xf32, #tpu.memory_space<vmem_shared>>
      tpu.enqueue_indirect_dma source(%arg8 : memref<128x128xf32, #tpu.memory_space<vmem>>) target(%dma_start3A_1118 : memref<2048x128xf32, #tpu.memory_space<vmem_shared>>) offsets(%arg20 : memref<128xi32, #tpu.memory_space<vmem>>) semaphore(%arg32 : memref<!tpu.dma_semaphore, #tpu.memory_space<semaphore_mem>>) {add = true}
      %dma_wait3A_1119 = arith.constant 0 : i32
      %dma_wait3A_1120 = arith.constant 0 : i32
      %dma_wait3A_1121 = tpu.memref_slice %arg24[%dma_wait3A_1119, %dma_wait3A_1120] : memref<2048x128xf32, #tpu.memory_space<vmem_shared>> -> memref<2048x128xf32, #tpu.memory_space<vmem_shared>>
      tpu.wait_indirect_dma semaphore(%arg30 : memref<!tpu.dma_semaphore, #tpu.memory_space<semaphore_mem>>) src(%arg6 : memref<128x128xf32, #tpu.memory_space<vmem>>) dst(%dma_wait3A_1121 : memref<2048x128xf32, #tpu.memory_space<vmem_shared>>)
      %add3A_1122 = arith.constant 2 : i32
      %add3A_1123 = arith.addi %add3A_973, %add3A_1122 : i32
      %mul3A_1124 = arith.constant 128 : i32
      %mul3A_1125 = arith.muli %add3A_1123, %mul3A_1124 : i32
      %add3A_1126 = arith.addi %mul3A_35, %mul3A_1125 : i32
      %dma_start3A_1127 = arith.constant 0 : i32
      %dma_start3A_1128 = tpu.memref_slice %arg2[%add3A, %add3A_1126, %dma_start3A_1127] : memref<16x16384x128xf32, #tpu.memory_space<hbm>> -> memref<1x128x128xf32, #tpu.memory_space<hbm>>
      %dma_start3A_1129 = tpu.memref_squeeze %dma_start3A_1128 : memref<1x128x128xf32, #tpu.memory_space<hbm>> -> memref<128x128xf32, #tpu.memory_space<hbm>>
      %dma_start3A_1130 = arith.constant 0 : i32
      %dma_start3A_1131 = tpu.memref_slice %arg2[%add3A, %add3A_1126, %dma_start3A_1130] : memref<16x16384x128xf32, #tpu.memory_space<hbm>> -> memref<1x128x128xf32, #tpu.memory_space<hbm>>
      %dma_start3A_1132 = tpu.memref_squeeze %dma_start3A_1131 : memref<1x128x128xf32, #tpu.memory_space<hbm>> -> memref<128x128xf32, #tpu.memory_space<hbm>>
      tpu.enqueue_dma source(%dma_start3A_1132 : memref<128x128xf32, #tpu.memory_space<hbm>>) target(%arg6 : memref<128x128xf32, #tpu.memory_space<vmem>>) target_semaphore(%arg26 : memref<!tpu.dma_semaphore, #tpu.memory_space<semaphore_mem>>)
      %mul3A_1133 = arith.constant 128 : i32
      %mul3A_1134 = arith.muli %add3A_1123, %mul3A_1133 : i32
      %add3A_1135 = arith.addi %mul3A_35, %mul3A_1134 : i32
      %dma_start3A_1136 = tpu.memref_slice %arg3[%add3A, %add3A_1135] : memref<16x16384xi32, #tpu.memory_space<hbm>> -> memref<1x128xi32, #tpu.memory_space<hbm>>
      %dma_start3A_1137 = tpu.memref_squeeze %dma_start3A_1136 : memref<1x128xi32, #tpu.memory_space<hbm>> -> memref<128xi32, #tpu.memory_space<hbm>>
      %dma_start3A_1138 = tpu.memref_slice %arg3[%add3A, %add3A_1135] : memref<16x16384xi32, #tpu.memory_space<hbm>> -> memref<1x128xi32, #tpu.memory_space<hbm>>
      %dma_start3A_1139 = tpu.memref_squeeze %dma_start3A_1138 : memref<1x128xi32, #tpu.memory_space<hbm>> -> memref<128xi32, #tpu.memory_space<hbm>>
      tpu.enqueue_dma source(%dma_start3A_1139 : memref<128xi32, #tpu.memory_space<hbm>>) target(%arg10 : memref<128xi32, #tpu.memory_space<vmem>>) target_semaphore(%arg26 : memref<!tpu.dma_semaphore, #tpu.memory_space<semaphore_mem>>)
      %mul3A_1140 = arith.constant 128 : i32
      %mul3A_1141 = arith.muli %add3A_1123, %mul3A_1140 : i32
      %add3A_1142 = arith.addi %mul3A_35, %mul3A_1141 : i32
      %dma_start3A_1143 = tpu.memref_slice %arg4[%add3A, %add3A_1142] : memref<16x16384xi32, #tpu.memory_space<hbm>> -> memref<1x128xi32, #tpu.memory_space<hbm>>
      %dma_start3A_1144 = tpu.memref_squeeze %dma_start3A_1143 : memref<1x128xi32, #tpu.memory_space<hbm>> -> memref<128xi32, #tpu.memory_space<hbm>>
      %dma_start3A_1145 = tpu.memref_slice %arg4[%add3A, %add3A_1142] : memref<16x16384xi32, #tpu.memory_space<hbm>> -> memref<1x128xi32, #tpu.memory_space<hbm>>
      %dma_start3A_1146 = tpu.memref_squeeze %dma_start3A_1145 : memref<1x128xi32, #tpu.memory_space<hbm>> -> memref<128xi32, #tpu.memory_space<hbm>>
      tpu.enqueue_dma source(%dma_start3A_1146 : memref<128xi32, #tpu.memory_space<hbm>>) target(%arg14 : memref<128xi32, #tpu.memory_space<vmem>>) target_semaphore(%arg26 : memref<!tpu.dma_semaphore, #tpu.memory_space<semaphore_mem>>)
      %scan3A_1147 = arith.constant 0 : i32
      %scan3A_1148 = arith.constant 0 : i32
      %scan3A_1149 = arith.constant 8 : i32
      %scan3A_1150 = arith.addi %scan3A_1148, %scan3A_1149 : i32
      %scan3A_1151 = arith.constant 1 : i32
      %scan3A_1152 = scf.for %scan3A_1701 = %scan3A_1148 to %scan3A_1150 step %scan3A_1151 iter_args(%scan3A_1702 = %scan3A_1147) -> (i32)  : i32 {
        %mul3A_1703 = arith.constant 16 : i32
        %mul3A_1704 = arith.muli %scan3A_1701, %mul3A_1703 : i32
        %get3A_1705 = arith.index_cast %mul3A_1704 : i32 to index
        %get3A_1706 = tpu.vector_load %arg20[%get3A_1705] {strides = array<i32>} : memref<128xi32, #tpu.memory_space<vmem>>, vector<16xi32>,
        %get3A_1707 = vector.shape_cast %get3A_1706 : vector<16xi32> to vector<16xi32>
        %sub3A_1708 = vector.broadcast %mul3A_37 : i32 to vector<16xi32>
        %sub3A_1709 = arith.subi %get3A_1707, %sub3A_1708 : vector<16xi32>
        %mul3A_1710 = arith.constant 16 : i32
        %mul3A_1711 = vector.broadcast %mul3A_1710 : i32 to vector<16xi32>
        %mul3A_1712 = arith.muli %sub3A_1709, %mul3A_1711 : vector<16xi32>
        %slice3A = vector.extract_strided_slice %mul3A_1712 {offsets = [0], sizes = [1], strides = [1]} : vector<16xi32> to vector<1xi32>
        %squeeze3A = vector.extract %slice3A[0] : i32 from vector<1xi32>
        %slice3A_1713 = vector.extract_strided_slice %mul3A_1712 {offsets = [1], sizes = [1], strides = [1]} : vector<16xi32> to vector<1xi32>
        %squeeze3A_1714 = vector.extract %slice3A_1713[0] : i32 from vector<1xi32>
        %get3A_1715 = arith.index_cast %squeeze3A : i32 to index
        %get3A_1716 = tpu.vector_load %arg22[%get3A_1715] {strides = array<i32>} : memref<4096xf32, #tpu.memory_space<vmem>>, vector<16xf32>,
        %get3A_1717 = vector.shape_cast %get3A_1716 : vector<16xf32> to vector<16xf32>
        %add3A_1718 = arith.addf %get3A_1717, %broadcast_in_dim3A_2 : vector<16xf32>
        %swap3A_1719 = arith.index_cast %squeeze3A : i32 to index
        %swap3A_1720 = tpu.vector_load %arg22[%swap3A_1719] {strides = array<i32>} : memref<4096xf32, #tpu.memory_space<vmem>>, vector<16xf32>,
        %swap3A_1721 = vector.shape_cast %swap3A_1720 : vector<16xf32> to vector<16xf32>
        %swap3A_1722 = vector.shape_cast %add3A_1718 : vector<16xf32> to vector<16xf32>
        tpu.vector_store %arg22[%swap3A_1719], %swap3A_1722 {strides = array<i32>} : memref<4096xf32, #tpu.memory_space<vmem>>, vector<16xf32>,
        %get3A_1723 = arith.index_cast %squeeze3A_1714 : i32 to index
        %get3A_1724 = tpu.vector_load %arg23[%get3A_1723] {strides = array<i32>} : memref<4096xf32, #tpu.memory_space<vmem>>, vector<16xf32>,
        %get3A_1725 = vector.shape_cast %get3A_1724 : vector<16xf32> to vector<16xf32>
        %add3A_1726 = arith.addf %get3A_1725, %broadcast_in_dim3A_2 : vector<16xf32>
        %swap3A_1727 = arith.index_cast %squeeze3A_1714 : i32 to index
        %swap3A_1728 = tpu.vector_load %arg23[%swap3A_1727] {strides = array<i32>} : memref<4096xf32, #tpu.memory_space<vmem>>, vector<16xf32>,
        %swap3A_1729 = vector.shape_cast %swap3A_1728 : vector<16xf32> to vector<16xf32>
        %swap3A_1730 = vector.shape_cast %add3A_1726 : vector<16xf32> to vector<16xf32>
        tpu.vector_store %arg23[%swap3A_1727], %swap3A_1730 {strides = array<i32>} : memref<4096xf32, #tpu.memory_space<vmem>>, vector<16xf32>,
        %slice3A_1731 = vector.extract_strided_slice %mul3A_1712 {offsets = [2], sizes = [1], strides = [1]} : vector<16xi32> to vector<1xi32>
        %squeeze3A_1732 = vector.extract %slice3A_1731[0] : i32 from vector<1xi32>
        %slice3A_1733 = vector.extract_strided_slice %mul3A_1712 {offsets = [3], sizes = [1], strides = [1]} : vector<16xi32> to vector<1xi32>
        %squeeze3A_1734 = vector.extract %slice3A_1733[0] : i32 from vector<1xi32>
        %get3A_1735 = arith.index_cast %squeeze3A_1732 : i32 to index
        %get3A_1736 = tpu.vector_load %arg22[%get3A_1735] {strides = array<i32>} : memref<4096xf32, #tpu.memory_space<vmem>>, vector<16xf32>,
        %get3A_1737 = vector.shape_cast %get3A_1736 : vector<16xf32> to vector<16xf32>
        %add3A_1738 = arith.addf %get3A_1737, %broadcast_in_dim3A_2 : vector<16xf32>
        %swap3A_1739 = arith.index_cast %squeeze3A_1732 : i32 to index
        %swap3A_1740 = tpu.vector_load %arg22[%swap3A_1739] {strides = array<i32>} : memref<4096xf32, #tpu.memory_space<vmem>>, vector<16xf32>,
        %swap3A_1741 = vector.shape_cast %swap3A_1740 : vector<16xf32> to vector<16xf32>
        %swap3A_1742 = vector.shape_cast %add3A_1738 : vector<16xf32> to vector<16xf32>
        tpu.vector_store %arg22[%swap3A_1739], %swap3A_1742 {strides = array<i32>} : memref<4096xf32, #tpu.memory_space<vmem>>, vector<16xf32>,
        %get3A_1743 = arith.index_cast %squeeze3A_1734 : i32 to index
        %get3A_1744 = tpu.vector_load %arg23[%get3A_1743] {strides = array<i32>} : memref<4096xf32, #tpu.memory_space<vmem>>, vector<16xf32>,
        %get3A_1745 = vector.shape_cast %get3A_1744 : vector<16xf32> to vector<16xf32>
        %add3A_1746 = arith.addf %get3A_1745, %broadcast_in_dim3A_2 : vector<16xf32>
        %swap3A_1747 = arith.index_cast %squeeze3A_1734 : i32 to index
        %swap3A_1748 = tpu.vector_load %arg23[%swap3A_1747] {strides = array<i32>} : memref<4096xf32, #tpu.memory_space<vmem>>, vector<16xf32>,
        %swap3A_1749 = vector.shape_cast %swap3A_1748 : vector<16xf32> to vector<16xf32>
        %swap3A_1750 = vector.shape_cast %add3A_1746 : vector<16xf32> to vector<16xf32>
        tpu.vector_store %arg23[%swap3A_1747], %swap3A_1750 {strides = array<i32>} : memref<4096xf32, #tpu.memory_space<vmem>>, vector<16xf32>,
        %slice3A_1751 = vector.extract_strided_slice %mul3A_1712 {offsets = [4], sizes = [1], strides = [1]} : vector<16xi32> to vector<1xi32>
        %squeeze3A_1752 = vector.extract %slice3A_1751[0] : i32 from vector<1xi32>
        %slice3A_1753 = vector.extract_strided_slice %mul3A_1712 {offsets = [5], sizes = [1], strides = [1]} : vector<16xi32> to vector<1xi32>
        %squeeze3A_1754 = vector.extract %slice3A_1753[0] : i32 from vector<1xi32>
        %get3A_1755 = arith.index_cast %squeeze3A_1752 : i32 to index
        %get3A_1756 = tpu.vector_load %arg22[%get3A_1755] {strides = array<i32>} : memref<4096xf32, #tpu.memory_space<vmem>>, vector<16xf32>,
        %get3A_1757 = vector.shape_cast %get3A_1756 : vector<16xf32> to vector<16xf32>
        %add3A_1758 = arith.addf %get3A_1757, %broadcast_in_dim3A_2 : vector<16xf32>
        %swap3A_1759 = arith.index_cast %squeeze3A_1752 : i32 to index
        %swap3A_1760 = tpu.vector_load %arg22[%swap3A_1759] {strides = array<i32>} : memref<4096xf32, #tpu.memory_space<vmem>>, vector<16xf32>,
        %swap3A_1761 = vector.shape_cast %swap3A_1760 : vector<16xf32> to vector<16xf32>
        %swap3A_1762 = vector.shape_cast %add3A_1758 : vector<16xf32> to vector<16xf32>
        tpu.vector_store %arg22[%swap3A_1759], %swap3A_1762 {strides = array<i32>} : memref<4096xf32, #tpu.memory_space<vmem>>, vector<16xf32>,
        %get3A_1763 = arith.index_cast %squeeze3A_1754 : i32 to index
        %get3A_1764 = tpu.vector_load %arg23[%get3A_1763] {strides = array<i32>} : memref<4096xf32, #tpu.memory_space<vmem>>, vector<16xf32>,
        %get3A_1765 = vector.shape_cast %get3A_1764 : vector<16xf32> to vector<16xf32>
        %add3A_1766 = arith.addf %get3A_1765, %broadcast_in_dim3A_2 : vector<16xf32>
        %swap3A_1767 = arith.index_cast %squeeze3A_1754 : i32 to index
        %swap3A_1768 = tpu.vector_load %arg23[%swap3A_1767] {strides = array<i32>} : memref<4096xf32, #tpu.memory_space<vmem>>, vector<16xf32>,
        %swap3A_1769 = vector.shape_cast %swap3A_1768 : vector<16xf32> to vector<16xf32>
        %swap3A_1770 = vector.shape_cast %add3A_1766 : vector<16xf32> to vector<16xf32>
        tpu.vector_store %arg23[%swap3A_1767], %swap3A_1770 {strides = array<i32>} : memref<4096xf32, #tpu.memory_space<vmem>>, vector<16xf32>,
        %slice3A_1771 = vector.extract_strided_slice %mul3A_1712 {offsets = [6], sizes = [1], strides = [1]} : vector<16xi32> to vector<1xi32>
        %squeeze3A_1772 = vector.extract %slice3A_1771[0] : i32 from vector<1xi32>
        %slice3A_1773 = vector.extract_strided_slice %mul3A_1712 {offsets = [7], sizes = [1], strides = [1]} : vector<16xi32> to vector<1xi32>
        %squeeze3A_1774 = vector.extract %slice3A_1773[0] : i32 from vector<1xi32>
        %get3A_1775 = arith.index_cast %squeeze3A_1772 : i32 to index
        %get3A_1776 = tpu.vector_load %arg22[%get3A_1775] {strides = array<i32>} : memref<4096xf32, #tpu.memory_space<vmem>>, vector<16xf32>,
        %get3A_1777 = vector.shape_cast %get3A_1776 : vector<16xf32> to vector<16xf32>
        %add3A_1778 = arith.addf %get3A_1777, %broadcast_in_dim3A_2 : vector<16xf32>
        %swap3A_1779 = arith.index_cast %squeeze3A_1772 : i32 to index
        %swap3A_1780 = tpu.vector_load %arg22[%swap3A_1779] {strides = array<i32>} : memref<4096xf32, #tpu.memory_space<vmem>>, vector<16xf32>,
        %swap3A_1781 = vector.shape_cast %swap3A_1780 : vector<16xf32> to vector<16xf32>
        %swap3A_1782 = vector.shape_cast %add3A_1778 : vector<16xf32> to vector<16xf32>
        tpu.vector_store %arg22[%swap3A_1779], %swap3A_1782 {strides = array<i32>} : memref<4096xf32, #tpu.memory_space<vmem>>, vector<16xf32>,
        %get3A_1783 = arith.index_cast %squeeze3A_1774 : i32 to index
        %get3A_1784 = tpu.vector_load %arg23[%get3A_1783] {strides = array<i32>} : memref<4096xf32, #tpu.memory_space<vmem>>, vector<16xf32>,
        %get3A_1785 = vector.shape_cast %get3A_1784 : vector<16xf32> to vector<16xf32>
        %add3A_1786 = arith.addf %get3A_1785, %broadcast_in_dim3A_2 : vector<16xf32>
        %swap3A_1787 = arith.index_cast %squeeze3A_1774 : i32 to index
        %swap3A_1788 = tpu.vector_load %arg23[%swap3A_1787] {strides = array<i32>} : memref<4096xf32, #tpu.memory_space<vmem>>, vector<16xf32>,
        %swap3A_1789 = vector.shape_cast %swap3A_1788 : vector<16xf32> to vector<16xf32>
        %swap3A_1790 = vector.shape_cast %add3A_1786 : vector<16xf32> to vector<16xf32>
        tpu.vector_store %arg23[%swap3A_1787], %swap3A_1790 {strides = array<i32>} : memref<4096xf32, #tpu.memory_space<vmem>>, vector<16xf32>,
        %slice3A_1791 = vector.extract_strided_slice %mul3A_1712 {offsets = [8], sizes = [1], strides = [1]} : vector<16xi32> to vector<1xi32>
        %squeeze3A_1792 = vector.extract %slice3A_1791[0] : i32 from vector<1xi32>
        %slice3A_1793 = vector.extract_strided_slice %mul3A_1712 {offsets = [9], sizes = [1], strides = [1]} : vector<16xi32> to vector<1xi32>
        %squeeze3A_1794 = vector.extract %slice3A_1793[0] : i32 from vector<1xi32>
        %get3A_1795 = arith.index_cast %squeeze3A_1792 : i32 to index
        %get3A_1796 = tpu.vector_load %arg22[%get3A_1795] {strides = array<i32>} : memref<4096xf32, #tpu.memory_space<vmem>>, vector<16xf32>,
        %get3A_1797 = vector.shape_cast %get3A_1796 : vector<16xf32> to vector<16xf32>
        %add3A_1798 = arith.addf %get3A_1797, %broadcast_in_dim3A_2 : vector<16xf32>
        %swap3A_1799 = arith.index_cast %squeeze3A_1792 : i32 to index
        %swap3A_1800 = tpu.vector_load %arg22[%swap3A_1799] {strides = array<i32>} : memref<4096xf32, #tpu.memory_space<vmem>>, vector<16xf32>,
        %swap3A_1801 = vector.shape_cast %swap3A_1800 : vector<16xf32> to vector<16xf32>
        %swap3A_1802 = vector.shape_cast %add3A_1798 : vector<16xf32> to vector<16xf32>
        tpu.vector_store %arg22[%swap3A_1799], %swap3A_1802 {strides = array<i32>} : memref<4096xf32, #tpu.memory_space<vmem>>, vector<16xf32>,
        %get3A_1803 = arith.index_cast %squeeze3A_1794 : i32 to index
        %get3A_1804 = tpu.vector_load %arg23[%get3A_1803] {strides = array<i32>} : memref<4096xf32, #tpu.memory_space<vmem>>, vector<16xf32>,
        %get3A_1805 = vector.shape_cast %get3A_1804 : vector<16xf32> to vector<16xf32>
        %add3A_1806 = arith.addf %get3A_1805, %broadcast_in_dim3A_2 : vector<16xf32>
        %swap3A_1807 = arith.index_cast %squeeze3A_1794 : i32 to index
        %swap3A_1808 = tpu.vector_load %arg23[%swap3A_1807] {strides = array<i32>} : memref<4096xf32, #tpu.memory_space<vmem>>, vector<16xf32>,
        %swap3A_1809 = vector.shape_cast %swap3A_1808 : vector<16xf32> to vector<16xf32>
        %swap3A_1810 = vector.shape_cast %add3A_1806 : vector<16xf32> to vector<16xf32>
        tpu.vector_store %arg23[%swap3A_1807], %swap3A_1810 {strides = array<i32>} : memref<4096xf32, #tpu.memory_space<vmem>>, vector<16xf32>,
        %slice3A_1811 = vector.extract_strided_slice %mul3A_1712 {offsets = [10], sizes = [1], strides = [1]} : vector<16xi32> to vector<1xi32>
        %squeeze3A_1812 = vector.extract %slice3A_1811[0] : i32 from vector<1xi32>
        %slice3A_1813 = vector.extract_strided_slice %mul3A_1712 {offsets = [11], sizes = [1], strides = [1]} : vector<16xi32> to vector<1xi32>
        %squeeze3A_1814 = vector.extract %slice3A_1813[0] : i32 from vector<1xi32>
        %get3A_1815 = arith.index_cast %squeeze3A_1812 : i32 to index
        %get3A_1816 = tpu.vector_load %arg22[%get3A_1815] {strides = array<i32>} : memref<4096xf32, #tpu.memory_space<vmem>>, vector<16xf32>,
        %get3A_1817 = vector.shape_cast %get3A_1816 : vector<16xf32> to vector<16xf32>
        %add3A_1818 = arith.addf %get3A_1817, %broadcast_in_dim3A_2 : vector<16xf32>
        %swap3A_1819 = arith.index_cast %squeeze3A_1812 : i32 to index
        %swap3A_1820 = tpu.vector_load %arg22[%swap3A_1819] {strides = array<i32>} : memref<4096xf32, #tpu.memory_space<vmem>>, vector<16xf32>,
        %swap3A_1821 = vector.shape_cast %swap3A_1820 : vector<16xf32> to vector<16xf32>
        %swap3A_1822 = vector.shape_cast %add3A_1818 : vector<16xf32> to vector<16xf32>
        tpu.vector_store %arg22[%swap3A_1819], %swap3A_1822 {strides = array<i32>} : memref<4096xf32, #tpu.memory_space<vmem>>, vector<16xf32>,
        %get3A_1823 = arith.index_cast %squeeze3A_1814 : i32 to index
        %get3A_1824 = tpu.vector_load %arg23[%get3A_1823] {strides = array<i32>} : memref<4096xf32, #tpu.memory_space<vmem>>, vector<16xf32>,
        %get3A_1825 = vector.shape_cast %get3A_1824 : vector<16xf32> to vector<16xf32>
        %add3A_1826 = arith.addf %get3A_1825, %broadcast_in_dim3A_2 : vector<16xf32>
        %swap3A_1827 = arith.index_cast %squeeze3A_1814 : i32 to index
        %swap3A_1828 = tpu.vector_load %arg23[%swap3A_1827] {strides = array<i32>} : memref<4096xf32, #tpu.memory_space<vmem>>, vector<16xf32>,
        %swap3A_1829 = vector.shape_cast %swap3A_1828 : vector<16xf32> to vector<16xf32>
        %swap3A_1830 = vector.shape_cast %add3A_1826 : vector<16xf32> to vector<16xf32>
        tpu.vector_store %arg23[%swap3A_1827], %swap3A_1830 {strides = array<i32>} : memref<4096xf32, #tpu.memory_space<vmem>>, vector<16xf32>,
        %slice3A_1831 = vector.extract_strided_slice %mul3A_1712 {offsets = [12], sizes = [1], strides = [1]} : vector<16xi32> to vector<1xi32>
        %squeeze3A_1832 = vector.extract %slice3A_1831[0] : i32 from vector<1xi32>
        %slice3A_1833 = vector.extract_strided_slice %mul3A_1712 {offsets = [13], sizes = [1], strides = [1]} : vector<16xi32> to vector<1xi32>
        %squeeze3A_1834 = vector.extract %slice3A_1833[0] : i32 from vector<1xi32>
        %get3A_1835 = arith.index_cast %squeeze3A_1832 : i32 to index
        %get3A_1836 = tpu.vector_load %arg22[%get3A_1835] {strides = array<i32>} : memref<4096xf32, #tpu.memory_space<vmem>>, vector<16xf32>,
        %get3A_1837 = vector.shape_cast %get3A_1836 : vector<16xf32> to vector<16xf32>
        %add3A_1838 = arith.addf %get3A_1837, %broadcast_in_dim3A_2 : vector<16xf32>
        %swap3A_1839 = arith.index_cast %squeeze3A_1832 : i32 to index
        %swap3A_1840 = tpu.vector_load %arg22[%swap3A_1839] {strides = array<i32>} : memref<4096xf32, #tpu.memory_space<vmem>>, vector<16xf32>,
        %swap3A_1841 = vector.shape_cast %swap3A_1840 : vector<16xf32> to vector<16xf32>
        %swap3A_1842 = vector.shape_cast %add3A_1838 : vector<16xf32> to vector<16xf32>
        tpu.vector_store %arg22[%swap3A_1839], %swap3A_1842 {strides = array<i32>} : memref<4096xf32, #tpu.memory_space<vmem>>, vector<16xf32>,
        %get3A_1843 = arith.index_cast %squeeze3A_1834 : i32 to index
        %get3A_1844 = tpu.vector_load %arg23[%get3A_1843] {strides = array<i32>} : memref<4096xf32, #tpu.memory_space<vmem>>, vector<16xf32>,
        %get3A_1845 = vector.shape_cast %get3A_1844 : vector<16xf32> to vector<16xf32>
        %add3A_1846 = arith.addf %get3A_1845, %broadcast_in_dim3A_2 : vector<16xf32>
        %swap3A_1847 = arith.index_cast %squeeze3A_1834 : i32 to index
        %swap3A_1848 = tpu.vector_load %arg23[%swap3A_1847] {strides = array<i32>} : memref<4096xf32, #tpu.memory_space<vmem>>, vector<16xf32>,
        %swap3A_1849 = vector.shape_cast %swap3A_1848 : vector<16xf32> to vector<16xf32>
        %swap3A_1850 = vector.shape_cast %add3A_1846 : vector<16xf32> to vector<16xf32>
        tpu.vector_store %arg23[%swap3A_1847], %swap3A_1850 {strides = array<i32>} : memref<4096xf32, #tpu.memory_space<vmem>>, vector<16xf32>,
        %slice3A_1851 = vector.extract_strided_slice %mul3A_1712 {offsets = [14], sizes = [1], strides = [1]} : vector<16xi32> to vector<1xi32>
        %squeeze3A_1852 = vector.extract %slice3A_1851[0] : i32 from vector<1xi32>
        %slice3A_1853 = vector.extract_strided_slice %mul3A_1712 {offsets = [15], sizes = [1], strides = [1]} : vector<16xi32> to vector<1xi32>
        %squeeze3A_1854 = vector.extract %slice3A_1853[0] : i32 from vector<1xi32>
        %get3A_1855 = arith.index_cast %squeeze3A_1852 : i32 to index
        %get3A_1856 = tpu.vector_load %arg22[%get3A_1855] {strides = array<i32>} : memref<4096xf32, #tpu.memory_space<vmem>>, vector<16xf32>,
        %get3A_1857 = vector.shape_cast %get3A_1856 : vector<16xf32> to vector<16xf32>
        %add3A_1858 = arith.addf %get3A_1857, %broadcast_in_dim3A_2 : vector<16xf32>
        %swap3A_1859 = arith.index_cast %squeeze3A_1852 : i32 to index
        %swap3A_1860 = tpu.vector_load %arg22[%swap3A_1859] {strides = array<i32>} : memref<4096xf32, #tpu.memory_space<vmem>>, vector<16xf32>,
        %swap3A_1861 = vector.shape_cast %swap3A_1860 : vector<16xf32> to vector<16xf32>
        %swap3A_1862 = vector.shape_cast %add3A_1858 : vector<16xf32> to vector<16xf32>
        tpu.vector_store %arg22[%swap3A_1859], %swap3A_1862 {strides = array<i32>} : memref<4096xf32, #tpu.memory_space<vmem>>, vector<16xf32>,
        %get3A_1863 = arith.index_cast %squeeze3A_1854 : i32 to index
        %get3A_1864 = tpu.vector_load %arg23[%get3A_1863] {strides = array<i32>} : memref<4096xf32, #tpu.memory_space<vmem>>, vector<16xf32>,
        %get3A_1865 = vector.shape_cast %get3A_1864 : vector<16xf32> to vector<16xf32>
        %add3A_1866 = arith.addf %get3A_1865, %broadcast_in_dim3A_2 : vector<16xf32>
        %swap3A_1867 = arith.index_cast %squeeze3A_1854 : i32 to index
        %swap3A_1868 = tpu.vector_load %arg23[%swap3A_1867] {strides = array<i32>} : memref<4096xf32, #tpu.memory_space<vmem>>, vector<16xf32>,
        %swap3A_1869 = vector.shape_cast %swap3A_1868 : vector<16xf32> to vector<16xf32>
        %swap3A_1870 = vector.shape_cast %add3A_1866 : vector<16xf32> to vector<16xf32>
        tpu.vector_store %arg23[%swap3A_1867], %swap3A_1870 {strides = array<i32>} : memref<4096xf32, #tpu.memory_space<vmem>>, vector<16xf32>,
        %scan3A_1871 = arith.constant 0 : i32
        scf.yield %scan3A_1871 : i32
      }
      %scan3A_1153 = arith.constant 8 : i32
      %add3A_1154 = arith.constant 1 : i32
      %add3A_1155 = arith.addi %add3A_971, %add3A_1154 : i32
      %dma_wait3A_1156 = arith.constant 0 : i32
      %dma_wait3A_1157 = tpu.memref_slice %arg2[%add3A, %mul3A_35, %dma_wait3A_1156] : memref<16x16384x128xf32, #tpu.memory_space<hbm>> -> memref<1x128x128xf32, #tpu.memory_space<hbm>>
      %dma_wait3A_1158 = tpu.memref_squeeze %dma_wait3A_1157 : memref<1x128x128xf32, #tpu.memory_space<hbm>> -> memref<128x128xf32, #tpu.memory_space<hbm>>
      %dma_wait3A_1159 = arith.constant 0 : i32
      %dma_wait3A_1160 = tpu.memref_slice %arg2[%add3A, %mul3A_35, %dma_wait3A_1159] : memref<16x16384x128xf32, #tpu.memory_space<hbm>> -> memref<1x128x128xf32, #tpu.memory_space<hbm>>
      %dma_wait3A_1161 = tpu.memref_squeeze %dma_wait3A_1160 : memref<1x128x128xf32, #tpu.memory_space<hbm>> -> memref<128x128xf32, #tpu.memory_space<hbm>>
      tpu.wait_dma2 semaphore(%arg29 : memref<!tpu.dma_semaphore, #tpu.memory_space<semaphore_mem>>) src(%dma_wait3A_1161 : memref<128x128xf32, #tpu.memory_space<hbm>>) dst(%arg9 : memref<128x128xf32, #tpu.memory_space<vmem>>)
      %dma_wait3A_1162 = tpu.memref_slice %arg3[%add3A, %mul3A_35] : memref<16x16384xi32, #tpu.memory_space<hbm>> -> memref<1x128xi32, #tpu.memory_space<hbm>>
      %dma_wait3A_1163 = tpu.memref_squeeze %dma_wait3A_1162 : memref<1x128xi32, #tpu.memory_space<hbm>> -> memref<128xi32, #tpu.memory_space<hbm>>
      %dma_wait3A_1164 = tpu.memref_slice %arg3[%add3A, %mul3A_35] : memref<16x16384xi32, #tpu.memory_space<hbm>> -> memref<1x128xi32, #tpu.memory_space<hbm>>
      %dma_wait3A_1165 = tpu.memref_squeeze %dma_wait3A_1164 : memref<1x128xi32, #tpu.memory_space<hbm>> -> memref<128xi32, #tpu.memory_space<hbm>>
      tpu.wait_dma2 semaphore(%arg29 : memref<!tpu.dma_semaphore, #tpu.memory_space<semaphore_mem>>) src(%dma_wait3A_1165 : memref<128xi32, #tpu.memory_space<hbm>>) dst(%arg13 : memref<128xi32, #tpu.memory_space<vmem>>)
      %dma_wait3A_1166 = tpu.memref_slice %arg4[%add3A, %mul3A_35] : memref<16x16384xi32, #tpu.memory_space<hbm>> -> memref<1x128xi32, #tpu.memory_space<hbm>>
      %dma_wait3A_1167 = tpu.memref_squeeze %dma_wait3A_1166 : memref<1x128xi32, #tpu.memory_space<hbm>> -> memref<128xi32, #tpu.memory_space<hbm>>
      %dma_wait3A_1168 = tpu.memref_slice %arg4[%add3A, %mul3A_35] : memref<16x16384xi32, #tpu.memory_space<hbm>> -> memref<1x128xi32, #tpu.memory_space<hbm>>
      %dma_wait3A_1169 = tpu.memref_squeeze %dma_wait3A_1168 : memref<1x128xi32, #tpu.memory_space<hbm>> -> memref<128xi32, #tpu.memory_space<hbm>>
      tpu.wait_dma2 semaphore(%arg29 : memref<!tpu.dma_semaphore, #tpu.memory_space<semaphore_mem>>) src(%dma_wait3A_1169 : memref<128xi32, #tpu.memory_space<hbm>>) dst(%arg17 : memref<128xi32, #tpu.memory_space<vmem>>)
      %get3A_1170 = arith.constant 0 : index
      %get3A_1171 = tpu.vector_load %arg13[%get3A_1170] {strides = array<i32>} : memref<128xi32, #tpu.memory_space<vmem>>, vector<16xi32>,
      %get3A_1172 = vector.shape_cast %get3A_1171 : vector<16xi32> to vector<16xi32>
      %get3A_1173 = arith.constant 0 : index
      %get3A_1174 = tpu.vector_load %arg17[%get3A_1173] {strides = array<i32>} : memref<128xi32, #tpu.memory_space<vmem>>, vector<16xi32>,
      %get3A_1175 = vector.shape_cast %get3A_1174 : vector<16xi32> to vector<16xi32>
      %mul3A_1176 = arith.constant 16 : i32
      %mul3A_1177 = vector.broadcast %mul3A_1176 : i32 to vector<16xi32>
      %mul3A_1178 = arith.muli %get3A_1172, %mul3A_1177 : vector<16xi32>
      %add3A_1179 = arith.addi %mul3A_1178, %get3A_1175 : vector<16xi32>
      %add3A_1180 = vector.broadcast %mul3A_37 : i32 to vector<16xi32>
      %add3A_1181 = arith.addi %add3A_1179, %add3A_1180 : vector<16xi32>
      %swap3A_1182 = arith.constant 0 : index
      %swap3A_1183 = tpu.vector_load %arg21[%swap3A_1182] {strides = array<i32>} : memref<128xi32, #tpu.memory_space<vmem>>, vector<16xi32>,
      %swap3A_1184 = vector.shape_cast %swap3A_1183 : vector<16xi32> to vector<16xi32>
      %swap3A_1185 = vector.shape_cast %add3A_1181 : vector<16xi32> to vector<16xi32>
      tpu.vector_store %arg21[%swap3A_1182], %swap3A_1185 {strides = array<i32>} : memref<128xi32, #tpu.memory_space<vmem>>, vector<16xi32>,
      %get3A_1186 = arith.constant 16 : index
      %get3A_1187 = tpu.vector_load %arg13[%get3A_1186] {strides = array<i32>} : memref<128xi32, #tpu.memory_space<vmem>>, vector<16xi32>,
      %get3A_1188 = vector.shape_cast %get3A_1187 : vector<16xi32> to vector<16xi32>
      %get3A_1189 = arith.constant 16 : index
      %get3A_1190 = tpu.vector_load %arg17[%get3A_1189] {strides = array<i32>} : memref<128xi32, #tpu.memory_space<vmem>>, vector<16xi32>,
      %get3A_1191 = vector.shape_cast %get3A_1190 : vector<16xi32> to vector<16xi32>
      %mul3A_1192 = arith.constant 16 : i32
      %mul3A_1193 = vector.broadcast %mul3A_1192 : i32 to vector<16xi32>
      %mul3A_1194 = arith.muli %get3A_1188, %mul3A_1193 : vector<16xi32>
      %add3A_1195 = arith.addi %mul3A_1194, %get3A_1191 : vector<16xi32>
      %add3A_1196 = vector.broadcast %mul3A_37 : i32 to vector<16xi32>
      %add3A_1197 = arith.addi %add3A_1195, %add3A_1196 : vector<16xi32>
      %swap3A_1198 = arith.constant 16 : index
      %swap3A_1199 = tpu.vector_load %arg21[%swap3A_1198] {strides = array<i32>} : memref<128xi32, #tpu.memory_space<vmem>>, vector<16xi32>,
      %swap3A_1200 = vector.shape_cast %swap3A_1199 : vector<16xi32> to vector<16xi32>
      %swap3A_1201 = vector.shape_cast %add3A_1197 : vector<16xi32> to vector<16xi32>
      tpu.vector_store %arg21[%swap3A_1198], %swap3A_1201 {strides = array<i32>} : memref<128xi32, #tpu.memory_space<vmem>>, vector<16xi32>,
      %get3A_1202 = arith.constant 32 : index
      %get3A_1203 = tpu.vector_load %arg13[%get3A_1202] {strides = array<i32>} : memref<128xi32, #tpu.memory_space<vmem>>, vector<16xi32>,
      %get3A_1204 = vector.shape_cast %get3A_1203 : vector<16xi32> to vector<16xi32>
      %get3A_1205 = arith.constant 32 : index
      %get3A_1206 = tpu.vector_load %arg17[%get3A_1205] {strides = array<i32>} : memref<128xi32, #tpu.memory_space<vmem>>, vector<16xi32>,
      %get3A_1207 = vector.shape_cast %get3A_1206 : vector<16xi32> to vector<16xi32>
      %mul3A_1208 = arith.constant 16 : i32
      %mul3A_1209 = vector.broadcast %mul3A_1208 : i32 to vector<16xi32>
      %mul3A_1210 = arith.muli %get3A_1204, %mul3A_1209 : vector<16xi32>
      %add3A_1211 = arith.addi %mul3A_1210, %get3A_1207 : vector<16xi32>
      %add3A_1212 = vector.broadcast %mul3A_37 : i32 to vector<16xi32>
      %add3A_1213 = arith.addi %add3A_1211, %add3A_1212 : vector<16xi32>
      %swap3A_1214 = arith.constant 32 : index
      %swap3A_1215 = tpu.vector_load %arg21[%swap3A_1214] {strides = array<i32>} : memref<128xi32, #tpu.memory_space<vmem>>, vector<16xi32>,
      %swap3A_1216 = vector.shape_cast %swap3A_1215 : vector<16xi32> to vector<16xi32>
      %swap3A_1217 = vector.shape_cast %add3A_1213 : vector<16xi32> to vector<16xi32>
      tpu.vector_store %arg21[%swap3A_1214], %swap3A_1217 {strides = array<i32>} : memref<128xi32, #tpu.memory_space<vmem>>, vector<16xi32>,
      %get3A_1218 = arith.constant 48 : index
      %get3A_1219 = tpu.vector_load %arg13[%get3A_1218] {strides = array<i32>} : memref<128xi32, #tpu.memory_space<vmem>>, vector<16xi32>,
      %get3A_1220 = vector.shape_cast %get3A_1219 : vector<16xi32> to vector<16xi32>
      %get3A_1221 = arith.constant 48 : index
      %get3A_1222 = tpu.vector_load %arg17[%get3A_1221] {strides = array<i32>} : memref<128xi32, #tpu.memory_space<vmem>>, vector<16xi32>,
      %get3A_1223 = vector.shape_cast %get3A_1222 : vector<16xi32> to vector<16xi32>
      %mul3A_1224 = arith.constant 16 : i32
      %mul3A_1225 = vector.broadcast %mul3A_1224 : i32 to vector<16xi32>
      %mul3A_1226 = arith.muli %get3A_1220, %mul3A_1225 : vector<16xi32>
      %add3A_1227 = arith.addi %mul3A_1226, %get3A_1223 : vector<16xi32>
      %add3A_1228 = vector.broadcast %mul3A_37 : i32 to vector<16xi32>
      %add3A_1229 = arith.addi %add3A_1227, %add3A_1228 : vector<16xi32>
      %swap3A_1230 = arith.constant 48 : index
      %swap3A_1231 = tpu.vector_load %arg21[%swap3A_1230] {strides = array<i32>} : memref<128xi32, #tpu.memory_space<vmem>>, vector<16xi32>,
      %swap3A_1232 = vector.shape_cast %swap3A_1231 : vector<16xi32> to vector<16xi32>
      %swap3A_1233 = vector.shape_cast %add3A_1229 : vector<16xi32> to vector<16xi32>
      tpu.vector_store %arg21[%swap3A_1230], %swap3A_1233 {strides = array<i32>} : memref<128xi32, #tpu.memory_space<vmem>>, vector<16xi32>,
      %get3A_1234 = arith.constant 64 : index
      %get3A_1235 = tpu.vector_load %arg13[%get3A_1234] {strides = array<i32>} : memref<128xi32, #tpu.memory_space<vmem>>, vector<16xi32>,
      %get3A_1236 = vector.shape_cast %get3A_1235 : vector<16xi32> to vector<16xi32>
      %get3A_1237 = arith.constant 64 : index
      %get3A_1238 = tpu.vector_load %arg17[%get3A_1237] {strides = array<i32>} : memref<128xi32, #tpu.memory_space<vmem>>, vector<16xi32>,
      %get3A_1239 = vector.shape_cast %get3A_1238 : vector<16xi32> to vector<16xi32>
      %mul3A_1240 = arith.constant 16 : i32
      %mul3A_1241 = vector.broadcast %mul3A_1240 : i32 to vector<16xi32>
      %mul3A_1242 = arith.muli %get3A_1236, %mul3A_1241 : vector<16xi32>
      %add3A_1243 = arith.addi %mul3A_1242, %get3A_1239 : vector<16xi32>
      %add3A_1244 = vector.broadcast %mul3A_37 : i32 to vector<16xi32>
      %add3A_1245 = arith.addi %add3A_1243, %add3A_1244 : vector<16xi32>
      %swap3A_1246 = arith.constant 64 : index
      %swap3A_1247 = tpu.vector_load %arg21[%swap3A_1246] {strides = array<i32>} : memref<128xi32, #tpu.memory_space<vmem>>, vector<16xi32>,
      %swap3A_1248 = vector.shape_cast %swap3A_1247 : vector<16xi32> to vector<16xi32>
      %swap3A_1249 = vector.shape_cast %add3A_1245 : vector<16xi32> to vector<16xi32>
      tpu.vector_store %arg21[%swap3A_1246], %swap3A_1249 {strides = array<i32>} : memref<128xi32, #tpu.memory_space<vmem>>, vector<16xi32>,
      %get3A_1250 = arith.constant 80 : index
      %get3A_1251 = tpu.vector_load %arg13[%get3A_1250] {strides = array<i32>} : memref<128xi32, #tpu.memory_space<vmem>>, vector<16xi32>,
      %get3A_1252 = vector.shape_cast %get3A_1251 : vector<16xi32> to vector<16xi32>
      %get3A_1253 = arith.constant 80 : index
      %get3A_1254 = tpu.vector_load %arg17[%get3A_1253] {strides = array<i32>} : memref<128xi32, #tpu.memory_space<vmem>>, vector<16xi32>,
      %get3A_1255 = vector.shape_cast %get3A_1254 : vector<16xi32> to vector<16xi32>
      %mul3A_1256 = arith.constant 16 : i32
      %mul3A_1257 = vector.broadcast %mul3A_1256 : i32 to vector<16xi32>
      %mul3A_1258 = arith.muli %get3A_1252, %mul3A_1257 : vector<16xi32>
      %add3A_1259 = arith.addi %mul3A_1258, %get3A_1255 : vector<16xi32>
      %add3A_1260 = vector.broadcast %mul3A_37 : i32 to vector<16xi32>
      %add3A_1261 = arith.addi %add3A_1259, %add3A_1260 : vector<16xi32>
      %swap3A_1262 = arith.constant 80 : index
      %swap3A_1263 = tpu.vector_load %arg21[%swap3A_1262] {strides = array<i32>} : memref<128xi32, #tpu.memory_space<vmem>>, vector<16xi32>,
      %swap3A_1264 = vector.shape_cast %swap3A_1263 : vector<16xi32> to vector<16xi32>
      %swap3A_1265 = vector.shape_cast %add3A_1261 : vector<16xi32> to vector<16xi32>
      tpu.vector_store %arg21[%swap3A_1262], %swap3A_1265 {strides = array<i32>} : memref<128xi32, #tpu.memory_space<vmem>>, vector<16xi32>,
      %get3A_1266 = arith.constant 96 : index
      %get3A_1267 = tpu.vector_load %arg13[%get3A_1266] {strides = array<i32>} : memref<128xi32, #tpu.memory_space<vmem>>, vector<16xi32>,
      %get3A_1268 = vector.shape_cast %get3A_1267 : vector<16xi32> to vector<16xi32>
      %get3A_1269 = arith.constant 96 : index
      %get3A_1270 = tpu.vector_load %arg17[%get3A_1269] {strides = array<i32>} : memref<128xi32, #tpu.memory_space<vmem>>, vector<16xi32>,
      %get3A_1271 = vector.shape_cast %get3A_1270 : vector<16xi32> to vector<16xi32>
      %mul3A_1272 = arith.constant 16 : i32
      %mul3A_1273 = vector.broadcast %mul3A_1272 : i32 to vector<16xi32>
      %mul3A_1274 = arith.muli %get3A_1268, %mul3A_1273 : vector<16xi32>
      %add3A_1275 = arith.addi %mul3A_1274, %get3A_1271 : vector<16xi32>
      %add3A_1276 = vector.broadcast %mul3A_37 : i32 to vector<16xi32>
      %add3A_1277 = arith.addi %add3A_1275, %add3A_1276 : vector<16xi32>
      %swap3A_1278 = arith.constant 96 : index
      %swap3A_1279 = tpu.vector_load %arg21[%swap3A_1278] {strides = array<i32>} : memref<128xi32, #tpu.memory_space<vmem>>, vector<16xi32>,
      %swap3A_1280 = vector.shape_cast %swap3A_1279 : vector<16xi32> to vector<16xi32>
      %swap3A_1281 = vector.shape_cast %add3A_1277 : vector<16xi32> to vector<16xi32>
      tpu.vector_store %arg21[%swap3A_1278], %swap3A_1281 {strides = array<i32>} : memref<128xi32, #tpu.memory_space<vmem>>, vector<16xi32>,
      %get3A_1282 = arith.constant 112 : index
      %get3A_1283 = tpu.vector_load %arg13[%get3A_1282] {strides = array<i32>} : memref<128xi32, #tpu.memory_space<vmem>>, vector<16xi32>,
      %get3A_1284 = vector.shape_cast %get3A_1283 : vector<16xi32> to vector<16xi32>
      %get3A_1285 = arith.constant 112 : index
      %get3A_1286 = tpu.vector_load %arg17[%get3A_1285] {strides = array<i32>} : memref<128xi32, #tpu.memory_space<vmem>>, vector<16xi32>,
      %get3A_1287 = vector.shape_cast %get3A_1286 : vector<16xi32> to vector<16xi32>
      %mul3A_1288 = arith.constant 16 : i32
      %mul3A_1289 = vector.broadcast %mul3A_1288 : i32 to vector<16xi32>
      %mul3A_1290 = arith.muli %get3A_1284, %mul3A_1289 : vector<16xi32>
      %add3A_1291 = arith.addi %mul3A_1290, %get3A_1287 : vector<16xi32>
      %add3A_1292 = vector.broadcast %mul3A_37 : i32 to vector<16xi32>
      %add3A_1293 = arith.addi %add3A_1291, %add3A_1292 : vector<16xi32>
      %swap3A_1294 = arith.constant 112 : index
      %swap3A_1295 = tpu.vector_load %arg21[%swap3A_1294] {strides = array<i32>} : memref<128xi32, #tpu.memory_space<vmem>>, vector<16xi32>,
      %swap3A_1296 = vector.shape_cast %swap3A_1295 : vector<16xi32> to vector<16xi32>
      %swap3A_1297 = vector.shape_cast %add3A_1293 : vector<16xi32> to vector<16xi32>
      tpu.vector_store %arg21[%swap3A_1294], %swap3A_1297 {strides = array<i32>} : memref<128xi32, #tpu.memory_space<vmem>>, vector<16xi32>,
      %dma_start3A_1298 = arith.constant 0 : i32
      %dma_start3A_1299 = arith.constant 0 : i32
      %dma_start3A_1300 = tpu.memref_slice %arg24[%dma_start3A_1298, %dma_start3A_1299] : memref<2048x128xf32, #tpu.memory_space<vmem_shared>> -> memref<2048x128xf32, #tpu.memory_space<vmem_shared>>
      tpu.enqueue_indirect_dma source(%arg9 : memref<128x128xf32, #tpu.memory_space<vmem>>) target(%dma_start3A_1300 : memref<2048x128xf32, #tpu.memory_space<vmem_shared>>) offsets(%arg21 : memref<128xi32, #tpu.memory_space<vmem>>) semaphore(%arg33 : memref<!tpu.dma_semaphore, #tpu.memory_space<semaphore_mem>>) {add = true}
      %dma_wait3A_1301 = arith.constant 0 : i32
      %dma_wait3A_1302 = arith.constant 0 : i32
      %dma_wait3A_1303 = tpu.memref_slice %arg24[%dma_wait3A_1301, %dma_wait3A_1302] : memref<2048x128xf32, #tpu.memory_space<vmem_shared>> -> memref<2048x128xf32, #tpu.memory_space<vmem_shared>>
      tpu.wait_indirect_dma semaphore(%arg31 : memref<!tpu.dma_semaphore, #tpu.memory_space<semaphore_mem>>) src(%arg7 : memref<128x128xf32, #tpu.memory_space<vmem>>) dst(%dma_wait3A_1303 : memref<2048x128xf32, #tpu.memory_space<vmem_shared>>)
      %add3A_1304 = arith.constant 2 : i32
      %add3A_1305 = arith.addi %add3A_1155, %add3A_1304 : i32
      %mul3A_1306 = arith.constant 128 : i32
      %mul3A_1307 = arith.muli %add3A_1305, %mul3A_1306 : i32
      %add3A_1308 = arith.addi %mul3A_35, %mul3A_1307 : i32
      %dma_start3A_1309 = arith.constant 0 : i32
      %dma_start3A_1310 = tpu.memref_slice %arg2[%add3A, %add3A_1308, %dma_start3A_1309] : memref<16x16384x128xf32, #tpu.memory_space<hbm>> -> memref<1x128x128xf32, #tpu.memory_space<hbm>>
      %dma_start3A_1311 = tpu.memref_squeeze %dma_start3A_1310 : memref<1x128x128xf32, #tpu.memory_space<hbm>> -> memref<128x128xf32, #tpu.memory_space<hbm>>
      %dma_start3A_1312 = arith.constant 0 : i32
      %dma_start3A_1313 = tpu.memref_slice %arg2[%add3A, %add3A_1308, %dma_start3A_1312] : memref<16x16384x128xf32, #tpu.memory_space<hbm>> -> memref<1x128x128xf32, #tpu.memory_space<hbm>>
      %dma_start3A_1314 = tpu.memref_squeeze %dma_start3A_1313 : memref<1x128x128xf32, #tpu.memory_space<hbm>> -> memref<128x128xf32, #tpu.memory_space<hbm>>
      tpu.enqueue_dma source(%dma_start3A_1314 : memref<128x128xf32, #tpu.memory_space<hbm>>) target(%arg7 : memref<128x128xf32, #tpu.memory_space<vmem>>) target_semaphore(%arg27 : memref<!tpu.dma_semaphore, #tpu.memory_space<semaphore_mem>>)
      %mul3A_1315 = arith.constant 128 : i32
      %mul3A_1316 = arith.muli %add3A_1305, %mul3A_1315 : i32
      %add3A_1317 = arith.addi %mul3A_35, %mul3A_1316 : i32
      %dma_start3A_1318 = tpu.memref_slice %arg3[%add3A, %add3A_1317] : memref<16x16384xi32, #tpu.memory_space<hbm>> -> memref<1x128xi32, #tpu.memory_space<hbm>>
      %dma_start3A_1319 = tpu.memref_squeeze %dma_start3A_1318 : memref<1x128xi32, #tpu.memory_space<hbm>> -> memref<128xi32, #tpu.memory_space<hbm>>
      %dma_start3A_1320 = tpu.memref_slice %arg3[%add3A, %add3A_1317] : memref<16x16384xi32, #tpu.memory_space<hbm>> -> memref<1x128xi32, #tpu.memory_space<hbm>>
      %dma_start3A_1321 = tpu.memref_squeeze %dma_start3A_1320 : memref<1x128xi32, #tpu.memory_space<hbm>> -> memref<128xi32, #tpu.memory_space<hbm>>
      tpu.enqueue_dma source(%dma_start3A_1321 : memref<128xi32, #tpu.memory_space<hbm>>) target(%arg11 : memref<128xi32, #tpu.memory_space<vmem>>) target_semaphore(%arg27 : memref<!tpu.dma_semaphore, #tpu.memory_space<semaphore_mem>>)
      %mul3A_1322 = arith.constant 128 : i32
      %mul3A_1323 = arith.muli %add3A_1305, %mul3A_1322 : i32
      %add3A_1324 = arith.addi %mul3A_35, %mul3A_1323 : i32
      %dma_start3A_1325 = tpu.memref_slice %arg4[%add3A, %add3A_1324] : memref<16x16384xi32, #tpu.memory_space<hbm>> -> memref<1x128xi32, #tpu.memory_space<hbm>>
      %dma_start3A_1326 = tpu.memref_squeeze %dma_start3A_1325 : memref<1x128xi32, #tpu.memory_space<hbm>> -> memref<128xi32, #tpu.memory_space<hbm>>
      %dma_start3A_1327 = tpu.memref_slice %arg4[%add3A, %add3A_1324] : memref<16x16384xi32, #tpu.memory_space<hbm>> -> memref<1x128xi32, #tpu.memory_space<hbm>>
      %dma_start3A_1328 = tpu.memref_squeeze %dma_start3A_1327 : memref<1x128xi32, #tpu.memory_space<hbm>> -> memref<128xi32, #tpu.memory_space<hbm>>
      tpu.enqueue_dma source(%dma_start3A_1328 : memref<128xi32, #tpu.memory_space<hbm>>) target(%arg15 : memref<128xi32, #tpu.memory_space<vmem>>) target_semaphore(%arg27 : memref<!tpu.dma_semaphore, #tpu.memory_space<semaphore_mem>>)
      %scan3A_1329 = arith.constant 0 : i32
      %scan3A_1330 = arith.constant 0 : i32
      %scan3A_1331 = arith.constant 8 : i32
      %scan3A_1332 = arith.addi %scan3A_1330, %scan3A_1331 : i32
      %scan3A_1333 = arith.constant 1 : i32
      %scan3A_1334 = scf.for %scan3A_1701 = %scan3A_1330 to %scan3A_1332 step %scan3A_1333 iter_args(%scan3A_1702 = %scan3A_1329) -> (i32)  : i32 {
        %mul3A_1703 = arith.constant 16 : i32
        %mul3A_1704 = arith.muli %scan3A_1701, %mul3A_1703 : i32
        %get3A_1705 = arith.index_cast %mul3A_1704 : i32 to index
        %get3A_1706 = tpu.vector_load %arg21[%get3A_1705] {strides = array<i32>} : memref<128xi32, #tpu.memory_space<vmem>>, vector<16xi32>,
        %get3A_1707 = vector.shape_cast %get3A_1706 : vector<16xi32> to vector<16xi32>
        %sub3A_1708 = vector.broadcast %mul3A_37 : i32 to vector<16xi32>
        %sub3A_1709 = arith.subi %get3A_1707, %sub3A_1708 : vector<16xi32>
        %mul3A_1710 = arith.constant 16 : i32
        %mul3A_1711 = vector.broadcast %mul3A_1710 : i32 to vector<16xi32>
        %mul3A_1712 = arith.muli %sub3A_1709, %mul3A_1711 : vector<16xi32>
        %slice3A = vector.extract_strided_slice %mul3A_1712 {offsets = [0], sizes = [1], strides = [1]} : vector<16xi32> to vector<1xi32>
        %squeeze3A = vector.extract %slice3A[0] : i32 from vector<1xi32>
        %slice3A_1713 = vector.extract_strided_slice %mul3A_1712 {offsets = [1], sizes = [1], strides = [1]} : vector<16xi32> to vector<1xi32>
        %squeeze3A_1714 = vector.extract %slice3A_1713[0] : i32 from vector<1xi32>
        %get3A_1715 = arith.index_cast %squeeze3A : i32 to index
        %get3A_1716 = tpu.vector_load %arg22[%get3A_1715] {strides = array<i32>} : memref<4096xf32, #tpu.memory_space<vmem>>, vector<16xf32>,
        %get3A_1717 = vector.shape_cast %get3A_1716 : vector<16xf32> to vector<16xf32>
        %add3A_1718 = arith.addf %get3A_1717, %broadcast_in_dim3A_2 : vector<16xf32>
        %swap3A_1719 = arith.index_cast %squeeze3A : i32 to index
        %swap3A_1720 = tpu.vector_load %arg22[%swap3A_1719] {strides = array<i32>} : memref<4096xf32, #tpu.memory_space<vmem>>, vector<16xf32>,
        %swap3A_1721 = vector.shape_cast %swap3A_1720 : vector<16xf32> to vector<16xf32>
        %swap3A_1722 = vector.shape_cast %add3A_1718 : vector<16xf32> to vector<16xf32>
        tpu.vector_store %arg22[%swap3A_1719], %swap3A_1722 {strides = array<i32>} : memref<4096xf32, #tpu.memory_space<vmem>>, vector<16xf32>,
        %get3A_1723 = arith.index_cast %squeeze3A_1714 : i32 to index
        %get3A_1724 = tpu.vector_load %arg23[%get3A_1723] {strides = array<i32>} : memref<4096xf32, #tpu.memory_space<vmem>>, vector<16xf32>,
        %get3A_1725 = vector.shape_cast %get3A_1724 : vector<16xf32> to vector<16xf32>
        %add3A_1726 = arith.addf %get3A_1725, %broadcast_in_dim3A_2 : vector<16xf32>
        %swap3A_1727 = arith.index_cast %squeeze3A_1714 : i32 to index
        %swap3A_1728 = tpu.vector_load %arg23[%swap3A_1727] {strides = array<i32>} : memref<4096xf32, #tpu.memory_space<vmem>>, vector<16xf32>,
        %swap3A_1729 = vector.shape_cast %swap3A_1728 : vector<16xf32> to vector<16xf32>
        %swap3A_1730 = vector.shape_cast %add3A_1726 : vector<16xf32> to vector<16xf32>
        tpu.vector_store %arg23[%swap3A_1727], %swap3A_1730 {strides = array<i32>} : memref<4096xf32, #tpu.memory_space<vmem>>, vector<16xf32>,
        %slice3A_1731 = vector.extract_strided_slice %mul3A_1712 {offsets = [2], sizes = [1], strides = [1]} : vector<16xi32> to vector<1xi32>
        %squeeze3A_1732 = vector.extract %slice3A_1731[0] : i32 from vector<1xi32>
        %slice3A_1733 = vector.extract_strided_slice %mul3A_1712 {offsets = [3], sizes = [1], strides = [1]} : vector<16xi32> to vector<1xi32>
        %squeeze3A_1734 = vector.extract %slice3A_1733[0] : i32 from vector<1xi32>
        %get3A_1735 = arith.index_cast %squeeze3A_1732 : i32 to index
        %get3A_1736 = tpu.vector_load %arg22[%get3A_1735] {strides = array<i32>} : memref<4096xf32, #tpu.memory_space<vmem>>, vector<16xf32>,
        %get3A_1737 = vector.shape_cast %get3A_1736 : vector<16xf32> to vector<16xf32>
        %add3A_1738 = arith.addf %get3A_1737, %broadcast_in_dim3A_2 : vector<16xf32>
        %swap3A_1739 = arith.index_cast %squeeze3A_1732 : i32 to index
        %swap3A_1740 = tpu.vector_load %arg22[%swap3A_1739] {strides = array<i32>} : memref<4096xf32, #tpu.memory_space<vmem>>, vector<16xf32>,
        %swap3A_1741 = vector.shape_cast %swap3A_1740 : vector<16xf32> to vector<16xf32>
        %swap3A_1742 = vector.shape_cast %add3A_1738 : vector<16xf32> to vector<16xf32>
        tpu.vector_store %arg22[%swap3A_1739], %swap3A_1742 {strides = array<i32>} : memref<4096xf32, #tpu.memory_space<vmem>>, vector<16xf32>,
        %get3A_1743 = arith.index_cast %squeeze3A_1734 : i32 to index
        %get3A_1744 = tpu.vector_load %arg23[%get3A_1743] {strides = array<i32>} : memref<4096xf32, #tpu.memory_space<vmem>>, vector<16xf32>,
        %get3A_1745 = vector.shape_cast %get3A_1744 : vector<16xf32> to vector<16xf32>
        %add3A_1746 = arith.addf %get3A_1745, %broadcast_in_dim3A_2 : vector<16xf32>
        %swap3A_1747 = arith.index_cast %squeeze3A_1734 : i32 to index
        %swap3A_1748 = tpu.vector_load %arg23[%swap3A_1747] {strides = array<i32>} : memref<4096xf32, #tpu.memory_space<vmem>>, vector<16xf32>,
        %swap3A_1749 = vector.shape_cast %swap3A_1748 : vector<16xf32> to vector<16xf32>
        %swap3A_1750 = vector.shape_cast %add3A_1746 : vector<16xf32> to vector<16xf32>
        tpu.vector_store %arg23[%swap3A_1747], %swap3A_1750 {strides = array<i32>} : memref<4096xf32, #tpu.memory_space<vmem>>, vector<16xf32>,
        %slice3A_1751 = vector.extract_strided_slice %mul3A_1712 {offsets = [4], sizes = [1], strides = [1]} : vector<16xi32> to vector<1xi32>
        %squeeze3A_1752 = vector.extract %slice3A_1751[0] : i32 from vector<1xi32>
        %slice3A_1753 = vector.extract_strided_slice %mul3A_1712 {offsets = [5], sizes = [1], strides = [1]} : vector<16xi32> to vector<1xi32>
        %squeeze3A_1754 = vector.extract %slice3A_1753[0] : i32 from vector<1xi32>
        %get3A_1755 = arith.index_cast %squeeze3A_1752 : i32 to index
        %get3A_1756 = tpu.vector_load %arg22[%get3A_1755] {strides = array<i32>} : memref<4096xf32, #tpu.memory_space<vmem>>, vector<16xf32>,
        %get3A_1757 = vector.shape_cast %get3A_1756 : vector<16xf32> to vector<16xf32>
        %add3A_1758 = arith.addf %get3A_1757, %broadcast_in_dim3A_2 : vector<16xf32>
        %swap3A_1759 = arith.index_cast %squeeze3A_1752 : i32 to index
        %swap3A_1760 = tpu.vector_load %arg22[%swap3A_1759] {strides = array<i32>} : memref<4096xf32, #tpu.memory_space<vmem>>, vector<16xf32>,
        %swap3A_1761 = vector.shape_cast %swap3A_1760 : vector<16xf32> to vector<16xf32>
        %swap3A_1762 = vector.shape_cast %add3A_1758 : vector<16xf32> to vector<16xf32>
        tpu.vector_store %arg22[%swap3A_1759], %swap3A_1762 {strides = array<i32>} : memref<4096xf32, #tpu.memory_space<vmem>>, vector<16xf32>,
        %get3A_1763 = arith.index_cast %squeeze3A_1754 : i32 to index
        %get3A_1764 = tpu.vector_load %arg23[%get3A_1763] {strides = array<i32>} : memref<4096xf32, #tpu.memory_space<vmem>>, vector<16xf32>,
        %get3A_1765 = vector.shape_cast %get3A_1764 : vector<16xf32> to vector<16xf32>
        %add3A_1766 = arith.addf %get3A_1765, %broadcast_in_dim3A_2 : vector<16xf32>
        %swap3A_1767 = arith.index_cast %squeeze3A_1754 : i32 to index
        %swap3A_1768 = tpu.vector_load %arg23[%swap3A_1767] {strides = array<i32>} : memref<4096xf32, #tpu.memory_space<vmem>>, vector<16xf32>,
        %swap3A_1769 = vector.shape_cast %swap3A_1768 : vector<16xf32> to vector<16xf32>
        %swap3A_1770 = vector.shape_cast %add3A_1766 : vector<16xf32> to vector<16xf32>
        tpu.vector_store %arg23[%swap3A_1767], %swap3A_1770 {strides = array<i32>} : memref<4096xf32, #tpu.memory_space<vmem>>, vector<16xf32>,
        %slice3A_1771 = vector.extract_strided_slice %mul3A_1712 {offsets = [6], sizes = [1], strides = [1]} : vector<16xi32> to vector<1xi32>
        %squeeze3A_1772 = vector.extract %slice3A_1771[0] : i32 from vector<1xi32>
        %slice3A_1773 = vector.extract_strided_slice %mul3A_1712 {offsets = [7], sizes = [1], strides = [1]} : vector<16xi32> to vector<1xi32>
        %squeeze3A_1774 = vector.extract %slice3A_1773[0] : i32 from vector<1xi32>
        %get3A_1775 = arith.index_cast %squeeze3A_1772 : i32 to index
        %get3A_1776 = tpu.vector_load %arg22[%get3A_1775] {strides = array<i32>} : memref<4096xf32, #tpu.memory_space<vmem>>, vector<16xf32>,
        %get3A_1777 = vector.shape_cast %get3A_1776 : vector<16xf32> to vector<16xf32>
        %add3A_1778 = arith.addf %get3A_1777, %broadcast_in_dim3A_2 : vector<16xf32>
        %swap3A_1779 = arith.index_cast %squeeze3A_1772 : i32 to index
        %swap3A_1780 = tpu.vector_load %arg22[%swap3A_1779] {strides = array<i32>} : memref<4096xf32, #tpu.memory_space<vmem>>, vector<16xf32>,
        %swap3A_1781 = vector.shape_cast %swap3A_1780 : vector<16xf32> to vector<16xf32>
        %swap3A_1782 = vector.shape_cast %add3A_1778 : vector<16xf32> to vector<16xf32>
        tpu.vector_store %arg22[%swap3A_1779], %swap3A_1782 {strides = array<i32>} : memref<4096xf32, #tpu.memory_space<vmem>>, vector<16xf32>,
        %get3A_1783 = arith.index_cast %squeeze3A_1774 : i32 to index
        %get3A_1784 = tpu.vector_load %arg23[%get3A_1783] {strides = array<i32>} : memref<4096xf32, #tpu.memory_space<vmem>>, vector<16xf32>,
        %get3A_1785 = vector.shape_cast %get3A_1784 : vector<16xf32> to vector<16xf32>
        %add3A_1786 = arith.addf %get3A_1785, %broadcast_in_dim3A_2 : vector<16xf32>
        %swap3A_1787 = arith.index_cast %squeeze3A_1774 : i32 to index
        %swap3A_1788 = tpu.vector_load %arg23[%swap3A_1787] {strides = array<i32>} : memref<4096xf32, #tpu.memory_space<vmem>>, vector<16xf32>,
        %swap3A_1789 = vector.shape_cast %swap3A_1788 : vector<16xf32> to vector<16xf32>
        %swap3A_1790 = vector.shape_cast %add3A_1786 : vector<16xf32> to vector<16xf32>
        tpu.vector_store %arg23[%swap3A_1787], %swap3A_1790 {strides = array<i32>} : memref<4096xf32, #tpu.memory_space<vmem>>, vector<16xf32>,
        %slice3A_1791 = vector.extract_strided_slice %mul3A_1712 {offsets = [8], sizes = [1], strides = [1]} : vector<16xi32> to vector<1xi32>
        %squeeze3A_1792 = vector.extract %slice3A_1791[0] : i32 from vector<1xi32>
        %slice3A_1793 = vector.extract_strided_slice %mul3A_1712 {offsets = [9], sizes = [1], strides = [1]} : vector<16xi32> to vector<1xi32>
        %squeeze3A_1794 = vector.extract %slice3A_1793[0] : i32 from vector<1xi32>
        %get3A_1795 = arith.index_cast %squeeze3A_1792 : i32 to index
        %get3A_1796 = tpu.vector_load %arg22[%get3A_1795] {strides = array<i32>} : memref<4096xf32, #tpu.memory_space<vmem>>, vector<16xf32>,
        %get3A_1797 = vector.shape_cast %get3A_1796 : vector<16xf32> to vector<16xf32>
        %add3A_1798 = arith.addf %get3A_1797, %broadcast_in_dim3A_2 : vector<16xf32>
        %swap3A_1799 = arith.index_cast %squeeze3A_1792 : i32 to index
        %swap3A_1800 = tpu.vector_load %arg22[%swap3A_1799] {strides = array<i32>} : memref<4096xf32, #tpu.memory_space<vmem>>, vector<16xf32>,
        %swap3A_1801 = vector.shape_cast %swap3A_1800 : vector<16xf32> to vector<16xf32>
        %swap3A_1802 = vector.shape_cast %add3A_1798 : vector<16xf32> to vector<16xf32>
        tpu.vector_store %arg22[%swap3A_1799], %swap3A_1802 {strides = array<i32>} : memref<4096xf32, #tpu.memory_space<vmem>>, vector<16xf32>,
        %get3A_1803 = arith.index_cast %squeeze3A_1794 : i32 to index
        %get3A_1804 = tpu.vector_load %arg23[%get3A_1803] {strides = array<i32>} : memref<4096xf32, #tpu.memory_space<vmem>>, vector<16xf32>,
        %get3A_1805 = vector.shape_cast %get3A_1804 : vector<16xf32> to vector<16xf32>
        %add3A_1806 = arith.addf %get3A_1805, %broadcast_in_dim3A_2 : vector<16xf32>
        %swap3A_1807 = arith.index_cast %squeeze3A_1794 : i32 to index
        %swap3A_1808 = tpu.vector_load %arg23[%swap3A_1807] {strides = array<i32>} : memref<4096xf32, #tpu.memory_space<vmem>>, vector<16xf32>,
        %swap3A_1809 = vector.shape_cast %swap3A_1808 : vector<16xf32> to vector<16xf32>
        %swap3A_1810 = vector.shape_cast %add3A_1806 : vector<16xf32> to vector<16xf32>
        tpu.vector_store %arg23[%swap3A_1807], %swap3A_1810 {strides = array<i32>} : memref<4096xf32, #tpu.memory_space<vmem>>, vector<16xf32>,
        %slice3A_1811 = vector.extract_strided_slice %mul3A_1712 {offsets = [10], sizes = [1], strides = [1]} : vector<16xi32> to vector<1xi32>
        %squeeze3A_1812 = vector.extract %slice3A_1811[0] : i32 from vector<1xi32>
        %slice3A_1813 = vector.extract_strided_slice %mul3A_1712 {offsets = [11], sizes = [1], strides = [1]} : vector<16xi32> to vector<1xi32>
        %squeeze3A_1814 = vector.extract %slice3A_1813[0] : i32 from vector<1xi32>
        %get3A_1815 = arith.index_cast %squeeze3A_1812 : i32 to index
        %get3A_1816 = tpu.vector_load %arg22[%get3A_1815] {strides = array<i32>} : memref<4096xf32, #tpu.memory_space<vmem>>, vector<16xf32>,
        %get3A_1817 = vector.shape_cast %get3A_1816 : vector<16xf32> to vector<16xf32>
        %add3A_1818 = arith.addf %get3A_1817, %broadcast_in_dim3A_2 : vector<16xf32>
        %swap3A_1819 = arith.index_cast %squeeze3A_1812 : i32 to index
        %swap3A_1820 = tpu.vector_load %arg22[%swap3A_1819] {strides = array<i32>} : memref<4096xf32, #tpu.memory_space<vmem>>, vector<16xf32>,
        %swap3A_1821 = vector.shape_cast %swap3A_1820 : vector<16xf32> to vector<16xf32>
        %swap3A_1822 = vector.shape_cast %add3A_1818 : vector<16xf32> to vector<16xf32>
        tpu.vector_store %arg22[%swap3A_1819], %swap3A_1822 {strides = array<i32>} : memref<4096xf32, #tpu.memory_space<vmem>>, vector<16xf32>,
        %get3A_1823 = arith.index_cast %squeeze3A_1814 : i32 to index
        %get3A_1824 = tpu.vector_load %arg23[%get3A_1823] {strides = array<i32>} : memref<4096xf32, #tpu.memory_space<vmem>>, vector<16xf32>,
        %get3A_1825 = vector.shape_cast %get3A_1824 : vector<16xf32> to vector<16xf32>
        %add3A_1826 = arith.addf %get3A_1825, %broadcast_in_dim3A_2 : vector<16xf32>
        %swap3A_1827 = arith.index_cast %squeeze3A_1814 : i32 to index
        %swap3A_1828 = tpu.vector_load %arg23[%swap3A_1827] {strides = array<i32>} : memref<4096xf32, #tpu.memory_space<vmem>>, vector<16xf32>,
        %swap3A_1829 = vector.shape_cast %swap3A_1828 : vector<16xf32> to vector<16xf32>
        %swap3A_1830 = vector.shape_cast %add3A_1826 : vector<16xf32> to vector<16xf32>
        tpu.vector_store %arg23[%swap3A_1827], %swap3A_1830 {strides = array<i32>} : memref<4096xf32, #tpu.memory_space<vmem>>, vector<16xf32>,
        %slice3A_1831 = vector.extract_strided_slice %mul3A_1712 {offsets = [12], sizes = [1], strides = [1]} : vector<16xi32> to vector<1xi32>
        %squeeze3A_1832 = vector.extract %slice3A_1831[0] : i32 from vector<1xi32>
        %slice3A_1833 = vector.extract_strided_slice %mul3A_1712 {offsets = [13], sizes = [1], strides = [1]} : vector<16xi32> to vector<1xi32>
        %squeeze3A_1834 = vector.extract %slice3A_1833[0] : i32 from vector<1xi32>
        %get3A_1835 = arith.index_cast %squeeze3A_1832 : i32 to index
        %get3A_1836 = tpu.vector_load %arg22[%get3A_1835] {strides = array<i32>} : memref<4096xf32, #tpu.memory_space<vmem>>, vector<16xf32>,
        %get3A_1837 = vector.shape_cast %get3A_1836 : vector<16xf32> to vector<16xf32>
        %add3A_1838 = arith.addf %get3A_1837, %broadcast_in_dim3A_2 : vector<16xf32>
        %swap3A_1839 = arith.index_cast %squeeze3A_1832 : i32 to index
        %swap3A_1840 = tpu.vector_load %arg22[%swap3A_1839] {strides = array<i32>} : memref<4096xf32, #tpu.memory_space<vmem>>, vector<16xf32>,
        %swap3A_1841 = vector.shape_cast %swap3A_1840 : vector<16xf32> to vector<16xf32>
        %swap3A_1842 = vector.shape_cast %add3A_1838 : vector<16xf32> to vector<16xf32>
        tpu.vector_store %arg22[%swap3A_1839], %swap3A_1842 {strides = array<i32>} : memref<4096xf32, #tpu.memory_space<vmem>>, vector<16xf32>,
        %get3A_1843 = arith.index_cast %squeeze3A_1834 : i32 to index
        %get3A_1844 = tpu.vector_load %arg23[%get3A_1843] {strides = array<i32>} : memref<4096xf32, #tpu.memory_space<vmem>>, vector<16xf32>,
        %get3A_1845 = vector.shape_cast %get3A_1844 : vector<16xf32> to vector<16xf32>
        %add3A_1846 = arith.addf %get3A_1845, %broadcast_in_dim3A_2 : vector<16xf32>
        %swap3A_1847 = arith.index_cast %squeeze3A_1834 : i32 to index
        %swap3A_1848 = tpu.vector_load %arg23[%swap3A_1847] {strides = array<i32>} : memref<4096xf32, #tpu.memory_space<vmem>>, vector<16xf32>,
        %swap3A_1849 = vector.shape_cast %swap3A_1848 : vector<16xf32> to vector<16xf32>
        %swap3A_1850 = vector.shape_cast %add3A_1846 : vector<16xf32> to vector<16xf32>
        tpu.vector_store %arg23[%swap3A_1847], %swap3A_1850 {strides = array<i32>} : memref<4096xf32, #tpu.memory_space<vmem>>, vector<16xf32>,
        %slice3A_1851 = vector.extract_strided_slice %mul3A_1712 {offsets = [14], sizes = [1], strides = [1]} : vector<16xi32> to vector<1xi32>
        %squeeze3A_1852 = vector.extract %slice3A_1851[0] : i32 from vector<1xi32>
        %slice3A_1853 = vector.extract_strided_slice %mul3A_1712 {offsets = [15], sizes = [1], strides = [1]} : vector<16xi32> to vector<1xi32>
        %squeeze3A_1854 = vector.extract %slice3A_1853[0] : i32 from vector<1xi32>
        %get3A_1855 = arith.index_cast %squeeze3A_1852 : i32 to index
        %get3A_1856 = tpu.vector_load %arg22[%get3A_1855] {strides = array<i32>} : memref<4096xf32, #tpu.memory_space<vmem>>, vector<16xf32>,
        %get3A_1857 = vector.shape_cast %get3A_1856 : vector<16xf32> to vector<16xf32>
        %add3A_1858 = arith.addf %get3A_1857, %broadcast_in_dim3A_2 : vector<16xf32>
        %swap3A_1859 = arith.index_cast %squeeze3A_1852 : i32 to index
        %swap3A_1860 = tpu.vector_load %arg22[%swap3A_1859] {strides = array<i32>} : memref<4096xf32, #tpu.memory_space<vmem>>, vector<16xf32>,
        %swap3A_1861 = vector.shape_cast %swap3A_1860 : vector<16xf32> to vector<16xf32>
        %swap3A_1862 = vector.shape_cast %add3A_1858 : vector<16xf32> to vector<16xf32>
        tpu.vector_store %arg22[%swap3A_1859], %swap3A_1862 {strides = array<i32>} : memref<4096xf32, #tpu.memory_space<vmem>>, vector<16xf32>,
        %get3A_1863 = arith.index_cast %squeeze3A_1854 : i32 to index
        %get3A_1864 = tpu.vector_load %arg23[%get3A_1863] {strides = array<i32>} : memref<4096xf32, #tpu.memory_space<vmem>>, vector<16xf32>,
        %get3A_1865 = vector.shape_cast %get3A_1864 : vector<16xf32> to vector<16xf32>
        %add3A_1866 = arith.addf %get3A_1865, %broadcast_in_dim3A_2 : vector<16xf32>
        %swap3A_1867 = arith.index_cast %squeeze3A_1854 : i32 to index
        %swap3A_1868 = tpu.vector_load %arg23[%swap3A_1867] {strides = array<i32>} : memref<4096xf32, #tpu.memory_space<vmem>>, vector<16xf32>,
        %swap3A_1869 = vector.shape_cast %swap3A_1868 : vector<16xf32> to vector<16xf32>
        %swap3A_1870 = vector.shape_cast %add3A_1866 : vector<16xf32> to vector<16xf32>
        tpu.vector_store %arg23[%swap3A_1867], %swap3A_1870 {strides = array<i32>} : memref<4096xf32, #tpu.memory_space<vmem>>, vector<16xf32>,
        %scan3A_1871 = arith.constant 0 : i32
        scf.yield %scan3A_1871 : i32
      }
      %scan3A_1335 = arith.constant 8 : i32
      %add3A_1336 = arith.constant 2 : i32
      %add3A_1337 = arith.addi %add3A_971, %add3A_1336 : i32
      %dma_wait3A_1338 = arith.constant 0 : i32
      %dma_wait3A_1339 = tpu.memref_slice %arg2[%add3A, %mul3A_35, %dma_wait3A_1338] : memref<16x16384x128xf32, #tpu.memory_space<hbm>> -> memref<1x128x128xf32, #tpu.memory_space<hbm>>
      %dma_wait3A_1340 = tpu.memref_squeeze %dma_wait3A_1339 : memref<1x128x128xf32, #tpu.memory_space<hbm>> -> memref<128x128xf32, #tpu.memory_space<hbm>>
      %dma_wait3A_1341 = arith.constant 0 : i32
      %dma_wait3A_1342 = tpu.memref_slice %arg2[%add3A, %mul3A_35, %dma_wait3A_1341] : memref<16x16384x128xf32, #tpu.memory_space<hbm>> -> memref<1x128x128xf32, #tpu.memory_space<hbm>>
      %dma_wait3A_1343 = tpu.memref_squeeze %dma_wait3A_1342 : memref<1x128x128xf32, #tpu.memory_space<hbm>> -> memref<128x128xf32, #tpu.memory_space<hbm>>
      tpu.wait_dma2 semaphore(%arg26 : memref<!tpu.dma_semaphore, #tpu.memory_space<semaphore_mem>>) src(%dma_wait3A_1343 : memref<128x128xf32, #tpu.memory_space<hbm>>) dst(%arg6 : memref<128x128xf32, #tpu.memory_space<vmem>>)
      %dma_wait3A_1344 = tpu.memref_slice %arg3[%add3A, %mul3A_35] : memref<16x16384xi32, #tpu.memory_space<hbm>> -> memref<1x128xi32, #tpu.memory_space<hbm>>
      %dma_wait3A_1345 = tpu.memref_squeeze %dma_wait3A_1344 : memref<1x128xi32, #tpu.memory_space<hbm>> -> memref<128xi32, #tpu.memory_space<hbm>>
      %dma_wait3A_1346 = tpu.memref_slice %arg3[%add3A, %mul3A_35] : memref<16x16384xi32, #tpu.memory_space<hbm>> -> memref<1x128xi32, #tpu.memory_space<hbm>>
      %dma_wait3A_1347 = tpu.memref_squeeze %dma_wait3A_1346 : memref<1x128xi32, #tpu.memory_space<hbm>> -> memref<128xi32, #tpu.memory_space<hbm>>
      tpu.wait_dma2 semaphore(%arg26 : memref<!tpu.dma_semaphore, #tpu.memory_space<semaphore_mem>>) src(%dma_wait3A_1347 : memref<128xi32, #tpu.memory_space<hbm>>) dst(%arg10 : memref<128xi32, #tpu.memory_space<vmem>>)
      %dma_wait3A_1348 = tpu.memref_slice %arg4[%add3A, %mul3A_35] : memref<16x16384xi32, #tpu.memory_space<hbm>> -> memref<1x128xi32, #tpu.memory_space<hbm>>
      %dma_wait3A_1349 = tpu.memref_squeeze %dma_wait3A_1348 : memref<1x128xi32, #tpu.memory_space<hbm>> -> memref<128xi32, #tpu.memory_space<hbm>>
      %dma_wait3A_1350 = tpu.memref_slice %arg4[%add3A, %mul3A_35] : memref<16x16384xi32, #tpu.memory_space<hbm>> -> memref<1x128xi32, #tpu.memory_space<hbm>>
      %dma_wait3A_1351 = tpu.memref_squeeze %dma_wait3A_1350 : memref<1x128xi32, #tpu.memory_space<hbm>> -> memref<128xi32, #tpu.memory_space<hbm>>
      tpu.wait_dma2 semaphore(%arg26 : memref<!tpu.dma_semaphore, #tpu.memory_space<semaphore_mem>>) src(%dma_wait3A_1351 : memref<128xi32, #tpu.memory_space<hbm>>) dst(%arg14 : memref<128xi32, #tpu.memory_space<vmem>>)
      %get3A_1352 = arith.constant 0 : index
      %get3A_1353 = tpu.vector_load %arg10[%get3A_1352] {strides = array<i32>} : memref<128xi32, #tpu.memory_space<vmem>>, vector<16xi32>,
      %get3A_1354 = vector.shape_cast %get3A_1353 : vector<16xi32> to vector<16xi32>
      %get3A_1355 = arith.constant 0 : index
      %get3A_1356 = tpu.vector_load %arg14[%get3A_1355] {strides = array<i32>} : memref<128xi32, #tpu.memory_space<vmem>>, vector<16xi32>,
      %get3A_1357 = vector.shape_cast %get3A_1356 : vector<16xi32> to vector<16xi32>
      %mul3A_1358 = arith.constant 16 : i32
      %mul3A_1359 = vector.broadcast %mul3A_1358 : i32 to vector<16xi32>
      %mul3A_1360 = arith.muli %get3A_1354, %mul3A_1359 : vector<16xi32>
      %add3A_1361 = arith.addi %mul3A_1360, %get3A_1357 : vector<16xi32>
      %add3A_1362 = vector.broadcast %mul3A_37 : i32 to vector<16xi32>
      %add3A_1363 = arith.addi %add3A_1361, %add3A_1362 : vector<16xi32>
      %swap3A_1364 = arith.constant 0 : index
      %swap3A_1365 = tpu.vector_load %arg18[%swap3A_1364] {strides = array<i32>} : memref<128xi32, #tpu.memory_space<vmem>>, vector<16xi32>,
      %swap3A_1366 = vector.shape_cast %swap3A_1365 : vector<16xi32> to vector<16xi32>
      %swap3A_1367 = vector.shape_cast %add3A_1363 : vector<16xi32> to vector<16xi32>
      tpu.vector_store %arg18[%swap3A_1364], %swap3A_1367 {strides = array<i32>} : memref<128xi32, #tpu.memory_space<vmem>>, vector<16xi32>,
      %get3A_1368 = arith.constant 16 : index
      %get3A_1369 = tpu.vector_load %arg10[%get3A_1368] {strides = array<i32>} : memref<128xi32, #tpu.memory_space<vmem>>, vector<16xi32>,
      %get3A_1370 = vector.shape_cast %get3A_1369 : vector<16xi32> to vector<16xi32>
      %get3A_1371 = arith.constant 16 : index
      %get3A_1372 = tpu.vector_load %arg14[%get3A_1371] {strides = array<i32>} : memref<128xi32, #tpu.memory_space<vmem>>, vector<16xi32>,
      %get3A_1373 = vector.shape_cast %get3A_1372 : vector<16xi32> to vector<16xi32>
      %mul3A_1374 = arith.constant 16 : i32
      %mul3A_1375 = vector.broadcast %mul3A_1374 : i32 to vector<16xi32>
      %mul3A_1376 = arith.muli %get3A_1370, %mul3A_1375 : vector<16xi32>
      %add3A_1377 = arith.addi %mul3A_1376, %get3A_1373 : vector<16xi32>
      %add3A_1378 = vector.broadcast %mul3A_37 : i32 to vector<16xi32>
      %add3A_1379 = arith.addi %add3A_1377, %add3A_1378 : vector<16xi32>
      %swap3A_1380 = arith.constant 16 : index
      %swap3A_1381 = tpu.vector_load %arg18[%swap3A_1380] {strides = array<i32>} : memref<128xi32, #tpu.memory_space<vmem>>, vector<16xi32>,
      %swap3A_1382 = vector.shape_cast %swap3A_1381 : vector<16xi32> to vector<16xi32>
      %swap3A_1383 = vector.shape_cast %add3A_1379 : vector<16xi32> to vector<16xi32>
      tpu.vector_store %arg18[%swap3A_1380], %swap3A_1383 {strides = array<i32>} : memref<128xi32, #tpu.memory_space<vmem>>, vector<16xi32>,
      %get3A_1384 = arith.constant 32 : index
      %get3A_1385 = tpu.vector_load %arg10[%get3A_1384] {strides = array<i32>} : memref<128xi32, #tpu.memory_space<vmem>>, vector<16xi32>,
      %get3A_1386 = vector.shape_cast %get3A_1385 : vector<16xi32> to vector<16xi32>
      %get3A_1387 = arith.constant 32 : index
      %get3A_1388 = tpu.vector_load %arg14[%get3A_1387] {strides = array<i32>} : memref<128xi32, #tpu.memory_space<vmem>>, vector<16xi32>,
      %get3A_1389 = vector.shape_cast %get3A_1388 : vector<16xi32> to vector<16xi32>
      %mul3A_1390 = arith.constant 16 : i32
      %mul3A_1391 = vector.broadcast %mul3A_1390 : i32 to vector<16xi32>
      %mul3A_1392 = arith.muli %get3A_1386, %mul3A_1391 : vector<16xi32>
      %add3A_1393 = arith.addi %mul3A_1392, %get3A_1389 : vector<16xi32>
      %add3A_1394 = vector.broadcast %mul3A_37 : i32 to vector<16xi32>
      %add3A_1395 = arith.addi %add3A_1393, %add3A_1394 : vector<16xi32>
      %swap3A_1396 = arith.constant 32 : index
      %swap3A_1397 = tpu.vector_load %arg18[%swap3A_1396] {strides = array<i32>} : memref<128xi32, #tpu.memory_space<vmem>>, vector<16xi32>,
      %swap3A_1398 = vector.shape_cast %swap3A_1397 : vector<16xi32> to vector<16xi32>
      %swap3A_1399 = vector.shape_cast %add3A_1395 : vector<16xi32> to vector<16xi32>
      tpu.vector_store %arg18[%swap3A_1396], %swap3A_1399 {strides = array<i32>} : memref<128xi32, #tpu.memory_space<vmem>>, vector<16xi32>,
      %get3A_1400 = arith.constant 48 : index
      %get3A_1401 = tpu.vector_load %arg10[%get3A_1400] {strides = array<i32>} : memref<128xi32, #tpu.memory_space<vmem>>, vector<16xi32>,
      %get3A_1402 = vector.shape_cast %get3A_1401 : vector<16xi32> to vector<16xi32>
      %get3A_1403 = arith.constant 48 : index
      %get3A_1404 = tpu.vector_load %arg14[%get3A_1403] {strides = array<i32>} : memref<128xi32, #tpu.memory_space<vmem>>, vector<16xi32>,
      %get3A_1405 = vector.shape_cast %get3A_1404 : vector<16xi32> to vector<16xi32>
      %mul3A_1406 = arith.constant 16 : i32
      %mul3A_1407 = vector.broadcast %mul3A_1406 : i32 to vector<16xi32>
      %mul3A_1408 = arith.muli %get3A_1402, %mul3A_1407 : vector<16xi32>
      %add3A_1409 = arith.addi %mul3A_1408, %get3A_1405 : vector<16xi32>
      %add3A_1410 = vector.broadcast %mul3A_37 : i32 to vector<16xi32>
      %add3A_1411 = arith.addi %add3A_1409, %add3A_1410 : vector<16xi32>
      %swap3A_1412 = arith.constant 48 : index
      %swap3A_1413 = tpu.vector_load %arg18[%swap3A_1412] {strides = array<i32>} : memref<128xi32, #tpu.memory_space<vmem>>, vector<16xi32>,
      %swap3A_1414 = vector.shape_cast %swap3A_1413 : vector<16xi32> to vector<16xi32>
      %swap3A_1415 = vector.shape_cast %add3A_1411 : vector<16xi32> to vector<16xi32>
      tpu.vector_store %arg18[%swap3A_1412], %swap3A_1415 {strides = array<i32>} : memref<128xi32, #tpu.memory_space<vmem>>, vector<16xi32>,
      %get3A_1416 = arith.constant 64 : index
      %get3A_1417 = tpu.vector_load %arg10[%get3A_1416] {strides = array<i32>} : memref<128xi32, #tpu.memory_space<vmem>>, vector<16xi32>,
      %get3A_1418 = vector.shape_cast %get3A_1417 : vector<16xi32> to vector<16xi32>
      %get3A_1419 = arith.constant 64 : index
      %get3A_1420 = tpu.vector_load %arg14[%get3A_1419] {strides = array<i32>} : memref<128xi32, #tpu.memory_space<vmem>>, vector<16xi32>,
      %get3A_1421 = vector.shape_cast %get3A_1420 : vector<16xi32> to vector<16xi32>
      %mul3A_1422 = arith.constant 16 : i32
      %mul3A_1423 = vector.broadcast %mul3A_1422 : i32 to vector<16xi32>
      %mul3A_1424 = arith.muli %get3A_1418, %mul3A_1423 : vector<16xi32>
      %add3A_1425 = arith.addi %mul3A_1424, %get3A_1421 : vector<16xi32>
      %add3A_1426 = vector.broadcast %mul3A_37 : i32 to vector<16xi32>
      %add3A_1427 = arith.addi %add3A_1425, %add3A_1426 : vector<16xi32>
      %swap3A_1428 = arith.constant 64 : index
      %swap3A_1429 = tpu.vector_load %arg18[%swap3A_1428] {strides = array<i32>} : memref<128xi32, #tpu.memory_space<vmem>>, vector<16xi32>,
      %swap3A_1430 = vector.shape_cast %swap3A_1429 : vector<16xi32> to vector<16xi32>
      %swap3A_1431 = vector.shape_cast %add3A_1427 : vector<16xi32> to vector<16xi32>
      tpu.vector_store %arg18[%swap3A_1428], %swap3A_1431 {strides = array<i32>} : memref<128xi32, #tpu.memory_space<vmem>>, vector<16xi32>,
      %get3A_1432 = arith.constant 80 : index
      %get3A_1433 = tpu.vector_load %arg10[%get3A_1432] {strides = array<i32>} : memref<128xi32, #tpu.memory_space<vmem>>, vector<16xi32>,
      %get3A_1434 = vector.shape_cast %get3A_1433 : vector<16xi32> to vector<16xi32>
      %get3A_1435 = arith.constant 80 : index
      %get3A_1436 = tpu.vector_load %arg14[%get3A_1435] {strides = array<i32>} : memref<128xi32, #tpu.memory_space<vmem>>, vector<16xi32>,
      %get3A_1437 = vector.shape_cast %get3A_1436 : vector<16xi32> to vector<16xi32>
      %mul3A_1438 = arith.constant 16 : i32
      %mul3A_1439 = vector.broadcast %mul3A_1438 : i32 to vector<16xi32>
      %mul3A_1440 = arith.muli %get3A_1434, %mul3A_1439 : vector<16xi32>
      %add3A_1441 = arith.addi %mul3A_1440, %get3A_1437 : vector<16xi32>
      %add3A_1442 = vector.broadcast %mul3A_37 : i32 to vector<16xi32>
      %add3A_1443 = arith.addi %add3A_1441, %add3A_1442 : vector<16xi32>
      %swap3A_1444 = arith.constant 80 : index
      %swap3A_1445 = tpu.vector_load %arg18[%swap3A_1444] {strides = array<i32>} : memref<128xi32, #tpu.memory_space<vmem>>, vector<16xi32>,
      %swap3A_1446 = vector.shape_cast %swap3A_1445 : vector<16xi32> to vector<16xi32>
      %swap3A_1447 = vector.shape_cast %add3A_1443 : vector<16xi32> to vector<16xi32>
      tpu.vector_store %arg18[%swap3A_1444], %swap3A_1447 {strides = array<i32>} : memref<128xi32, #tpu.memory_space<vmem>>, vector<16xi32>,
      %get3A_1448 = arith.constant 96 : index
      %get3A_1449 = tpu.vector_load %arg10[%get3A_1448] {strides = array<i32>} : memref<128xi32, #tpu.memory_space<vmem>>, vector<16xi32>,
      %get3A_1450 = vector.shape_cast %get3A_1449 : vector<16xi32> to vector<16xi32>
      %get3A_1451 = arith.constant 96 : index
      %get3A_1452 = tpu.vector_load %arg14[%get3A_1451] {strides = array<i32>} : memref<128xi32, #tpu.memory_space<vmem>>, vector<16xi32>,
      %get3A_1453 = vector.shape_cast %get3A_1452 : vector<16xi32> to vector<16xi32>
      %mul3A_1454 = arith.constant 16 : i32
      %mul3A_1455 = vector.broadcast %mul3A_1454 : i32 to vector<16xi32>
      %mul3A_1456 = arith.muli %get3A_1450, %mul3A_1455 : vector<16xi32>
      %add3A_1457 = arith.addi %mul3A_1456, %get3A_1453 : vector<16xi32>
      %add3A_1458 = vector.broadcast %mul3A_37 : i32 to vector<16xi32>
      %add3A_1459 = arith.addi %add3A_1457, %add3A_1458 : vector<16xi32>
      %swap3A_1460 = arith.constant 96 : index
      %swap3A_1461 = tpu.vector_load %arg18[%swap3A_1460] {strides = array<i32>} : memref<128xi32, #tpu.memory_space<vmem>>, vector<16xi32>,
      %swap3A_1462 = vector.shape_cast %swap3A_1461 : vector<16xi32> to vector<16xi32>
      %swap3A_1463 = vector.shape_cast %add3A_1459 : vector<16xi32> to vector<16xi32>
      tpu.vector_store %arg18[%swap3A_1460], %swap3A_1463 {strides = array<i32>} : memref<128xi32, #tpu.memory_space<vmem>>, vector<16xi32>,
      %get3A_1464 = arith.constant 112 : index
      %get3A_1465 = tpu.vector_load %arg10[%get3A_1464] {strides = array<i32>} : memref<128xi32, #tpu.memory_space<vmem>>, vector<16xi32>,
      %get3A_1466 = vector.shape_cast %get3A_1465 : vector<16xi32> to vector<16xi32>
      %get3A_1467 = arith.constant 112 : index
      %get3A_1468 = tpu.vector_load %arg14[%get3A_1467] {strides = array<i32>} : memref<128xi32, #tpu.memory_space<vmem>>, vector<16xi32>,
      %get3A_1469 = vector.shape_cast %get3A_1468 : vector<16xi32> to vector<16xi32>
      %mul3A_1470 = arith.constant 16 : i32
      %mul3A_1471 = vector.broadcast %mul3A_1470 : i32 to vector<16xi32>
      %mul3A_1472 = arith.muli %get3A_1466, %mul3A_1471 : vector<16xi32>
      %add3A_1473 = arith.addi %mul3A_1472, %get3A_1469 : vector<16xi32>
      %add3A_1474 = vector.broadcast %mul3A_37 : i32 to vector<16xi32>
      %add3A_1475 = arith.addi %add3A_1473, %add3A_1474 : vector<16xi32>
      %swap3A_1476 = arith.constant 112 : index
      %swap3A_1477 = tpu.vector_load %arg18[%swap3A_1476] {strides = array<i32>} : memref<128xi32, #tpu.memory_space<vmem>>, vector<16xi32>,
      %swap3A_1478 = vector.shape_cast %swap3A_1477 : vector<16xi32> to vector<16xi32>
      %swap3A_1479 = vector.shape_cast %add3A_1475 : vector<16xi32> to vector<16xi32>
      tpu.vector_store %arg18[%swap3A_1476], %swap3A_1479 {strides = array<i32>} : memref<128xi32, #tpu.memory_space<vmem>>, vector<16xi32>,
      %dma_start3A_1480 = arith.constant 0 : i32
      %dma_start3A_1481 = arith.constant 0 : i32
      %dma_start3A_1482 = tpu.memref_slice %arg24[%dma_start3A_1480, %dma_start3A_1481] : memref<2048x128xf32, #tpu.memory_space<vmem_shared>> -> memref<2048x128xf32, #tpu.memory_space<vmem_shared>>
      tpu.enqueue_indirect_dma source(%arg6 : memref<128x128xf32, #tpu.memory_space<vmem>>) target(%dma_start3A_1482 : memref<2048x128xf32, #tpu.memory_space<vmem_shared>>) offsets(%arg18 : memref<128xi32, #tpu.memory_space<vmem>>) semaphore(%arg30 : memref<!tpu.dma_semaphore, #tpu.memory_space<semaphore_mem>>) {add = true}
      %dma_wait3A_1483 = arith.constant 0 : i32
      %dma_wait3A_1484 = arith.constant 0 : i32
      %dma_wait3A_1485 = tpu.memref_slice %arg24[%dma_wait3A_1483, %dma_wait3A_1484] : memref<2048x128xf32, #tpu.memory_space<vmem_shared>> -> memref<2048x128xf32, #tpu.memory_space<vmem_shared>>
      tpu.wait_indirect_dma semaphore(%arg32 : memref<!tpu.dma_semaphore, #tpu.memory_space<semaphore_mem>>) src(%arg8 : memref<128x128xf32, #tpu.memory_space<vmem>>) dst(%dma_wait3A_1485 : memref<2048x128xf32, #tpu.memory_space<vmem_shared>>)
      %add3A_1486 = arith.constant 2 : i32
      %add3A_1487 = arith.addi %add3A_1337, %add3A_1486 : i32
      %mul3A_1488 = arith.constant 128 : i32
      %mul3A_1489 = arith.muli %add3A_1487, %mul3A_1488 : i32
      %add3A_1490 = arith.addi %mul3A_35, %mul3A_1489 : i32
      %dma_start3A_1491 = arith.constant 0 : i32
      %dma_start3A_1492 = tpu.memref_slice %arg2[%add3A, %add3A_1490, %dma_start3A_1491] : memref<16x16384x128xf32, #tpu.memory_space<hbm>> -> memref<1x128x128xf32, #tpu.memory_space<hbm>>
      %dma_start3A_1493 = tpu.memref_squeeze %dma_start3A_1492 : memref<1x128x128xf32, #tpu.memory_space<hbm>> -> memref<128x128xf32, #tpu.memory_space<hbm>>
      %dma_start3A_1494 = arith.constant 0 : i32
      %dma_start3A_1495 = tpu.memref_slice %arg2[%add3A, %add3A_1490, %dma_start3A_1494] : memref<16x16384x128xf32, #tpu.memory_space<hbm>> -> memref<1x128x128xf32, #tpu.memory_space<hbm>>
      %dma_start3A_1496 = tpu.memref_squeeze %dma_start3A_1495 : memref<1x128x128xf32, #tpu.memory_space<hbm>> -> memref<128x128xf32, #tpu.memory_space<hbm>>
      tpu.enqueue_dma source(%dma_start3A_1496 : memref<128x128xf32, #tpu.memory_space<hbm>>) target(%arg8 : memref<128x128xf32, #tpu.memory_space<vmem>>) target_semaphore(%arg28 : memref<!tpu.dma_semaphore, #tpu.memory_space<semaphore_mem>>)
      %mul3A_1497 = arith.constant 128 : i32
      %mul3A_1498 = arith.muli %add3A_1487, %mul3A_1497 : i32
      %add3A_1499 = arith.addi %mul3A_35, %mul3A_1498 : i32
      %dma_start3A_1500 = tpu.memref_slice %arg3[%add3A, %add3A_1499] : memref<16x16384xi32, #tpu.memory_space<hbm>> -> memref<1x128xi32, #tpu.memory_space<hbm>>
      %dma_start3A_1501 = tpu.memref_squeeze %dma_start3A_1500 : memref<1x128xi32, #tpu.memory_space<hbm>> -> memref<128xi32, #tpu.memory_space<hbm>>
      %dma_start3A_1502 = tpu.memref_slice %arg3[%add3A, %add3A_1499] : memref<16x16384xi32, #tpu.memory_space<hbm>> -> memref<1x128xi32, #tpu.memory_space<hbm>>
      %dma_start3A_1503 = tpu.memref_squeeze %dma_start3A_1502 : memref<1x128xi32, #tpu.memory_space<hbm>> -> memref<128xi32, #tpu.memory_space<hbm>>
      tpu.enqueue_dma source(%dma_start3A_1503 : memref<128xi32, #tpu.memory_space<hbm>>) target(%arg12 : memref<128xi32, #tpu.memory_space<vmem>>) target_semaphore(%arg28 : memref<!tpu.dma_semaphore, #tpu.memory_space<semaphore_mem>>)
      %mul3A_1504 = arith.constant 128 : i32
      %mul3A_1505 = arith.muli %add3A_1487, %mul3A_1504 : i32
      %add3A_1506 = arith.addi %mul3A_35, %mul3A_1505 : i32
      %dma_start3A_1507 = tpu.memref_slice %arg4[%add3A, %add3A_1506] : memref<16x16384xi32, #tpu.memory_space<hbm>> -> memref<1x128xi32, #tpu.memory_space<hbm>>
      %dma_start3A_1508 = tpu.memref_squeeze %dma_start3A_1507 : memref<1x128xi32, #tpu.memory_space<hbm>> -> memref<128xi32, #tpu.memory_space<hbm>>
      %dma_start3A_1509 = tpu.memref_slice %arg4[%add3A, %add3A_1506] : memref<16x16384xi32, #tpu.memory_space<hbm>> -> memref<1x128xi32, #tpu.memory_space<hbm>>
      %dma_start3A_1510 = tpu.memref_squeeze %dma_start3A_1509 : memref<1x128xi32, #tpu.memory_space<hbm>> -> memref<128xi32, #tpu.memory_space<hbm>>
      tpu.enqueue_dma source(%dma_start3A_1510 : memref<128xi32, #tpu.memory_space<hbm>>) target(%arg16 : memref<128xi32, #tpu.memory_space<vmem>>) target_semaphore(%arg28 : memref<!tpu.dma_semaphore, #tpu.memory_space<semaphore_mem>>)
      %scan3A_1511 = arith.constant 0 : i32
      %scan3A_1512 = arith.constant 0 : i32
      %scan3A_1513 = arith.constant 8 : i32
      %scan3A_1514 = arith.addi %scan3A_1512, %scan3A_1513 : i32
      %scan3A_1515 = arith.constant 1 : i32
      %scan3A_1516 = scf.for %scan3A_1701 = %scan3A_1512 to %scan3A_1514 step %scan3A_1515 iter_args(%scan3A_1702 = %scan3A_1511) -> (i32)  : i32 {
        %mul3A_1703 = arith.constant 16 : i32
        %mul3A_1704 = arith.muli %scan3A_1701, %mul3A_1703 : i32
        %get3A_1705 = arith.index_cast %mul3A_1704 : i32 to index
        %get3A_1706 = tpu.vector_load %arg18[%get3A_1705] {strides = array<i32>} : memref<128xi32, #tpu.memory_space<vmem>>, vector<16xi32>,
        %get3A_1707 = vector.shape_cast %get3A_1706 : vector<16xi32> to vector<16xi32>
        %sub3A_1708 = vector.broadcast %mul3A_37 : i32 to vector<16xi32>
        %sub3A_1709 = arith.subi %get3A_1707, %sub3A_1708 : vector<16xi32>
        %mul3A_1710 = arith.constant 16 : i32
        %mul3A_1711 = vector.broadcast %mul3A_1710 : i32 to vector<16xi32>
        %mul3A_1712 = arith.muli %sub3A_1709, %mul3A_1711 : vector<16xi32>
        %slice3A = vector.extract_strided_slice %mul3A_1712 {offsets = [0], sizes = [1], strides = [1]} : vector<16xi32> to vector<1xi32>
        %squeeze3A = vector.extract %slice3A[0] : i32 from vector<1xi32>
        %slice3A_1713 = vector.extract_strided_slice %mul3A_1712 {offsets = [1], sizes = [1], strides = [1]} : vector<16xi32> to vector<1xi32>
        %squeeze3A_1714 = vector.extract %slice3A_1713[0] : i32 from vector<1xi32>
        %get3A_1715 = arith.index_cast %squeeze3A : i32 to index
        %get3A_1716 = tpu.vector_load %arg22[%get3A_1715] {strides = array<i32>} : memref<4096xf32, #tpu.memory_space<vmem>>, vector<16xf32>,
        %get3A_1717 = vector.shape_cast %get3A_1716 : vector<16xf32> to vector<16xf32>
        %add3A_1718 = arith.addf %get3A_1717, %broadcast_in_dim3A_2 : vector<16xf32>
        %swap3A_1719 = arith.index_cast %squeeze3A : i32 to index
        %swap3A_1720 = tpu.vector_load %arg22[%swap3A_1719] {strides = array<i32>} : memref<4096xf32, #tpu.memory_space<vmem>>, vector<16xf32>,
        %swap3A_1721 = vector.shape_cast %swap3A_1720 : vector<16xf32> to vector<16xf32>
        %swap3A_1722 = vector.shape_cast %add3A_1718 : vector<16xf32> to vector<16xf32>
        tpu.vector_store %arg22[%swap3A_1719], %swap3A_1722 {strides = array<i32>} : memref<4096xf32, #tpu.memory_space<vmem>>, vector<16xf32>,
        %get3A_1723 = arith.index_cast %squeeze3A_1714 : i32 to index
        %get3A_1724 = tpu.vector_load %arg23[%get3A_1723] {strides = array<i32>} : memref<4096xf32, #tpu.memory_space<vmem>>, vector<16xf32>,
        %get3A_1725 = vector.shape_cast %get3A_1724 : vector<16xf32> to vector<16xf32>
        %add3A_1726 = arith.addf %get3A_1725, %broadcast_in_dim3A_2 : vector<16xf32>
        %swap3A_1727 = arith.index_cast %squeeze3A_1714 : i32 to index
        %swap3A_1728 = tpu.vector_load %arg23[%swap3A_1727] {strides = array<i32>} : memref<4096xf32, #tpu.memory_space<vmem>>, vector<16xf32>,
        %swap3A_1729 = vector.shape_cast %swap3A_1728 : vector<16xf32> to vector<16xf32>
        %swap3A_1730 = vector.shape_cast %add3A_1726 : vector<16xf32> to vector<16xf32>
        tpu.vector_store %arg23[%swap3A_1727], %swap3A_1730 {strides = array<i32>} : memref<4096xf32, #tpu.memory_space<vmem>>, vector<16xf32>,
        %slice3A_1731 = vector.extract_strided_slice %mul3A_1712 {offsets = [2], sizes = [1], strides = [1]} : vector<16xi32> to vector<1xi32>
        %squeeze3A_1732 = vector.extract %slice3A_1731[0] : i32 from vector<1xi32>
        %slice3A_1733 = vector.extract_strided_slice %mul3A_1712 {offsets = [3], sizes = [1], strides = [1]} : vector<16xi32> to vector<1xi32>
        %squeeze3A_1734 = vector.extract %slice3A_1733[0] : i32 from vector<1xi32>
        %get3A_1735 = arith.index_cast %squeeze3A_1732 : i32 to index
        %get3A_1736 = tpu.vector_load %arg22[%get3A_1735] {strides = array<i32>} : memref<4096xf32, #tpu.memory_space<vmem>>, vector<16xf32>,
        %get3A_1737 = vector.shape_cast %get3A_1736 : vector<16xf32> to vector<16xf32>
        %add3A_1738 = arith.addf %get3A_1737, %broadcast_in_dim3A_2 : vector<16xf32>
        %swap3A_1739 = arith.index_cast %squeeze3A_1732 : i32 to index
        %swap3A_1740 = tpu.vector_load %arg22[%swap3A_1739] {strides = array<i32>} : memref<4096xf32, #tpu.memory_space<vmem>>, vector<16xf32>,
        %swap3A_1741 = vector.shape_cast %swap3A_1740 : vector<16xf32> to vector<16xf32>
        %swap3A_1742 = vector.shape_cast %add3A_1738 : vector<16xf32> to vector<16xf32>
        tpu.vector_store %arg22[%swap3A_1739], %swap3A_1742 {strides = array<i32>} : memref<4096xf32, #tpu.memory_space<vmem>>, vector<16xf32>,
        %get3A_1743 = arith.index_cast %squeeze3A_1734 : i32 to index
        %get3A_1744 = tpu.vector_load %arg23[%get3A_1743] {strides = array<i32>} : memref<4096xf32, #tpu.memory_space<vmem>>, vector<16xf32>,
        %get3A_1745 = vector.shape_cast %get3A_1744 : vector<16xf32> to vector<16xf32>
        %add3A_1746 = arith.addf %get3A_1745, %broadcast_in_dim3A_2 : vector<16xf32>
        %swap3A_1747 = arith.index_cast %squeeze3A_1734 : i32 to index
        %swap3A_1748 = tpu.vector_load %arg23[%swap3A_1747] {strides = array<i32>} : memref<4096xf32, #tpu.memory_space<vmem>>, vector<16xf32>,
        %swap3A_1749 = vector.shape_cast %swap3A_1748 : vector<16xf32> to vector<16xf32>
        %swap3A_1750 = vector.shape_cast %add3A_1746 : vector<16xf32> to vector<16xf32>
        tpu.vector_store %arg23[%swap3A_1747], %swap3A_1750 {strides = array<i32>} : memref<4096xf32, #tpu.memory_space<vmem>>, vector<16xf32>,
        %slice3A_1751 = vector.extract_strided_slice %mul3A_1712 {offsets = [4], sizes = [1], strides = [1]} : vector<16xi32> to vector<1xi32>
        %squeeze3A_1752 = vector.extract %slice3A_1751[0] : i32 from vector<1xi32>
        %slice3A_1753 = vector.extract_strided_slice %mul3A_1712 {offsets = [5], sizes = [1], strides = [1]} : vector<16xi32> to vector<1xi32>
        %squeeze3A_1754 = vector.extract %slice3A_1753[0] : i32 from vector<1xi32>
        %get3A_1755 = arith.index_cast %squeeze3A_1752 : i32 to index
        %get3A_1756 = tpu.vector_load %arg22[%get3A_1755] {strides = array<i32>} : memref<4096xf32, #tpu.memory_space<vmem>>, vector<16xf32>,
        %get3A_1757 = vector.shape_cast %get3A_1756 : vector<16xf32> to vector<16xf32>
        %add3A_1758 = arith.addf %get3A_1757, %broadcast_in_dim3A_2 : vector<16xf32>
        %swap3A_1759 = arith.index_cast %squeeze3A_1752 : i32 to index
        %swap3A_1760 = tpu.vector_load %arg22[%swap3A_1759] {strides = array<i32>} : memref<4096xf32, #tpu.memory_space<vmem>>, vector<16xf32>,
        %swap3A_1761 = vector.shape_cast %swap3A_1760 : vector<16xf32> to vector<16xf32>
        %swap3A_1762 = vector.shape_cast %add3A_1758 : vector<16xf32> to vector<16xf32>
        tpu.vector_store %arg22[%swap3A_1759], %swap3A_1762 {strides = array<i32>} : memref<4096xf32, #tpu.memory_space<vmem>>, vector<16xf32>,
        %get3A_1763 = arith.index_cast %squeeze3A_1754 : i32 to index
        %get3A_1764 = tpu.vector_load %arg23[%get3A_1763] {strides = array<i32>} : memref<4096xf32, #tpu.memory_space<vmem>>, vector<16xf32>,
        %get3A_1765 = vector.shape_cast %get3A_1764 : vector<16xf32> to vector<16xf32>
        %add3A_1766 = arith.addf %get3A_1765, %broadcast_in_dim3A_2 : vector<16xf32>
        %swap3A_1767 = arith.index_cast %squeeze3A_1754 : i32 to index
        %swap3A_1768 = tpu.vector_load %arg23[%swap3A_1767] {strides = array<i32>} : memref<4096xf32, #tpu.memory_space<vmem>>, vector<16xf32>,
        %swap3A_1769 = vector.shape_cast %swap3A_1768 : vector<16xf32> to vector<16xf32>
        %swap3A_1770 = vector.shape_cast %add3A_1766 : vector<16xf32> to vector<16xf32>
        tpu.vector_store %arg23[%swap3A_1767], %swap3A_1770 {strides = array<i32>} : memref<4096xf32, #tpu.memory_space<vmem>>, vector<16xf32>,
        %slice3A_1771 = vector.extract_strided_slice %mul3A_1712 {offsets = [6], sizes = [1], strides = [1]} : vector<16xi32> to vector<1xi32>
        %squeeze3A_1772 = vector.extract %slice3A_1771[0] : i32 from vector<1xi32>
        %slice3A_1773 = vector.extract_strided_slice %mul3A_1712 {offsets = [7], sizes = [1], strides = [1]} : vector<16xi32> to vector<1xi32>
        %squeeze3A_1774 = vector.extract %slice3A_1773[0] : i32 from vector<1xi32>
        %get3A_1775 = arith.index_cast %squeeze3A_1772 : i32 to index
        %get3A_1776 = tpu.vector_load %arg22[%get3A_1775] {strides = array<i32>} : memref<4096xf32, #tpu.memory_space<vmem>>, vector<16xf32>,
        %get3A_1777 = vector.shape_cast %get3A_1776 : vector<16xf32> to vector<16xf32>
        %add3A_1778 = arith.addf %get3A_1777, %broadcast_in_dim3A_2 : vector<16xf32>
        %swap3A_1779 = arith.index_cast %squeeze3A_1772 : i32 to index
        %swap3A_1780 = tpu.vector_load %arg22[%swap3A_1779] {strides = array<i32>} : memref<4096xf32, #tpu.memory_space<vmem>>, vector<16xf32>,
        %swap3A_1781 = vector.shape_cast %swap3A_1780 : vector<16xf32> to vector<16xf32>
        %swap3A_1782 = vector.shape_cast %add3A_1778 : vector<16xf32> to vector<16xf32>
        tpu.vector_store %arg22[%swap3A_1779], %swap3A_1782 {strides = array<i32>} : memref<4096xf32, #tpu.memory_space<vmem>>, vector<16xf32>,
        %get3A_1783 = arith.index_cast %squeeze3A_1774 : i32 to index
        %get3A_1784 = tpu.vector_load %arg23[%get3A_1783] {strides = array<i32>} : memref<4096xf32, #tpu.memory_space<vmem>>, vector<16xf32>,
        %get3A_1785 = vector.shape_cast %get3A_1784 : vector<16xf32> to vector<16xf32>
        %add3A_1786 = arith.addf %get3A_1785, %broadcast_in_dim3A_2 : vector<16xf32>
        %swap3A_1787 = arith.index_cast %squeeze3A_1774 : i32 to index
        %swap3A_1788 = tpu.vector_load %arg23[%swap3A_1787] {strides = array<i32>} : memref<4096xf32, #tpu.memory_space<vmem>>, vector<16xf32>,
        %swap3A_1789 = vector.shape_cast %swap3A_1788 : vector<16xf32> to vector<16xf32>
        %swap3A_1790 = vector.shape_cast %add3A_1786 : vector<16xf32> to vector<16xf32>
        tpu.vector_store %arg23[%swap3A_1787], %swap3A_1790 {strides = array<i32>} : memref<4096xf32, #tpu.memory_space<vmem>>, vector<16xf32>,
        %slice3A_1791 = vector.extract_strided_slice %mul3A_1712 {offsets = [8], sizes = [1], strides = [1]} : vector<16xi32> to vector<1xi32>
        %squeeze3A_1792 = vector.extract %slice3A_1791[0] : i32 from vector<1xi32>
        %slice3A_1793 = vector.extract_strided_slice %mul3A_1712 {offsets = [9], sizes = [1], strides = [1]} : vector<16xi32> to vector<1xi32>
        %squeeze3A_1794 = vector.extract %slice3A_1793[0] : i32 from vector<1xi32>
        %get3A_1795 = arith.index_cast %squeeze3A_1792 : i32 to index
        %get3A_1796 = tpu.vector_load %arg22[%get3A_1795] {strides = array<i32>} : memref<4096xf32, #tpu.memory_space<vmem>>, vector<16xf32>,
        %get3A_1797 = vector.shape_cast %get3A_1796 : vector<16xf32> to vector<16xf32>
        %add3A_1798 = arith.addf %get3A_1797, %broadcast_in_dim3A_2 : vector<16xf32>
        %swap3A_1799 = arith.index_cast %squeeze3A_1792 : i32 to index
        %swap3A_1800 = tpu.vector_load %arg22[%swap3A_1799] {strides = array<i32>} : memref<4096xf32, #tpu.memory_space<vmem>>, vector<16xf32>,
        %swap3A_1801 = vector.shape_cast %swap3A_1800 : vector<16xf32> to vector<16xf32>
        %swap3A_1802 = vector.shape_cast %add3A_1798 : vector<16xf32> to vector<16xf32>
        tpu.vector_store %arg22[%swap3A_1799], %swap3A_1802 {strides = array<i32>} : memref<4096xf32, #tpu.memory_space<vmem>>, vector<16xf32>,
        %get3A_1803 = arith.index_cast %squeeze3A_1794 : i32 to index
        %get3A_1804 = tpu.vector_load %arg23[%get3A_1803] {strides = array<i32>} : memref<4096xf32, #tpu.memory_space<vmem>>, vector<16xf32>,
        %get3A_1805 = vector.shape_cast %get3A_1804 : vector<16xf32> to vector<16xf32>
        %add3A_1806 = arith.addf %get3A_1805, %broadcast_in_dim3A_2 : vector<16xf32>
        %swap3A_1807 = arith.index_cast %squeeze3A_1794 : i32 to index
        %swap3A_1808 = tpu.vector_load %arg23[%swap3A_1807] {strides = array<i32>} : memref<4096xf32, #tpu.memory_space<vmem>>, vector<16xf32>,
        %swap3A_1809 = vector.shape_cast %swap3A_1808 : vector<16xf32> to vector<16xf32>
        %swap3A_1810 = vector.shape_cast %add3A_1806 : vector<16xf32> to vector<16xf32>
        tpu.vector_store %arg23[%swap3A_1807], %swap3A_1810 {strides = array<i32>} : memref<4096xf32, #tpu.memory_space<vmem>>, vector<16xf32>,
        %slice3A_1811 = vector.extract_strided_slice %mul3A_1712 {offsets = [10], sizes = [1], strides = [1]} : vector<16xi32> to vector<1xi32>
        %squeeze3A_1812 = vector.extract %slice3A_1811[0] : i32 from vector<1xi32>
        %slice3A_1813 = vector.extract_strided_slice %mul3A_1712 {offsets = [11], sizes = [1], strides = [1]} : vector<16xi32> to vector<1xi32>
        %squeeze3A_1814 = vector.extract %slice3A_1813[0] : i32 from vector<1xi32>
        %get3A_1815 = arith.index_cast %squeeze3A_1812 : i32 to index
        %get3A_1816 = tpu.vector_load %arg22[%get3A_1815] {strides = array<i32>} : memref<4096xf32, #tpu.memory_space<vmem>>, vector<16xf32>,
        %get3A_1817 = vector.shape_cast %get3A_1816 : vector<16xf32> to vector<16xf32>
        %add3A_1818 = arith.addf %get3A_1817, %broadcast_in_dim3A_2 : vector<16xf32>
        %swap3A_1819 = arith.index_cast %squeeze3A_1812 : i32 to index
        %swap3A_1820 = tpu.vector_load %arg22[%swap3A_1819] {strides = array<i32>} : memref<4096xf32, #tpu.memory_space<vmem>>, vector<16xf32>,
        %swap3A_1821 = vector.shape_cast %swap3A_1820 : vector<16xf32> to vector<16xf32>
        %swap3A_1822 = vector.shape_cast %add3A_1818 : vector<16xf32> to vector<16xf32>
        tpu.vector_store %arg22[%swap3A_1819], %swap3A_1822 {strides = array<i32>} : memref<4096xf32, #tpu.memory_space<vmem>>, vector<16xf32>,
        %get3A_1823 = arith.index_cast %squeeze3A_1814 : i32 to index
        %get3A_1824 = tpu.vector_load %arg23[%get3A_1823] {strides = array<i32>} : memref<4096xf32, #tpu.memory_space<vmem>>, vector<16xf32>,
        %get3A_1825 = vector.shape_cast %get3A_1824 : vector<16xf32> to vector<16xf32>
        %add3A_1826 = arith.addf %get3A_1825, %broadcast_in_dim3A_2 : vector<16xf32>
        %swap3A_1827 = arith.index_cast %squeeze3A_1814 : i32 to index
        %swap3A_1828 = tpu.vector_load %arg23[%swap3A_1827] {strides = array<i32>} : memref<4096xf32, #tpu.memory_space<vmem>>, vector<16xf32>,
        %swap3A_1829 = vector.shape_cast %swap3A_1828 : vector<16xf32> to vector<16xf32>
        %swap3A_1830 = vector.shape_cast %add3A_1826 : vector<16xf32> to vector<16xf32>
        tpu.vector_store %arg23[%swap3A_1827], %swap3A_1830 {strides = array<i32>} : memref<4096xf32, #tpu.memory_space<vmem>>, vector<16xf32>,
        %slice3A_1831 = vector.extract_strided_slice %mul3A_1712 {offsets = [12], sizes = [1], strides = [1]} : vector<16xi32> to vector<1xi32>
        %squeeze3A_1832 = vector.extract %slice3A_1831[0] : i32 from vector<1xi32>
        %slice3A_1833 = vector.extract_strided_slice %mul3A_1712 {offsets = [13], sizes = [1], strides = [1]} : vector<16xi32> to vector<1xi32>
        %squeeze3A_1834 = vector.extract %slice3A_1833[0] : i32 from vector<1xi32>
        %get3A_1835 = arith.index_cast %squeeze3A_1832 : i32 to index
        %get3A_1836 = tpu.vector_load %arg22[%get3A_1835] {strides = array<i32>} : memref<4096xf32, #tpu.memory_space<vmem>>, vector<16xf32>,
        %get3A_1837 = vector.shape_cast %get3A_1836 : vector<16xf32> to vector<16xf32>
        %add3A_1838 = arith.addf %get3A_1837, %broadcast_in_dim3A_2 : vector<16xf32>
        %swap3A_1839 = arith.index_cast %squeeze3A_1832 : i32 to index
        %swap3A_1840 = tpu.vector_load %arg22[%swap3A_1839] {strides = array<i32>} : memref<4096xf32, #tpu.memory_space<vmem>>, vector<16xf32>,
        %swap3A_1841 = vector.shape_cast %swap3A_1840 : vector<16xf32> to vector<16xf32>
        %swap3A_1842 = vector.shape_cast %add3A_1838 : vector<16xf32> to vector<16xf32>
        tpu.vector_store %arg22[%swap3A_1839], %swap3A_1842 {strides = array<i32>} : memref<4096xf32, #tpu.memory_space<vmem>>, vector<16xf32>,
        %get3A_1843 = arith.index_cast %squeeze3A_1834 : i32 to index
        %get3A_1844 = tpu.vector_load %arg23[%get3A_1843] {strides = array<i32>} : memref<4096xf32, #tpu.memory_space<vmem>>, vector<16xf32>,
        %get3A_1845 = vector.shape_cast %get3A_1844 : vector<16xf32> to vector<16xf32>
        %add3A_1846 = arith.addf %get3A_1845, %broadcast_in_dim3A_2 : vector<16xf32>
        %swap3A_1847 = arith.index_cast %squeeze3A_1834 : i32 to index
        %swap3A_1848 = tpu.vector_load %arg23[%swap3A_1847] {strides = array<i32>} : memref<4096xf32, #tpu.memory_space<vmem>>, vector<16xf32>,
        %swap3A_1849 = vector.shape_cast %swap3A_1848 : vector<16xf32> to vector<16xf32>
        %swap3A_1850 = vector.shape_cast %add3A_1846 : vector<16xf32> to vector<16xf32>
        tpu.vector_store %arg23[%swap3A_1847], %swap3A_1850 {strides = array<i32>} : memref<4096xf32, #tpu.memory_space<vmem>>, vector<16xf32>,
        %slice3A_1851 = vector.extract_strided_slice %mul3A_1712 {offsets = [14], sizes = [1], strides = [1]} : vector<16xi32> to vector<1xi32>
        %squeeze3A_1852 = vector.extract %slice3A_1851[0] : i32 from vector<1xi32>
        %slice3A_1853 = vector.extract_strided_slice %mul3A_1712 {offsets = [15], sizes = [1], strides = [1]} : vector<16xi32> to vector<1xi32>
        %squeeze3A_1854 = vector.extract %slice3A_1853[0] : i32 from vector<1xi32>
        %get3A_1855 = arith.index_cast %squeeze3A_1852 : i32 to index
        %get3A_1856 = tpu.vector_load %arg22[%get3A_1855] {strides = array<i32>} : memref<4096xf32, #tpu.memory_space<vmem>>, vector<16xf32>,
        %get3A_1857 = vector.shape_cast %get3A_1856 : vector<16xf32> to vector<16xf32>
        %add3A_1858 = arith.addf %get3A_1857, %broadcast_in_dim3A_2 : vector<16xf32>
        %swap3A_1859 = arith.index_cast %squeeze3A_1852 : i32 to index
        %swap3A_1860 = tpu.vector_load %arg22[%swap3A_1859] {strides = array<i32>} : memref<4096xf32, #tpu.memory_space<vmem>>, vector<16xf32>,
        %swap3A_1861 = vector.shape_cast %swap3A_1860 : vector<16xf32> to vector<16xf32>
        %swap3A_1862 = vector.shape_cast %add3A_1858 : vector<16xf32> to vector<16xf32>
        tpu.vector_store %arg22[%swap3A_1859], %swap3A_1862 {strides = array<i32>} : memref<4096xf32, #tpu.memory_space<vmem>>, vector<16xf32>,
        %get3A_1863 = arith.index_cast %squeeze3A_1854 : i32 to index
        %get3A_1864 = tpu.vector_load %arg23[%get3A_1863] {strides = array<i32>} : memref<4096xf32, #tpu.memory_space<vmem>>, vector<16xf32>,
        %get3A_1865 = vector.shape_cast %get3A_1864 : vector<16xf32> to vector<16xf32>
        %add3A_1866 = arith.addf %get3A_1865, %broadcast_in_dim3A_2 : vector<16xf32>
        %swap3A_1867 = arith.index_cast %squeeze3A_1854 : i32 to index
        %swap3A_1868 = tpu.vector_load %arg23[%swap3A_1867] {strides = array<i32>} : memref<4096xf32, #tpu.memory_space<vmem>>, vector<16xf32>,
        %swap3A_1869 = vector.shape_cast %swap3A_1868 : vector<16xf32> to vector<16xf32>
        %swap3A_1870 = vector.shape_cast %add3A_1866 : vector<16xf32> to vector<16xf32>
        tpu.vector_store %arg23[%swap3A_1867], %swap3A_1870 {strides = array<i32>} : memref<4096xf32, #tpu.memory_space<vmem>>, vector<16xf32>,
        %scan3A_1871 = arith.constant 0 : i32
        scf.yield %scan3A_1871 : i32
      }
      %scan3A_1517 = arith.constant 8 : i32
      %add3A_1518 = arith.constant 3 : i32
      %add3A_1519 = arith.addi %add3A_971, %add3A_1518 : i32
      %dma_wait3A_1520 = arith.constant 0 : i32
      %dma_wait3A_1521 = tpu.memref_slice %arg2[%add3A, %mul3A_35, %dma_wait3A_1520] : memref<16x16384x128xf32, #tpu.memory_space<hbm>> -> memref<1x128x128xf32, #tpu.memory_space<hbm>>
      %dma_wait3A_1522 = tpu.memref_squeeze %dma_wait3A_1521 : memref<1x128x128xf32, #tpu.memory_space<hbm>> -> memref<128x128xf32, #tpu.memory_space<hbm>>
      %dma_wait3A_1523 = arith.constant 0 : i32
      %dma_wait3A_1524 = tpu.memref_slice %arg2[%add3A, %mul3A_35, %dma_wait3A_1523] : memref<16x16384x128xf32, #tpu.memory_space<hbm>> -> memref<1x128x128xf32, #tpu.memory_space<hbm>>
      %dma_wait3A_1525 = tpu.memref_squeeze %dma_wait3A_1524 : memref<1x128x128xf32, #tpu.memory_space<hbm>> -> memref<128x128xf32, #tpu.memory_space<hbm>>
      tpu.wait_dma2 semaphore(%arg27 : memref<!tpu.dma_semaphore, #tpu.memory_space<semaphore_mem>>) src(%dma_wait3A_1525 : memref<128x128xf32, #tpu.memory_space<hbm>>) dst(%arg7 : memref<128x128xf32, #tpu.memory_space<vmem>>)
      %dma_wait3A_1526 = tpu.memref_slice %arg3[%add3A, %mul3A_35] : memref<16x16384xi32, #tpu.memory_space<hbm>> -> memref<1x128xi32, #tpu.memory_space<hbm>>
      %dma_wait3A_1527 = tpu.memref_squeeze %dma_wait3A_1526 : memref<1x128xi32, #tpu.memory_space<hbm>> -> memref<128xi32, #tpu.memory_space<hbm>>
      %dma_wait3A_1528 = tpu.memref_slice %arg3[%add3A, %mul3A_35] : memref<16x16384xi32, #tpu.memory_space<hbm>> -> memref<1x128xi32, #tpu.memory_space<hbm>>
      %dma_wait3A_1529 = tpu.memref_squeeze %dma_wait3A_1528 : memref<1x128xi32, #tpu.memory_space<hbm>> -> memref<128xi32, #tpu.memory_space<hbm>>
      tpu.wait_dma2 semaphore(%arg27 : memref<!tpu.dma_semaphore, #tpu.memory_space<semaphore_mem>>) src(%dma_wait3A_1529 : memref<128xi32, #tpu.memory_space<hbm>>) dst(%arg11 : memref<128xi32, #tpu.memory_space<vmem>>)
      %dma_wait3A_1530 = tpu.memref_slice %arg4[%add3A, %mul3A_35] : memref<16x16384xi32, #tpu.memory_space<hbm>> -> memref<1x128xi32, #tpu.memory_space<hbm>>
      %dma_wait3A_1531 = tpu.memref_squeeze %dma_wait3A_1530 : memref<1x128xi32, #tpu.memory_space<hbm>> -> memref<128xi32, #tpu.memory_space<hbm>>
      %dma_wait3A_1532 = tpu.memref_slice %arg4[%add3A, %mul3A_35] : memref<16x16384xi32, #tpu.memory_space<hbm>> -> memref<1x128xi32, #tpu.memory_space<hbm>>
      %dma_wait3A_1533 = tpu.memref_squeeze %dma_wait3A_1532 : memref<1x128xi32, #tpu.memory_space<hbm>> -> memref<128xi32, #tpu.memory_space<hbm>>
      tpu.wait_dma2 semaphore(%arg27 : memref<!tpu.dma_semaphore, #tpu.memory_space<semaphore_mem>>) src(%dma_wait3A_1533 : memref<128xi32, #tpu.memory_space<hbm>>) dst(%arg15 : memref<128xi32, #tpu.memory_space<vmem>>)
      %get3A_1534 = arith.constant 0 : index
      %get3A_1535 = tpu.vector_load %arg11[%get3A_1534] {strides = array<i32>} : memref<128xi32, #tpu.memory_space<vmem>>, vector<16xi32>,
      %get3A_1536 = vector.shape_cast %get3A_1535 : vector<16xi32> to vector<16xi32>
      %get3A_1537 = arith.constant 0 : index
      %get3A_1538 = tpu.vector_load %arg15[%get3A_1537] {strides = array<i32>} : memref<128xi32, #tpu.memory_space<vmem>>, vector<16xi32>,
      %get3A_1539 = vector.shape_cast %get3A_1538 : vector<16xi32> to vector<16xi32>
      %mul3A_1540 = arith.constant 16 : i32
      %mul3A_1541 = vector.broadcast %mul3A_1540 : i32 to vector<16xi32>
      %mul3A_1542 = arith.muli %get3A_1536, %mul3A_1541 : vector<16xi32>
      %add3A_1543 = arith.addi %mul3A_1542, %get3A_1539 : vector<16xi32>
      %add3A_1544 = vector.broadcast %mul3A_37 : i32 to vector<16xi32>
      %add3A_1545 = arith.addi %add3A_1543, %add3A_1544 : vector<16xi32>
      %swap3A_1546 = arith.constant 0 : index
      %swap3A_1547 = tpu.vector_load %arg19[%swap3A_1546] {strides = array<i32>} : memref<128xi32, #tpu.memory_space<vmem>>, vector<16xi32>,
      %swap3A_1548 = vector.shape_cast %swap3A_1547 : vector<16xi32> to vector<16xi32>
      %swap3A_1549 = vector.shape_cast %add3A_1545 : vector<16xi32> to vector<16xi32>
      tpu.vector_store %arg19[%swap3A_1546], %swap3A_1549 {strides = array<i32>} : memref<128xi32, #tpu.memory_space<vmem>>, vector<16xi32>,
      %get3A_1550 = arith.constant 16 : index
      %get3A_1551 = tpu.vector_load %arg11[%get3A_1550] {strides = array<i32>} : memref<128xi32, #tpu.memory_space<vmem>>, vector<16xi32>,
      %get3A_1552 = vector.shape_cast %get3A_1551 : vector<16xi32> to vector<16xi32>
      %get3A_1553 = arith.constant 16 : index
      %get3A_1554 = tpu.vector_load %arg15[%get3A_1553] {strides = array<i32>} : memref<128xi32, #tpu.memory_space<vmem>>, vector<16xi32>,
      %get3A_1555 = vector.shape_cast %get3A_1554 : vector<16xi32> to vector<16xi32>
      %mul3A_1556 = arith.constant 16 : i32
      %mul3A_1557 = vector.broadcast %mul3A_1556 : i32 to vector<16xi32>
      %mul3A_1558 = arith.muli %get3A_1552, %mul3A_1557 : vector<16xi32>
      %add3A_1559 = arith.addi %mul3A_1558, %get3A_1555 : vector<16xi32>
      %add3A_1560 = vector.broadcast %mul3A_37 : i32 to vector<16xi32>
      %add3A_1561 = arith.addi %add3A_1559, %add3A_1560 : vector<16xi32>
      %swap3A_1562 = arith.constant 16 : index
      %swap3A_1563 = tpu.vector_load %arg19[%swap3A_1562] {strides = array<i32>} : memref<128xi32, #tpu.memory_space<vmem>>, vector<16xi32>,
      %swap3A_1564 = vector.shape_cast %swap3A_1563 : vector<16xi32> to vector<16xi32>
      %swap3A_1565 = vector.shape_cast %add3A_1561 : vector<16xi32> to vector<16xi32>
      tpu.vector_store %arg19[%swap3A_1562], %swap3A_1565 {strides = array<i32>} : memref<128xi32, #tpu.memory_space<vmem>>, vector<16xi32>,
      %get3A_1566 = arith.constant 32 : index
      %get3A_1567 = tpu.vector_load %arg11[%get3A_1566] {strides = array<i32>} : memref<128xi32, #tpu.memory_space<vmem>>, vector<16xi32>,
      %get3A_1568 = vector.shape_cast %get3A_1567 : vector<16xi32> to vector<16xi32>
      %get3A_1569 = arith.constant 32 : index
      %get3A_1570 = tpu.vector_load %arg15[%get3A_1569] {strides = array<i32>} : memref<128xi32, #tpu.memory_space<vmem>>, vector<16xi32>,
      %get3A_1571 = vector.shape_cast %get3A_1570 : vector<16xi32> to vector<16xi32>
      %mul3A_1572 = arith.constant 16 : i32
      %mul3A_1573 = vector.broadcast %mul3A_1572 : i32 to vector<16xi32>
      %mul3A_1574 = arith.muli %get3A_1568, %mul3A_1573 : vector<16xi32>
      %add3A_1575 = arith.addi %mul3A_1574, %get3A_1571 : vector<16xi32>
      %add3A_1576 = vector.broadcast %mul3A_37 : i32 to vector<16xi32>
      %add3A_1577 = arith.addi %add3A_1575, %add3A_1576 : vector<16xi32>
      %swap3A_1578 = arith.constant 32 : index
      %swap3A_1579 = tpu.vector_load %arg19[%swap3A_1578] {strides = array<i32>} : memref<128xi32, #tpu.memory_space<vmem>>, vector<16xi32>,
      %swap3A_1580 = vector.shape_cast %swap3A_1579 : vector<16xi32> to vector<16xi32>
      %swap3A_1581 = vector.shape_cast %add3A_1577 : vector<16xi32> to vector<16xi32>
      tpu.vector_store %arg19[%swap3A_1578], %swap3A_1581 {strides = array<i32>} : memref<128xi32, #tpu.memory_space<vmem>>, vector<16xi32>,
      %get3A_1582 = arith.constant 48 : index
      %get3A_1583 = tpu.vector_load %arg11[%get3A_1582] {strides = array<i32>} : memref<128xi32, #tpu.memory_space<vmem>>, vector<16xi32>,
      %get3A_1584 = vector.shape_cast %get3A_1583 : vector<16xi32> to vector<16xi32>
      %get3A_1585 = arith.constant 48 : index
      %get3A_1586 = tpu.vector_load %arg15[%get3A_1585] {strides = array<i32>} : memref<128xi32, #tpu.memory_space<vmem>>, vector<16xi32>,
      %get3A_1587 = vector.shape_cast %get3A_1586 : vector<16xi32> to vector<16xi32>
      %mul3A_1588 = arith.constant 16 : i32
      %mul3A_1589 = vector.broadcast %mul3A_1588 : i32 to vector<16xi32>
      %mul3A_1590 = arith.muli %get3A_1584, %mul3A_1589 : vector<16xi32>
      %add3A_1591 = arith.addi %mul3A_1590, %get3A_1587 : vector<16xi32>
      %add3A_1592 = vector.broadcast %mul3A_37 : i32 to vector<16xi32>
      %add3A_1593 = arith.addi %add3A_1591, %add3A_1592 : vector<16xi32>
      %swap3A_1594 = arith.constant 48 : index
      %swap3A_1595 = tpu.vector_load %arg19[%swap3A_1594] {strides = array<i32>} : memref<128xi32, #tpu.memory_space<vmem>>, vector<16xi32>,
      %swap3A_1596 = vector.shape_cast %swap3A_1595 : vector<16xi32> to vector<16xi32>
      %swap3A_1597 = vector.shape_cast %add3A_1593 : vector<16xi32> to vector<16xi32>
      tpu.vector_store %arg19[%swap3A_1594], %swap3A_1597 {strides = array<i32>} : memref<128xi32, #tpu.memory_space<vmem>>, vector<16xi32>,
      %get3A_1598 = arith.constant 64 : index
      %get3A_1599 = tpu.vector_load %arg11[%get3A_1598] {strides = array<i32>} : memref<128xi32, #tpu.memory_space<vmem>>, vector<16xi32>,
      %get3A_1600 = vector.shape_cast %get3A_1599 : vector<16xi32> to vector<16xi32>
      %get3A_1601 = arith.constant 64 : index
      %get3A_1602 = tpu.vector_load %arg15[%get3A_1601] {strides = array<i32>} : memref<128xi32, #tpu.memory_space<vmem>>, vector<16xi32>,
      %get3A_1603 = vector.shape_cast %get3A_1602 : vector<16xi32> to vector<16xi32>
      %mul3A_1604 = arith.constant 16 : i32
      %mul3A_1605 = vector.broadcast %mul3A_1604 : i32 to vector<16xi32>
      %mul3A_1606 = arith.muli %get3A_1600, %mul3A_1605 : vector<16xi32>
      %add3A_1607 = arith.addi %mul3A_1606, %get3A_1603 : vector<16xi32>
      %add3A_1608 = vector.broadcast %mul3A_37 : i32 to vector<16xi32>
      %add3A_1609 = arith.addi %add3A_1607, %add3A_1608 : vector<16xi32>
      %swap3A_1610 = arith.constant 64 : index
      %swap3A_1611 = tpu.vector_load %arg19[%swap3A_1610] {strides = array<i32>} : memref<128xi32, #tpu.memory_space<vmem>>, vector<16xi32>,
      %swap3A_1612 = vector.shape_cast %swap3A_1611 : vector<16xi32> to vector<16xi32>
      %swap3A_1613 = vector.shape_cast %add3A_1609 : vector<16xi32> to vector<16xi32>
      tpu.vector_store %arg19[%swap3A_1610], %swap3A_1613 {strides = array<i32>} : memref<128xi32, #tpu.memory_space<vmem>>, vector<16xi32>,
      %get3A_1614 = arith.constant 80 : index
      %get3A_1615 = tpu.vector_load %arg11[%get3A_1614] {strides = array<i32>} : memref<128xi32, #tpu.memory_space<vmem>>, vector<16xi32>,
      %get3A_1616 = vector.shape_cast %get3A_1615 : vector<16xi32> to vector<16xi32>
      %get3A_1617 = arith.constant 80 : index
      %get3A_1618 = tpu.vector_load %arg15[%get3A_1617] {strides = array<i32>} : memref<128xi32, #tpu.memory_space<vmem>>, vector<16xi32>,
      %get3A_1619 = vector.shape_cast %get3A_1618 : vector<16xi32> to vector<16xi32>
      %mul3A_1620 = arith.constant 16 : i32
      %mul3A_1621 = vector.broadcast %mul3A_1620 : i32 to vector<16xi32>
      %mul3A_1622 = arith.muli %get3A_1616, %mul3A_1621 : vector<16xi32>
      %add3A_1623 = arith.addi %mul3A_1622, %get3A_1619 : vector<16xi32>
      %add3A_1624 = vector.broadcast %mul3A_37 : i32 to vector<16xi32>
      %add3A_1625 = arith.addi %add3A_1623, %add3A_1624 : vector<16xi32>
      %swap3A_1626 = arith.constant 80 : index
      %swap3A_1627 = tpu.vector_load %arg19[%swap3A_1626] {strides = array<i32>} : memref<128xi32, #tpu.memory_space<vmem>>, vector<16xi32>,
      %swap3A_1628 = vector.shape_cast %swap3A_1627 : vector<16xi32> to vector<16xi32>
      %swap3A_1629 = vector.shape_cast %add3A_1625 : vector<16xi32> to vector<16xi32>
      tpu.vector_store %arg19[%swap3A_1626], %swap3A_1629 {strides = array<i32>} : memref<128xi32, #tpu.memory_space<vmem>>, vector<16xi32>,
      %get3A_1630 = arith.constant 96 : index
      %get3A_1631 = tpu.vector_load %arg11[%get3A_1630] {strides = array<i32>} : memref<128xi32, #tpu.memory_space<vmem>>, vector<16xi32>,
      %get3A_1632 = vector.shape_cast %get3A_1631 : vector<16xi32> to vector<16xi32>
      %get3A_1633 = arith.constant 96 : index
      %get3A_1634 = tpu.vector_load %arg15[%get3A_1633] {strides = array<i32>} : memref<128xi32, #tpu.memory_space<vmem>>, vector<16xi32>,
      %get3A_1635 = vector.shape_cast %get3A_1634 : vector<16xi32> to vector<16xi32>
      %mul3A_1636 = arith.constant 16 : i32
      %mul3A_1637 = vector.broadcast %mul3A_1636 : i32 to vector<16xi32>
      %mul3A_1638 = arith.muli %get3A_1632, %mul3A_1637 : vector<16xi32>
      %add3A_1639 = arith.addi %mul3A_1638, %get3A_1635 : vector<16xi32>
      %add3A_1640 = vector.broadcast %mul3A_37 : i32 to vector<16xi32>
      %add3A_1641 = arith.addi %add3A_1639, %add3A_1640 : vector<16xi32>
      %swap3A_1642 = arith.constant 96 : index
      %swap3A_1643 = tpu.vector_load %arg19[%swap3A_1642] {strides = array<i32>} : memref<128xi32, #tpu.memory_space<vmem>>, vector<16xi32>,
      %swap3A_1644 = vector.shape_cast %swap3A_1643 : vector<16xi32> to vector<16xi32>
      %swap3A_1645 = vector.shape_cast %add3A_1641 : vector<16xi32> to vector<16xi32>
      tpu.vector_store %arg19[%swap3A_1642], %swap3A_1645 {strides = array<i32>} : memref<128xi32, #tpu.memory_space<vmem>>, vector<16xi32>,
      %get3A_1646 = arith.constant 112 : index
      %get3A_1647 = tpu.vector_load %arg11[%get3A_1646] {strides = array<i32>} : memref<128xi32, #tpu.memory_space<vmem>>, vector<16xi32>,
      %get3A_1648 = vector.shape_cast %get3A_1647 : vector<16xi32> to vector<16xi32>
      %get3A_1649 = arith.constant 112 : index
      %get3A_1650 = tpu.vector_load %arg15[%get3A_1649] {strides = array<i32>} : memref<128xi32, #tpu.memory_space<vmem>>, vector<16xi32>,
      %get3A_1651 = vector.shape_cast %get3A_1650 : vector<16xi32> to vector<16xi32>
      %mul3A_1652 = arith.constant 16 : i32
      %mul3A_1653 = vector.broadcast %mul3A_1652 : i32 to vector<16xi32>
      %mul3A_1654 = arith.muli %get3A_1648, %mul3A_1653 : vector<16xi32>
      %add3A_1655 = arith.addi %mul3A_1654, %get3A_1651 : vector<16xi32>
      %add3A_1656 = vector.broadcast %mul3A_37 : i32 to vector<16xi32>
      %add3A_1657 = arith.addi %add3A_1655, %add3A_1656 : vector<16xi32>
      %swap3A_1658 = arith.constant 112 : index
      %swap3A_1659 = tpu.vector_load %arg19[%swap3A_1658] {strides = array<i32>} : memref<128xi32, #tpu.memory_space<vmem>>, vector<16xi32>,
      %swap3A_1660 = vector.shape_cast %swap3A_1659 : vector<16xi32> to vector<16xi32>
      %swap3A_1661 = vector.shape_cast %add3A_1657 : vector<16xi32> to vector<16xi32>
      tpu.vector_store %arg19[%swap3A_1658], %swap3A_1661 {strides = array<i32>} : memref<128xi32, #tpu.memory_space<vmem>>, vector<16xi32>,
      %dma_start3A_1662 = arith.constant 0 : i32
      %dma_start3A_1663 = arith.constant 0 : i32
      %dma_start3A_1664 = tpu.memref_slice %arg24[%dma_start3A_1662, %dma_start3A_1663] : memref<2048x128xf32, #tpu.memory_space<vmem_shared>> -> memref<2048x128xf32, #tpu.memory_space<vmem_shared>>
      tpu.enqueue_indirect_dma source(%arg7 : memref<128x128xf32, #tpu.memory_space<vmem>>) target(%dma_start3A_1664 : memref<2048x128xf32, #tpu.memory_space<vmem_shared>>) offsets(%arg19 : memref<128xi32, #tpu.memory_space<vmem>>) semaphore(%arg31 : memref<!tpu.dma_semaphore, #tpu.memory_space<semaphore_mem>>) {add = true}
      %dma_wait3A_1665 = arith.constant 0 : i32
      %dma_wait3A_1666 = arith.constant 0 : i32
      %dma_wait3A_1667 = tpu.memref_slice %arg24[%dma_wait3A_1665, %dma_wait3A_1666] : memref<2048x128xf32, #tpu.memory_space<vmem_shared>> -> memref<2048x128xf32, #tpu.memory_space<vmem_shared>>
      tpu.wait_indirect_dma semaphore(%arg33 : memref<!tpu.dma_semaphore, #tpu.memory_space<semaphore_mem>>) src(%arg9 : memref<128x128xf32, #tpu.memory_space<vmem>>) dst(%dma_wait3A_1667 : memref<2048x128xf32, #tpu.memory_space<vmem_shared>>)
      %add3A_1668 = arith.constant 2 : i32
      %add3A_1669 = arith.addi %add3A_1519, %add3A_1668 : i32
      %mul3A_1670 = arith.constant 128 : i32
      %mul3A_1671 = arith.muli %add3A_1669, %mul3A_1670 : i32
      %add3A_1672 = arith.addi %mul3A_35, %mul3A_1671 : i32
      %dma_start3A_1673 = arith.constant 0 : i32
      %dma_start3A_1674 = tpu.memref_slice %arg2[%add3A, %add3A_1672, %dma_start3A_1673] : memref<16x16384x128xf32, #tpu.memory_space<hbm>> -> memref<1x128x128xf32, #tpu.memory_space<hbm>>
      %dma_start3A_1675 = tpu.memref_squeeze %dma_start3A_1674 : memref<1x128x128xf32, #tpu.memory_space<hbm>> -> memref<128x128xf32, #tpu.memory_space<hbm>>
      %dma_start3A_1676 = arith.constant 0 : i32
      %dma_start3A_1677 = tpu.memref_slice %arg2[%add3A, %add3A_1672, %dma_start3A_1676] : memref<16x16384x128xf32, #tpu.memory_space<hbm>> -> memref<1x128x128xf32, #tpu.memory_space<hbm>>
      %dma_start3A_1678 = tpu.memref_squeeze %dma_start3A_1677 : memref<1x128x128xf32, #tpu.memory_space<hbm>> -> memref<128x128xf32, #tpu.memory_space<hbm>>
      tpu.enqueue_dma source(%dma_start3A_1678 : memref<128x128xf32, #tpu.memory_space<hbm>>) target(%arg9 : memref<128x128xf32, #tpu.memory_space<vmem>>) target_semaphore(%arg29 : memref<!tpu.dma_semaphore, #tpu.memory_space<semaphore_mem>>)
      %mul3A_1679 = arith.constant 128 : i32
      %mul3A_1680 = arith.muli %add3A_1669, %mul3A_1679 : i32
      %add3A_1681 = arith.addi %mul3A_35, %mul3A_1680 : i32
      %dma_start3A_1682 = tpu.memref_slice %arg3[%add3A, %add3A_1681] : memref<16x16384xi32, #tpu.memory_space<hbm>> -> memref<1x128xi32, #tpu.memory_space<hbm>>
      %dma_start3A_1683 = tpu.memref_squeeze %dma_start3A_1682 : memref<1x128xi32, #tpu.memory_space<hbm>> -> memref<128xi32, #tpu.memory_space<hbm>>
      %dma_start3A_1684 = tpu.memref_slice %arg3[%add3A, %add3A_1681] : memref<16x16384xi32, #tpu.memory_space<hbm>> -> memref<1x128xi32, #tpu.memory_space<hbm>>
      %dma_start3A_1685 = tpu.memref_squeeze %dma_start3A_1684 : memref<1x128xi32, #tpu.memory_space<hbm>> -> memref<128xi32, #tpu.memory_space<hbm>>
      tpu.enqueue_dma source(%dma_start3A_1685 : memref<128xi32, #tpu.memory_space<hbm>>) target(%arg13 : memref<128xi32, #tpu.memory_space<vmem>>) target_semaphore(%arg29 : memref<!tpu.dma_semaphore, #tpu.memory_space<semaphore_mem>>)
      %mul3A_1686 = arith.constant 128 : i32
      %mul3A_1687 = arith.muli %add3A_1669, %mul3A_1686 : i32
      %add3A_1688 = arith.addi %mul3A_35, %mul3A_1687 : i32
      %dma_start3A_1689 = tpu.memref_slice %arg4[%add3A, %add3A_1688] : memref<16x16384xi32, #tpu.memory_space<hbm>> -> memref<1x128xi32, #tpu.memory_space<hbm>>
      %dma_start3A_1690 = tpu.memref_squeeze %dma_start3A_1689 : memref<1x128xi32, #tpu.memory_space<hbm>> -> memref<128xi32, #tpu.memory_space<hbm>>
      %dma_start3A_1691 = tpu.memref_slice %arg4[%add3A, %add3A_1688] : memref<16x16384xi32, #tpu.memory_space<hbm>> -> memref<1x128xi32, #tpu.memory_space<hbm>>
      %dma_start3A_1692 = tpu.memref_squeeze %dma_start3A_1691 : memref<1x128xi32, #tpu.memory_space<hbm>> -> memref<128xi32, #tpu.memory_space<hbm>>
      tpu.enqueue_dma source(%dma_start3A_1692 : memref<128xi32, #tpu.memory_space<hbm>>) target(%arg17 : memref<128xi32, #tpu.memory_space<vmem>>) target_semaphore(%arg29 : memref<!tpu.dma_semaphore, #tpu.memory_space<semaphore_mem>>)
      %scan3A_1693 = arith.constant 0 : i32
      %scan3A_1694 = arith.constant 0 : i32
      %scan3A_1695 = arith.constant 8 : i32
      %scan3A_1696 = arith.addi %scan3A_1694, %scan3A_1695 : i32
      %scan3A_1697 = arith.constant 1 : i32
      %scan3A_1698 = scf.for %scan3A_1701 = %scan3A_1694 to %scan3A_1696 step %scan3A_1697 iter_args(%scan3A_1702 = %scan3A_1693) -> (i32)  : i32 {
        %mul3A_1703 = arith.constant 16 : i32
        %mul3A_1704 = arith.muli %scan3A_1701, %mul3A_1703 : i32
        %get3A_1705 = arith.index_cast %mul3A_1704 : i32 to index
        %get3A_1706 = tpu.vector_load %arg19[%get3A_1705] {strides = array<i32>} : memref<128xi32, #tpu.memory_space<vmem>>, vector<16xi32>,
        %get3A_1707 = vector.shape_cast %get3A_1706 : vector<16xi32> to vector<16xi32>
        %sub3A_1708 = vector.broadcast %mul3A_37 : i32 to vector<16xi32>
        %sub3A_1709 = arith.subi %get3A_1707, %sub3A_1708 : vector<16xi32>
        %mul3A_1710 = arith.constant 16 : i32
        %mul3A_1711 = vector.broadcast %mul3A_1710 : i32 to vector<16xi32>
        %mul3A_1712 = arith.muli %sub3A_1709, %mul3A_1711 : vector<16xi32>
        %slice3A = vector.extract_strided_slice %mul3A_1712 {offsets = [0], sizes = [1], strides = [1]} : vector<16xi32> to vector<1xi32>
        %squeeze3A = vector.extract %slice3A[0] : i32 from vector<1xi32>
        %slice3A_1713 = vector.extract_strided_slice %mul3A_1712 {offsets = [1], sizes = [1], strides = [1]} : vector<16xi32> to vector<1xi32>
        %squeeze3A_1714 = vector.extract %slice3A_1713[0] : i32 from vector<1xi32>
        %get3A_1715 = arith.index_cast %squeeze3A : i32 to index
        %get3A_1716 = tpu.vector_load %arg22[%get3A_1715] {strides = array<i32>} : memref<4096xf32, #tpu.memory_space<vmem>>, vector<16xf32>,
        %get3A_1717 = vector.shape_cast %get3A_1716 : vector<16xf32> to vector<16xf32>
        %add3A_1718 = arith.addf %get3A_1717, %broadcast_in_dim3A_2 : vector<16xf32>
        %swap3A_1719 = arith.index_cast %squeeze3A : i32 to index
        %swap3A_1720 = tpu.vector_load %arg22[%swap3A_1719] {strides = array<i32>} : memref<4096xf32, #tpu.memory_space<vmem>>, vector<16xf32>,
        %swap3A_1721 = vector.shape_cast %swap3A_1720 : vector<16xf32> to vector<16xf32>
        %swap3A_1722 = vector.shape_cast %add3A_1718 : vector<16xf32> to vector<16xf32>
        tpu.vector_store %arg22[%swap3A_1719], %swap3A_1722 {strides = array<i32>} : memref<4096xf32, #tpu.memory_space<vmem>>, vector<16xf32>,
        %get3A_1723 = arith.index_cast %squeeze3A_1714 : i32 to index
        %get3A_1724 = tpu.vector_load %arg23[%get3A_1723] {strides = array<i32>} : memref<4096xf32, #tpu.memory_space<vmem>>, vector<16xf32>,
        %get3A_1725 = vector.shape_cast %get3A_1724 : vector<16xf32> to vector<16xf32>
        %add3A_1726 = arith.addf %get3A_1725, %broadcast_in_dim3A_2 : vector<16xf32>
        %swap3A_1727 = arith.index_cast %squeeze3A_1714 : i32 to index
        %swap3A_1728 = tpu.vector_load %arg23[%swap3A_1727] {strides = array<i32>} : memref<4096xf32, #tpu.memory_space<vmem>>, vector<16xf32>,
        %swap3A_1729 = vector.shape_cast %swap3A_1728 : vector<16xf32> to vector<16xf32>
        %swap3A_1730 = vector.shape_cast %add3A_1726 : vector<16xf32> to vector<16xf32>
        tpu.vector_store %arg23[%swap3A_1727], %swap3A_1730 {strides = array<i32>} : memref<4096xf32, #tpu.memory_space<vmem>>, vector<16xf32>,
        %slice3A_1731 = vector.extract_strided_slice %mul3A_1712 {offsets = [2], sizes = [1], strides = [1]} : vector<16xi32> to vector<1xi32>
        %squeeze3A_1732 = vector.extract %slice3A_1731[0] : i32 from vector<1xi32>
        %slice3A_1733 = vector.extract_strided_slice %mul3A_1712 {offsets = [3], sizes = [1], strides = [1]} : vector<16xi32> to vector<1xi32>
        %squeeze3A_1734 = vector.extract %slice3A_1733[0] : i32 from vector<1xi32>
        %get3A_1735 = arith.index_cast %squeeze3A_1732 : i32 to index
        %get3A_1736 = tpu.vector_load %arg22[%get3A_1735] {strides = array<i32>} : memref<4096xf32, #tpu.memory_space<vmem>>, vector<16xf32>,
        %get3A_1737 = vector.shape_cast %get3A_1736 : vector<16xf32> to vector<16xf32>
        %add3A_1738 = arith.addf %get3A_1737, %broadcast_in_dim3A_2 : vector<16xf32>
        %swap3A_1739 = arith.index_cast %squeeze3A_1732 : i32 to index
        %swap3A_1740 = tpu.vector_load %arg22[%swap3A_1739] {strides = array<i32>} : memref<4096xf32, #tpu.memory_space<vmem>>, vector<16xf32>,
        %swap3A_1741 = vector.shape_cast %swap3A_1740 : vector<16xf32> to vector<16xf32>
        %swap3A_1742 = vector.shape_cast %add3A_1738 : vector<16xf32> to vector<16xf32>
        tpu.vector_store %arg22[%swap3A_1739], %swap3A_1742 {strides = array<i32>} : memref<4096xf32, #tpu.memory_space<vmem>>, vector<16xf32>,
        %get3A_1743 = arith.index_cast %squeeze3A_1734 : i32 to index
        %get3A_1744 = tpu.vector_load %arg23[%get3A_1743] {strides = array<i32>} : memref<4096xf32, #tpu.memory_space<vmem>>, vector<16xf32>,
        %get3A_1745 = vector.shape_cast %get3A_1744 : vector<16xf32> to vector<16xf32>
        %add3A_1746 = arith.addf %get3A_1745, %broadcast_in_dim3A_2 : vector<16xf32>
        %swap3A_1747 = arith.index_cast %squeeze3A_1734 : i32 to index
        %swap3A_1748 = tpu.vector_load %arg23[%swap3A_1747] {strides = array<i32>} : memref<4096xf32, #tpu.memory_space<vmem>>, vector<16xf32>,
        %swap3A_1749 = vector.shape_cast %swap3A_1748 : vector<16xf32> to vector<16xf32>
        %swap3A_1750 = vector.shape_cast %add3A_1746 : vector<16xf32> to vector<16xf32>
        tpu.vector_store %arg23[%swap3A_1747], %swap3A_1750 {strides = array<i32>} : memref<4096xf32, #tpu.memory_space<vmem>>, vector<16xf32>,
        %slice3A_1751 = vector.extract_strided_slice %mul3A_1712 {offsets = [4], sizes = [1], strides = [1]} : vector<16xi32> to vector<1xi32>
        %squeeze3A_1752 = vector.extract %slice3A_1751[0] : i32 from vector<1xi32>
        %slice3A_1753 = vector.extract_strided_slice %mul3A_1712 {offsets = [5], sizes = [1], strides = [1]} : vector<16xi32> to vector<1xi32>
        %squeeze3A_1754 = vector.extract %slice3A_1753[0] : i32 from vector<1xi32>
        %get3A_1755 = arith.index_cast %squeeze3A_1752 : i32 to index
        %get3A_1756 = tpu.vector_load %arg22[%get3A_1755] {strides = array<i32>} : memref<4096xf32, #tpu.memory_space<vmem>>, vector<16xf32>,
        %get3A_1757 = vector.shape_cast %get3A_1756 : vector<16xf32> to vector<16xf32>
        %add3A_1758 = arith.addf %get3A_1757, %broadcast_in_dim3A_2 : vector<16xf32>
        %swap3A_1759 = arith.index_cast %squeeze3A_1752 : i32 to index
        %swap3A_1760 = tpu.vector_load %arg22[%swap3A_1759] {strides = array<i32>} : memref<4096xf32, #tpu.memory_space<vmem>>, vector<16xf32>,
        %swap3A_1761 = vector.shape_cast %swap3A_1760 : vector<16xf32> to vector<16xf32>
        %swap3A_1762 = vector.shape_cast %add3A_1758 : vector<16xf32> to vector<16xf32>
        tpu.vector_store %arg22[%swap3A_1759], %swap3A_1762 {strides = array<i32>} : memref<4096xf32, #tpu.memory_space<vmem>>, vector<16xf32>,
        %get3A_1763 = arith.index_cast %squeeze3A_1754 : i32 to index
        %get3A_1764 = tpu.vector_load %arg23[%get3A_1763] {strides = array<i32>} : memref<4096xf32, #tpu.memory_space<vmem>>, vector<16xf32>,
        %get3A_1765 = vector.shape_cast %get3A_1764 : vector<16xf32> to vector<16xf32>
        %add3A_1766 = arith.addf %get3A_1765, %broadcast_in_dim3A_2 : vector<16xf32>
        %swap3A_1767 = arith.index_cast %squeeze3A_1754 : i32 to index
        %swap3A_1768 = tpu.vector_load %arg23[%swap3A_1767] {strides = array<i32>} : memref<4096xf32, #tpu.memory_space<vmem>>, vector<16xf32>,
        %swap3A_1769 = vector.shape_cast %swap3A_1768 : vector<16xf32> to vector<16xf32>
        %swap3A_1770 = vector.shape_cast %add3A_1766 : vector<16xf32> to vector<16xf32>
        tpu.vector_store %arg23[%swap3A_1767], %swap3A_1770 {strides = array<i32>} : memref<4096xf32, #tpu.memory_space<vmem>>, vector<16xf32>,
        %slice3A_1771 = vector.extract_strided_slice %mul3A_1712 {offsets = [6], sizes = [1], strides = [1]} : vector<16xi32> to vector<1xi32>
        %squeeze3A_1772 = vector.extract %slice3A_1771[0] : i32 from vector<1xi32>
        %slice3A_1773 = vector.extract_strided_slice %mul3A_1712 {offsets = [7], sizes = [1], strides = [1]} : vector<16xi32> to vector<1xi32>
        %squeeze3A_1774 = vector.extract %slice3A_1773[0] : i32 from vector<1xi32>
        %get3A_1775 = arith.index_cast %squeeze3A_1772 : i32 to index
        %get3A_1776 = tpu.vector_load %arg22[%get3A_1775] {strides = array<i32>} : memref<4096xf32, #tpu.memory_space<vmem>>, vector<16xf32>,
        %get3A_1777 = vector.shape_cast %get3A_1776 : vector<16xf32> to vector<16xf32>
        %add3A_1778 = arith.addf %get3A_1777, %broadcast_in_dim3A_2 : vector<16xf32>
        %swap3A_1779 = arith.index_cast %squeeze3A_1772 : i32 to index
        %swap3A_1780 = tpu.vector_load %arg22[%swap3A_1779] {strides = array<i32>} : memref<4096xf32, #tpu.memory_space<vmem>>, vector<16xf32>,
        %swap3A_1781 = vector.shape_cast %swap3A_1780 : vector<16xf32> to vector<16xf32>
        %swap3A_1782 = vector.shape_cast %add3A_1778 : vector<16xf32> to vector<16xf32>
        tpu.vector_store %arg22[%swap3A_1779], %swap3A_1782 {strides = array<i32>} : memref<4096xf32, #tpu.memory_space<vmem>>, vector<16xf32>,
        %get3A_1783 = arith.index_cast %squeeze3A_1774 : i32 to index
        %get3A_1784 = tpu.vector_load %arg23[%get3A_1783] {strides = array<i32>} : memref<4096xf32, #tpu.memory_space<vmem>>, vector<16xf32>,
        %get3A_1785 = vector.shape_cast %get3A_1784 : vector<16xf32> to vector<16xf32>
        %add3A_1786 = arith.addf %get3A_1785, %broadcast_in_dim3A_2 : vector<16xf32>
        %swap3A_1787 = arith.index_cast %squeeze3A_1774 : i32 to index
        %swap3A_1788 = tpu.vector_load %arg23[%swap3A_1787] {strides = array<i32>} : memref<4096xf32, #tpu.memory_space<vmem>>, vector<16xf32>,
        %swap3A_1789 = vector.shape_cast %swap3A_1788 : vector<16xf32> to vector<16xf32>
        %swap3A_1790 = vector.shape_cast %add3A_1786 : vector<16xf32> to vector<16xf32>
        tpu.vector_store %arg23[%swap3A_1787], %swap3A_1790 {strides = array<i32>} : memref<4096xf32, #tpu.memory_space<vmem>>, vector<16xf32>,
        %slice3A_1791 = vector.extract_strided_slice %mul3A_1712 {offsets = [8], sizes = [1], strides = [1]} : vector<16xi32> to vector<1xi32>
        %squeeze3A_1792 = vector.extract %slice3A_1791[0] : i32 from vector<1xi32>
        %slice3A_1793 = vector.extract_strided_slice %mul3A_1712 {offsets = [9], sizes = [1], strides = [1]} : vector<16xi32> to vector<1xi32>
        %squeeze3A_1794 = vector.extract %slice3A_1793[0] : i32 from vector<1xi32>
        %get3A_1795 = arith.index_cast %squeeze3A_1792 : i32 to index
        %get3A_1796 = tpu.vector_load %arg22[%get3A_1795] {strides = array<i32>} : memref<4096xf32, #tpu.memory_space<vmem>>, vector<16xf32>,
        %get3A_1797 = vector.shape_cast %get3A_1796 : vector<16xf32> to vector<16xf32>
        %add3A_1798 = arith.addf %get3A_1797, %broadcast_in_dim3A_2 : vector<16xf32>
        %swap3A_1799 = arith.index_cast %squeeze3A_1792 : i32 to index
        %swap3A_1800 = tpu.vector_load %arg22[%swap3A_1799] {strides = array<i32>} : memref<4096xf32, #tpu.memory_space<vmem>>, vector<16xf32>,
        %swap3A_1801 = vector.shape_cast %swap3A_1800 : vector<16xf32> to vector<16xf32>
        %swap3A_1802 = vector.shape_cast %add3A_1798 : vector<16xf32> to vector<16xf32>
        tpu.vector_store %arg22[%swap3A_1799], %swap3A_1802 {strides = array<i32>} : memref<4096xf32, #tpu.memory_space<vmem>>, vector<16xf32>,
        %get3A_1803 = arith.index_cast %squeeze3A_1794 : i32 to index
        %get3A_1804 = tpu.vector_load %arg23[%get3A_1803] {strides = array<i32>} : memref<4096xf32, #tpu.memory_space<vmem>>, vector<16xf32>,
        %get3A_1805 = vector.shape_cast %get3A_1804 : vector<16xf32> to vector<16xf32>
        %add3A_1806 = arith.addf %get3A_1805, %broadcast_in_dim3A_2 : vector<16xf32>
        %swap3A_1807 = arith.index_cast %squeeze3A_1794 : i32 to index
        %swap3A_1808 = tpu.vector_load %arg23[%swap3A_1807] {strides = array<i32>} : memref<4096xf32, #tpu.memory_space<vmem>>, vector<16xf32>,
        %swap3A_1809 = vector.shape_cast %swap3A_1808 : vector<16xf32> to vector<16xf32>
        %swap3A_1810 = vector.shape_cast %add3A_1806 : vector<16xf32> to vector<16xf32>
        tpu.vector_store %arg23[%swap3A_1807], %swap3A_1810 {strides = array<i32>} : memref<4096xf32, #tpu.memory_space<vmem>>, vector<16xf32>,
        %slice3A_1811 = vector.extract_strided_slice %mul3A_1712 {offsets = [10], sizes = [1], strides = [1]} : vector<16xi32> to vector<1xi32>
        %squeeze3A_1812 = vector.extract %slice3A_1811[0] : i32 from vector<1xi32>
        %slice3A_1813 = vector.extract_strided_slice %mul3A_1712 {offsets = [11], sizes = [1], strides = [1]} : vector<16xi32> to vector<1xi32>
        %squeeze3A_1814 = vector.extract %slice3A_1813[0] : i32 from vector<1xi32>
        %get3A_1815 = arith.index_cast %squeeze3A_1812 : i32 to index
        %get3A_1816 = tpu.vector_load %arg22[%get3A_1815] {strides = array<i32>} : memref<4096xf32, #tpu.memory_space<vmem>>, vector<16xf32>,
        %get3A_1817 = vector.shape_cast %get3A_1816 : vector<16xf32> to vector<16xf32>
        %add3A_1818 = arith.addf %get3A_1817, %broadcast_in_dim3A_2 : vector<16xf32>
        %swap3A_1819 = arith.index_cast %squeeze3A_1812 : i32 to index
        %swap3A_1820 = tpu.vector_load %arg22[%swap3A_1819] {strides = array<i32>} : memref<4096xf32, #tpu.memory_space<vmem>>, vector<16xf32>,
        %swap3A_1821 = vector.shape_cast %swap3A_1820 : vector<16xf32> to vector<16xf32>
        %swap3A_1822 = vector.shape_cast %add3A_1818 : vector<16xf32> to vector<16xf32>
        tpu.vector_store %arg22[%swap3A_1819], %swap3A_1822 {strides = array<i32>} : memref<4096xf32, #tpu.memory_space<vmem>>, vector<16xf32>,
        %get3A_1823 = arith.index_cast %squeeze3A_1814 : i32 to index
        %get3A_1824 = tpu.vector_load %arg23[%get3A_1823] {strides = array<i32>} : memref<4096xf32, #tpu.memory_space<vmem>>, vector<16xf32>,
        %get3A_1825 = vector.shape_cast %get3A_1824 : vector<16xf32> to vector<16xf32>
        %add3A_1826 = arith.addf %get3A_1825, %broadcast_in_dim3A_2 : vector<16xf32>
        %swap3A_1827 = arith.index_cast %squeeze3A_1814 : i32 to index
        %swap3A_1828 = tpu.vector_load %arg23[%swap3A_1827] {strides = array<i32>} : memref<4096xf32, #tpu.memory_space<vmem>>, vector<16xf32>,
        %swap3A_1829 = vector.shape_cast %swap3A_1828 : vector<16xf32> to vector<16xf32>
        %swap3A_1830 = vector.shape_cast %add3A_1826 : vector<16xf32> to vector<16xf32>
        tpu.vector_store %arg23[%swap3A_1827], %swap3A_1830 {strides = array<i32>} : memref<4096xf32, #tpu.memory_space<vmem>>, vector<16xf32>,
        %slice3A_1831 = vector.extract_strided_slice %mul3A_1712 {offsets = [12], sizes = [1], strides = [1]} : vector<16xi32> to vector<1xi32>
        %squeeze3A_1832 = vector.extract %slice3A_1831[0] : i32 from vector<1xi32>
        %slice3A_1833 = vector.extract_strided_slice %mul3A_1712 {offsets = [13], sizes = [1], strides = [1]} : vector<16xi32> to vector<1xi32>
        %squeeze3A_1834 = vector.extract %slice3A_1833[0] : i32 from vector<1xi32>
        %get3A_1835 = arith.index_cast %squeeze3A_1832 : i32 to index
        %get3A_1836 = tpu.vector_load %arg22[%get3A_1835] {strides = array<i32>} : memref<4096xf32, #tpu.memory_space<vmem>>, vector<16xf32>,
        %get3A_1837 = vector.shape_cast %get3A_1836 : vector<16xf32> to vector<16xf32>
        %add3A_1838 = arith.addf %get3A_1837, %broadcast_in_dim3A_2 : vector<16xf32>
        %swap3A_1839 = arith.index_cast %squeeze3A_1832 : i32 to index
        %swap3A_1840 = tpu.vector_load %arg22[%swap3A_1839] {strides = array<i32>} : memref<4096xf32, #tpu.memory_space<vmem>>, vector<16xf32>,
        %swap3A_1841 = vector.shape_cast %swap3A_1840 : vector<16xf32> to vector<16xf32>
        %swap3A_1842 = vector.shape_cast %add3A_1838 : vector<16xf32> to vector<16xf32>
        tpu.vector_store %arg22[%swap3A_1839], %swap3A_1842 {strides = array<i32>} : memref<4096xf32, #tpu.memory_space<vmem>>, vector<16xf32>,
        %get3A_1843 = arith.index_cast %squeeze3A_1834 : i32 to index
        %get3A_1844 = tpu.vector_load %arg23[%get3A_1843] {strides = array<i32>} : memref<4096xf32, #tpu.memory_space<vmem>>, vector<16xf32>,
        %get3A_1845 = vector.shape_cast %get3A_1844 : vector<16xf32> to vector<16xf32>
        %add3A_1846 = arith.addf %get3A_1845, %broadcast_in_dim3A_2 : vector<16xf32>
        %swap3A_1847 = arith.index_cast %squeeze3A_1834 : i32 to index
        %swap3A_1848 = tpu.vector_load %arg23[%swap3A_1847] {strides = array<i32>} : memref<4096xf32, #tpu.memory_space<vmem>>, vector<16xf32>,
        %swap3A_1849 = vector.shape_cast %swap3A_1848 : vector<16xf32> to vector<16xf32>
        %swap3A_1850 = vector.shape_cast %add3A_1846 : vector<16xf32> to vector<16xf32>
        tpu.vector_store %arg23[%swap3A_1847], %swap3A_1850 {strides = array<i32>} : memref<4096xf32, #tpu.memory_space<vmem>>, vector<16xf32>,
        %slice3A_1851 = vector.extract_strided_slice %mul3A_1712 {offsets = [14], sizes = [1], strides = [1]} : vector<16xi32> to vector<1xi32>
        %squeeze3A_1852 = vector.extract %slice3A_1851[0] : i32 from vector<1xi32>
        %slice3A_1853 = vector.extract_strided_slice %mul3A_1712 {offsets = [15], sizes = [1], strides = [1]} : vector<16xi32> to vector<1xi32>
        %squeeze3A_1854 = vector.extract %slice3A_1853[0] : i32 from vector<1xi32>
        %get3A_1855 = arith.index_cast %squeeze3A_1852 : i32 to index
        %get3A_1856 = tpu.vector_load %arg22[%get3A_1855] {strides = array<i32>} : memref<4096xf32, #tpu.memory_space<vmem>>, vector<16xf32>,
        %get3A_1857 = vector.shape_cast %get3A_1856 : vector<16xf32> to vector<16xf32>
        %add3A_1858 = arith.addf %get3A_1857, %broadcast_in_dim3A_2 : vector<16xf32>
        %swap3A_1859 = arith.index_cast %squeeze3A_1852 : i32 to index
        %swap3A_1860 = tpu.vector_load %arg22[%swap3A_1859] {strides = array<i32>} : memref<4096xf32, #tpu.memory_space<vmem>>, vector<16xf32>,
        %swap3A_1861 = vector.shape_cast %swap3A_1860 : vector<16xf32> to vector<16xf32>
        %swap3A_1862 = vector.shape_cast %add3A_1858 : vector<16xf32> to vector<16xf32>
        tpu.vector_store %arg22[%swap3A_1859], %swap3A_1862 {strides = array<i32>} : memref<4096xf32, #tpu.memory_space<vmem>>, vector<16xf32>,
        %get3A_1863 = arith.index_cast %squeeze3A_1854 : i32 to index
        %get3A_1864 = tpu.vector_load %arg23[%get3A_1863] {strides = array<i32>} : memref<4096xf32, #tpu.memory_space<vmem>>, vector<16xf32>,
        %get3A_1865 = vector.shape_cast %get3A_1864 : vector<16xf32> to vector<16xf32>
        %add3A_1866 = arith.addf %get3A_1865, %broadcast_in_dim3A_2 : vector<16xf32>
        %swap3A_1867 = arith.index_cast %squeeze3A_1854 : i32 to index
        %swap3A_1868 = tpu.vector_load %arg23[%swap3A_1867] {strides = array<i32>} : memref<4096xf32, #tpu.memory_space<vmem>>, vector<16xf32>,
        %swap3A_1869 = vector.shape_cast %swap3A_1868 : vector<16xf32> to vector<16xf32>
        %swap3A_1870 = vector.shape_cast %add3A_1866 : vector<16xf32> to vector<16xf32>
        tpu.vector_store %arg23[%swap3A_1867], %swap3A_1870 {strides = array<i32>} : memref<4096xf32, #tpu.memory_space<vmem>>, vector<16xf32>,
        %scan3A_1871 = arith.constant 0 : i32
        scf.yield %scan3A_1871 : i32
      }
      %scan3A_1699 = arith.constant 8 : i32
      %scan3A_1700 = arith.constant 0 : i32
      scf.yield %scan3A_1700 : i32
    }
    %scan3A_445 = arith.constant 15 : i32
    %dma_wait3A_446 = arith.constant 0 : i32
    %dma_wait3A_447 = tpu.memref_slice %arg2[%add3A, %mul3A_35, %dma_wait3A_446] : memref<16x16384x128xf32, #tpu.memory_space<hbm>> -> memref<1x128x128xf32, #tpu.memory_space<hbm>>
    %dma_wait3A_448 = tpu.memref_squeeze %dma_wait3A_447 : memref<1x128x128xf32, #tpu.memory_space<hbm>> -> memref<128x128xf32, #tpu.memory_space<hbm>>
    %dma_wait3A_449 = arith.constant 0 : i32
    %dma_wait3A_450 = tpu.memref_slice %arg2[%add3A, %mul3A_35, %dma_wait3A_449] : memref<16x16384x128xf32, #tpu.memory_space<hbm>> -> memref<1x128x128xf32, #tpu.memory_space<hbm>>
    %dma_wait3A_451 = tpu.memref_squeeze %dma_wait3A_450 : memref<1x128x128xf32, #tpu.memory_space<hbm>> -> memref<128x128xf32, #tpu.memory_space<hbm>>
    tpu.wait_dma2 semaphore(%arg28 : memref<!tpu.dma_semaphore, #tpu.memory_space<semaphore_mem>>) src(%dma_wait3A_451 : memref<128x128xf32, #tpu.memory_space<hbm>>) dst(%arg8 : memref<128x128xf32, #tpu.memory_space<vmem>>)
    %dma_wait3A_452 = tpu.memref_slice %arg3[%add3A, %mul3A_35] : memref<16x16384xi32, #tpu.memory_space<hbm>> -> memref<1x128xi32, #tpu.memory_space<hbm>>
    %dma_wait3A_453 = tpu.memref_squeeze %dma_wait3A_452 : memref<1x128xi32, #tpu.memory_space<hbm>> -> memref<128xi32, #tpu.memory_space<hbm>>
    %dma_wait3A_454 = tpu.memref_slice %arg3[%add3A, %mul3A_35] : memref<16x16384xi32, #tpu.memory_space<hbm>> -> memref<1x128xi32, #tpu.memory_space<hbm>>
    %dma_wait3A_455 = tpu.memref_squeeze %dma_wait3A_454 : memref<1x128xi32, #tpu.memory_space<hbm>> -> memref<128xi32, #tpu.memory_space<hbm>>
    tpu.wait_dma2 semaphore(%arg28 : memref<!tpu.dma_semaphore, #tpu.memory_space<semaphore_mem>>) src(%dma_wait3A_455 : memref<128xi32, #tpu.memory_space<hbm>>) dst(%arg12 : memref<128xi32, #tpu.memory_space<vmem>>)
    %dma_wait3A_456 = tpu.memref_slice %arg4[%add3A, %mul3A_35] : memref<16x16384xi32, #tpu.memory_space<hbm>> -> memref<1x128xi32, #tpu.memory_space<hbm>>
    %dma_wait3A_457 = tpu.memref_squeeze %dma_wait3A_456 : memref<1x128xi32, #tpu.memory_space<hbm>> -> memref<128xi32, #tpu.memory_space<hbm>>
    %dma_wait3A_458 = tpu.memref_slice %arg4[%add3A, %mul3A_35] : memref<16x16384xi32, #tpu.memory_space<hbm>> -> memref<1x128xi32, #tpu.memory_space<hbm>>
    %dma_wait3A_459 = tpu.memref_squeeze %dma_wait3A_458 : memref<1x128xi32, #tpu.memory_space<hbm>> -> memref<128xi32, #tpu.memory_space<hbm>>
    tpu.wait_dma2 semaphore(%arg28 : memref<!tpu.dma_semaphore, #tpu.memory_space<semaphore_mem>>) src(%dma_wait3A_459 : memref<128xi32, #tpu.memory_space<hbm>>) dst(%arg16 : memref<128xi32, #tpu.memory_space<vmem>>)
    %get3A_460 = arith.constant 0 : index
    %get3A_461 = tpu.vector_load %arg12[%get3A_460] {strides = array<i32>} : memref<128xi32, #tpu.memory_space<vmem>>, vector<16xi32>,
    %get3A_462 = vector.shape_cast %get3A_461 : vector<16xi32> to vector<16xi32>
    %get3A_463 = arith.constant 0 : index
    %get3A_464 = tpu.vector_load %arg16[%get3A_463] {strides = array<i32>} : memref<128xi32, #tpu.memory_space<vmem>>, vector<16xi32>,
    %get3A_465 = vector.shape_cast %get3A_464 : vector<16xi32> to vector<16xi32>
    %mul3A_466 = arith.constant 16 : i32
    %mul3A_467 = vector.broadcast %mul3A_466 : i32 to vector<16xi32>
    %mul3A_468 = arith.muli %get3A_462, %mul3A_467 : vector<16xi32>
    %add3A_469 = arith.addi %mul3A_468, %get3A_465 : vector<16xi32>
    %add3A_470 = vector.broadcast %mul3A_37 : i32 to vector<16xi32>
    %add3A_471 = arith.addi %add3A_469, %add3A_470 : vector<16xi32>
    %swap3A_472 = arith.constant 0 : index
    %swap3A_473 = tpu.vector_load %arg20[%swap3A_472] {strides = array<i32>} : memref<128xi32, #tpu.memory_space<vmem>>, vector<16xi32>,
    %swap3A_474 = vector.shape_cast %swap3A_473 : vector<16xi32> to vector<16xi32>
    %swap3A_475 = vector.shape_cast %add3A_471 : vector<16xi32> to vector<16xi32>
    tpu.vector_store %arg20[%swap3A_472], %swap3A_475 {strides = array<i32>} : memref<128xi32, #tpu.memory_space<vmem>>, vector<16xi32>,
    %get3A_476 = arith.constant 16 : index
    %get3A_477 = tpu.vector_load %arg12[%get3A_476] {strides = array<i32>} : memref<128xi32, #tpu.memory_space<vmem>>, vector<16xi32>,
    %get3A_478 = vector.shape_cast %get3A_477 : vector<16xi32> to vector<16xi32>
    %get3A_479 = arith.constant 16 : index
    %get3A_480 = tpu.vector_load %arg16[%get3A_479] {strides = array<i32>} : memref<128xi32, #tpu.memory_space<vmem>>, vector<16xi32>,
    %get3A_481 = vector.shape_cast %get3A_480 : vector<16xi32> to vector<16xi32>
    %mul3A_482 = arith.constant 16 : i32
    %mul3A_483 = vector.broadcast %mul3A_482 : i32 to vector<16xi32>
    %mul3A_484 = arith.muli %get3A_478, %mul3A_483 : vector<16xi32>
    %add3A_485 = arith.addi %mul3A_484, %get3A_481 : vector<16xi32>
    %add3A_486 = vector.broadcast %mul3A_37 : i32 to vector<16xi32>
    %add3A_487 = arith.addi %add3A_485, %add3A_486 : vector<16xi32>
    %swap3A_488 = arith.constant 16 : index
    %swap3A_489 = tpu.vector_load %arg20[%swap3A_488] {strides = array<i32>} : memref<128xi32, #tpu.memory_space<vmem>>, vector<16xi32>,
    %swap3A_490 = vector.shape_cast %swap3A_489 : vector<16xi32> to vector<16xi32>
    %swap3A_491 = vector.shape_cast %add3A_487 : vector<16xi32> to vector<16xi32>
    tpu.vector_store %arg20[%swap3A_488], %swap3A_491 {strides = array<i32>} : memref<128xi32, #tpu.memory_space<vmem>>, vector<16xi32>,
    %get3A_492 = arith.constant 32 : index
    %get3A_493 = tpu.vector_load %arg12[%get3A_492] {strides = array<i32>} : memref<128xi32, #tpu.memory_space<vmem>>, vector<16xi32>,
    %get3A_494 = vector.shape_cast %get3A_493 : vector<16xi32> to vector<16xi32>
    %get3A_495 = arith.constant 32 : index
    %get3A_496 = tpu.vector_load %arg16[%get3A_495] {strides = array<i32>} : memref<128xi32, #tpu.memory_space<vmem>>, vector<16xi32>,
    %get3A_497 = vector.shape_cast %get3A_496 : vector<16xi32> to vector<16xi32>
    %mul3A_498 = arith.constant 16 : i32
    %mul3A_499 = vector.broadcast %mul3A_498 : i32 to vector<16xi32>
    %mul3A_500 = arith.muli %get3A_494, %mul3A_499 : vector<16xi32>
    %add3A_501 = arith.addi %mul3A_500, %get3A_497 : vector<16xi32>
    %add3A_502 = vector.broadcast %mul3A_37 : i32 to vector<16xi32>
    %add3A_503 = arith.addi %add3A_501, %add3A_502 : vector<16xi32>
    %swap3A_504 = arith.constant 32 : index
    %swap3A_505 = tpu.vector_load %arg20[%swap3A_504] {strides = array<i32>} : memref<128xi32, #tpu.memory_space<vmem>>, vector<16xi32>,
    %swap3A_506 = vector.shape_cast %swap3A_505 : vector<16xi32> to vector<16xi32>
    %swap3A_507 = vector.shape_cast %add3A_503 : vector<16xi32> to vector<16xi32>
    tpu.vector_store %arg20[%swap3A_504], %swap3A_507 {strides = array<i32>} : memref<128xi32, #tpu.memory_space<vmem>>, vector<16xi32>,
    %get3A_508 = arith.constant 48 : index
    %get3A_509 = tpu.vector_load %arg12[%get3A_508] {strides = array<i32>} : memref<128xi32, #tpu.memory_space<vmem>>, vector<16xi32>,
    %get3A_510 = vector.shape_cast %get3A_509 : vector<16xi32> to vector<16xi32>
    %get3A_511 = arith.constant 48 : index
    %get3A_512 = tpu.vector_load %arg16[%get3A_511] {strides = array<i32>} : memref<128xi32, #tpu.memory_space<vmem>>, vector<16xi32>,
    %get3A_513 = vector.shape_cast %get3A_512 : vector<16xi32> to vector<16xi32>
    %mul3A_514 = arith.constant 16 : i32
    %mul3A_515 = vector.broadcast %mul3A_514 : i32 to vector<16xi32>
    %mul3A_516 = arith.muli %get3A_510, %mul3A_515 : vector<16xi32>
    %add3A_517 = arith.addi %mul3A_516, %get3A_513 : vector<16xi32>
    %add3A_518 = vector.broadcast %mul3A_37 : i32 to vector<16xi32>
    %add3A_519 = arith.addi %add3A_517, %add3A_518 : vector<16xi32>
    %swap3A_520 = arith.constant 48 : index
    %swap3A_521 = tpu.vector_load %arg20[%swap3A_520] {strides = array<i32>} : memref<128xi32, #tpu.memory_space<vmem>>, vector<16xi32>,
    %swap3A_522 = vector.shape_cast %swap3A_521 : vector<16xi32> to vector<16xi32>
    %swap3A_523 = vector.shape_cast %add3A_519 : vector<16xi32> to vector<16xi32>
    tpu.vector_store %arg20[%swap3A_520], %swap3A_523 {strides = array<i32>} : memref<128xi32, #tpu.memory_space<vmem>>, vector<16xi32>,
    %get3A_524 = arith.constant 64 : index
    %get3A_525 = tpu.vector_load %arg12[%get3A_524] {strides = array<i32>} : memref<128xi32, #tpu.memory_space<vmem>>, vector<16xi32>,
    %get3A_526 = vector.shape_cast %get3A_525 : vector<16xi32> to vector<16xi32>
    %get3A_527 = arith.constant 64 : index
    %get3A_528 = tpu.vector_load %arg16[%get3A_527] {strides = array<i32>} : memref<128xi32, #tpu.memory_space<vmem>>, vector<16xi32>,
    %get3A_529 = vector.shape_cast %get3A_528 : vector<16xi32> to vector<16xi32>
    %mul3A_530 = arith.constant 16 : i32
    %mul3A_531 = vector.broadcast %mul3A_530 : i32 to vector<16xi32>
    %mul3A_532 = arith.muli %get3A_526, %mul3A_531 : vector<16xi32>
    %add3A_533 = arith.addi %mul3A_532, %get3A_529 : vector<16xi32>
    %add3A_534 = vector.broadcast %mul3A_37 : i32 to vector<16xi32>
    %add3A_535 = arith.addi %add3A_533, %add3A_534 : vector<16xi32>
    %swap3A_536 = arith.constant 64 : index
    %swap3A_537 = tpu.vector_load %arg20[%swap3A_536] {strides = array<i32>} : memref<128xi32, #tpu.memory_space<vmem>>, vector<16xi32>,
    %swap3A_538 = vector.shape_cast %swap3A_537 : vector<16xi32> to vector<16xi32>
    %swap3A_539 = vector.shape_cast %add3A_535 : vector<16xi32> to vector<16xi32>
    tpu.vector_store %arg20[%swap3A_536], %swap3A_539 {strides = array<i32>} : memref<128xi32, #tpu.memory_space<vmem>>, vector<16xi32>,
    %get3A_540 = arith.constant 80 : index
    %get3A_541 = tpu.vector_load %arg12[%get3A_540] {strides = array<i32>} : memref<128xi32, #tpu.memory_space<vmem>>, vector<16xi32>,
    %get3A_542 = vector.shape_cast %get3A_541 : vector<16xi32> to vector<16xi32>
    %get3A_543 = arith.constant 80 : index
    %get3A_544 = tpu.vector_load %arg16[%get3A_543] {strides = array<i32>} : memref<128xi32, #tpu.memory_space<vmem>>, vector<16xi32>,
    %get3A_545 = vector.shape_cast %get3A_544 : vector<16xi32> to vector<16xi32>
    %mul3A_546 = arith.constant 16 : i32
    %mul3A_547 = vector.broadcast %mul3A_546 : i32 to vector<16xi32>
    %mul3A_548 = arith.muli %get3A_542, %mul3A_547 : vector<16xi32>
    %add3A_549 = arith.addi %mul3A_548, %get3A_545 : vector<16xi32>
    %add3A_550 = vector.broadcast %mul3A_37 : i32 to vector<16xi32>
    %add3A_551 = arith.addi %add3A_549, %add3A_550 : vector<16xi32>
    %swap3A_552 = arith.constant 80 : index
    %swap3A_553 = tpu.vector_load %arg20[%swap3A_552] {strides = array<i32>} : memref<128xi32, #tpu.memory_space<vmem>>, vector<16xi32>,
    %swap3A_554 = vector.shape_cast %swap3A_553 : vector<16xi32> to vector<16xi32>
    %swap3A_555 = vector.shape_cast %add3A_551 : vector<16xi32> to vector<16xi32>
    tpu.vector_store %arg20[%swap3A_552], %swap3A_555 {strides = array<i32>} : memref<128xi32, #tpu.memory_space<vmem>>, vector<16xi32>,
    %get3A_556 = arith.constant 96 : index
    %get3A_557 = tpu.vector_load %arg12[%get3A_556] {strides = array<i32>} : memref<128xi32, #tpu.memory_space<vmem>>, vector<16xi32>,
    %get3A_558 = vector.shape_cast %get3A_557 : vector<16xi32> to vector<16xi32>
    %get3A_559 = arith.constant 96 : index
    %get3A_560 = tpu.vector_load %arg16[%get3A_559] {strides = array<i32>} : memref<128xi32, #tpu.memory_space<vmem>>, vector<16xi32>,
    %get3A_561 = vector.shape_cast %get3A_560 : vector<16xi32> to vector<16xi32>
    %mul3A_562 = arith.constant 16 : i32
    %mul3A_563 = vector.broadcast %mul3A_562 : i32 to vector<16xi32>
    %mul3A_564 = arith.muli %get3A_558, %mul3A_563 : vector<16xi32>
    %add3A_565 = arith.addi %mul3A_564, %get3A_561 : vector<16xi32>
    %add3A_566 = vector.broadcast %mul3A_37 : i32 to vector<16xi32>
    %add3A_567 = arith.addi %add3A_565, %add3A_566 : vector<16xi32>
    %swap3A_568 = arith.constant 96 : index
    %swap3A_569 = tpu.vector_load %arg20[%swap3A_568] {strides = array<i32>} : memref<128xi32, #tpu.memory_space<vmem>>, vector<16xi32>,
    %swap3A_570 = vector.shape_cast %swap3A_569 : vector<16xi32> to vector<16xi32>
    %swap3A_571 = vector.shape_cast %add3A_567 : vector<16xi32> to vector<16xi32>
    tpu.vector_store %arg20[%swap3A_568], %swap3A_571 {strides = array<i32>} : memref<128xi32, #tpu.memory_space<vmem>>, vector<16xi32>,
    %get3A_572 = arith.constant 112 : index
    %get3A_573 = tpu.vector_load %arg12[%get3A_572] {strides = array<i32>} : memref<128xi32, #tpu.memory_space<vmem>>, vector<16xi32>,
    %get3A_574 = vector.shape_cast %get3A_573 : vector<16xi32> to vector<16xi32>
    %get3A_575 = arith.constant 112 : index
    %get3A_576 = tpu.vector_load %arg16[%get3A_575] {strides = array<i32>} : memref<128xi32, #tpu.memory_space<vmem>>, vector<16xi32>,
    %get3A_577 = vector.shape_cast %get3A_576 : vector<16xi32> to vector<16xi32>
    %mul3A_578 = arith.constant 16 : i32
    %mul3A_579 = vector.broadcast %mul3A_578 : i32 to vector<16xi32>
    %mul3A_580 = arith.muli %get3A_574, %mul3A_579 : vector<16xi32>
    %add3A_581 = arith.addi %mul3A_580, %get3A_577 : vector<16xi32>
    %add3A_582 = vector.broadcast %mul3A_37 : i32 to vector<16xi32>
    %add3A_583 = arith.addi %add3A_581, %add3A_582 : vector<16xi32>
    %swap3A_584 = arith.constant 112 : index
    %swap3A_585 = tpu.vector_load %arg20[%swap3A_584] {strides = array<i32>} : memref<128xi32, #tpu.memory_space<vmem>>, vector<16xi32>,
    %swap3A_586 = vector.shape_cast %swap3A_585 : vector<16xi32> to vector<16xi32>
    %swap3A_587 = vector.shape_cast %add3A_583 : vector<16xi32> to vector<16xi32>
    tpu.vector_store %arg20[%swap3A_584], %swap3A_587 {strides = array<i32>} : memref<128xi32, #tpu.memory_space<vmem>>, vector<16xi32>,
    %dma_start3A_588 = arith.constant 0 : i32
    %dma_start3A_589 = arith.constant 0 : i32
    %dma_start3A_590 = tpu.memref_slice %arg24[%dma_start3A_588, %dma_start3A_589] : memref<2048x128xf32, #tpu.memory_space<vmem_shared>> -> memref<2048x128xf32, #tpu.memory_space<vmem_shared>>
    tpu.enqueue_indirect_dma source(%arg8 : memref<128x128xf32, #tpu.memory_space<vmem>>) target(%dma_start3A_590 : memref<2048x128xf32, #tpu.memory_space<vmem_shared>>) offsets(%arg20 : memref<128xi32, #tpu.memory_space<vmem>>) semaphore(%arg32 : memref<!tpu.dma_semaphore, #tpu.memory_space<semaphore_mem>>) {add = true}
    %dma_wait3A_591 = arith.constant 0 : i32
    %dma_wait3A_592 = arith.constant 0 : i32
    %dma_wait3A_593 = tpu.memref_slice %arg24[%dma_wait3A_591, %dma_wait3A_592] : memref<2048x128xf32, #tpu.memory_space<vmem_shared>> -> memref<2048x128xf32, #tpu.memory_space<vmem_shared>>
    tpu.wait_indirect_dma semaphore(%arg30 : memref<!tpu.dma_semaphore, #tpu.memory_space<semaphore_mem>>) src(%arg6 : memref<128x128xf32, #tpu.memory_space<vmem>>) dst(%dma_wait3A_593 : memref<2048x128xf32, #tpu.memory_space<vmem_shared>>)
    %scan3A_594 = arith.constant 0 : i32
    %scan3A_595 = arith.constant 0 : i32
    %scan3A_596 = arith.constant 8 : i32
    %scan3A_597 = arith.addi %scan3A_595, %scan3A_596 : i32
    %scan3A_598 = arith.constant 1 : i32
    %scan3A_599 = scf.for %scan3A_966 = %scan3A_595 to %scan3A_597 step %scan3A_598 iter_args(%scan3A_967 = %scan3A_594) -> (i32)  : i32 {
      %mul3A_968 = arith.constant 16 : i32
      %mul3A_969 = arith.muli %scan3A_966, %mul3A_968 : i32
      %get3A_970 = arith.index_cast %mul3A_969 : i32 to index
      %get3A_971 = tpu.vector_load %arg20[%get3A_970] {strides = array<i32>} : memref<128xi32, #tpu.memory_space<vmem>>, vector<16xi32>,
      %get3A_972 = vector.shape_cast %get3A_971 : vector<16xi32> to vector<16xi32>
      %sub3A_973 = vector.broadcast %mul3A_37 : i32 to vector<16xi32>
      %sub3A_974 = arith.subi %get3A_972, %sub3A_973 : vector<16xi32>
      %mul3A_975 = arith.constant 16 : i32
      %mul3A_976 = vector.broadcast %mul3A_975 : i32 to vector<16xi32>
      %mul3A_977 = arith.muli %sub3A_974, %mul3A_976 : vector<16xi32>
      %slice3A = vector.extract_strided_slice %mul3A_977 {offsets = [0], sizes = [1], strides = [1]} : vector<16xi32> to vector<1xi32>
      %squeeze3A = vector.extract %slice3A[0] : i32 from vector<1xi32>
      %slice3A_978 = vector.extract_strided_slice %mul3A_977 {offsets = [1], sizes = [1], strides = [1]} : vector<16xi32> to vector<1xi32>
      %squeeze3A_979 = vector.extract %slice3A_978[0] : i32 from vector<1xi32>
      %get3A_980 = arith.index_cast %squeeze3A : i32 to index
      %get3A_981 = tpu.vector_load %arg22[%get3A_980] {strides = array<i32>} : memref<4096xf32, #tpu.memory_space<vmem>>, vector<16xf32>,
      %get3A_982 = vector.shape_cast %get3A_981 : vector<16xf32> to vector<16xf32>
      %add3A_983 = arith.addf %get3A_982, %broadcast_in_dim3A_2 : vector<16xf32>
      %swap3A_984 = arith.index_cast %squeeze3A : i32 to index
      %swap3A_985 = tpu.vector_load %arg22[%swap3A_984] {strides = array<i32>} : memref<4096xf32, #tpu.memory_space<vmem>>, vector<16xf32>,
      %swap3A_986 = vector.shape_cast %swap3A_985 : vector<16xf32> to vector<16xf32>
      %swap3A_987 = vector.shape_cast %add3A_983 : vector<16xf32> to vector<16xf32>
      tpu.vector_store %arg22[%swap3A_984], %swap3A_987 {strides = array<i32>} : memref<4096xf32, #tpu.memory_space<vmem>>, vector<16xf32>,
      %get3A_988 = arith.index_cast %squeeze3A_979 : i32 to index
      %get3A_989 = tpu.vector_load %arg23[%get3A_988] {strides = array<i32>} : memref<4096xf32, #tpu.memory_space<vmem>>, vector<16xf32>,
      %get3A_990 = vector.shape_cast %get3A_989 : vector<16xf32> to vector<16xf32>
      %add3A_991 = arith.addf %get3A_990, %broadcast_in_dim3A_2 : vector<16xf32>
      %swap3A_992 = arith.index_cast %squeeze3A_979 : i32 to index
      %swap3A_993 = tpu.vector_load %arg23[%swap3A_992] {strides = array<i32>} : memref<4096xf32, #tpu.memory_space<vmem>>, vector<16xf32>,
      %swap3A_994 = vector.shape_cast %swap3A_993 : vector<16xf32> to vector<16xf32>
      %swap3A_995 = vector.shape_cast %add3A_991 : vector<16xf32> to vector<16xf32>
      tpu.vector_store %arg23[%swap3A_992], %swap3A_995 {strides = array<i32>} : memref<4096xf32, #tpu.memory_space<vmem>>, vector<16xf32>,
      %slice3A_996 = vector.extract_strided_slice %mul3A_977 {offsets = [2], sizes = [1], strides = [1]} : vector<16xi32> to vector<1xi32>
      %squeeze3A_997 = vector.extract %slice3A_996[0] : i32 from vector<1xi32>
      %slice3A_998 = vector.extract_strided_slice %mul3A_977 {offsets = [3], sizes = [1], strides = [1]} : vector<16xi32> to vector<1xi32>
      %squeeze3A_999 = vector.extract %slice3A_998[0] : i32 from vector<1xi32>
      %get3A_1000 = arith.index_cast %squeeze3A_997 : i32 to index
      %get3A_1001 = tpu.vector_load %arg22[%get3A_1000] {strides = array<i32>} : memref<4096xf32, #tpu.memory_space<vmem>>, vector<16xf32>,
      %get3A_1002 = vector.shape_cast %get3A_1001 : vector<16xf32> to vector<16xf32>
      %add3A_1003 = arith.addf %get3A_1002, %broadcast_in_dim3A_2 : vector<16xf32>
      %swap3A_1004 = arith.index_cast %squeeze3A_997 : i32 to index
      %swap3A_1005 = tpu.vector_load %arg22[%swap3A_1004] {strides = array<i32>} : memref<4096xf32, #tpu.memory_space<vmem>>, vector<16xf32>,
      %swap3A_1006 = vector.shape_cast %swap3A_1005 : vector<16xf32> to vector<16xf32>
      %swap3A_1007 = vector.shape_cast %add3A_1003 : vector<16xf32> to vector<16xf32>
      tpu.vector_store %arg22[%swap3A_1004], %swap3A_1007 {strides = array<i32>} : memref<4096xf32, #tpu.memory_space<vmem>>, vector<16xf32>,
      %get3A_1008 = arith.index_cast %squeeze3A_999 : i32 to index
      %get3A_1009 = tpu.vector_load %arg23[%get3A_1008] {strides = array<i32>} : memref<4096xf32, #tpu.memory_space<vmem>>, vector<16xf32>,
      %get3A_1010 = vector.shape_cast %get3A_1009 : vector<16xf32> to vector<16xf32>
      %add3A_1011 = arith.addf %get3A_1010, %broadcast_in_dim3A_2 : vector<16xf32>
      %swap3A_1012 = arith.index_cast %squeeze3A_999 : i32 to index
      %swap3A_1013 = tpu.vector_load %arg23[%swap3A_1012] {strides = array<i32>} : memref<4096xf32, #tpu.memory_space<vmem>>, vector<16xf32>,
      %swap3A_1014 = vector.shape_cast %swap3A_1013 : vector<16xf32> to vector<16xf32>
      %swap3A_1015 = vector.shape_cast %add3A_1011 : vector<16xf32> to vector<16xf32>
      tpu.vector_store %arg23[%swap3A_1012], %swap3A_1015 {strides = array<i32>} : memref<4096xf32, #tpu.memory_space<vmem>>, vector<16xf32>,
      %slice3A_1016 = vector.extract_strided_slice %mul3A_977 {offsets = [4], sizes = [1], strides = [1]} : vector<16xi32> to vector<1xi32>
      %squeeze3A_1017 = vector.extract %slice3A_1016[0] : i32 from vector<1xi32>
      %slice3A_1018 = vector.extract_strided_slice %mul3A_977 {offsets = [5], sizes = [1], strides = [1]} : vector<16xi32> to vector<1xi32>
      %squeeze3A_1019 = vector.extract %slice3A_1018[0] : i32 from vector<1xi32>
      %get3A_1020 = arith.index_cast %squeeze3A_1017 : i32 to index
      %get3A_1021 = tpu.vector_load %arg22[%get3A_1020] {strides = array<i32>} : memref<4096xf32, #tpu.memory_space<vmem>>, vector<16xf32>,
      %get3A_1022 = vector.shape_cast %get3A_1021 : vector<16xf32> to vector<16xf32>
      %add3A_1023 = arith.addf %get3A_1022, %broadcast_in_dim3A_2 : vector<16xf32>
      %swap3A_1024 = arith.index_cast %squeeze3A_1017 : i32 to index
      %swap3A_1025 = tpu.vector_load %arg22[%swap3A_1024] {strides = array<i32>} : memref<4096xf32, #tpu.memory_space<vmem>>, vector<16xf32>,
      %swap3A_1026 = vector.shape_cast %swap3A_1025 : vector<16xf32> to vector<16xf32>
      %swap3A_1027 = vector.shape_cast %add3A_1023 : vector<16xf32> to vector<16xf32>
      tpu.vector_store %arg22[%swap3A_1024], %swap3A_1027 {strides = array<i32>} : memref<4096xf32, #tpu.memory_space<vmem>>, vector<16xf32>,
      %get3A_1028 = arith.index_cast %squeeze3A_1019 : i32 to index
      %get3A_1029 = tpu.vector_load %arg23[%get3A_1028] {strides = array<i32>} : memref<4096xf32, #tpu.memory_space<vmem>>, vector<16xf32>,
      %get3A_1030 = vector.shape_cast %get3A_1029 : vector<16xf32> to vector<16xf32>
      %add3A_1031 = arith.addf %get3A_1030, %broadcast_in_dim3A_2 : vector<16xf32>
      %swap3A_1032 = arith.index_cast %squeeze3A_1019 : i32 to index
      %swap3A_1033 = tpu.vector_load %arg23[%swap3A_1032] {strides = array<i32>} : memref<4096xf32, #tpu.memory_space<vmem>>, vector<16xf32>,
      %swap3A_1034 = vector.shape_cast %swap3A_1033 : vector<16xf32> to vector<16xf32>
      %swap3A_1035 = vector.shape_cast %add3A_1031 : vector<16xf32> to vector<16xf32>
      tpu.vector_store %arg23[%swap3A_1032], %swap3A_1035 {strides = array<i32>} : memref<4096xf32, #tpu.memory_space<vmem>>, vector<16xf32>,
      %slice3A_1036 = vector.extract_strided_slice %mul3A_977 {offsets = [6], sizes = [1], strides = [1]} : vector<16xi32> to vector<1xi32>
      %squeeze3A_1037 = vector.extract %slice3A_1036[0] : i32 from vector<1xi32>
      %slice3A_1038 = vector.extract_strided_slice %mul3A_977 {offsets = [7], sizes = [1], strides = [1]} : vector<16xi32> to vector<1xi32>
      %squeeze3A_1039 = vector.extract %slice3A_1038[0] : i32 from vector<1xi32>
      %get3A_1040 = arith.index_cast %squeeze3A_1037 : i32 to index
      %get3A_1041 = tpu.vector_load %arg22[%get3A_1040] {strides = array<i32>} : memref<4096xf32, #tpu.memory_space<vmem>>, vector<16xf32>,
      %get3A_1042 = vector.shape_cast %get3A_1041 : vector<16xf32> to vector<16xf32>
      %add3A_1043 = arith.addf %get3A_1042, %broadcast_in_dim3A_2 : vector<16xf32>
      %swap3A_1044 = arith.index_cast %squeeze3A_1037 : i32 to index
      %swap3A_1045 = tpu.vector_load %arg22[%swap3A_1044] {strides = array<i32>} : memref<4096xf32, #tpu.memory_space<vmem>>, vector<16xf32>,
      %swap3A_1046 = vector.shape_cast %swap3A_1045 : vector<16xf32> to vector<16xf32>
      %swap3A_1047 = vector.shape_cast %add3A_1043 : vector<16xf32> to vector<16xf32>
      tpu.vector_store %arg22[%swap3A_1044], %swap3A_1047 {strides = array<i32>} : memref<4096xf32, #tpu.memory_space<vmem>>, vector<16xf32>,
      %get3A_1048 = arith.index_cast %squeeze3A_1039 : i32 to index
      %get3A_1049 = tpu.vector_load %arg23[%get3A_1048] {strides = array<i32>} : memref<4096xf32, #tpu.memory_space<vmem>>, vector<16xf32>,
      %get3A_1050 = vector.shape_cast %get3A_1049 : vector<16xf32> to vector<16xf32>
      %add3A_1051 = arith.addf %get3A_1050, %broadcast_in_dim3A_2 : vector<16xf32>
      %swap3A_1052 = arith.index_cast %squeeze3A_1039 : i32 to index
      %swap3A_1053 = tpu.vector_load %arg23[%swap3A_1052] {strides = array<i32>} : memref<4096xf32, #tpu.memory_space<vmem>>, vector<16xf32>,
      %swap3A_1054 = vector.shape_cast %swap3A_1053 : vector<16xf32> to vector<16xf32>
      %swap3A_1055 = vector.shape_cast %add3A_1051 : vector<16xf32> to vector<16xf32>
      tpu.vector_store %arg23[%swap3A_1052], %swap3A_1055 {strides = array<i32>} : memref<4096xf32, #tpu.memory_space<vmem>>, vector<16xf32>,
      %slice3A_1056 = vector.extract_strided_slice %mul3A_977 {offsets = [8], sizes = [1], strides = [1]} : vector<16xi32> to vector<1xi32>
      %squeeze3A_1057 = vector.extract %slice3A_1056[0] : i32 from vector<1xi32>
      %slice3A_1058 = vector.extract_strided_slice %mul3A_977 {offsets = [9], sizes = [1], strides = [1]} : vector<16xi32> to vector<1xi32>
      %squeeze3A_1059 = vector.extract %slice3A_1058[0] : i32 from vector<1xi32>
      %get3A_1060 = arith.index_cast %squeeze3A_1057 : i32 to index
      %get3A_1061 = tpu.vector_load %arg22[%get3A_1060] {strides = array<i32>} : memref<4096xf32, #tpu.memory_space<vmem>>, vector<16xf32>,
      %get3A_1062 = vector.shape_cast %get3A_1061 : vector<16xf32> to vector<16xf32>
      %add3A_1063 = arith.addf %get3A_1062, %broadcast_in_dim3A_2 : vector<16xf32>
      %swap3A_1064 = arith.index_cast %squeeze3A_1057 : i32 to index
      %swap3A_1065 = tpu.vector_load %arg22[%swap3A_1064] {strides = array<i32>} : memref<4096xf32, #tpu.memory_space<vmem>>, vector<16xf32>,
      %swap3A_1066 = vector.shape_cast %swap3A_1065 : vector<16xf32> to vector<16xf32>
      %swap3A_1067 = vector.shape_cast %add3A_1063 : vector<16xf32> to vector<16xf32>
      tpu.vector_store %arg22[%swap3A_1064], %swap3A_1067 {strides = array<i32>} : memref<4096xf32, #tpu.memory_space<vmem>>, vector<16xf32>,
      %get3A_1068 = arith.index_cast %squeeze3A_1059 : i32 to index
      %get3A_1069 = tpu.vector_load %arg23[%get3A_1068] {strides = array<i32>} : memref<4096xf32, #tpu.memory_space<vmem>>, vector<16xf32>,
      %get3A_1070 = vector.shape_cast %get3A_1069 : vector<16xf32> to vector<16xf32>
      %add3A_1071 = arith.addf %get3A_1070, %broadcast_in_dim3A_2 : vector<16xf32>
      %swap3A_1072 = arith.index_cast %squeeze3A_1059 : i32 to index
      %swap3A_1073 = tpu.vector_load %arg23[%swap3A_1072] {strides = array<i32>} : memref<4096xf32, #tpu.memory_space<vmem>>, vector<16xf32>,
      %swap3A_1074 = vector.shape_cast %swap3A_1073 : vector<16xf32> to vector<16xf32>
      %swap3A_1075 = vector.shape_cast %add3A_1071 : vector<16xf32> to vector<16xf32>
      tpu.vector_store %arg23[%swap3A_1072], %swap3A_1075 {strides = array<i32>} : memref<4096xf32, #tpu.memory_space<vmem>>, vector<16xf32>,
      %slice3A_1076 = vector.extract_strided_slice %mul3A_977 {offsets = [10], sizes = [1], strides = [1]} : vector<16xi32> to vector<1xi32>
      %squeeze3A_1077 = vector.extract %slice3A_1076[0] : i32 from vector<1xi32>
      %slice3A_1078 = vector.extract_strided_slice %mul3A_977 {offsets = [11], sizes = [1], strides = [1]} : vector<16xi32> to vector<1xi32>
      %squeeze3A_1079 = vector.extract %slice3A_1078[0] : i32 from vector<1xi32>
      %get3A_1080 = arith.index_cast %squeeze3A_1077 : i32 to index
      %get3A_1081 = tpu.vector_load %arg22[%get3A_1080] {strides = array<i32>} : memref<4096xf32, #tpu.memory_space<vmem>>, vector<16xf32>,
      %get3A_1082 = vector.shape_cast %get3A_1081 : vector<16xf32> to vector<16xf32>
      %add3A_1083 = arith.addf %get3A_1082, %broadcast_in_dim3A_2 : vector<16xf32>
      %swap3A_1084 = arith.index_cast %squeeze3A_1077 : i32 to index
      %swap3A_1085 = tpu.vector_load %arg22[%swap3A_1084] {strides = array<i32>} : memref<4096xf32, #tpu.memory_space<vmem>>, vector<16xf32>,
      %swap3A_1086 = vector.shape_cast %swap3A_1085 : vector<16xf32> to vector<16xf32>
      %swap3A_1087 = vector.shape_cast %add3A_1083 : vector<16xf32> to vector<16xf32>
      tpu.vector_store %arg22[%swap3A_1084], %swap3A_1087 {strides = array<i32>} : memref<4096xf32, #tpu.memory_space<vmem>>, vector<16xf32>,
      %get3A_1088 = arith.index_cast %squeeze3A_1079 : i32 to index
      %get3A_1089 = tpu.vector_load %arg23[%get3A_1088] {strides = array<i32>} : memref<4096xf32, #tpu.memory_space<vmem>>, vector<16xf32>,
      %get3A_1090 = vector.shape_cast %get3A_1089 : vector<16xf32> to vector<16xf32>
      %add3A_1091 = arith.addf %get3A_1090, %broadcast_in_dim3A_2 : vector<16xf32>
      %swap3A_1092 = arith.index_cast %squeeze3A_1079 : i32 to index
      %swap3A_1093 = tpu.vector_load %arg23[%swap3A_1092] {strides = array<i32>} : memref<4096xf32, #tpu.memory_space<vmem>>, vector<16xf32>,
      %swap3A_1094 = vector.shape_cast %swap3A_1093 : vector<16xf32> to vector<16xf32>
      %swap3A_1095 = vector.shape_cast %add3A_1091 : vector<16xf32> to vector<16xf32>
      tpu.vector_store %arg23[%swap3A_1092], %swap3A_1095 {strides = array<i32>} : memref<4096xf32, #tpu.memory_space<vmem>>, vector<16xf32>,
      %slice3A_1096 = vector.extract_strided_slice %mul3A_977 {offsets = [12], sizes = [1], strides = [1]} : vector<16xi32> to vector<1xi32>
      %squeeze3A_1097 = vector.extract %slice3A_1096[0] : i32 from vector<1xi32>
      %slice3A_1098 = vector.extract_strided_slice %mul3A_977 {offsets = [13], sizes = [1], strides = [1]} : vector<16xi32> to vector<1xi32>
      %squeeze3A_1099 = vector.extract %slice3A_1098[0] : i32 from vector<1xi32>
      %get3A_1100 = arith.index_cast %squeeze3A_1097 : i32 to index
      %get3A_1101 = tpu.vector_load %arg22[%get3A_1100] {strides = array<i32>} : memref<4096xf32, #tpu.memory_space<vmem>>, vector<16xf32>,
      %get3A_1102 = vector.shape_cast %get3A_1101 : vector<16xf32> to vector<16xf32>
      %add3A_1103 = arith.addf %get3A_1102, %broadcast_in_dim3A_2 : vector<16xf32>
      %swap3A_1104 = arith.index_cast %squeeze3A_1097 : i32 to index
      %swap3A_1105 = tpu.vector_load %arg22[%swap3A_1104] {strides = array<i32>} : memref<4096xf32, #tpu.memory_space<vmem>>, vector<16xf32>,
      %swap3A_1106 = vector.shape_cast %swap3A_1105 : vector<16xf32> to vector<16xf32>
      %swap3A_1107 = vector.shape_cast %add3A_1103 : vector<16xf32> to vector<16xf32>
      tpu.vector_store %arg22[%swap3A_1104], %swap3A_1107 {strides = array<i32>} : memref<4096xf32, #tpu.memory_space<vmem>>, vector<16xf32>,
      %get3A_1108 = arith.index_cast %squeeze3A_1099 : i32 to index
      %get3A_1109 = tpu.vector_load %arg23[%get3A_1108] {strides = array<i32>} : memref<4096xf32, #tpu.memory_space<vmem>>, vector<16xf32>,
      %get3A_1110 = vector.shape_cast %get3A_1109 : vector<16xf32> to vector<16xf32>
      %add3A_1111 = arith.addf %get3A_1110, %broadcast_in_dim3A_2 : vector<16xf32>
      %swap3A_1112 = arith.index_cast %squeeze3A_1099 : i32 to index
      %swap3A_1113 = tpu.vector_load %arg23[%swap3A_1112] {strides = array<i32>} : memref<4096xf32, #tpu.memory_space<vmem>>, vector<16xf32>,
      %swap3A_1114 = vector.shape_cast %swap3A_1113 : vector<16xf32> to vector<16xf32>
      %swap3A_1115 = vector.shape_cast %add3A_1111 : vector<16xf32> to vector<16xf32>
      tpu.vector_store %arg23[%swap3A_1112], %swap3A_1115 {strides = array<i32>} : memref<4096xf32, #tpu.memory_space<vmem>>, vector<16xf32>,
      %slice3A_1116 = vector.extract_strided_slice %mul3A_977 {offsets = [14], sizes = [1], strides = [1]} : vector<16xi32> to vector<1xi32>
      %squeeze3A_1117 = vector.extract %slice3A_1116[0] : i32 from vector<1xi32>
      %slice3A_1118 = vector.extract_strided_slice %mul3A_977 {offsets = [15], sizes = [1], strides = [1]} : vector<16xi32> to vector<1xi32>
      %squeeze3A_1119 = vector.extract %slice3A_1118[0] : i32 from vector<1xi32>
      %get3A_1120 = arith.index_cast %squeeze3A_1117 : i32 to index
      %get3A_1121 = tpu.vector_load %arg22[%get3A_1120] {strides = array<i32>} : memref<4096xf32, #tpu.memory_space<vmem>>, vector<16xf32>,
      %get3A_1122 = vector.shape_cast %get3A_1121 : vector<16xf32> to vector<16xf32>
      %add3A_1123 = arith.addf %get3A_1122, %broadcast_in_dim3A_2 : vector<16xf32>
      %swap3A_1124 = arith.index_cast %squeeze3A_1117 : i32 to index
      %swap3A_1125 = tpu.vector_load %arg22[%swap3A_1124] {strides = array<i32>} : memref<4096xf32, #tpu.memory_space<vmem>>, vector<16xf32>,
      %swap3A_1126 = vector.shape_cast %swap3A_1125 : vector<16xf32> to vector<16xf32>
      %swap3A_1127 = vector.shape_cast %add3A_1123 : vector<16xf32> to vector<16xf32>
      tpu.vector_store %arg22[%swap3A_1124], %swap3A_1127 {strides = array<i32>} : memref<4096xf32, #tpu.memory_space<vmem>>, vector<16xf32>,
      %get3A_1128 = arith.index_cast %squeeze3A_1119 : i32 to index
      %get3A_1129 = tpu.vector_load %arg23[%get3A_1128] {strides = array<i32>} : memref<4096xf32, #tpu.memory_space<vmem>>, vector<16xf32>,
      %get3A_1130 = vector.shape_cast %get3A_1129 : vector<16xf32> to vector<16xf32>
      %add3A_1131 = arith.addf %get3A_1130, %broadcast_in_dim3A_2 : vector<16xf32>
      %swap3A_1132 = arith.index_cast %squeeze3A_1119 : i32 to index
      %swap3A_1133 = tpu.vector_load %arg23[%swap3A_1132] {strides = array<i32>} : memref<4096xf32, #tpu.memory_space<vmem>>, vector<16xf32>,
      %swap3A_1134 = vector.shape_cast %swap3A_1133 : vector<16xf32> to vector<16xf32>
      %swap3A_1135 = vector.shape_cast %add3A_1131 : vector<16xf32> to vector<16xf32>
      tpu.vector_store %arg23[%swap3A_1132], %swap3A_1135 {strides = array<i32>} : memref<4096xf32, #tpu.memory_space<vmem>>, vector<16xf32>,
      %scan3A_1136 = arith.constant 0 : i32
      scf.yield %scan3A_1136 : i32
    }
    %scan3A_600 = arith.constant 8 : i32
    %dma_wait3A_601 = arith.constant 0 : i32
    %dma_wait3A_602 = tpu.memref_slice %arg2[%add3A, %mul3A_35, %dma_wait3A_601] : memref<16x16384x128xf32, #tpu.memory_space<hbm>> -> memref<1x128x128xf32, #tpu.memory_space<hbm>>
    %dma_wait3A_603 = tpu.memref_squeeze %dma_wait3A_602 : memref<1x128x128xf32, #tpu.memory_space<hbm>> -> memref<128x128xf32, #tpu.memory_space<hbm>>
    %dma_wait3A_604 = arith.constant 0 : i32
    %dma_wait3A_605 = tpu.memref_slice %arg2[%add3A, %mul3A_35, %dma_wait3A_604] : memref<16x16384x128xf32, #tpu.memory_space<hbm>> -> memref<1x128x128xf32, #tpu.memory_space<hbm>>
    %dma_wait3A_606 = tpu.memref_squeeze %dma_wait3A_605 : memref<1x128x128xf32, #tpu.memory_space<hbm>> -> memref<128x128xf32, #tpu.memory_space<hbm>>
    tpu.wait_dma2 semaphore(%arg29 : memref<!tpu.dma_semaphore, #tpu.memory_space<semaphore_mem>>) src(%dma_wait3A_606 : memref<128x128xf32, #tpu.memory_space<hbm>>) dst(%arg9 : memref<128x128xf32, #tpu.memory_space<vmem>>)
    %dma_wait3A_607 = tpu.memref_slice %arg3[%add3A, %mul3A_35] : memref<16x16384xi32, #tpu.memory_space<hbm>> -> memref<1x128xi32, #tpu.memory_space<hbm>>
    %dma_wait3A_608 = tpu.memref_squeeze %dma_wait3A_607 : memref<1x128xi32, #tpu.memory_space<hbm>> -> memref<128xi32, #tpu.memory_space<hbm>>
    %dma_wait3A_609 = tpu.memref_slice %arg3[%add3A, %mul3A_35] : memref<16x16384xi32, #tpu.memory_space<hbm>> -> memref<1x128xi32, #tpu.memory_space<hbm>>
    %dma_wait3A_610 = tpu.memref_squeeze %dma_wait3A_609 : memref<1x128xi32, #tpu.memory_space<hbm>> -> memref<128xi32, #tpu.memory_space<hbm>>
    tpu.wait_dma2 semaphore(%arg29 : memref<!tpu.dma_semaphore, #tpu.memory_space<semaphore_mem>>) src(%dma_wait3A_610 : memref<128xi32, #tpu.memory_space<hbm>>) dst(%arg13 : memref<128xi32, #tpu.memory_space<vmem>>)
    %dma_wait3A_611 = tpu.memref_slice %arg4[%add3A, %mul3A_35] : memref<16x16384xi32, #tpu.memory_space<hbm>> -> memref<1x128xi32, #tpu.memory_space<hbm>>
    %dma_wait3A_612 = tpu.memref_squeeze %dma_wait3A_611 : memref<1x128xi32, #tpu.memory_space<hbm>> -> memref<128xi32, #tpu.memory_space<hbm>>
    %dma_wait3A_613 = tpu.memref_slice %arg4[%add3A, %mul3A_35] : memref<16x16384xi32, #tpu.memory_space<hbm>> -> memref<1x128xi32, #tpu.memory_space<hbm>>
    %dma_wait3A_614 = tpu.memref_squeeze %dma_wait3A_613 : memref<1x128xi32, #tpu.memory_space<hbm>> -> memref<128xi32, #tpu.memory_space<hbm>>
    tpu.wait_dma2 semaphore(%arg29 : memref<!tpu.dma_semaphore, #tpu.memory_space<semaphore_mem>>) src(%dma_wait3A_614 : memref<128xi32, #tpu.memory_space<hbm>>) dst(%arg17 : memref<128xi32, #tpu.memory_space<vmem>>)
    %get3A_615 = arith.constant 0 : index
    %get3A_616 = tpu.vector_load %arg13[%get3A_615] {strides = array<i32>} : memref<128xi32, #tpu.memory_space<vmem>>, vector<16xi32>,
    %get3A_617 = vector.shape_cast %get3A_616 : vector<16xi32> to vector<16xi32>
    %get3A_618 = arith.constant 0 : index
    %get3A_619 = tpu.vector_load %arg17[%get3A_618] {strides = array<i32>} : memref<128xi32, #tpu.memory_space<vmem>>, vector<16xi32>,
    %get3A_620 = vector.shape_cast %get3A_619 : vector<16xi32> to vector<16xi32>
    %mul3A_621 = arith.constant 16 : i32
    %mul3A_622 = vector.broadcast %mul3A_621 : i32 to vector<16xi32>
    %mul3A_623 = arith.muli %get3A_617, %mul3A_622 : vector<16xi32>
    %add3A_624 = arith.addi %mul3A_623, %get3A_620 : vector<16xi32>
    %add3A_625 = vector.broadcast %mul3A_37 : i32 to vector<16xi32>
    %add3A_626 = arith.addi %add3A_624, %add3A_625 : vector<16xi32>
    %swap3A_627 = arith.constant 0 : index
    %swap3A_628 = tpu.vector_load %arg21[%swap3A_627] {strides = array<i32>} : memref<128xi32, #tpu.memory_space<vmem>>, vector<16xi32>,
    %swap3A_629 = vector.shape_cast %swap3A_628 : vector<16xi32> to vector<16xi32>
    %swap3A_630 = vector.shape_cast %add3A_626 : vector<16xi32> to vector<16xi32>
    tpu.vector_store %arg21[%swap3A_627], %swap3A_630 {strides = array<i32>} : memref<128xi32, #tpu.memory_space<vmem>>, vector<16xi32>,
    %get3A_631 = arith.constant 16 : index
    %get3A_632 = tpu.vector_load %arg13[%get3A_631] {strides = array<i32>} : memref<128xi32, #tpu.memory_space<vmem>>, vector<16xi32>,
    %get3A_633 = vector.shape_cast %get3A_632 : vector<16xi32> to vector<16xi32>
    %get3A_634 = arith.constant 16 : index
    %get3A_635 = tpu.vector_load %arg17[%get3A_634] {strides = array<i32>} : memref<128xi32, #tpu.memory_space<vmem>>, vector<16xi32>,
    %get3A_636 = vector.shape_cast %get3A_635 : vector<16xi32> to vector<16xi32>
    %mul3A_637 = arith.constant 16 : i32
    %mul3A_638 = vector.broadcast %mul3A_637 : i32 to vector<16xi32>
    %mul3A_639 = arith.muli %get3A_633, %mul3A_638 : vector<16xi32>
    %add3A_640 = arith.addi %mul3A_639, %get3A_636 : vector<16xi32>
    %add3A_641 = vector.broadcast %mul3A_37 : i32 to vector<16xi32>
    %add3A_642 = arith.addi %add3A_640, %add3A_641 : vector<16xi32>
    %swap3A_643 = arith.constant 16 : index
    %swap3A_644 = tpu.vector_load %arg21[%swap3A_643] {strides = array<i32>} : memref<128xi32, #tpu.memory_space<vmem>>, vector<16xi32>,
    %swap3A_645 = vector.shape_cast %swap3A_644 : vector<16xi32> to vector<16xi32>
    %swap3A_646 = vector.shape_cast %add3A_642 : vector<16xi32> to vector<16xi32>
    tpu.vector_store %arg21[%swap3A_643], %swap3A_646 {strides = array<i32>} : memref<128xi32, #tpu.memory_space<vmem>>, vector<16xi32>,
    %get3A_647 = arith.constant 32 : index
    %get3A_648 = tpu.vector_load %arg13[%get3A_647] {strides = array<i32>} : memref<128xi32, #tpu.memory_space<vmem>>, vector<16xi32>,
    %get3A_649 = vector.shape_cast %get3A_648 : vector<16xi32> to vector<16xi32>
    %get3A_650 = arith.constant 32 : index
    %get3A_651 = tpu.vector_load %arg17[%get3A_650] {strides = array<i32>} : memref<128xi32, #tpu.memory_space<vmem>>, vector<16xi32>,
    %get3A_652 = vector.shape_cast %get3A_651 : vector<16xi32> to vector<16xi32>
    %mul3A_653 = arith.constant 16 : i32
    %mul3A_654 = vector.broadcast %mul3A_653 : i32 to vector<16xi32>
    %mul3A_655 = arith.muli %get3A_649, %mul3A_654 : vector<16xi32>
    %add3A_656 = arith.addi %mul3A_655, %get3A_652 : vector<16xi32>
    %add3A_657 = vector.broadcast %mul3A_37 : i32 to vector<16xi32>
    %add3A_658 = arith.addi %add3A_656, %add3A_657 : vector<16xi32>
    %swap3A_659 = arith.constant 32 : index
    %swap3A_660 = tpu.vector_load %arg21[%swap3A_659] {strides = array<i32>} : memref<128xi32, #tpu.memory_space<vmem>>, vector<16xi32>,
    %swap3A_661 = vector.shape_cast %swap3A_660 : vector<16xi32> to vector<16xi32>
    %swap3A_662 = vector.shape_cast %add3A_658 : vector<16xi32> to vector<16xi32>
    tpu.vector_store %arg21[%swap3A_659], %swap3A_662 {strides = array<i32>} : memref<128xi32, #tpu.memory_space<vmem>>, vector<16xi32>,
    %get3A_663 = arith.constant 48 : index
    %get3A_664 = tpu.vector_load %arg13[%get3A_663] {strides = array<i32>} : memref<128xi32, #tpu.memory_space<vmem>>, vector<16xi32>,
    %get3A_665 = vector.shape_cast %get3A_664 : vector<16xi32> to vector<16xi32>
    %get3A_666 = arith.constant 48 : index
    %get3A_667 = tpu.vector_load %arg17[%get3A_666] {strides = array<i32>} : memref<128xi32, #tpu.memory_space<vmem>>, vector<16xi32>,
    %get3A_668 = vector.shape_cast %get3A_667 : vector<16xi32> to vector<16xi32>
    %mul3A_669 = arith.constant 16 : i32
    %mul3A_670 = vector.broadcast %mul3A_669 : i32 to vector<16xi32>
    %mul3A_671 = arith.muli %get3A_665, %mul3A_670 : vector<16xi32>
    %add3A_672 = arith.addi %mul3A_671, %get3A_668 : vector<16xi32>
    %add3A_673 = vector.broadcast %mul3A_37 : i32 to vector<16xi32>
    %add3A_674 = arith.addi %add3A_672, %add3A_673 : vector<16xi32>
    %swap3A_675 = arith.constant 48 : index
    %swap3A_676 = tpu.vector_load %arg21[%swap3A_675] {strides = array<i32>} : memref<128xi32, #tpu.memory_space<vmem>>, vector<16xi32>,
    %swap3A_677 = vector.shape_cast %swap3A_676 : vector<16xi32> to vector<16xi32>
    %swap3A_678 = vector.shape_cast %add3A_674 : vector<16xi32> to vector<16xi32>
    tpu.vector_store %arg21[%swap3A_675], %swap3A_678 {strides = array<i32>} : memref<128xi32, #tpu.memory_space<vmem>>, vector<16xi32>,
    %get3A_679 = arith.constant 64 : index
    %get3A_680 = tpu.vector_load %arg13[%get3A_679] {strides = array<i32>} : memref<128xi32, #tpu.memory_space<vmem>>, vector<16xi32>,
    %get3A_681 = vector.shape_cast %get3A_680 : vector<16xi32> to vector<16xi32>
    %get3A_682 = arith.constant 64 : index
    %get3A_683 = tpu.vector_load %arg17[%get3A_682] {strides = array<i32>} : memref<128xi32, #tpu.memory_space<vmem>>, vector<16xi32>,
    %get3A_684 = vector.shape_cast %get3A_683 : vector<16xi32> to vector<16xi32>
    %mul3A_685 = arith.constant 16 : i32
    %mul3A_686 = vector.broadcast %mul3A_685 : i32 to vector<16xi32>
    %mul3A_687 = arith.muli %get3A_681, %mul3A_686 : vector<16xi32>
    %add3A_688 = arith.addi %mul3A_687, %get3A_684 : vector<16xi32>
    %add3A_689 = vector.broadcast %mul3A_37 : i32 to vector<16xi32>
    %add3A_690 = arith.addi %add3A_688, %add3A_689 : vector<16xi32>
    %swap3A_691 = arith.constant 64 : index
    %swap3A_692 = tpu.vector_load %arg21[%swap3A_691] {strides = array<i32>} : memref<128xi32, #tpu.memory_space<vmem>>, vector<16xi32>,
    %swap3A_693 = vector.shape_cast %swap3A_692 : vector<16xi32> to vector<16xi32>
    %swap3A_694 = vector.shape_cast %add3A_690 : vector<16xi32> to vector<16xi32>
    tpu.vector_store %arg21[%swap3A_691], %swap3A_694 {strides = array<i32>} : memref<128xi32, #tpu.memory_space<vmem>>, vector<16xi32>,
    %get3A_695 = arith.constant 80 : index
    %get3A_696 = tpu.vector_load %arg13[%get3A_695] {strides = array<i32>} : memref<128xi32, #tpu.memory_space<vmem>>, vector<16xi32>,
    %get3A_697 = vector.shape_cast %get3A_696 : vector<16xi32> to vector<16xi32>
    %get3A_698 = arith.constant 80 : index
    %get3A_699 = tpu.vector_load %arg17[%get3A_698] {strides = array<i32>} : memref<128xi32, #tpu.memory_space<vmem>>, vector<16xi32>,
    %get3A_700 = vector.shape_cast %get3A_699 : vector<16xi32> to vector<16xi32>
    %mul3A_701 = arith.constant 16 : i32
    %mul3A_702 = vector.broadcast %mul3A_701 : i32 to vector<16xi32>
    %mul3A_703 = arith.muli %get3A_697, %mul3A_702 : vector<16xi32>
    %add3A_704 = arith.addi %mul3A_703, %get3A_700 : vector<16xi32>
    %add3A_705 = vector.broadcast %mul3A_37 : i32 to vector<16xi32>
    %add3A_706 = arith.addi %add3A_704, %add3A_705 : vector<16xi32>
    %swap3A_707 = arith.constant 80 : index
    %swap3A_708 = tpu.vector_load %arg21[%swap3A_707] {strides = array<i32>} : memref<128xi32, #tpu.memory_space<vmem>>, vector<16xi32>,
    %swap3A_709 = vector.shape_cast %swap3A_708 : vector<16xi32> to vector<16xi32>
    %swap3A_710 = vector.shape_cast %add3A_706 : vector<16xi32> to vector<16xi32>
    tpu.vector_store %arg21[%swap3A_707], %swap3A_710 {strides = array<i32>} : memref<128xi32, #tpu.memory_space<vmem>>, vector<16xi32>,
    %get3A_711 = arith.constant 96 : index
    %get3A_712 = tpu.vector_load %arg13[%get3A_711] {strides = array<i32>} : memref<128xi32, #tpu.memory_space<vmem>>, vector<16xi32>,
    %get3A_713 = vector.shape_cast %get3A_712 : vector<16xi32> to vector<16xi32>
    %get3A_714 = arith.constant 96 : index
    %get3A_715 = tpu.vector_load %arg17[%get3A_714] {strides = array<i32>} : memref<128xi32, #tpu.memory_space<vmem>>, vector<16xi32>,
    %get3A_716 = vector.shape_cast %get3A_715 : vector<16xi32> to vector<16xi32>
    %mul3A_717 = arith.constant 16 : i32
    %mul3A_718 = vector.broadcast %mul3A_717 : i32 to vector<16xi32>
    %mul3A_719 = arith.muli %get3A_713, %mul3A_718 : vector<16xi32>
    %add3A_720 = arith.addi %mul3A_719, %get3A_716 : vector<16xi32>
    %add3A_721 = vector.broadcast %mul3A_37 : i32 to vector<16xi32>
    %add3A_722 = arith.addi %add3A_720, %add3A_721 : vector<16xi32>
    %swap3A_723 = arith.constant 96 : index
    %swap3A_724 = tpu.vector_load %arg21[%swap3A_723] {strides = array<i32>} : memref<128xi32, #tpu.memory_space<vmem>>, vector<16xi32>,
    %swap3A_725 = vector.shape_cast %swap3A_724 : vector<16xi32> to vector<16xi32>
    %swap3A_726 = vector.shape_cast %add3A_722 : vector<16xi32> to vector<16xi32>
    tpu.vector_store %arg21[%swap3A_723], %swap3A_726 {strides = array<i32>} : memref<128xi32, #tpu.memory_space<vmem>>, vector<16xi32>,
    %get3A_727 = arith.constant 112 : index
    %get3A_728 = tpu.vector_load %arg13[%get3A_727] {strides = array<i32>} : memref<128xi32, #tpu.memory_space<vmem>>, vector<16xi32>,
    %get3A_729 = vector.shape_cast %get3A_728 : vector<16xi32> to vector<16xi32>
    %get3A_730 = arith.constant 112 : index
    %get3A_731 = tpu.vector_load %arg17[%get3A_730] {strides = array<i32>} : memref<128xi32, #tpu.memory_space<vmem>>, vector<16xi32>,
    %get3A_732 = vector.shape_cast %get3A_731 : vector<16xi32> to vector<16xi32>
    %mul3A_733 = arith.constant 16 : i32
    %mul3A_734 = vector.broadcast %mul3A_733 : i32 to vector<16xi32>
    %mul3A_735 = arith.muli %get3A_729, %mul3A_734 : vector<16xi32>
    %add3A_736 = arith.addi %mul3A_735, %get3A_732 : vector<16xi32>
    %add3A_737 = vector.broadcast %mul3A_37 : i32 to vector<16xi32>
    %add3A_738 = arith.addi %add3A_736, %add3A_737 : vector<16xi32>
    %swap3A_739 = arith.constant 112 : index
    %swap3A_740 = tpu.vector_load %arg21[%swap3A_739] {strides = array<i32>} : memref<128xi32, #tpu.memory_space<vmem>>, vector<16xi32>,
    %swap3A_741 = vector.shape_cast %swap3A_740 : vector<16xi32> to vector<16xi32>
    %swap3A_742 = vector.shape_cast %add3A_738 : vector<16xi32> to vector<16xi32>
    tpu.vector_store %arg21[%swap3A_739], %swap3A_742 {strides = array<i32>} : memref<128xi32, #tpu.memory_space<vmem>>, vector<16xi32>,
    %dma_start3A_743 = arith.constant 0 : i32
    %dma_start3A_744 = arith.constant 0 : i32
    %dma_start3A_745 = tpu.memref_slice %arg24[%dma_start3A_743, %dma_start3A_744] : memref<2048x128xf32, #tpu.memory_space<vmem_shared>> -> memref<2048x128xf32, #tpu.memory_space<vmem_shared>>
    tpu.enqueue_indirect_dma source(%arg9 : memref<128x128xf32, #tpu.memory_space<vmem>>) target(%dma_start3A_745 : memref<2048x128xf32, #tpu.memory_space<vmem_shared>>) offsets(%arg21 : memref<128xi32, #tpu.memory_space<vmem>>) semaphore(%arg33 : memref<!tpu.dma_semaphore, #tpu.memory_space<semaphore_mem>>) {add = true}
    %dma_wait3A_746 = arith.constant 0 : i32
    %dma_wait3A_747 = arith.constant 0 : i32
    %dma_wait3A_748 = tpu.memref_slice %arg24[%dma_wait3A_746, %dma_wait3A_747] : memref<2048x128xf32, #tpu.memory_space<vmem_shared>> -> memref<2048x128xf32, #tpu.memory_space<vmem_shared>>
    tpu.wait_indirect_dma semaphore(%arg31 : memref<!tpu.dma_semaphore, #tpu.memory_space<semaphore_mem>>) src(%arg7 : memref<128x128xf32, #tpu.memory_space<vmem>>) dst(%dma_wait3A_748 : memref<2048x128xf32, #tpu.memory_space<vmem_shared>>)
    %scan3A_749 = arith.constant 0 : i32
    %scan3A_750 = arith.constant 0 : i32
    %scan3A_751 = arith.constant 8 : i32
    %scan3A_752 = arith.addi %scan3A_750, %scan3A_751 : i32
    %scan3A_753 = arith.constant 1 : i32
    %scan3A_754 = scf.for %scan3A_966 = %scan3A_750 to %scan3A_752 step %scan3A_753 iter_args(%scan3A_967 = %scan3A_749) -> (i32)  : i32 {
      %mul3A_968 = arith.constant 16 : i32
      %mul3A_969 = arith.muli %scan3A_966, %mul3A_968 : i32
      %get3A_970 = arith.index_cast %mul3A_969 : i32 to index
      %get3A_971 = tpu.vector_load %arg21[%get3A_970] {strides = array<i32>} : memref<128xi32, #tpu.memory_space<vmem>>, vector<16xi32>,
      %get3A_972 = vector.shape_cast %get3A_971 : vector<16xi32> to vector<16xi32>
      %sub3A_973 = vector.broadcast %mul3A_37 : i32 to vector<16xi32>
      %sub3A_974 = arith.subi %get3A_972, %sub3A_973 : vector<16xi32>
      %mul3A_975 = arith.constant 16 : i32
      %mul3A_976 = vector.broadcast %mul3A_975 : i32 to vector<16xi32>
      %mul3A_977 = arith.muli %sub3A_974, %mul3A_976 : vector<16xi32>
      %slice3A = vector.extract_strided_slice %mul3A_977 {offsets = [0], sizes = [1], strides = [1]} : vector<16xi32> to vector<1xi32>
      %squeeze3A = vector.extract %slice3A[0] : i32 from vector<1xi32>
      %slice3A_978 = vector.extract_strided_slice %mul3A_977 {offsets = [1], sizes = [1], strides = [1]} : vector<16xi32> to vector<1xi32>
      %squeeze3A_979 = vector.extract %slice3A_978[0] : i32 from vector<1xi32>
      %get3A_980 = arith.index_cast %squeeze3A : i32 to index
      %get3A_981 = tpu.vector_load %arg22[%get3A_980] {strides = array<i32>} : memref<4096xf32, #tpu.memory_space<vmem>>, vector<16xf32>,
      %get3A_982 = vector.shape_cast %get3A_981 : vector<16xf32> to vector<16xf32>
      %add3A_983 = arith.addf %get3A_982, %broadcast_in_dim3A_2 : vector<16xf32>
      %swap3A_984 = arith.index_cast %squeeze3A : i32 to index
      %swap3A_985 = tpu.vector_load %arg22[%swap3A_984] {strides = array<i32>} : memref<4096xf32, #tpu.memory_space<vmem>>, vector<16xf32>,
      %swap3A_986 = vector.shape_cast %swap3A_985 : vector<16xf32> to vector<16xf32>
      %swap3A_987 = vector.shape_cast %add3A_983 : vector<16xf32> to vector<16xf32>
      tpu.vector_store %arg22[%swap3A_984], %swap3A_987 {strides = array<i32>} : memref<4096xf32, #tpu.memory_space<vmem>>, vector<16xf32>,
      %get3A_988 = arith.index_cast %squeeze3A_979 : i32 to index
      %get3A_989 = tpu.vector_load %arg23[%get3A_988] {strides = array<i32>} : memref<4096xf32, #tpu.memory_space<vmem>>, vector<16xf32>,
      %get3A_990 = vector.shape_cast %get3A_989 : vector<16xf32> to vector<16xf32>
      %add3A_991 = arith.addf %get3A_990, %broadcast_in_dim3A_2 : vector<16xf32>
      %swap3A_992 = arith.index_cast %squeeze3A_979 : i32 to index
      %swap3A_993 = tpu.vector_load %arg23[%swap3A_992] {strides = array<i32>} : memref<4096xf32, #tpu.memory_space<vmem>>, vector<16xf32>,
      %swap3A_994 = vector.shape_cast %swap3A_993 : vector<16xf32> to vector<16xf32>
      %swap3A_995 = vector.shape_cast %add3A_991 : vector<16xf32> to vector<16xf32>
      tpu.vector_store %arg23[%swap3A_992], %swap3A_995 {strides = array<i32>} : memref<4096xf32, #tpu.memory_space<vmem>>, vector<16xf32>,
      %slice3A_996 = vector.extract_strided_slice %mul3A_977 {offsets = [2], sizes = [1], strides = [1]} : vector<16xi32> to vector<1xi32>
      %squeeze3A_997 = vector.extract %slice3A_996[0] : i32 from vector<1xi32>
      %slice3A_998 = vector.extract_strided_slice %mul3A_977 {offsets = [3], sizes = [1], strides = [1]} : vector<16xi32> to vector<1xi32>
      %squeeze3A_999 = vector.extract %slice3A_998[0] : i32 from vector<1xi32>
      %get3A_1000 = arith.index_cast %squeeze3A_997 : i32 to index
      %get3A_1001 = tpu.vector_load %arg22[%get3A_1000] {strides = array<i32>} : memref<4096xf32, #tpu.memory_space<vmem>>, vector<16xf32>,
      %get3A_1002 = vector.shape_cast %get3A_1001 : vector<16xf32> to vector<16xf32>
      %add3A_1003 = arith.addf %get3A_1002, %broadcast_in_dim3A_2 : vector<16xf32>
      %swap3A_1004 = arith.index_cast %squeeze3A_997 : i32 to index
      %swap3A_1005 = tpu.vector_load %arg22[%swap3A_1004] {strides = array<i32>} : memref<4096xf32, #tpu.memory_space<vmem>>, vector<16xf32>,
      %swap3A_1006 = vector.shape_cast %swap3A_1005 : vector<16xf32> to vector<16xf32>
      %swap3A_1007 = vector.shape_cast %add3A_1003 : vector<16xf32> to vector<16xf32>
      tpu.vector_store %arg22[%swap3A_1004], %swap3A_1007 {strides = array<i32>} : memref<4096xf32, #tpu.memory_space<vmem>>, vector<16xf32>,
      %get3A_1008 = arith.index_cast %squeeze3A_999 : i32 to index
      %get3A_1009 = tpu.vector_load %arg23[%get3A_1008] {strides = array<i32>} : memref<4096xf32, #tpu.memory_space<vmem>>, vector<16xf32>,
      %get3A_1010 = vector.shape_cast %get3A_1009 : vector<16xf32> to vector<16xf32>
      %add3A_1011 = arith.addf %get3A_1010, %broadcast_in_dim3A_2 : vector<16xf32>
      %swap3A_1012 = arith.index_cast %squeeze3A_999 : i32 to index
      %swap3A_1013 = tpu.vector_load %arg23[%swap3A_1012] {strides = array<i32>} : memref<4096xf32, #tpu.memory_space<vmem>>, vector<16xf32>,
      %swap3A_1014 = vector.shape_cast %swap3A_1013 : vector<16xf32> to vector<16xf32>
      %swap3A_1015 = vector.shape_cast %add3A_1011 : vector<16xf32> to vector<16xf32>
      tpu.vector_store %arg23[%swap3A_1012], %swap3A_1015 {strides = array<i32>} : memref<4096xf32, #tpu.memory_space<vmem>>, vector<16xf32>,
      %slice3A_1016 = vector.extract_strided_slice %mul3A_977 {offsets = [4], sizes = [1], strides = [1]} : vector<16xi32> to vector<1xi32>
      %squeeze3A_1017 = vector.extract %slice3A_1016[0] : i32 from vector<1xi32>
      %slice3A_1018 = vector.extract_strided_slice %mul3A_977 {offsets = [5], sizes = [1], strides = [1]} : vector<16xi32> to vector<1xi32>
      %squeeze3A_1019 = vector.extract %slice3A_1018[0] : i32 from vector<1xi32>
      %get3A_1020 = arith.index_cast %squeeze3A_1017 : i32 to index
      %get3A_1021 = tpu.vector_load %arg22[%get3A_1020] {strides = array<i32>} : memref<4096xf32, #tpu.memory_space<vmem>>, vector<16xf32>,
      %get3A_1022 = vector.shape_cast %get3A_1021 : vector<16xf32> to vector<16xf32>
      %add3A_1023 = arith.addf %get3A_1022, %broadcast_in_dim3A_2 : vector<16xf32>
      %swap3A_1024 = arith.index_cast %squeeze3A_1017 : i32 to index
      %swap3A_1025 = tpu.vector_load %arg22[%swap3A_1024] {strides = array<i32>} : memref<4096xf32, #tpu.memory_space<vmem>>, vector<16xf32>,
      %swap3A_1026 = vector.shape_cast %swap3A_1025 : vector<16xf32> to vector<16xf32>
      %swap3A_1027 = vector.shape_cast %add3A_1023 : vector<16xf32> to vector<16xf32>
      tpu.vector_store %arg22[%swap3A_1024], %swap3A_1027 {strides = array<i32>} : memref<4096xf32, #tpu.memory_space<vmem>>, vector<16xf32>,
      %get3A_1028 = arith.index_cast %squeeze3A_1019 : i32 to index
      %get3A_1029 = tpu.vector_load %arg23[%get3A_1028] {strides = array<i32>} : memref<4096xf32, #tpu.memory_space<vmem>>, vector<16xf32>,
      %get3A_1030 = vector.shape_cast %get3A_1029 : vector<16xf32> to vector<16xf32>
      %add3A_1031 = arith.addf %get3A_1030, %broadcast_in_dim3A_2 : vector<16xf32>
      %swap3A_1032 = arith.index_cast %squeeze3A_1019 : i32 to index
      %swap3A_1033 = tpu.vector_load %arg23[%swap3A_1032] {strides = array<i32>} : memref<4096xf32, #tpu.memory_space<vmem>>, vector<16xf32>,
      %swap3A_1034 = vector.shape_cast %swap3A_1033 : vector<16xf32> to vector<16xf32>
      %swap3A_1035 = vector.shape_cast %add3A_1031 : vector<16xf32> to vector<16xf32>
      tpu.vector_store %arg23[%swap3A_1032], %swap3A_1035 {strides = array<i32>} : memref<4096xf32, #tpu.memory_space<vmem>>, vector<16xf32>,
      %slice3A_1036 = vector.extract_strided_slice %mul3A_977 {offsets = [6], sizes = [1], strides = [1]} : vector<16xi32> to vector<1xi32>
      %squeeze3A_1037 = vector.extract %slice3A_1036[0] : i32 from vector<1xi32>
      %slice3A_1038 = vector.extract_strided_slice %mul3A_977 {offsets = [7], sizes = [1], strides = [1]} : vector<16xi32> to vector<1xi32>
      %squeeze3A_1039 = vector.extract %slice3A_1038[0] : i32 from vector<1xi32>
      %get3A_1040 = arith.index_cast %squeeze3A_1037 : i32 to index
      %get3A_1041 = tpu.vector_load %arg22[%get3A_1040] {strides = array<i32>} : memref<4096xf32, #tpu.memory_space<vmem>>, vector<16xf32>,
      %get3A_1042 = vector.shape_cast %get3A_1041 : vector<16xf32> to vector<16xf32>
      %add3A_1043 = arith.addf %get3A_1042, %broadcast_in_dim3A_2 : vector<16xf32>
      %swap3A_1044 = arith.index_cast %squeeze3A_1037 : i32 to index
      %swap3A_1045 = tpu.vector_load %arg22[%swap3A_1044] {strides = array<i32>} : memref<4096xf32, #tpu.memory_space<vmem>>, vector<16xf32>,
      %swap3A_1046 = vector.shape_cast %swap3A_1045 : vector<16xf32> to vector<16xf32>
      %swap3A_1047 = vector.shape_cast %add3A_1043 : vector<16xf32> to vector<16xf32>
      tpu.vector_store %arg22[%swap3A_1044], %swap3A_1047 {strides = array<i32>} : memref<4096xf32, #tpu.memory_space<vmem>>, vector<16xf32>,
      %get3A_1048 = arith.index_cast %squeeze3A_1039 : i32 to index
      %get3A_1049 = tpu.vector_load %arg23[%get3A_1048] {strides = array<i32>} : memref<4096xf32, #tpu.memory_space<vmem>>, vector<16xf32>,
      %get3A_1050 = vector.shape_cast %get3A_1049 : vector<16xf32> to vector<16xf32>
      %add3A_1051 = arith.addf %get3A_1050, %broadcast_in_dim3A_2 : vector<16xf32>
      %swap3A_1052 = arith.index_cast %squeeze3A_1039 : i32 to index
      %swap3A_1053 = tpu.vector_load %arg23[%swap3A_1052] {strides = array<i32>} : memref<4096xf32, #tpu.memory_space<vmem>>, vector<16xf32>,
      %swap3A_1054 = vector.shape_cast %swap3A_1053 : vector<16xf32> to vector<16xf32>
      %swap3A_1055 = vector.shape_cast %add3A_1051 : vector<16xf32> to vector<16xf32>
      tpu.vector_store %arg23[%swap3A_1052], %swap3A_1055 {strides = array<i32>} : memref<4096xf32, #tpu.memory_space<vmem>>, vector<16xf32>,
      %slice3A_1056 = vector.extract_strided_slice %mul3A_977 {offsets = [8], sizes = [1], strides = [1]} : vector<16xi32> to vector<1xi32>
      %squeeze3A_1057 = vector.extract %slice3A_1056[0] : i32 from vector<1xi32>
      %slice3A_1058 = vector.extract_strided_slice %mul3A_977 {offsets = [9], sizes = [1], strides = [1]} : vector<16xi32> to vector<1xi32>
      %squeeze3A_1059 = vector.extract %slice3A_1058[0] : i32 from vector<1xi32>
      %get3A_1060 = arith.index_cast %squeeze3A_1057 : i32 to index
      %get3A_1061 = tpu.vector_load %arg22[%get3A_1060] {strides = array<i32>} : memref<4096xf32, #tpu.memory_space<vmem>>, vector<16xf32>,
      %get3A_1062 = vector.shape_cast %get3A_1061 : vector<16xf32> to vector<16xf32>
      %add3A_1063 = arith.addf %get3A_1062, %broadcast_in_dim3A_2 : vector<16xf32>
      %swap3A_1064 = arith.index_cast %squeeze3A_1057 : i32 to index
      %swap3A_1065 = tpu.vector_load %arg22[%swap3A_1064] {strides = array<i32>} : memref<4096xf32, #tpu.memory_space<vmem>>, vector<16xf32>,
      %swap3A_1066 = vector.shape_cast %swap3A_1065 : vector<16xf32> to vector<16xf32>
      %swap3A_1067 = vector.shape_cast %add3A_1063 : vector<16xf32> to vector<16xf32>
      tpu.vector_store %arg22[%swap3A_1064], %swap3A_1067 {strides = array<i32>} : memref<4096xf32, #tpu.memory_space<vmem>>, vector<16xf32>,
      %get3A_1068 = arith.index_cast %squeeze3A_1059 : i32 to index
      %get3A_1069 = tpu.vector_load %arg23[%get3A_1068] {strides = array<i32>} : memref<4096xf32, #tpu.memory_space<vmem>>, vector<16xf32>,
      %get3A_1070 = vector.shape_cast %get3A_1069 : vector<16xf32> to vector<16xf32>
      %add3A_1071 = arith.addf %get3A_1070, %broadcast_in_dim3A_2 : vector<16xf32>
      %swap3A_1072 = arith.index_cast %squeeze3A_1059 : i32 to index
      %swap3A_1073 = tpu.vector_load %arg23[%swap3A_1072] {strides = array<i32>} : memref<4096xf32, #tpu.memory_space<vmem>>, vector<16xf32>,
      %swap3A_1074 = vector.shape_cast %swap3A_1073 : vector<16xf32> to vector<16xf32>
      %swap3A_1075 = vector.shape_cast %add3A_1071 : vector<16xf32> to vector<16xf32>
      tpu.vector_store %arg23[%swap3A_1072], %swap3A_1075 {strides = array<i32>} : memref<4096xf32, #tpu.memory_space<vmem>>, vector<16xf32>,
      %slice3A_1076 = vector.extract_strided_slice %mul3A_977 {offsets = [10], sizes = [1], strides = [1]} : vector<16xi32> to vector<1xi32>
      %squeeze3A_1077 = vector.extract %slice3A_1076[0] : i32 from vector<1xi32>
      %slice3A_1078 = vector.extract_strided_slice %mul3A_977 {offsets = [11], sizes = [1], strides = [1]} : vector<16xi32> to vector<1xi32>
      %squeeze3A_1079 = vector.extract %slice3A_1078[0] : i32 from vector<1xi32>
      %get3A_1080 = arith.index_cast %squeeze3A_1077 : i32 to index
      %get3A_1081 = tpu.vector_load %arg22[%get3A_1080] {strides = array<i32>} : memref<4096xf32, #tpu.memory_space<vmem>>, vector<16xf32>,
      %get3A_1082 = vector.shape_cast %get3A_1081 : vector<16xf32> to vector<16xf32>
      %add3A_1083 = arith.addf %get3A_1082, %broadcast_in_dim3A_2 : vector<16xf32>
      %swap3A_1084 = arith.index_cast %squeeze3A_1077 : i32 to index
      %swap3A_1085 = tpu.vector_load %arg22[%swap3A_1084] {strides = array<i32>} : memref<4096xf32, #tpu.memory_space<vmem>>, vector<16xf32>,
      %swap3A_1086 = vector.shape_cast %swap3A_1085 : vector<16xf32> to vector<16xf32>
      %swap3A_1087 = vector.shape_cast %add3A_1083 : vector<16xf32> to vector<16xf32>
      tpu.vector_store %arg22[%swap3A_1084], %swap3A_1087 {strides = array<i32>} : memref<4096xf32, #tpu.memory_space<vmem>>, vector<16xf32>,
      %get3A_1088 = arith.index_cast %squeeze3A_1079 : i32 to index
      %get3A_1089 = tpu.vector_load %arg23[%get3A_1088] {strides = array<i32>} : memref<4096xf32, #tpu.memory_space<vmem>>, vector<16xf32>,
      %get3A_1090 = vector.shape_cast %get3A_1089 : vector<16xf32> to vector<16xf32>
      %add3A_1091 = arith.addf %get3A_1090, %broadcast_in_dim3A_2 : vector<16xf32>
      %swap3A_1092 = arith.index_cast %squeeze3A_1079 : i32 to index
      %swap3A_1093 = tpu.vector_load %arg23[%swap3A_1092] {strides = array<i32>} : memref<4096xf32, #tpu.memory_space<vmem>>, vector<16xf32>,
      %swap3A_1094 = vector.shape_cast %swap3A_1093 : vector<16xf32> to vector<16xf32>
      %swap3A_1095 = vector.shape_cast %add3A_1091 : vector<16xf32> to vector<16xf32>
      tpu.vector_store %arg23[%swap3A_1092], %swap3A_1095 {strides = array<i32>} : memref<4096xf32, #tpu.memory_space<vmem>>, vector<16xf32>,
      %slice3A_1096 = vector.extract_strided_slice %mul3A_977 {offsets = [12], sizes = [1], strides = [1]} : vector<16xi32> to vector<1xi32>
      %squeeze3A_1097 = vector.extract %slice3A_1096[0] : i32 from vector<1xi32>
      %slice3A_1098 = vector.extract_strided_slice %mul3A_977 {offsets = [13], sizes = [1], strides = [1]} : vector<16xi32> to vector<1xi32>
      %squeeze3A_1099 = vector.extract %slice3A_1098[0] : i32 from vector<1xi32>
      %get3A_1100 = arith.index_cast %squeeze3A_1097 : i32 to index
      %get3A_1101 = tpu.vector_load %arg22[%get3A_1100] {strides = array<i32>} : memref<4096xf32, #tpu.memory_space<vmem>>, vector<16xf32>,
      %get3A_1102 = vector.shape_cast %get3A_1101 : vector<16xf32> to vector<16xf32>
      %add3A_1103 = arith.addf %get3A_1102, %broadcast_in_dim3A_2 : vector<16xf32>
      %swap3A_1104 = arith.index_cast %squeeze3A_1097 : i32 to index
      %swap3A_1105 = tpu.vector_load %arg22[%swap3A_1104] {strides = array<i32>} : memref<4096xf32, #tpu.memory_space<vmem>>, vector<16xf32>,
      %swap3A_1106 = vector.shape_cast %swap3A_1105 : vector<16xf32> to vector<16xf32>
      %swap3A_1107 = vector.shape_cast %add3A_1103 : vector<16xf32> to vector<16xf32>
      tpu.vector_store %arg22[%swap3A_1104], %swap3A_1107 {strides = array<i32>} : memref<4096xf32, #tpu.memory_space<vmem>>, vector<16xf32>,
      %get3A_1108 = arith.index_cast %squeeze3A_1099 : i32 to index
      %get3A_1109 = tpu.vector_load %arg23[%get3A_1108] {strides = array<i32>} : memref<4096xf32, #tpu.memory_space<vmem>>, vector<16xf32>,
      %get3A_1110 = vector.shape_cast %get3A_1109 : vector<16xf32> to vector<16xf32>
      %add3A_1111 = arith.addf %get3A_1110, %broadcast_in_dim3A_2 : vector<16xf32>
      %swap3A_1112 = arith.index_cast %squeeze3A_1099 : i32 to index
      %swap3A_1113 = tpu.vector_load %arg23[%swap3A_1112] {strides = array<i32>} : memref<4096xf32, #tpu.memory_space<vmem>>, vector<16xf32>,
      %swap3A_1114 = vector.shape_cast %swap3A_1113 : vector<16xf32> to vector<16xf32>
      %swap3A_1115 = vector.shape_cast %add3A_1111 : vector<16xf32> to vector<16xf32>
      tpu.vector_store %arg23[%swap3A_1112], %swap3A_1115 {strides = array<i32>} : memref<4096xf32, #tpu.memory_space<vmem>>, vector<16xf32>,
      %slice3A_1116 = vector.extract_strided_slice %mul3A_977 {offsets = [14], sizes = [1], strides = [1]} : vector<16xi32> to vector<1xi32>
      %squeeze3A_1117 = vector.extract %slice3A_1116[0] : i32 from vector<1xi32>
      %slice3A_1118 = vector.extract_strided_slice %mul3A_977 {offsets = [15], sizes = [1], strides = [1]} : vector<16xi32> to vector<1xi32>
      %squeeze3A_1119 = vector.extract %slice3A_1118[0] : i32 from vector<1xi32>
      %get3A_1120 = arith.index_cast %squeeze3A_1117 : i32 to index
      %get3A_1121 = tpu.vector_load %arg22[%get3A_1120] {strides = array<i32>} : memref<4096xf32, #tpu.memory_space<vmem>>, vector<16xf32>,
      %get3A_1122 = vector.shape_cast %get3A_1121 : vector<16xf32> to vector<16xf32>
      %add3A_1123 = arith.addf %get3A_1122, %broadcast_in_dim3A_2 : vector<16xf32>
      %swap3A_1124 = arith.index_cast %squeeze3A_1117 : i32 to index
      %swap3A_1125 = tpu.vector_load %arg22[%swap3A_1124] {strides = array<i32>} : memref<4096xf32, #tpu.memory_space<vmem>>, vector<16xf32>,
      %swap3A_1126 = vector.shape_cast %swap3A_1125 : vector<16xf32> to vector<16xf32>
      %swap3A_1127 = vector.shape_cast %add3A_1123 : vector<16xf32> to vector<16xf32>
      tpu.vector_store %arg22[%swap3A_1124], %swap3A_1127 {strides = array<i32>} : memref<4096xf32, #tpu.memory_space<vmem>>, vector<16xf32>,
      %get3A_1128 = arith.index_cast %squeeze3A_1119 : i32 to index
      %get3A_1129 = tpu.vector_load %arg23[%get3A_1128] {strides = array<i32>} : memref<4096xf32, #tpu.memory_space<vmem>>, vector<16xf32>,
      %get3A_1130 = vector.shape_cast %get3A_1129 : vector<16xf32> to vector<16xf32>
      %add3A_1131 = arith.addf %get3A_1130, %broadcast_in_dim3A_2 : vector<16xf32>
      %swap3A_1132 = arith.index_cast %squeeze3A_1119 : i32 to index
      %swap3A_1133 = tpu.vector_load %arg23[%swap3A_1132] {strides = array<i32>} : memref<4096xf32, #tpu.memory_space<vmem>>, vector<16xf32>,
      %swap3A_1134 = vector.shape_cast %swap3A_1133 : vector<16xf32> to vector<16xf32>
      %swap3A_1135 = vector.shape_cast %add3A_1131 : vector<16xf32> to vector<16xf32>
      tpu.vector_store %arg23[%swap3A_1132], %swap3A_1135 {strides = array<i32>} : memref<4096xf32, #tpu.memory_space<vmem>>, vector<16xf32>,
      %scan3A_1136 = arith.constant 0 : i32
      scf.yield %scan3A_1136 : i32
    }
    %scan3A_755 = arith.constant 8 : i32
    %dma_wait3A_756 = arith.constant 0 : i32
    %dma_wait3A_757 = arith.constant 0 : i32
    %dma_wait3A_758 = tpu.memref_slice %arg24[%dma_wait3A_756, %dma_wait3A_757] : memref<2048x128xf32, #tpu.memory_space<vmem_shared>> -> memref<2048x128xf32, #tpu.memory_space<vmem_shared>>
    tpu.wait_indirect_dma semaphore(%arg32 : memref<!tpu.dma_semaphore, #tpu.memory_space<semaphore_mem>>) src(%arg8 : memref<128x128xf32, #tpu.memory_space<vmem>>) dst(%dma_wait3A_758 : memref<2048x128xf32, #tpu.memory_space<vmem_shared>>)
    %dma_wait3A_759 = arith.constant 0 : i32
    %dma_wait3A_760 = arith.constant 0 : i32
    %dma_wait3A_761 = tpu.memref_slice %arg24[%dma_wait3A_759, %dma_wait3A_760] : memref<2048x128xf32, #tpu.memory_space<vmem_shared>> -> memref<2048x128xf32, #tpu.memory_space<vmem_shared>>
    tpu.wait_indirect_dma semaphore(%arg33 : memref<!tpu.dma_semaphore, #tpu.memory_space<semaphore_mem>>) src(%arg9 : memref<128x128xf32, #tpu.memory_space<vmem>>) dst(%dma_wait3A_761 : memref<2048x128xf32, #tpu.memory_space<vmem_shared>>)
    %iota3A = tpu.iota {dimensions = array<i32: 0>} : vector<16xi32>
    %scan3A_762 = arith.constant 0 : i32
    %scan3A_763 = arith.constant 0 : i32
    %scan3A_764 = arith.constant 128 : i32
    %scan3A_765 = arith.addi %scan3A_763, %scan3A_764 : i32
    %scan3A_766 = arith.constant 1 : i32
    %scan3A_767 = scf.for %scan3A_966 = %scan3A_763 to %scan3A_765 step %scan3A_766 iter_args(%scan3A_967 = %scan3A_762) -> (i32)  : i32 {
      %add3A_968 = arith.constant 0 : i32
      %add3A_969 = arith.addi %add3A_968, %scan3A_966 : i32
      %mul3A_970 = arith.constant 16 : i32
      %mul3A_971 = arith.muli %add3A_969, %mul3A_970 : i32
      %get3A_972 = arith.index_cast %mul3A_971 : i32 to index
      %get3A_973 = tpu.vector_load %arg22[%get3A_972] {strides = array<i32>} : memref<4096xf32, #tpu.memory_space<vmem>>, vector<16xf32>,
      %get3A_974 = vector.shape_cast %get3A_973 : vector<16xf32> to vector<16xf32>
      %add3A_975 = arith.constant 0 : i32
      %add3A_976 = arith.addi %add3A_975, %scan3A_966 : i32
      %mul3A_977 = arith.constant 16 : i32
      %mul3A_978 = arith.muli %add3A_976, %mul3A_977 : i32
      %get3A_979 = arith.index_cast %mul3A_978 : i32 to index
      %get3A_980 = tpu.vector_load %arg23[%get3A_979] {strides = array<i32>} : memref<4096xf32, #tpu.memory_space<vmem>>, vector<16xf32>,
      %get3A_981 = vector.shape_cast %get3A_980 : vector<16xf32> to vector<16xf32>
      %add3A_982 = arith.addf %get3A_974, %get3A_981 : vector<16xf32>
      %swap3A_983 = arith.index_cast %scan3A_966 : i32 to index
      %swap3A_984 = arith.constant 0 : index
      %swap3A_985 = tpu.vector_load %arg6[%swap3A_983, %swap3A_984] {strides = array<i32>} : memref<128x128xf32, #tpu.memory_space<vmem>>, vector<1x16xf32>,
      %swap3A_986 = vector.shape_cast %swap3A_985 : vector<1x16xf32> to vector<16xf32>
      %swap3A_987 = vector.shape_cast %add3A_982 : vector<16xf32> to vector<1x16xf32>
      tpu.vector_store %arg6[%swap3A_983, %swap3A_984], %swap3A_987 {strides = array<i32>} : memref<128x128xf32, #tpu.memory_space<vmem>>, vector<1x16xf32>,
      %swap3A_988 = arith.index_cast %scan3A_966 : i32 to index
      %swap3A_989 = arith.constant 16 : index
      %swap3A_990 = tpu.vector_load %arg6[%swap3A_988, %swap3A_989] {strides = array<i32>} : memref<128x128xf32, #tpu.memory_space<vmem>>, vector<1x16xf32>,
      %swap3A_991 = vector.shape_cast %swap3A_990 : vector<1x16xf32> to vector<16xf32>
      %swap3A_992 = vector.shape_cast %add3A_982 : vector<16xf32> to vector<1x16xf32>
      tpu.vector_store %arg6[%swap3A_988, %swap3A_989], %swap3A_992 {strides = array<i32>} : memref<128x128xf32, #tpu.memory_space<vmem>>, vector<1x16xf32>,
      %swap3A_993 = arith.index_cast %scan3A_966 : i32 to index
      %swap3A_994 = arith.constant 32 : index
      %swap3A_995 = tpu.vector_load %arg6[%swap3A_993, %swap3A_994] {strides = array<i32>} : memref<128x128xf32, #tpu.memory_space<vmem>>, vector<1x16xf32>,
      %swap3A_996 = vector.shape_cast %swap3A_995 : vector<1x16xf32> to vector<16xf32>
      %swap3A_997 = vector.shape_cast %add3A_982 : vector<16xf32> to vector<1x16xf32>
      tpu.vector_store %arg6[%swap3A_993, %swap3A_994], %swap3A_997 {strides = array<i32>} : memref<128x128xf32, #tpu.memory_space<vmem>>, vector<1x16xf32>,
      %swap3A_998 = arith.index_cast %scan3A_966 : i32 to index
      %swap3A_999 = arith.constant 48 : index
      %swap3A_1000 = tpu.vector_load %arg6[%swap3A_998, %swap3A_999] {strides = array<i32>} : memref<128x128xf32, #tpu.memory_space<vmem>>, vector<1x16xf32>,
      %swap3A_1001 = vector.shape_cast %swap3A_1000 : vector<1x16xf32> to vector<16xf32>
      %swap3A_1002 = vector.shape_cast %add3A_982 : vector<16xf32> to vector<1x16xf32>
      tpu.vector_store %arg6[%swap3A_998, %swap3A_999], %swap3A_1002 {strides = array<i32>} : memref<128x128xf32, #tpu.memory_space<vmem>>, vector<1x16xf32>,
      %swap3A_1003 = arith.index_cast %scan3A_966 : i32 to index
      %swap3A_1004 = arith.constant 64 : index
      %swap3A_1005 = tpu.vector_load %arg6[%swap3A_1003, %swap3A_1004] {strides = array<i32>} : memref<128x128xf32, #tpu.memory_space<vmem>>, vector<1x16xf32>,
      %swap3A_1006 = vector.shape_cast %swap3A_1005 : vector<1x16xf32> to vector<16xf32>
      %swap3A_1007 = vector.shape_cast %add3A_982 : vector<16xf32> to vector<1x16xf32>
      tpu.vector_store %arg6[%swap3A_1003, %swap3A_1004], %swap3A_1007 {strides = array<i32>} : memref<128x128xf32, #tpu.memory_space<vmem>>, vector<1x16xf32>,
      %swap3A_1008 = arith.index_cast %scan3A_966 : i32 to index
      %swap3A_1009 = arith.constant 80 : index
      %swap3A_1010 = tpu.vector_load %arg6[%swap3A_1008, %swap3A_1009] {strides = array<i32>} : memref<128x128xf32, #tpu.memory_space<vmem>>, vector<1x16xf32>,
      %swap3A_1011 = vector.shape_cast %swap3A_1010 : vector<1x16xf32> to vector<16xf32>
      %swap3A_1012 = vector.shape_cast %add3A_982 : vector<16xf32> to vector<1x16xf32>
      tpu.vector_store %arg6[%swap3A_1008, %swap3A_1009], %swap3A_1012 {strides = array<i32>} : memref<128x128xf32, #tpu.memory_space<vmem>>, vector<1x16xf32>,
      %swap3A_1013 = arith.index_cast %scan3A_966 : i32 to index
      %swap3A_1014 = arith.constant 96 : index
      %swap3A_1015 = tpu.vector_load %arg6[%swap3A_1013, %swap3A_1014] {strides = array<i32>} : memref<128x128xf32, #tpu.memory_space<vmem>>, vector<1x16xf32>,
      %swap3A_1016 = vector.shape_cast %swap3A_1015 : vector<1x16xf32> to vector<16xf32>
      %swap3A_1017 = vector.shape_cast %add3A_982 : vector<16xf32> to vector<1x16xf32>
      tpu.vector_store %arg6[%swap3A_1013, %swap3A_1014], %swap3A_1017 {strides = array<i32>} : memref<128x128xf32, #tpu.memory_space<vmem>>, vector<1x16xf32>,
      %swap3A_1018 = arith.index_cast %scan3A_966 : i32 to index
      %swap3A_1019 = arith.constant 112 : index
      %swap3A_1020 = tpu.vector_load %arg6[%swap3A_1018, %swap3A_1019] {strides = array<i32>} : memref<128x128xf32, #tpu.memory_space<vmem>>, vector<1x16xf32>,
      %swap3A_1021 = vector.shape_cast %swap3A_1020 : vector<1x16xf32> to vector<16xf32>
      %swap3A_1022 = vector.shape_cast %add3A_982 : vector<16xf32> to vector<1x16xf32>
      tpu.vector_store %arg6[%swap3A_1018, %swap3A_1019], %swap3A_1022 {strides = array<i32>} : memref<128x128xf32, #tpu.memory_space<vmem>>, vector<1x16xf32>,
      %scan3A_1023 = arith.constant 0 : i32
      scf.yield %scan3A_1023 : i32
    }
    %scan3A_768 = arith.constant 128 : i32
    %add3A_769 = arith.constant 0 : i32
    %add3A_770 = arith.addi %mul3A_37, %add3A_769 : i32
    %add3A_771 = arith.constant 0 : i32
    %add3A_772 = arith.addi %add3A_770, %add3A_771 : i32
    %add3A_773 = vector.broadcast %add3A_772 : i32 to vector<16xi32>
    %add3A_774 = arith.addi %iota3A, %add3A_773 : vector<16xi32>
    %swap3A_775 = arith.constant 0 : index
    %swap3A_776 = tpu.vector_load %arg18[%swap3A_775] {strides = array<i32>} : memref<128xi32, #tpu.memory_space<vmem>>, vector<16xi32>,
    %swap3A_777 = vector.shape_cast %swap3A_776 : vector<16xi32> to vector<16xi32>
    %swap3A_778 = vector.shape_cast %add3A_774 : vector<16xi32> to vector<16xi32>
    tpu.vector_store %arg18[%swap3A_775], %swap3A_778 {strides = array<i32>} : memref<128xi32, #tpu.memory_space<vmem>>, vector<16xi32>,
    %add3A_779 = arith.constant 0 : i32
    %add3A_780 = arith.addi %mul3A_37, %add3A_779 : i32
    %add3A_781 = arith.constant 16 : i32
    %add3A_782 = arith.addi %add3A_780, %add3A_781 : i32
    %add3A_783 = vector.broadcast %add3A_782 : i32 to vector<16xi32>
    %add3A_784 = arith.addi %iota3A, %add3A_783 : vector<16xi32>
    %swap3A_785 = arith.constant 16 : index
    %swap3A_786 = tpu.vector_load %arg18[%swap3A_785] {strides = array<i32>} : memref<128xi32, #tpu.memory_space<vmem>>, vector<16xi32>,
    %swap3A_787 = vector.shape_cast %swap3A_786 : vector<16xi32> to vector<16xi32>
    %swap3A_788 = vector.shape_cast %add3A_784 : vector<16xi32> to vector<16xi32>
    tpu.vector_store %arg18[%swap3A_785], %swap3A_788 {strides = array<i32>} : memref<128xi32, #tpu.memory_space<vmem>>, vector<16xi32>,
    %add3A_789 = arith.constant 0 : i32
    %add3A_790 = arith.addi %mul3A_37, %add3A_789 : i32
    %add3A_791 = arith.constant 32 : i32
    %add3A_792 = arith.addi %add3A_790, %add3A_791 : i32
    %add3A_793 = vector.broadcast %add3A_792 : i32 to vector<16xi32>
    %add3A_794 = arith.addi %iota3A, %add3A_793 : vector<16xi32>
    %swap3A_795 = arith.constant 32 : index
    %swap3A_796 = tpu.vector_load %arg18[%swap3A_795] {strides = array<i32>} : memref<128xi32, #tpu.memory_space<vmem>>, vector<16xi32>,
    %swap3A_797 = vector.shape_cast %swap3A_796 : vector<16xi32> to vector<16xi32>
    %swap3A_798 = vector.shape_cast %add3A_794 : vector<16xi32> to vector<16xi32>
    tpu.vector_store %arg18[%swap3A_795], %swap3A_798 {strides = array<i32>} : memref<128xi32, #tpu.memory_space<vmem>>, vector<16xi32>,
    %add3A_799 = arith.constant 0 : i32
    %add3A_800 = arith.addi %mul3A_37, %add3A_799 : i32
    %add3A_801 = arith.constant 48 : i32
    %add3A_802 = arith.addi %add3A_800, %add3A_801 : i32
    %add3A_803 = vector.broadcast %add3A_802 : i32 to vector<16xi32>
    %add3A_804 = arith.addi %iota3A, %add3A_803 : vector<16xi32>
    %swap3A_805 = arith.constant 48 : index
    %swap3A_806 = tpu.vector_load %arg18[%swap3A_805] {strides = array<i32>} : memref<128xi32, #tpu.memory_space<vmem>>, vector<16xi32>,
    %swap3A_807 = vector.shape_cast %swap3A_806 : vector<16xi32> to vector<16xi32>
    %swap3A_808 = vector.shape_cast %add3A_804 : vector<16xi32> to vector<16xi32>
    tpu.vector_store %arg18[%swap3A_805], %swap3A_808 {strides = array<i32>} : memref<128xi32, #tpu.memory_space<vmem>>, vector<16xi32>,
    %add3A_809 = arith.constant 0 : i32
    %add3A_810 = arith.addi %mul3A_37, %add3A_809 : i32
    %add3A_811 = arith.constant 64 : i32
    %add3A_812 = arith.addi %add3A_810, %add3A_811 : i32
    %add3A_813 = vector.broadcast %add3A_812 : i32 to vector<16xi32>
    %add3A_814 = arith.addi %iota3A, %add3A_813 : vector<16xi32>
    %swap3A_815 = arith.constant 64 : index
    %swap3A_816 = tpu.vector_load %arg18[%swap3A_815] {strides = array<i32>} : memref<128xi32, #tpu.memory_space<vmem>>, vector<16xi32>,
    %swap3A_817 = vector.shape_cast %swap3A_816 : vector<16xi32> to vector<16xi32>
    %swap3A_818 = vector.shape_cast %add3A_814 : vector<16xi32> to vector<16xi32>
    tpu.vector_store %arg18[%swap3A_815], %swap3A_818 {strides = array<i32>} : memref<128xi32, #tpu.memory_space<vmem>>, vector<16xi32>,
    %add3A_819 = arith.constant 0 : i32
    %add3A_820 = arith.addi %mul3A_37, %add3A_819 : i32
    %add3A_821 = arith.constant 80 : i32
    %add3A_822 = arith.addi %add3A_820, %add3A_821 : i32
    %add3A_823 = vector.broadcast %add3A_822 : i32 to vector<16xi32>
    %add3A_824 = arith.addi %iota3A, %add3A_823 : vector<16xi32>
    %swap3A_825 = arith.constant 80 : index
    %swap3A_826 = tpu.vector_load %arg18[%swap3A_825] {strides = array<i32>} : memref<128xi32, #tpu.memory_space<vmem>>, vector<16xi32>,
    %swap3A_827 = vector.shape_cast %swap3A_826 : vector<16xi32> to vector<16xi32>
    %swap3A_828 = vector.shape_cast %add3A_824 : vector<16xi32> to vector<16xi32>
    tpu.vector_store %arg18[%swap3A_825], %swap3A_828 {strides = array<i32>} : memref<128xi32, #tpu.memory_space<vmem>>, vector<16xi32>,
    %add3A_829 = arith.constant 0 : i32
    %add3A_830 = arith.addi %mul3A_37, %add3A_829 : i32
    %add3A_831 = arith.constant 96 : i32
    %add3A_832 = arith.addi %add3A_830, %add3A_831 : i32
    %add3A_833 = vector.broadcast %add3A_832 : i32 to vector<16xi32>
    %add3A_834 = arith.addi %iota3A, %add3A_833 : vector<16xi32>
    %swap3A_835 = arith.constant 96 : index
    %swap3A_836 = tpu.vector_load %arg18[%swap3A_835] {strides = array<i32>} : memref<128xi32, #tpu.memory_space<vmem>>, vector<16xi32>,
    %swap3A_837 = vector.shape_cast %swap3A_836 : vector<16xi32> to vector<16xi32>
    %swap3A_838 = vector.shape_cast %add3A_834 : vector<16xi32> to vector<16xi32>
    tpu.vector_store %arg18[%swap3A_835], %swap3A_838 {strides = array<i32>} : memref<128xi32, #tpu.memory_space<vmem>>, vector<16xi32>,
    %add3A_839 = arith.constant 0 : i32
    %add3A_840 = arith.addi %mul3A_37, %add3A_839 : i32
    %add3A_841 = arith.constant 112 : i32
    %add3A_842 = arith.addi %add3A_840, %add3A_841 : i32
    %add3A_843 = vector.broadcast %add3A_842 : i32 to vector<16xi32>
    %add3A_844 = arith.addi %iota3A, %add3A_843 : vector<16xi32>
    %swap3A_845 = arith.constant 112 : index
    %swap3A_846 = tpu.vector_load %arg18[%swap3A_845] {strides = array<i32>} : memref<128xi32, #tpu.memory_space<vmem>>, vector<16xi32>,
    %swap3A_847 = vector.shape_cast %swap3A_846 : vector<16xi32> to vector<16xi32>
    %swap3A_848 = vector.shape_cast %add3A_844 : vector<16xi32> to vector<16xi32>
    tpu.vector_store %arg18[%swap3A_845], %swap3A_848 {strides = array<i32>} : memref<128xi32, #tpu.memory_space<vmem>>, vector<16xi32>,
    %dma_start3A_849 = arith.constant 0 : i32
    %dma_start3A_850 = arith.constant 0 : i32
    %dma_start3A_851 = tpu.memref_slice %arg25[%dma_start3A_849, %dma_start3A_850] : memref<2048x128xf32, #tpu.memory_space<vmem_shared>> -> memref<2048x128xf32, #tpu.memory_space<vmem_shared>>
    tpu.enqueue_indirect_dma source(%arg6 : memref<128x128xf32, #tpu.memory_space<vmem>>) target(%dma_start3A_851 : memref<2048x128xf32, #tpu.memory_space<vmem_shared>>) offsets(%arg18 : memref<128xi32, #tpu.memory_space<vmem>>) semaphore(%arg30 : memref<!tpu.dma_semaphore, #tpu.memory_space<semaphore_mem>>) {add = true}
    %scan3A_852 = arith.constant 0 : i32
    %scan3A_853 = arith.constant 0 : i32
    %scan3A_854 = arith.constant 128 : i32
    %scan3A_855 = arith.addi %scan3A_853, %scan3A_854 : i32
    %scan3A_856 = arith.constant 1 : i32
    %scan3A_857 = scf.for %scan3A_966 = %scan3A_853 to %scan3A_855 step %scan3A_856 iter_args(%scan3A_967 = %scan3A_852) -> (i32)  : i32 {
      %add3A_968 = arith.constant 128 : i32
      %add3A_969 = arith.addi %add3A_968, %scan3A_966 : i32
      %mul3A_970 = arith.constant 16 : i32
      %mul3A_971 = arith.muli %add3A_969, %mul3A_970 : i32
      %get3A_972 = arith.index_cast %mul3A_971 : i32 to index
      %get3A_973 = tpu.vector_load %arg22[%get3A_972] {strides = array<i32>} : memref<4096xf32, #tpu.memory_space<vmem>>, vector<16xf32>,
      %get3A_974 = vector.shape_cast %get3A_973 : vector<16xf32> to vector<16xf32>
      %add3A_975 = arith.constant 128 : i32
      %add3A_976 = arith.addi %add3A_975, %scan3A_966 : i32
      %mul3A_977 = arith.constant 16 : i32
      %mul3A_978 = arith.muli %add3A_976, %mul3A_977 : i32
      %get3A_979 = arith.index_cast %mul3A_978 : i32 to index
      %get3A_980 = tpu.vector_load %arg23[%get3A_979] {strides = array<i32>} : memref<4096xf32, #tpu.memory_space<vmem>>, vector<16xf32>,
      %get3A_981 = vector.shape_cast %get3A_980 : vector<16xf32> to vector<16xf32>
      %add3A_982 = arith.addf %get3A_974, %get3A_981 : vector<16xf32>
      %swap3A_983 = arith.index_cast %scan3A_966 : i32 to index
      %swap3A_984 = arith.constant 0 : index
      %swap3A_985 = tpu.vector_load %arg7[%swap3A_983, %swap3A_984] {strides = array<i32>} : memref<128x128xf32, #tpu.memory_space<vmem>>, vector<1x16xf32>,
      %swap3A_986 = vector.shape_cast %swap3A_985 : vector<1x16xf32> to vector<16xf32>
      %swap3A_987 = vector.shape_cast %add3A_982 : vector<16xf32> to vector<1x16xf32>
      tpu.vector_store %arg7[%swap3A_983, %swap3A_984], %swap3A_987 {strides = array<i32>} : memref<128x128xf32, #tpu.memory_space<vmem>>, vector<1x16xf32>,
      %swap3A_988 = arith.index_cast %scan3A_966 : i32 to index
      %swap3A_989 = arith.constant 16 : index
      %swap3A_990 = tpu.vector_load %arg7[%swap3A_988, %swap3A_989] {strides = array<i32>} : memref<128x128xf32, #tpu.memory_space<vmem>>, vector<1x16xf32>,
      %swap3A_991 = vector.shape_cast %swap3A_990 : vector<1x16xf32> to vector<16xf32>
      %swap3A_992 = vector.shape_cast %add3A_982 : vector<16xf32> to vector<1x16xf32>
      tpu.vector_store %arg7[%swap3A_988, %swap3A_989], %swap3A_992 {strides = array<i32>} : memref<128x128xf32, #tpu.memory_space<vmem>>, vector<1x16xf32>,
      %swap3A_993 = arith.index_cast %scan3A_966 : i32 to index
      %swap3A_994 = arith.constant 32 : index
      %swap3A_995 = tpu.vector_load %arg7[%swap3A_993, %swap3A_994] {strides = array<i32>} : memref<128x128xf32, #tpu.memory_space<vmem>>, vector<1x16xf32>,
      %swap3A_996 = vector.shape_cast %swap3A_995 : vector<1x16xf32> to vector<16xf32>
      %swap3A_997 = vector.shape_cast %add3A_982 : vector<16xf32> to vector<1x16xf32>
      tpu.vector_store %arg7[%swap3A_993, %swap3A_994], %swap3A_997 {strides = array<i32>} : memref<128x128xf32, #tpu.memory_space<vmem>>, vector<1x16xf32>,
      %swap3A_998 = arith.index_cast %scan3A_966 : i32 to index
      %swap3A_999 = arith.constant 48 : index
      %swap3A_1000 = tpu.vector_load %arg7[%swap3A_998, %swap3A_999] {strides = array<i32>} : memref<128x128xf32, #tpu.memory_space<vmem>>, vector<1x16xf32>,
      %swap3A_1001 = vector.shape_cast %swap3A_1000 : vector<1x16xf32> to vector<16xf32>
      %swap3A_1002 = vector.shape_cast %add3A_982 : vector<16xf32> to vector<1x16xf32>
      tpu.vector_store %arg7[%swap3A_998, %swap3A_999], %swap3A_1002 {strides = array<i32>} : memref<128x128xf32, #tpu.memory_space<vmem>>, vector<1x16xf32>,
      %swap3A_1003 = arith.index_cast %scan3A_966 : i32 to index
      %swap3A_1004 = arith.constant 64 : index
      %swap3A_1005 = tpu.vector_load %arg7[%swap3A_1003, %swap3A_1004] {strides = array<i32>} : memref<128x128xf32, #tpu.memory_space<vmem>>, vector<1x16xf32>,
      %swap3A_1006 = vector.shape_cast %swap3A_1005 : vector<1x16xf32> to vector<16xf32>
      %swap3A_1007 = vector.shape_cast %add3A_982 : vector<16xf32> to vector<1x16xf32>
      tpu.vector_store %arg7[%swap3A_1003, %swap3A_1004], %swap3A_1007 {strides = array<i32>} : memref<128x128xf32, #tpu.memory_space<vmem>>, vector<1x16xf32>,
      %swap3A_1008 = arith.index_cast %scan3A_966 : i32 to index
      %swap3A_1009 = arith.constant 80 : index
      %swap3A_1010 = tpu.vector_load %arg7[%swap3A_1008, %swap3A_1009] {strides = array<i32>} : memref<128x128xf32, #tpu.memory_space<vmem>>, vector<1x16xf32>,
      %swap3A_1011 = vector.shape_cast %swap3A_1010 : vector<1x16xf32> to vector<16xf32>
      %swap3A_1012 = vector.shape_cast %add3A_982 : vector<16xf32> to vector<1x16xf32>
      tpu.vector_store %arg7[%swap3A_1008, %swap3A_1009], %swap3A_1012 {strides = array<i32>} : memref<128x128xf32, #tpu.memory_space<vmem>>, vector<1x16xf32>,
      %swap3A_1013 = arith.index_cast %scan3A_966 : i32 to index
      %swap3A_1014 = arith.constant 96 : index
      %swap3A_1015 = tpu.vector_load %arg7[%swap3A_1013, %swap3A_1014] {strides = array<i32>} : memref<128x128xf32, #tpu.memory_space<vmem>>, vector<1x16xf32>,
      %swap3A_1016 = vector.shape_cast %swap3A_1015 : vector<1x16xf32> to vector<16xf32>
      %swap3A_1017 = vector.shape_cast %add3A_982 : vector<16xf32> to vector<1x16xf32>
      tpu.vector_store %arg7[%swap3A_1013, %swap3A_1014], %swap3A_1017 {strides = array<i32>} : memref<128x128xf32, #tpu.memory_space<vmem>>, vector<1x16xf32>,
      %swap3A_1018 = arith.index_cast %scan3A_966 : i32 to index
      %swap3A_1019 = arith.constant 112 : index
      %swap3A_1020 = tpu.vector_load %arg7[%swap3A_1018, %swap3A_1019] {strides = array<i32>} : memref<128x128xf32, #tpu.memory_space<vmem>>, vector<1x16xf32>,
      %swap3A_1021 = vector.shape_cast %swap3A_1020 : vector<1x16xf32> to vector<16xf32>
      %swap3A_1022 = vector.shape_cast %add3A_982 : vector<16xf32> to vector<1x16xf32>
      tpu.vector_store %arg7[%swap3A_1018, %swap3A_1019], %swap3A_1022 {strides = array<i32>} : memref<128x128xf32, #tpu.memory_space<vmem>>, vector<1x16xf32>,
      %scan3A_1023 = arith.constant 0 : i32
      scf.yield %scan3A_1023 : i32
    }
    %scan3A_858 = arith.constant 128 : i32
    %add3A_859 = arith.constant 128 : i32
    %add3A_860 = arith.addi %mul3A_37, %add3A_859 : i32
    %add3A_861 = arith.constant 0 : i32
    %add3A_862 = arith.addi %add3A_860, %add3A_861 : i32
    %add3A_863 = vector.broadcast %add3A_862 : i32 to vector<16xi32>
    %add3A_864 = arith.addi %iota3A, %add3A_863 : vector<16xi32>
    %swap3A_865 = arith.constant 0 : index
    %swap3A_866 = tpu.vector_load %arg19[%swap3A_865] {strides = array<i32>} : memref<128xi32, #tpu.memory_space<vmem>>, vector<16xi32>,
    %swap3A_867 = vector.shape_cast %swap3A_866 : vector<16xi32> to vector<16xi32>
    %swap3A_868 = vector.shape_cast %add3A_864 : vector<16xi32> to vector<16xi32>
    tpu.vector_store %arg19[%swap3A_865], %swap3A_868 {strides = array<i32>} : memref<128xi32, #tpu.memory_space<vmem>>, vector<16xi32>,
    %add3A_869 = arith.constant 128 : i32
    %add3A_870 = arith.addi %mul3A_37, %add3A_869 : i32
    %add3A_871 = arith.constant 16 : i32
    %add3A_872 = arith.addi %add3A_870, %add3A_871 : i32
    %add3A_873 = vector.broadcast %add3A_872 : i32 to vector<16xi32>
    %add3A_874 = arith.addi %iota3A, %add3A_873 : vector<16xi32>
    %swap3A_875 = arith.constant 16 : index
    %swap3A_876 = tpu.vector_load %arg19[%swap3A_875] {strides = array<i32>} : memref<128xi32, #tpu.memory_space<vmem>>, vector<16xi32>,
    %swap3A_877 = vector.shape_cast %swap3A_876 : vector<16xi32> to vector<16xi32>
    %swap3A_878 = vector.shape_cast %add3A_874 : vector<16xi32> to vector<16xi32>
    tpu.vector_store %arg19[%swap3A_875], %swap3A_878 {strides = array<i32>} : memref<128xi32, #tpu.memory_space<vmem>>, vector<16xi32>,
    %add3A_879 = arith.constant 128 : i32
    %add3A_880 = arith.addi %mul3A_37, %add3A_879 : i32
    %add3A_881 = arith.constant 32 : i32
    %add3A_882 = arith.addi %add3A_880, %add3A_881 : i32
    %add3A_883 = vector.broadcast %add3A_882 : i32 to vector<16xi32>
    %add3A_884 = arith.addi %iota3A, %add3A_883 : vector<16xi32>
    %swap3A_885 = arith.constant 32 : index
    %swap3A_886 = tpu.vector_load %arg19[%swap3A_885] {strides = array<i32>} : memref<128xi32, #tpu.memory_space<vmem>>, vector<16xi32>,
    %swap3A_887 = vector.shape_cast %swap3A_886 : vector<16xi32> to vector<16xi32>
    %swap3A_888 = vector.shape_cast %add3A_884 : vector<16xi32> to vector<16xi32>
    tpu.vector_store %arg19[%swap3A_885], %swap3A_888 {strides = array<i32>} : memref<128xi32, #tpu.memory_space<vmem>>, vector<16xi32>,
    %add3A_889 = arith.constant 128 : i32
    %add3A_890 = arith.addi %mul3A_37, %add3A_889 : i32
    %add3A_891 = arith.constant 48 : i32
    %add3A_892 = arith.addi %add3A_890, %add3A_891 : i32
    %add3A_893 = vector.broadcast %add3A_892 : i32 to vector<16xi32>
    %add3A_894 = arith.addi %iota3A, %add3A_893 : vector<16xi32>
    %swap3A_895 = arith.constant 48 : index
    %swap3A_896 = tpu.vector_load %arg19[%swap3A_895] {strides = array<i32>} : memref<128xi32, #tpu.memory_space<vmem>>, vector<16xi32>,
    %swap3A_897 = vector.shape_cast %swap3A_896 : vector<16xi32> to vector<16xi32>
    %swap3A_898 = vector.shape_cast %add3A_894 : vector<16xi32> to vector<16xi32>
    tpu.vector_store %arg19[%swap3A_895], %swap3A_898 {strides = array<i32>} : memref<128xi32, #tpu.memory_space<vmem>>, vector<16xi32>,
    %add3A_899 = arith.constant 128 : i32
    %add3A_900 = arith.addi %mul3A_37, %add3A_899 : i32
    %add3A_901 = arith.constant 64 : i32
    %add3A_902 = arith.addi %add3A_900, %add3A_901 : i32
    %add3A_903 = vector.broadcast %add3A_902 : i32 to vector<16xi32>
    %add3A_904 = arith.addi %iota3A, %add3A_903 : vector<16xi32>
    %swap3A_905 = arith.constant 64 : index
    %swap3A_906 = tpu.vector_load %arg19[%swap3A_905] {strides = array<i32>} : memref<128xi32, #tpu.memory_space<vmem>>, vector<16xi32>,
    %swap3A_907 = vector.shape_cast %swap3A_906 : vector<16xi32> to vector<16xi32>
    %swap3A_908 = vector.shape_cast %add3A_904 : vector<16xi32> to vector<16xi32>
    tpu.vector_store %arg19[%swap3A_905], %swap3A_908 {strides = array<i32>} : memref<128xi32, #tpu.memory_space<vmem>>, vector<16xi32>,
    %add3A_909 = arith.constant 128 : i32
    %add3A_910 = arith.addi %mul3A_37, %add3A_909 : i32
    %add3A_911 = arith.constant 80 : i32
    %add3A_912 = arith.addi %add3A_910, %add3A_911 : i32
    %add3A_913 = vector.broadcast %add3A_912 : i32 to vector<16xi32>
    %add3A_914 = arith.addi %iota3A, %add3A_913 : vector<16xi32>
    %swap3A_915 = arith.constant 80 : index
    %swap3A_916 = tpu.vector_load %arg19[%swap3A_915] {strides = array<i32>} : memref<128xi32, #tpu.memory_space<vmem>>, vector<16xi32>,
    %swap3A_917 = vector.shape_cast %swap3A_916 : vector<16xi32> to vector<16xi32>
    %swap3A_918 = vector.shape_cast %add3A_914 : vector<16xi32> to vector<16xi32>
    tpu.vector_store %arg19[%swap3A_915], %swap3A_918 {strides = array<i32>} : memref<128xi32, #tpu.memory_space<vmem>>, vector<16xi32>,
    %add3A_919 = arith.constant 128 : i32
    %add3A_920 = arith.addi %mul3A_37, %add3A_919 : i32
    %add3A_921 = arith.constant 96 : i32
    %add3A_922 = arith.addi %add3A_920, %add3A_921 : i32
    %add3A_923 = vector.broadcast %add3A_922 : i32 to vector<16xi32>
    %add3A_924 = arith.addi %iota3A, %add3A_923 : vector<16xi32>
    %swap3A_925 = arith.constant 96 : index
    %swap3A_926 = tpu.vector_load %arg19[%swap3A_925] {strides = array<i32>} : memref<128xi32, #tpu.memory_space<vmem>>, vector<16xi32>,
    %swap3A_927 = vector.shape_cast %swap3A_926 : vector<16xi32> to vector<16xi32>
    %swap3A_928 = vector.shape_cast %add3A_924 : vector<16xi32> to vector<16xi32>
    tpu.vector_store %arg19[%swap3A_925], %swap3A_928 {strides = array<i32>} : memref<128xi32, #tpu.memory_space<vmem>>, vector<16xi32>,
    %add3A_929 = arith.constant 128 : i32
    %add3A_930 = arith.addi %mul3A_37, %add3A_929 : i32
    %add3A_931 = arith.constant 112 : i32
    %add3A_932 = arith.addi %add3A_930, %add3A_931 : i32
    %add3A_933 = vector.broadcast %add3A_932 : i32 to vector<16xi32>
    %add3A_934 = arith.addi %iota3A, %add3A_933 : vector<16xi32>
    %swap3A_935 = arith.constant 112 : index
    %swap3A_936 = tpu.vector_load %arg19[%swap3A_935] {strides = array<i32>} : memref<128xi32, #tpu.memory_space<vmem>>, vector<16xi32>,
    %swap3A_937 = vector.shape_cast %swap3A_936 : vector<16xi32> to vector<16xi32>
    %swap3A_938 = vector.shape_cast %add3A_934 : vector<16xi32> to vector<16xi32>
    tpu.vector_store %arg19[%swap3A_935], %swap3A_938 {strides = array<i32>} : memref<128xi32, #tpu.memory_space<vmem>>, vector<16xi32>,
    %dma_start3A_939 = arith.constant 0 : i32
    %dma_start3A_940 = arith.constant 0 : i32
    %dma_start3A_941 = tpu.memref_slice %arg25[%dma_start3A_939, %dma_start3A_940] : memref<2048x128xf32, #tpu.memory_space<vmem_shared>> -> memref<2048x128xf32, #tpu.memory_space<vmem_shared>>
    tpu.enqueue_indirect_dma source(%arg7 : memref<128x128xf32, #tpu.memory_space<vmem>>) target(%dma_start3A_941 : memref<2048x128xf32, #tpu.memory_space<vmem_shared>>) offsets(%arg19 : memref<128xi32, #tpu.memory_space<vmem>>) semaphore(%arg31 : memref<!tpu.dma_semaphore, #tpu.memory_space<semaphore_mem>>) {add = true}
    %dma_wait3A_942 = arith.constant 0 : i32
    %dma_wait3A_943 = arith.constant 0 : i32
    %dma_wait3A_944 = tpu.memref_slice %arg25[%dma_wait3A_942, %dma_wait3A_943] : memref<2048x128xf32, #tpu.memory_space<vmem_shared>> -> memref<2048x128xf32, #tpu.memory_space<vmem_shared>>
    tpu.wait_indirect_dma semaphore(%arg30 : memref<!tpu.dma_semaphore, #tpu.memory_space<semaphore_mem>>) src(%arg6 : memref<128x128xf32, #tpu.memory_space<vmem>>) dst(%dma_wait3A_944 : memref<2048x128xf32, #tpu.memory_space<vmem_shared>>)
    %dma_wait3A_945 = arith.constant 0 : i32
    %dma_wait3A_946 = arith.constant 0 : i32
    %dma_wait3A_947 = tpu.memref_slice %arg25[%dma_wait3A_945, %dma_wait3A_946] : memref<2048x128xf32, #tpu.memory_space<vmem_shared>> -> memref<2048x128xf32, #tpu.memory_space<vmem_shared>>
    tpu.wait_indirect_dma semaphore(%arg31 : memref<!tpu.dma_semaphore, #tpu.memory_space<semaphore_mem>>) src(%arg7 : memref<128x128xf32, #tpu.memory_space<vmem>>) dst(%dma_wait3A_947 : memref<2048x128xf32, #tpu.memory_space<vmem_shared>>)
    %barrier3A_948 = arith.constant 0 : index
    tpu.barrier barrier_id(%barrier3A_948)
    %mul3A_949 = arith.constant 128 : i32
    %mul3A_950 = arith.muli %arg1, %mul3A_949 : i32
    %mul3A_951 = arith.constant 128 : i32
    %mul3A_952 = arith.muli %select_n3A_33, %mul3A_951 : i32
    %add3A_953 = arith.constant 0 : i32
    %add3A_954 = arith.addi %mul3A_950, %add3A_953 : i32
    "tpu.region"() ({
      %run_scoped3A = tpu.sem_alloc : memref<!tpu.dma_semaphore, #tpu.memory_space<semaphore_mem>>
      %dma_start3A_966 = arith.constant 0 : i32
      %dma_start3A_967 = tpu.memref_slice %arg24[%add3A_954, %dma_start3A_966] : memref<2048x128xf32, #tpu.memory_space<vmem_shared>> -> memref<128x128xf32, #tpu.memory_space<vmem_shared>>
      %dma_start3A_968 = arith.constant 0 : i32
      %dma_start3A_969 = tpu.memref_slice %arg24[%add3A_954, %dma_start3A_968] : memref<2048x128xf32, #tpu.memory_space<vmem_shared>> -> memref<128x128xf32, #tpu.memory_space<vmem_shared>>
      tpu.enqueue_dma source(%dma_start3A_969 : memref<128x128xf32, #tpu.memory_space<vmem_shared>>) target(%arg6 : memref<128x128xf32, #tpu.memory_space<vmem>>) target_semaphore(%run_scoped3A : memref<!tpu.dma_semaphore, #tpu.memory_space<semaphore_mem>>)
      %dma_wait3A_970 = arith.constant 0 : i32
      %dma_wait3A_971 = tpu.memref_slice %arg24[%add3A_954, %dma_wait3A_970] : memref<2048x128xf32, #tpu.memory_space<vmem_shared>> -> memref<128x128xf32, #tpu.memory_space<vmem_shared>>
      %dma_wait3A_972 = arith.constant 0 : i32
      %dma_wait3A_973 = tpu.memref_slice %arg24[%add3A_954, %dma_wait3A_972] : memref<2048x128xf32, #tpu.memory_space<vmem_shared>> -> memref<128x128xf32, #tpu.memory_space<vmem_shared>>
      tpu.wait_dma2 semaphore(%run_scoped3A : memref<!tpu.dma_semaphore, #tpu.memory_space<semaphore_mem>>) src(%dma_wait3A_973 : memref<128x128xf32, #tpu.memory_space<vmem_shared>>) dst(%arg6 : memref<128x128xf32, #tpu.memory_space<vmem>>)
      tpu.yield
    }) : () -> ()
    %add3A_955 = arith.constant 0 : i32
    %add3A_956 = arith.addi %mul3A_950, %add3A_955 : i32
    "tpu.region"() ({
      %run_scoped3A = tpu.sem_alloc : memref<!tpu.dma_semaphore, #tpu.memory_space<semaphore_mem>>
      %dma_start3A_966 = arith.constant 0 : i32
      %dma_start3A_967 = tpu.memref_slice %arg25[%add3A_956, %dma_start3A_966] : memref<2048x128xf32, #tpu.memory_space<vmem_shared>> -> memref<128x128xf32, #tpu.memory_space<vmem_shared>>
      %dma_start3A_968 = arith.constant 0 : i32
      %dma_start3A_969 = tpu.memref_slice %arg25[%add3A_956, %dma_start3A_968] : memref<2048x128xf32, #tpu.memory_space<vmem_shared>> -> memref<128x128xf32, #tpu.memory_space<vmem_shared>>
      tpu.enqueue_dma source(%dma_start3A_969 : memref<128x128xf32, #tpu.memory_space<vmem_shared>>) target(%arg7 : memref<128x128xf32, #tpu.memory_space<vmem>>) target_semaphore(%run_scoped3A : memref<!tpu.dma_semaphore, #tpu.memory_space<semaphore_mem>>)
      %dma_wait3A_970 = arith.constant 0 : i32
      %dma_wait3A_971 = tpu.memref_slice %arg25[%add3A_956, %dma_wait3A_970] : memref<2048x128xf32, #tpu.memory_space<vmem_shared>> -> memref<128x128xf32, #tpu.memory_space<vmem_shared>>
      %dma_wait3A_972 = arith.constant 0 : i32
      %dma_wait3A_973 = tpu.memref_slice %arg25[%add3A_956, %dma_wait3A_972] : memref<2048x128xf32, #tpu.memory_space<vmem_shared>> -> memref<128x128xf32, #tpu.memory_space<vmem_shared>>
      tpu.wait_dma2 semaphore(%run_scoped3A : memref<!tpu.dma_semaphore, #tpu.memory_space<semaphore_mem>>) src(%dma_wait3A_973 : memref<128x128xf32, #tpu.memory_space<vmem_shared>>) dst(%arg7 : memref<128x128xf32, #tpu.memory_space<vmem>>)
      tpu.yield
    }) : () -> ()
    %scan3A_957 = arith.constant 0 : i32
    %scan3A_958 = arith.constant 0 : i32
    %scan3A_959 = arith.constant 128 : i32
    %scan3A_960 = arith.addi %scan3A_958, %scan3A_959 : i32
    %scan3A_961 = arith.constant 1 : i32
    %scan3A_962 = scf.for %scan3A_966 = %scan3A_958 to %scan3A_960 step %scan3A_961 iter_args(%scan3A_967 = %scan3A_957) -> (i32)  : i32 {
      %get3A_968 = arith.index_cast %scan3A_966 : i32 to index
      %get3A_969 = arith.constant 0 : index
      %get3A_970 = tpu.vector_load %arg7[%get3A_968, %get3A_969] {strides = array<i32>} : memref<128x128xf32, #tpu.memory_space<vmem>>, vector<1x16xf32>,
      %get3A_971 = vector.shape_cast %get3A_970 : vector<1x16xf32> to vector<16xf32>
      %max3A = arith.constant 1.000000e+00 : f32
      %max3A_972 = vector.broadcast %max3A : f32 to vector<16xf32>
      %max3A_973 = arith.maximumf %get3A_971, %max3A_972 : vector<16xf32>
      %div3A_974 = arith.constant 1.000000e+00 : f32
      %div3A_975 = vector.broadcast %div3A_974 : f32 to vector<16xf32>
      %div3A_976 = arith.divf %div3A_975, %max3A_973 : vector<16xf32>
      %get3A_977 = arith.index_cast %scan3A_966 : i32 to index
      %get3A_978 = arith.constant 0 : index
      %get3A_979 = tpu.vector_load %arg6[%get3A_977, %get3A_978] {strides = array<i32>} : memref<128x128xf32, #tpu.memory_space<vmem>>, vector<1x16xf32>,
      %get3A_980 = vector.shape_cast %get3A_979 : vector<1x16xf32> to vector<16xf32>
      %mul3A_981 = arith.mulf %get3A_980, %div3A_976 : vector<16xf32>
      %swap3A_982 = arith.index_cast %scan3A_966 : i32 to index
      %swap3A_983 = arith.constant 0 : index
      %swap3A_984 = tpu.vector_load %arg6[%swap3A_982, %swap3A_983] {strides = array<i32>} : memref<128x128xf32, #tpu.memory_space<vmem>>, vector<1x16xf32>,
      %swap3A_985 = vector.shape_cast %swap3A_984 : vector<1x16xf32> to vector<16xf32>
      %swap3A_986 = vector.shape_cast %mul3A_981 : vector<16xf32> to vector<1x16xf32>
      tpu.vector_store %arg6[%swap3A_982, %swap3A_983], %swap3A_986 {strides = array<i32>} : memref<128x128xf32, #tpu.memory_space<vmem>>, vector<1x16xf32>,
      %get3A_987 = arith.index_cast %scan3A_966 : i32 to index
      %get3A_988 = arith.constant 16 : index
      %get3A_989 = tpu.vector_load %arg6[%get3A_987, %get3A_988] {strides = array<i32>} : memref<128x128xf32, #tpu.memory_space<vmem>>, vector<1x16xf32>,
      %get3A_990 = vector.shape_cast %get3A_989 : vector<1x16xf32> to vector<16xf32>
      %mul3A_991 = arith.mulf %get3A_990, %div3A_976 : vector<16xf32>
      %swap3A_992 = arith.index_cast %scan3A_966 : i32 to index
      %swap3A_993 = arith.constant 16 : index
      %swap3A_994 = tpu.vector_load %arg6[%swap3A_992, %swap3A_993] {strides = array<i32>} : memref<128x128xf32, #tpu.memory_space<vmem>>, vector<1x16xf32>,
      %swap3A_995 = vector.shape_cast %swap3A_994 : vector<1x16xf32> to vector<16xf32>
      %swap3A_996 = vector.shape_cast %mul3A_991 : vector<16xf32> to vector<1x16xf32>
      tpu.vector_store %arg6[%swap3A_992, %swap3A_993], %swap3A_996 {strides = array<i32>} : memref<128x128xf32, #tpu.memory_space<vmem>>, vector<1x16xf32>,
      %get3A_997 = arith.index_cast %scan3A_966 : i32 to index
      %get3A_998 = arith.constant 32 : index
      %get3A_999 = tpu.vector_load %arg6[%get3A_997, %get3A_998] {strides = array<i32>} : memref<128x128xf32, #tpu.memory_space<vmem>>, vector<1x16xf32>,
      %get3A_1000 = vector.shape_cast %get3A_999 : vector<1x16xf32> to vector<16xf32>
      %mul3A_1001 = arith.mulf %get3A_1000, %div3A_976 : vector<16xf32>
      %swap3A_1002 = arith.index_cast %scan3A_966 : i32 to index
      %swap3A_1003 = arith.constant 32 : index
      %swap3A_1004 = tpu.vector_load %arg6[%swap3A_1002, %swap3A_1003] {strides = array<i32>} : memref<128x128xf32, #tpu.memory_space<vmem>>, vector<1x16xf32>,
      %swap3A_1005 = vector.shape_cast %swap3A_1004 : vector<1x16xf32> to vector<16xf32>
      %swap3A_1006 = vector.shape_cast %mul3A_1001 : vector<16xf32> to vector<1x16xf32>
      tpu.vector_store %arg6[%swap3A_1002, %swap3A_1003], %swap3A_1006 {strides = array<i32>} : memref<128x128xf32, #tpu.memory_space<vmem>>, vector<1x16xf32>,
      %get3A_1007 = arith.index_cast %scan3A_966 : i32 to index
      %get3A_1008 = arith.constant 48 : index
      %get3A_1009 = tpu.vector_load %arg6[%get3A_1007, %get3A_1008] {strides = array<i32>} : memref<128x128xf32, #tpu.memory_space<vmem>>, vector<1x16xf32>,
      %get3A_1010 = vector.shape_cast %get3A_1009 : vector<1x16xf32> to vector<16xf32>
      %mul3A_1011 = arith.mulf %get3A_1010, %div3A_976 : vector<16xf32>
      %swap3A_1012 = arith.index_cast %scan3A_966 : i32 to index
      %swap3A_1013 = arith.constant 48 : index
      %swap3A_1014 = tpu.vector_load %arg6[%swap3A_1012, %swap3A_1013] {strides = array<i32>} : memref<128x128xf32, #tpu.memory_space<vmem>>, vector<1x16xf32>,
      %swap3A_1015 = vector.shape_cast %swap3A_1014 : vector<1x16xf32> to vector<16xf32>
      %swap3A_1016 = vector.shape_cast %mul3A_1011 : vector<16xf32> to vector<1x16xf32>
      tpu.vector_store %arg6[%swap3A_1012, %swap3A_1013], %swap3A_1016 {strides = array<i32>} : memref<128x128xf32, #tpu.memory_space<vmem>>, vector<1x16xf32>,
      %get3A_1017 = arith.index_cast %scan3A_966 : i32 to index
      %get3A_1018 = arith.constant 64 : index
      %get3A_1019 = tpu.vector_load %arg6[%get3A_1017, %get3A_1018] {strides = array<i32>} : memref<128x128xf32, #tpu.memory_space<vmem>>, vector<1x16xf32>,
      %get3A_1020 = vector.shape_cast %get3A_1019 : vector<1x16xf32> to vector<16xf32>
      %mul3A_1021 = arith.mulf %get3A_1020, %div3A_976 : vector<16xf32>
      %swap3A_1022 = arith.index_cast %scan3A_966 : i32 to index
      %swap3A_1023 = arith.constant 64 : index
      %swap3A_1024 = tpu.vector_load %arg6[%swap3A_1022, %swap3A_1023] {strides = array<i32>} : memref<128x128xf32, #tpu.memory_space<vmem>>, vector<1x16xf32>,
      %swap3A_1025 = vector.shape_cast %swap3A_1024 : vector<1x16xf32> to vector<16xf32>
      %swap3A_1026 = vector.shape_cast %mul3A_1021 : vector<16xf32> to vector<1x16xf32>
      tpu.vector_store %arg6[%swap3A_1022, %swap3A_1023], %swap3A_1026 {strides = array<i32>} : memref<128x128xf32, #tpu.memory_space<vmem>>, vector<1x16xf32>,
      %get3A_1027 = arith.index_cast %scan3A_966 : i32 to index
      %get3A_1028 = arith.constant 80 : index
      %get3A_1029 = tpu.vector_load %arg6[%get3A_1027, %get3A_1028] {strides = array<i32>} : memref<128x128xf32, #tpu.memory_space<vmem>>, vector<1x16xf32>,
      %get3A_1030 = vector.shape_cast %get3A_1029 : vector<1x16xf32> to vector<16xf32>
      %mul3A_1031 = arith.mulf %get3A_1030, %div3A_976 : vector<16xf32>
      %swap3A_1032 = arith.index_cast %scan3A_966 : i32 to index
      %swap3A_1033 = arith.constant 80 : index
      %swap3A_1034 = tpu.vector_load %arg6[%swap3A_1032, %swap3A_1033] {strides = array<i32>} : memref<128x128xf32, #tpu.memory_space<vmem>>, vector<1x16xf32>,
      %swap3A_1035 = vector.shape_cast %swap3A_1034 : vector<1x16xf32> to vector<16xf32>
      %swap3A_1036 = vector.shape_cast %mul3A_1031 : vector<16xf32> to vector<1x16xf32>
      tpu.vector_store %arg6[%swap3A_1032, %swap3A_1033], %swap3A_1036 {strides = array<i32>} : memref<128x128xf32, #tpu.memory_space<vmem>>, vector<1x16xf32>,
      %get3A_1037 = arith.index_cast %scan3A_966 : i32 to index
      %get3A_1038 = arith.constant 96 : index
      %get3A_1039 = tpu.vector_load %arg6[%get3A_1037, %get3A_1038] {strides = array<i32>} : memref<128x128xf32, #tpu.memory_space<vmem>>, vector<1x16xf32>,
      %get3A_1040 = vector.shape_cast %get3A_1039 : vector<1x16xf32> to vector<16xf32>
      %mul3A_1041 = arith.mulf %get3A_1040, %div3A_976 : vector<16xf32>
      %swap3A_1042 = arith.index_cast %scan3A_966 : i32 to index
      %swap3A_1043 = arith.constant 96 : index
      %swap3A_1044 = tpu.vector_load %arg6[%swap3A_1042, %swap3A_1043] {strides = array<i32>} : memref<128x128xf32, #tpu.memory_space<vmem>>, vector<1x16xf32>,
      %swap3A_1045 = vector.shape_cast %swap3A_1044 : vector<1x16xf32> to vector<16xf32>
      %swap3A_1046 = vector.shape_cast %mul3A_1041 : vector<16xf32> to vector<1x16xf32>
      tpu.vector_store %arg6[%swap3A_1042, %swap3A_1043], %swap3A_1046 {strides = array<i32>} : memref<128x128xf32, #tpu.memory_space<vmem>>, vector<1x16xf32>,
      %get3A_1047 = arith.index_cast %scan3A_966 : i32 to index
      %get3A_1048 = arith.constant 112 : index
      %get3A_1049 = tpu.vector_load %arg6[%get3A_1047, %get3A_1048] {strides = array<i32>} : memref<128x128xf32, #tpu.memory_space<vmem>>, vector<1x16xf32>,
      %get3A_1050 = vector.shape_cast %get3A_1049 : vector<1x16xf32> to vector<16xf32>
      %mul3A_1051 = arith.mulf %get3A_1050, %div3A_976 : vector<16xf32>
      %swap3A_1052 = arith.index_cast %scan3A_966 : i32 to index
      %swap3A_1053 = arith.constant 112 : index
      %swap3A_1054 = tpu.vector_load %arg6[%swap3A_1052, %swap3A_1053] {strides = array<i32>} : memref<128x128xf32, #tpu.memory_space<vmem>>, vector<1x16xf32>,
      %swap3A_1055 = vector.shape_cast %swap3A_1054 : vector<1x16xf32> to vector<16xf32>
      %swap3A_1056 = vector.shape_cast %mul3A_1051 : vector<16xf32> to vector<1x16xf32>
      tpu.vector_store %arg6[%swap3A_1052, %swap3A_1053], %swap3A_1056 {strides = array<i32>} : memref<128x128xf32, #tpu.memory_space<vmem>>, vector<1x16xf32>,
      %scan3A_1057 = arith.constant 0 : i32
      scf.yield %scan3A_1057 : i32
    }
    %scan3A_963 = arith.constant 128 : i32
    %add3A_964 = arith.constant 0 : i32
    %add3A_965 = arith.addi %mul3A_952, %add3A_964 : i32
    "tpu.region"() ({
      %run_scoped3A = tpu.sem_alloc : memref<!tpu.dma_semaphore, #tpu.memory_space<semaphore_mem>>
      %dma_start3A_966 = arith.constant 0 : i32
      %dma_start3A_967 = tpu.memref_slice %arg5[%add3A, %add3A_965, %dma_start3A_966] : memref<16x256x128xf32, #tpu.memory_space<hbm>> -> memref<1x128x128xf32, #tpu.memory_space<hbm>>
      %dma_start3A_968 = tpu.memref_squeeze %dma_start3A_967 : memref<1x128x128xf32, #tpu.memory_space<hbm>> -> memref<128x128xf32, #tpu.memory_space<hbm>>
      %dma_start3A_969 = arith.constant 0 : i32
      %dma_start3A_970 = tpu.memref_slice %arg5[%add3A, %add3A_965, %dma_start3A_969] : memref<16x256x128xf32, #tpu.memory_space<hbm>> -> memref<1x128x128xf32, #tpu.memory_space<hbm>>
      %dma_start3A_971 = tpu.memref_squeeze %dma_start3A_970 : memref<1x128x128xf32, #tpu.memory_space<hbm>> -> memref<128x128xf32, #tpu.memory_space<hbm>>
      tpu.enqueue_dma source(%arg6 : memref<128x128xf32, #tpu.memory_space<vmem>>) target(%dma_start3A_971 : memref<128x128xf32, #tpu.memory_space<hbm>>) target_semaphore(%run_scoped3A : memref<!tpu.dma_semaphore, #tpu.memory_space<semaphore_mem>>)
      %dma_wait3A_972 = arith.constant 0 : i32
      %dma_wait3A_973 = tpu.memref_slice %arg5[%add3A, %add3A_965, %dma_wait3A_972] : memref<16x256x128xf32, #tpu.memory_space<hbm>> -> memref<1x128x128xf32, #tpu.memory_space<hbm>>
      %dma_wait3A_974 = tpu.memref_squeeze %dma_wait3A_973 : memref<1x128x128xf32, #tpu.memory_space<hbm>> -> memref<128x128xf32, #tpu.memory_space<hbm>>
      %dma_wait3A_975 = arith.constant 0 : i32
      %dma_wait3A_976 = tpu.memref_slice %arg5[%add3A, %add3A_965, %dma_wait3A_975] : memref<16x256x128xf32, #tpu.memory_space<hbm>> -> memref<1x128x128xf32, #tpu.memory_space<hbm>>
      %dma_wait3A_977 = tpu.memref_squeeze %dma_wait3A_976 : memref<1x128x128xf32, #tpu.memory_space<hbm>> -> memref<128x128xf32, #tpu.memory_space<hbm>>
      tpu.wait_dma2 semaphore(%run_scoped3A : memref<!tpu.dma_semaphore, #tpu.memory_space<semaphore_mem>>) src(%arg6 : memref<128x128xf32, #tpu.memory_space<vmem>>) dst(%dma_wait3A_977 : memref<128x128xf32, #tpu.memory_space<hbm>>)
      tpu.yield
    }) : () -> ()
    return
  }
}

</mosaic_0001>

<sc_bundles>
// kernel: _graph_to_cnn.3.cloned.1.call-start
scs
__scs_entry_jumppad:
0x0: {  	(pc) =	sbr.rel $0x88, $3  }
0x1: {  	(tag) =	ssettag $0x0;
	lr =	simm.s32 $0x1  }
0x2: {  	[smem:$0x3F9E] =	sst lr;
	_ =	strace $0xD0000000  }
0x3: {  	_ = 	snop  }
0x4: {  	_ = 	snop  }
0x5: {  	_ = 	snop  }
0x6: {  	_ = 	snop  }
0x7: {  	_ = 	snop  }
__scs_overlays_trampoline_lowered:
0x8: {  	[smem:$0x3FAD] =	sst s0  }
0x9: {  	[smem:$0x3FAE] =	sst s1  }
0xa: {  	[smem:$0x3FAF] =	sst s2  }
0xb: {  	[smem:$0x3FB0] =	sst s3  }
0xc: {  	[smem:$0x3FB1] =	sst s4  }
0xd: {  	[smem:$0x3FB2] =	sst s5  }
0xe: {  	[smem:$0x3FB3] =	sst s6  }
0xf: {  	[smem:$0x3FB4] =	sst s7  }
0x10: {  	[smem:$0x3FB5] =	sst s8  }
0x11: {  	[smem:$0x3FB6] =	sst s9;
	s0 =	simm.s32 @!p0 $0x0  }
0x12: {  	s1 =	sld [smem:$0x3F9C];
	s0 =	simm.s32 @p0 $0x1  }
0x13: {  	[smem:$0x3FB7] =	sst s0;
	s0 =	simm.s32 @!p1 $0x0  }
0x14: {  	s2 =	sld [smem:$0x3F9B];
	s0 =	simm.s32 @p1 $0x1  }
0x15: {  	[smem:$0x3FB8] =	sst s0;
	s0 =	simm.s32 @!p2 $0x0  }
0x16: {  	s3 =	sld [smem:$0x3FDB];
	s0 =	simm.s32 @p2 $0x1  }
0x17: {  	s4 =	simm.s32 $0x1BF5;
	[smem:$0x3FBA] =	sst s0  }
0x18: {  	s0 =	sld [smem:$0x3F9D];
	_ =	swait.ge [sflag:s4], $0x0  }
0x19: {  	s7 =	sld [smem:$0x3F9E]  }
0x1a: {  	s8 =	sadd.s32 $0xFFFFE003, lr  }
0x1b: {  	s9 =	sadd.s32 $0xFFFFFEF7, lr;
	s5 =	simm.s32 $0xFFFFFFFF;
	p2 =	slt.u32 s8, $0xFFFFF086  }
0x1c: {  	p1 =	slt.u32 s9, $0xF7A;
	s5 =	simm.s32 @!p2 $0x0  }
0x1d: {  	s5 =	simm.s32 @p1 $0x1;
	p0 =	seq.s32 s7, s2  }
0x1e: {  	s7 =	smul.u32 @!p0 $0xF7A, s2;
	p2 =	seq.s32 @!p0 s5, $0x0  }
0x1f: {  	s9 =	smul.u32 $0xF7A, s1;
	s8 =	simm.s32 @!p0 $0x1BF5;
	p2 =	por !p2, p0  }
0x20: {  	[sflag:s8] =	ssyncset.s32 @!p0 $0xFFFFF086;
	s6 =	sadd.s32 @!p0 s3, s7;
	s7 =	simm.s32 @!p0 $0x108  }
0x21: {  	s3 =	sadd.s32 s3, s9;
	s6 =	sadd.s32 @!p0 $0x88, s6;
	s7 =	simm.s32 @p2 $0x1082  }
0x22: {  	[simem:s7], [sflag:s8] =	dma.local @!p0 [hbm:s6], $0xF7A  }
0x23: {  	s9 =	sor.u32 $0xD0000000, s2;
	s6 =	simm.s32 $0x108;
	_ =	swait.ge @!p0 [sflag:s8], $0x0  }
0x24: {  	s3 =	sadd.s32 $0x88, s3;
	s6 =	simm.s32 @!p1 $0x1082;
	[sflag:s4] =	ssyncset.s32 $0xFFFFF086  }
0x25: {  	[simem:s6], [sflag:s4] =	dma.local [hbm:s3], $0xF7A  }
0x26: {  	[smem:$0x3F9E] =	sst s1;
	(tag) =	ssettag s2;
	_ =	strace s9  }
0x27: {  	s1 =	sld [smem:$0x3FAE]  }
0x28: {  	s2 =	sld [smem:$0x3FAF]  }
0x29: {  	s4 =	sld [smem:$0x3FB1]  }
0x2a: {  	p0 =	seq.s32 s5, $0x0;
	s5 =	sld [smem:$0x3FB2]  }
0x2b: {  	s6 =	sld [smem:$0x3FB3]  }
0x2c: {  	s7 =	sld [smem:$0x3FB4]  }
0x2d: {  	s3 =	simm.s32 $0x108;
	s8 =	sld [smem:$0x3FB5]  }
0x2e: {  	s3 =	simm.s32 @!p0 $0x1082;
	s9 =	sld [smem:$0x3FB6]  }
0x2f: {  	lr =	sadd.s32 s0, s3;
	s0 =	sld [smem:$0x3FAD]  }
0x30: {  	s3 =	sld [smem:$0x3FB0]  }
0x31: {  	[smem:$0x3FB9] =	sst s10  }
0x32: {  	s10 =	sld [smem:$0x3FB7];
	_ =	sdelay $0x3  }
0x33: {  	p0 =	seq.s32 s10, $0x1;
	s10 =	sld [smem:$0x3FB9];
	_ =	sdelay $0x3  }
0x34: {  	[smem:$0x3FB9] =	sst s10  }
0x35: {  	s10 =	sld [smem:$0x3FB8];
	_ =	sdelay $0x3  }
0x36: {  	p1 =	seq.s32 s10, $0x1;
	s10 =	sld [smem:$0x3FB9];
	_ =	sdelay $0x3  }
0x37: {  	[smem:$0x3FB9] =	sst s10  }
0x38: {  	s10 =	sld [smem:$0x3FBA]  }
0x39: {  	_ = 	snop;
	(pc) =	sbr.ind lr, $3  }
0x3a: {  	_ = 	snop  }
0x3b: {  	_ = 	snop  }
0x3c: {  	p2 =	seq.s32 s10, $0x1;
	s10 =	sld [smem:$0x3FB9]  }
0x3d: {  	_ =	shalt  }
0x3e: {  	_ =	shalt  }
0x3f: {  	_ =	shalt  }
0x40: {  	_ =	shalt  }
0x41: {  	_ =	shalt  }
0x42: {  	_ =	shalt  }
0x43: {  	_ =	shalt  }
0x44: {  	_ =	shalt  }
0x45: {  	_ =	shalt  }
0x46: {  	_ =	shalt  }
0x47: {  	_ =	shalt  }
0x48: {  	_ =	shalt  }
0x49: {  	_ =	shalt  }
0x4a: {  	_ =	shalt  }
0x4b: {  	_ =	shalt  }
0x4c: {  	_ =	shalt  }
0x4d: {  	_ =	shalt  }
0x4e: {  	_ =	shalt  }
0x4f: {  	_ =	shalt  }
0x50: {  	_ =	shalt  }
0x51: {  	_ =	shalt  }
0x52: {  	_ =	shalt  }
0x53: {  	_ =	shalt  }
0x54: {  	_ =	shalt  }
0x55: {  	_ =	shalt  }
0x56: {  	_ =	shalt  }
0x57: {  	_ =	shalt  }
0x58: {  	_ =	shalt  }
0x59: {  	_ =	shalt  }
0x5a: {  	_ =	shalt  }
0x5b: {  	_ =	shalt  }
0x5c: {  	_ =	shalt  }
0x5d: {  	_ =	shalt  }
0x5e: {  	_ =	shalt  }
0x5f: {  	_ =	shalt  }
0x60: {  	_ =	shalt  }
0x61: {  	_ =	shalt  }
0x62: {  	_ =	shalt  }
0x63: {  	_ =	shalt  }
0x64: {  	_ =	shalt  }
0x65: {  	_ =	shalt  }
0x66: {  	_ =	shalt  }
0x67: {  	_ =	shalt  }
0x68: {  	_ =	shalt  }
0x69: {  	_ =	shalt  }
0x6a: {  	_ =	shalt  }
0x6b: {  	_ =	shalt  }
0x6c: {  	_ =	shalt  }
0x6d: {  	_ =	shalt  }
0x6e: {  	_ =	shalt  }
0x6f: {  	_ =	shalt  }
0x70: {  	_ =	shalt  }
0x71: {  	_ =	shalt  }
0x72: {  	_ =	shalt  }
0x73: {  	_ =	shalt  }
0x74: {  	_ =	shalt  }
0x75: {  	_ =	shalt  }
0x76: {  	_ =	shalt  }
0x77: {  	_ =	shalt  }
0x78: {  	_ =	shalt  }
0x79: {  	_ =	shalt  }
0x7a: {  	_ =	shalt  }
0x7b: {  	_ =	shalt  }
0x7c: {  	_ =	shalt  }
0x7d: {  	_ =	shalt  }
0x7e: {  	_ =	shalt  }
0x7f: {  	_ =	shalt  }
0x80: {  	_ =	shalt  }
0x81: {  	_ =	shalt  }
0x82: {  	_ =	shalt  }
0x83: {  	_ =	shalt  }
0x84: {  	_ =	shalt  }
0x85: {  	_ =	shalt  }
0x86: {  	_ =	shalt  }
0x87: {  	_ =	shalt  }
.Lfunc_end0:
.L_simem_size_0:
called_computation_lowered:
.L_overlay_start_0:
0x88: {  	s2 =	sld [smem:$0x3FD9]  }
0x89: {  	s3 =	sld [smem:$0x3FFE];
	_ =	sdelay $0x1  }
0x8a: {  	s1 =	srdreg.scid  }
0x8b: {  	s0 =	sand.u32 $0x1, s1  }
0x8c: {  	s18 =	sshll.u32 s0, $0xA;
	s2 =	sadd.s32 s3, s2  }
0x8d: {  	s2 =	sadd.s32 s2, s18  }
0x8e: {  	[smem:$0x3FC5] =	sst s2  }
0x8f: {  	_ = 	snop  }
0x90: {  	s2 =	sld [smem:$0x3FC9]  }
0x91: {  	s19 =	sld [smem:$0x3FC8]  }
0x92: {  	s4 =	sld [smem:$0x3FC7]  }
0x93: {  	s5 =	sld [smem:$0x3FD0];
	(tm) =	ssettm $0x1  }
0x94: {  	s6 =	sld [smem:$0x3FFB];
	_ =	sdelay $0x3  }
0x95: {  	_ =	strace s6  }
0x96: {  	s6 =	sld [smem:$0x3FFC];
	_ =	sdelay $0x3  }
0x97: {  	_ =	strace s6  }
0x98: {  	s6 =	sld [smem:$0x3FFD];
	_ =	sdelay $0x3  }
0x99: {  	_ =	strace s6  }
0x9a: {  	_ =	strace $0x8FFFFFFF  }
0x9b: {  	s20 =	sld [smem:$0x3FDB];
	_ =	sdelay $0x1  }
0x9c: {  	s7 =	simm.s32 $_scs_section_size  }
0x9d: {  	s8 =	simm.s32 $_size__tile_overlayer_lowered;
	s9 =	simm.s32 $_tile_overlayer_lowered  }
0x9e: {  	s23 =	simm.s32 $0x1BFF;
	s22 =	sshll.u32 s9, $0x1;
	s6 =	sadd.s32 s7, s20  }
0x9f: {  	s10 =	simm.s32 $0x0;
	s21 =	sshll.u32 s8, $0x1;
	s8 =	sadd.s32 s22, s6  }
0xa0: {  	[timem:s10], [sflag:s23] =	dma.local [hbm:s8], s21  }
0xa1: {  	_ =	swait.ge [sflag:s23], s21  }
0xa2: {  	s7 =	ssub.s32 $0x0, s21;
	[sflag:s23] =	ssyncset.done $0x0  }
0xa3: {  	[sflag:s23] =	ssyncadd.s32 s7;
	_ =	sdelay $0x1  }
0xa4: {  	s24 =	simm.s32 $0x1B8B  }
0xa5: {  	_ =	swait.ge [sflag:s24], $0x1  }
0xa6: {  	[sflag:s24] =	ssyncset.done $0x0  }
0xa7: {  	s25 =	simm.s32 $0x1B8E;
	[sflag:s24] =	ssyncadd.s32 $0xFFFFFFFF  }
0xa8: {  	s26 =	simm.s32 $execute0_lowered;
	[smem:$0x3FD2] =	sst s25  }
0xa9: {  	s7 =	sshll.u32 s26, $0x1;
	_ =	strace $0x80000046;
	[dreg:$0x1] =	wrdreg $0xFFFFFFFF  }
0xaa: {  	s28 =	simm.s32 $_size_execute0_lowered;
	s6 =	sadd.s32 s6, s7;
	[dreg:$0x0] =	wrdreg $0x0  }
0xab: {  	s7 =	sshll.u32 s28, $0x1;
	[dreg:$0x2] =	wrdreg s6  }
0xac: {  	[dreg:$0x3] =	wrdreg s7  }
0xad: {  	[dreg:$0x4] =	wrdreg $0xC0  }
0xae: {  	_ =	task [dreg:s10], $0x5FFFF  }
0xaf: {  	[dreg:$0x1] =	wrdreg $0xFFFFFFFF  }
0xb0: {  	[dreg:$0x0] =	wrdreg $0x60  }
0xb1: {  	[dreg:$0x2] =	wrdreg s2  }
0xb2: {  	[dreg:$0x3] =	wrdreg s19  }
0xb3: {  	[dreg:$0x4] =	wrdreg s4  }
0xb4: {  	[dreg:$0x5] =	wrdreg s5  }
0xb5: {  	[dreg:$0x6] =	wrdreg $0x126000  }
0xb6: {  	[dreg:$0x7] =	wrdreg $0x166000  }
0xb7: {  	[dreg:$0x8] =	wrdreg $0x9  }
0xb8: {  	_ =	task.clear_ibuf [dreg:s10], $0x9FFFF;
	_ =	strace $0x90000046  }
0xb9: {  	s29 =	simm.s32 $0x9;
	_ =	strace $0x80000048  }
0xba: {  	_ =	swait.ge [sflag:s29], $0x1  }
0xbb: {  	[sflag:s29] =	ssyncadd.s32 $0xFFFFFFFF  }
0xbc: {  	_ =	strace $0x90000048  }
0xbd: {  	_ =	sfence  }
0xbe: {  	s30 =	sld [smem:$0x0];
	_ =	sdelay $0x2  }
0xbf: {  	s31 =	sshll.u32 s1, $0xD;
	s1 =	sshrl.u32 s1, $0x2  }
0xc0: {  	s3 =	sand.u32 $0x4000, s31;
	s1 =	sadd.s32 s1, s30  }
0xc1: {  	s0 =	sor.u32 s3, s0;
	s1 =	sshll.u32 s1, $0x11  }
0xc2: {  	s0 =	sor.u32 s1, s0  }
0xc3: {  	s0 =	sadd.s32 $0x8F2B, s0  }
0xc4: {  	[sflag:s0] =	ssyncadd.remote.s32 $0x1  }
0xc5: {  	_ =	sfence.sel $0xFFFF  }
0xc6: {  	[dreg:$0x0] =	wrdreg $0xFFFFFFFF;
	(pc) =	sbr.abs _section_cstart, $3  }
0xc7: {  	[dreg:$0x1] =	wrdreg $0xFFFFFFFF  }
0xc8: {  	_ =	task.clear_ibuf [dreg:s10], $0x2FFFF;
	_ =	strace $0x9FFFFFFF  }
0xc9: {  	(tm) =	ssettm $0x7FFFFFFF  }
tec
execute0_lowered:
.L_overlay_start_1:
0x0: {  	(tag) =	ssettag $0x1  }
0x1: {  	s1 =	rddreg [dreg:$0x0]  }
0x2: {  	s2 =	rddreg [dreg:$0x1]  }
0x3: {  	s3 =	rddreg [dreg:$0x2]  }
0x4: {  	s5 =	rddreg [dreg:$0x3]  }
0x5: {  	s4 =	rddreg [dreg:$0x4]  }
0x6: {  	s16 =	rddreg [dreg:$0x5];
	s6 =	simm.s32 $0x0;
	s0 =	srdreg.scid  }
0x7: {  	s13 =	stileid.u32;
	[smem:$0x7FF] =	sst s6  }
0x8: {  	s23 =	sand.u32 $0x1, s0;
	s9 =	sshrl.u32 s13, $0x1;
	s10 =	sand.u32 $0x1, s13  }
0x9: {  	s13 =	sshll.u32 s13, $0xE;
	_ =	strace $0x80000047;
	s0 =	ssub.s32 $0x2, s23  }
0xa: {  	s8 =	sshll.u32 s23, $0x3;
	s12 =	sshll.u32 s10, $0xD;
	s6 =	sshll.u32 s23, $0x11  }
0xb: {  	s14 =	sshll.u32 s10, $0x14;
	s15 =	sshll.u32 s10, $0x10;
	s29 =	sadd.s32 s13, s4  }
0xc: {  	s13 =	sadd.s32 s13, s16;
	s10 =	sshll.u32 s10, $0xB;
	s7 =	sshrl.u32 s0, $0x1  }
0xd: {  	s11 =	sor.u32 s9, s8;
	[dreg:$0x8] =	wrdreg s13;
	s17 =	sor.u32 $0x100, s12  }
0xe: {  	s5 =	sadd.s32 s5, s10;
	s28 =	sor.u32 $0x380, s12;
	[dreg:$0x7] =	wrdreg s29  }
0xf: {  	s7 =	ssub.s32 s0, s7;
	s0 =	sshll.u32 s9, $0x8;
	s8 =	sshll.u32 s11, $0x15  }
0x10: {  	s9 =	sshll.u32 s9, $0x7;
	s18 =	sshll.u32 s17, $0x7;
	s22 =	sshll.u32 s17, $0x3  }
0x11: {  	s11 =	sshll.u32 s11, $0xC;
	s6 =	sor.u32 s9, s6;
	s24 =	sor.u32 s14, s8  }
0x12: {  	s20 =	sor.u32 s8, s18;
	s5 =	sadd.s32 s11, s5;
	s17 =	sor.u32 $0x70, s0  }
0x13: {  	s31 =	sor.u32 $0xB0, s0;
	s18 =	sor.u32 $0xD0, s0;
	s25 =	sor.u32 s15, s6  }
0x14: {  	s9 =	sshrl.u32 s24, $0x3;
	s15 =	sor.u32 $0x80, s12;
	s21 =	sshrl.u32 s20, $0x3  }
0x15: {  	s23 =	sor.u32 s22, s6;
	s24 =	sor.u32 $0x180, s12;
	[dreg:$0x10] =	wrdreg s5  }
0x16: {  	v16 =	vlaneseq.u32;
	s30 =	sshrl.u32 s6, $0x3;
	s22 =	sor.u32 $0x90, s0;
	[dreg:$0x1b] =	wrdreg s18  }
0x17: {  	s20 =	sor.u32 $0xF0, s0;
	s18 =	simm.s32 $0x2;
	v12 =	vor.u32 s31, v16;
	s31 =	simm.s32 $0x10580  }
0x18: {  	s26 =	sshrl.u32 s25, $0x3;
	s9 =	sadd.s32 s1, s9;
	s16 =	sshll.u32 s15, $0x7  }
0x19: {  	s25 =	sshll.u32 s24, $0x7;
	s10 =	sshll.u32 s24, $0x3;
	s24 =	sor.u32 $0x200, s12  }
0x1a: {  	[dreg:$0x19] =	wrdreg s20;
	s20 =	simm.s32 $0xC000;
	v10 =	vor.u32 s22, v16;
	s22 =	simm.s32 $0x9  }
0x1b: {  	[dreg:$0x9] =	wrdreg s9;
	s14 =	sadd.s32 s2, s26;
	s13 =	sadd.s32 s3, s26  }
0x1c: {  	s9 =	sshll.u32 s15, $0x3;
	s5 =	sor.u32 s8, s25;
	s10 =	sor.u32 s10, s6  }
0x1d: {  	s25 =	sor.u32 $0x280, s12;
	s15 =	sor.u32 $0xC0, s0;
	[dreg:$0xa] =	wrdreg s14  }
0x1e: {  	[dreg:$0xb] =	wrdreg s13;
	s13 =	sor.u32 s8, s16;
	s9 =	sor.u32 s9, s6  }
0x1f: {  	s5 =	sshrl.u32 s5, $0x3;
	s16 =	sor.u32 $0x60, s0;
	[dreg:$0x1a] =	wrdreg s15  }
0x20: {  	s10 =	sshrl.u32 s10, $0x3;
	s5 =	sadd.s32 s1, s5;
	v7 =	vor.u32 s16, v16;
	s16 =	rddreg [dreg:$0x1b]  }
0x21: {  	s13 =	sshrl.u32 s13, $0x3;
	s11 =	sadd.s32 s3, s10;
	[dreg:$0x13] =	wrdreg s5  }
0x22: {  	s9 =	sshrl.u32 s9, $0x3;
	s13 =	sadd.s32 s1, s13;
	[dreg:$0x15] =	wrdreg s11  }
0x23: {  	s14 =	sor.u32 $0x10, s0;
	s19 =	sadd.s32 s2, s9;
	[dreg:$0xc] =	wrdreg s13  }
0x24: {  	s6 =	simm.s32 $0x4000;
	s9 =	sadd.s32 s3, s9;
	[dreg:$0xd] =	wrdreg s19  }
0x25: {  	s15 =	simm.s32 $0x8000;
	s11 =	sor.u32 $0x50, s0;
	[dreg:$0xe] =	wrdreg s9  }
0x26: {  	v2 =	vor.u32 s14, v16;
	s14 =	simm.s32 $0x10400;
	s9 =	sadd.s32 s1, s21;
	v6 =	vor.u32 s11, v16;
	s11 =	rddreg [dreg:$0x1a]  }
0x27: {  	s5 =	simm.s32 $0x8;
	s13 =	smax.u32 s7, $0x1;
	[dreg:$0xf] =	wrdreg s9  }
0x28: {  	v14 =	vor.u32 s16, v16;
	s16 =	simm.s32 $0x0;
	s19 =	sor.u32 $0xE0, s0;
	[dreg:$0x16] =	wrdreg s13  }
0x29: {  	s7 =	sor.u32 $0x20, s0;
	s21 =	sor.u32 $0x80, s0;
	[dreg:$0x18] =	wrdreg s19  }
0x2a: {  	s9 =	sshrl.u32 s23, $0x3;
	s23 =	sor.u32 $0xA0, s0;
	v9 =	vor.u32 s21, v16;
	s21 =	rddreg [dreg:$0x19]  }
0x2b: {  	v8 =	vor.u32 s17, v16;
	s13 =	simm.s32 $0x80;
	s26 =	sadd.s32 s2, s9;
	s17 =	rddreg [dreg:$0x18]  }
0x2c: {  	s19 =	simm.s32 $0x10480;
	s9 =	sadd.s32 s3, s9;
	[dreg:$0x11] =	wrdreg s26  }
0x2d: {  	v3 =	vor.u32 s7, v16;
	s7 =	simm.s32 $0x7;
	v11 =	vor.u32 s23, v16;
	s23 =	simm.s32 $0x3;
	[dreg:$0x12] =	wrdreg s9  }
0x2e: {  	v17 =	vimm.f32 $0.0e+00;
	v0 =	vmov s0;
	s9 =	sadd.s32 s2, s10;
	s26 =	sor.u32 $0x300, s12;
	s10 =	sor.u32 $0x40, s0  }
0x2f: {  	v1 =	vor.u32 s0, v16;
	v13 =	vor.u32 s11, v16;
	s12 =	simm.s32 $0x1;
	v15 =	vor.u32 s17, v16;
	[dreg:$0x14] =	wrdreg s9;
	s9 =	sor.u32 $0x30, s0  }
0x30: {  	v5 =	vor.u32 s10, v16;
	s10 =	simm.s32 $0x4;
	s0 =	simm.s32 $0x6;
	v4 =	vor.u32 s9, v16;
	s9 =	simm.s32 $0x5;
	v16 =	vor.u32 s21, v16  }
.LBB2_1:
0x31: {  	[dreg:$0x17] =	wrdreg s16;
	s11 =	simm.s32 $0x0;
	s16 =	simm.s32 $0x200  }
.LBB2_2:
0x32: {  	p0 =	sne.s32 s16, $0xFE00;
	[tilespmem:s11+$0x70] =	vst v17  }
0x33: {  	[tilespmem:s11+$0x0] =	vst v17  }
0x34: {  	[tilespmem:s11+$0x10] =	vst v17  }
.Ltmp0:
0x35: {  	[tilespmem:s11+$0x20] =	vst v17;
	(pc) =	sbr.rel @p0 .LBB2_2-.Ltmp0, $4  }
0x36: {  	[tilespmem:s11+$0x30] =	vst v17  }
0x37: {  	[tilespmem:s11+$0x40] =	vst v17  }
0x38: {  	[tilespmem:s11+$0x50] =	vst v17  }
0x39: {  	[tilespmem:s11+$0x60] =	vst v17;
	s11 =	sshra.s32 s16, $0x2;
	s16 =	sadd.s32 $0x200, s16  }
0x3a: {  	[tilespmem:s11+$0x70] =	vst v17  }
0x3b: {  	[tilespmem:s11+$0x0] =	vst v17  }
0x3c: {  	[tilespmem:s11+$0x10] =	vst v17  }
0x3d: {  	[tilespmem:s11+$0x20] =	vst v17  }
0x3e: {  	[tilespmem:s11+$0x30] =	vst v17  }
0x3f: {  	[tilespmem:s11+$0x40] =	vst v17  }
0x40: {  	[tilespmem:s11+$0x50] =	vst v17  }
0x41: {  	[tilespmem:s11+$0x60] =	vst v17;
	s11 =	simm.s32 $0x40;
	s16 =	simm.s32 $0x0  }
.LBB2_4:
0x42: {  	p0 =	sne.s32 s11, $0x3FC0;
	[tilespmem:s16+$0x10600] =	vst v17;
	s17 =	smov.u32 s11;
	s11 =	sadd.s32 $0x40, s11  }
.Ltmp1:
0x43: {  	[tilespmem:s16+$0x11600] =	vst v17;
	(pc) =	sbr.rel @p0 .LBB2_4-.Ltmp1, $2  }
0x44: {  	_ =	sdelay $0x2  }
0x45: {  	s16 =	sshra.s32 s17, $0x2  }
0x46: {  	[tilespmem:s16+$0x10600] =	vst v17  }
0x47: {  	[tilespmem:s16+$0x11600] =	vst v17;
	s11 =	simm.s32 $0x0  }
0x48: {  	[spmem:s29] =	stream.linear.scatter [tilespmem:s11], [sflag:$0x9], $0x4000, $0x38;
	[tilespmem:$0x1A600] =	vst v63  }
0x49: {  	_ =	swait.ge [sflag:s22], $0x4000  }
0x4a: {  	[sflag:s22] =	ssyncset.done $0x0  }
0x4b: {  	s21 =	rddreg [dreg:$0x8];
	[sflag:s22] =	ssyncadd.s32 $0xFFFFC000  }
0x4c: {  	[spmem:s21] =	stream.linear.scatter [tilespmem:s11], [sflag:$0x9], $0x4000, $0x38;
	[tilespmem:$0x1A600] =	vst v63  }
0x4d: {  	_ =	swait.ge [sflag:s22], $0x4000  }
0x4e: {  	[sflag:s22] =	ssyncset.done $0x0  }
0x4f: {  	[sflag:s22] =	ssyncadd.s32 $0xFFFFC000  }
0x50: {  	[bflag:$0x0] =	sbarrier.arrive $0xFFFF  }
0x51: {  	s22 =	rddreg [dreg:$0x9]  }
0x52: {  	[tilespmem:s11], [sflag:$0x1] =	stream.linear.gather [hbm4b:s22+s11], $0x4000, $0x38;
	[tilespmem:$0x1A600] =	vst v63  }
0x53: {  	s17 =	simm.s32 $0x10000;
	s29 =	rddreg [dreg:$0xa]  }
0x54: {  	[tilespmem:s17], [sflag:$0x1] =	stream.linear.gather [hbm4b:s29+s11], $0x80, $0x38;
	[tilespmem:$0x1A600] =	vst v63  }
0x55: {  	s21 =	rddreg [dreg:$0xb];
	s22 =	simm.s32 $0x10200  }
0x56: {  	[tilespmem:s22], [sflag:$0x1] =	stream.linear.gather [hbm4b:s21+s11], $0x80, $0x38;
	[tilespmem:$0x1A600] =	vst v63  }
0x57: {  	s29 =	rddreg [dreg:$0xc]  }
0x58: {  	[tilespmem:s6], [sflag:$0x2] =	stream.linear.gather [hbm4b:s29+s11], $0x4000, $0x38;
	[tilespmem:$0x1A600] =	vst v63  }
0x59: {  	s17 =	rddreg [dreg:$0xd];
	s21 =	simm.s32 $0x10080  }
0x5a: {  	[tilespmem:s21], [sflag:$0x2] =	stream.linear.gather [hbm4b:s17+s11], $0x80, $0x38;
	[tilespmem:$0x1A600] =	vst v63  }
0x5b: {  	s22 =	rddreg [dreg:$0xe];
	s29 =	simm.s32 $0x10280  }
0x5c: {  	[tilespmem:s29], [sflag:$0x2] =	stream.linear.gather [hbm4b:s22+s11], $0x80, $0x38;
	[tilespmem:$0x1A600] =	vst v63  }
0x5d: {  	_ =	swait.ge [sflag:s12], $0x4000  }
0x5e: {  	[sflag:s12] =	ssyncset.done $0x0  }
0x5f: {  	[sflag:s12] =	ssyncadd.s32 $0xFFFFC000  }
0x60: {  	_ =	swait.ge [sflag:s12], $0x80  }
0x61: {  	[sflag:s12] =	ssyncset.done $0x0  }
0x62: {  	[sflag:s12] =	ssyncadd.s32 $0xFFFFFF80  }
0x63: {  	_ =	swait.ge [sflag:s12], $0x80  }
0x64: {  	[sflag:s12] =	ssyncset.done $0x0  }
0x65: {  	[sflag:s12] =	ssyncadd.s32 $0xFFFFFF80  }
0x66: {  	v18 =	vld [tilespmem:$0x10000]  }
0x67: {  	v19 =	vld [tilespmem:$0x10200]  }
0x68: {  	v20 =	vld [tilespmem:$0x10010]  }
0x69: {  	v21 =	vld [tilespmem:$0x10210]  }
0x6a: {  	v22 =	vld [tilespmem:$0x10020]  }
0x6b: {  	v23 =	vld [tilespmem:$0x10220]  }
0x6c: {  	v24 =	vld [tilespmem:$0x10030]  }
0x6d: {  	v25 =	vld [tilespmem:$0x10230]  }
0x6e: {  	v26 =	vld [tilespmem:$0x10040]  }
0x6f: {  	v27 =	vld [tilespmem:$0x10240]  }
0x70: {  	v28 =	vld [tilespmem:$0x10050]  }
0x71: {  	v29 =	vld [tilespmem:$0x10250]  }
0x72: {  	v30 =	vld [tilespmem:$0x10060]  }
0x73: {  	v31 =	vld [tilespmem:$0x10260];
	v18 =	vshll.u32 v18, $0x4;
	v19 =	vadd.s32 v0, v19  }
0x74: {  	v62 =	vld [tilespmem:$0x10070];
	v18 =	vadd.s32 v18, v19;
	v19 =	vshll.u32 v20, $0x4;
	v20 =	vadd.s32 v0, v21  }
0x75: {  	v63 =	vld [tilespmem:$0x10270];
	[tilespmem:$0x10400] =	vst v18;
	v18 =	vadd.s32 v19, v20;
	v19 =	vshll.u32 v22, $0x4;
	v20 =	vadd.s32 v0, v23  }
0x76: {  	[tilespmem:$0x10410] =	vst v18;
	v18 =	vadd.s32 v19, v20;
	v19 =	vshll.u32 v24, $0x4;
	v20 =	vadd.s32 v0, v25  }
0x77: {  	[tilespmem:$0x10420] =	vst v18;
	v18 =	vadd.s32 v19, v20;
	v19 =	vshll.u32 v26, $0x4;
	v20 =	vadd.s32 v0, v27  }
0x78: {  	[tilespmem:$0x10430] =	vst v18;
	v18 =	vadd.s32 v19, v20;
	v19 =	vshll.u32 v28, $0x4;
	v20 =	vadd.s32 v0, v29  }
0x79: {  	[tilespmem:$0x10440] =	vst v18;
	v18 =	vadd.s32 v19, v20;
	v19 =	vshll.u32 v30, $0x4;
	v20 =	vadd.s32 v0, v31  }
0x7a: {  	[tilespmem:$0x10450] =	vst v18;
	v18 =	vadd.s32 v19, v20;
	v19 =	vshll.u32 v62, $0x4;
	v20 =	vadd.s32 v0, v63  }
0x7b: {  	[tilespmem:$0x10460] =	vst v18;
	v18 =	vadd.s32 v19, v20  }
0x7c: {  	[tilespmem:$0x10470] =	vst v18  }
0x7d: {  	[spmem:s4] =	stream.indirect.scatter.add.f32 [tilespmem:s11], [sflag:$0x5], $0x80, s14, s13, $0xb8;
	[tilespmem:$0x1A600] =	vst v63  }
0x7e: {  	s21 =	rddreg [dreg:$0xf]  }
0x7f: {  	[tilespmem:s15], [sflag:$0x3] =	stream.linear.gather [hbm4b:s21+s11], $0x4000, $0x38;
	[tilespmem:$0x1A600] =	vst v63  }
0x80: {  	s29 =	simm.s32 $0x10100;
	s22 =	rddreg [dreg:$0x11]  }
0x81: {  	[tilespmem:s29], [sflag:$0x3] =	stream.linear.gather [hbm4b:s22+s11], $0x80, $0x38;
	[tilespmem:$0x1A600] =	vst v63  }
0x82: {  	s21 =	rddreg [dreg:$0x12];
	s22 =	simm.s32 $0x10300;
	s29 =	simm.s32 $0x0  }
0x83: {  	[tilespmem:s22], [sflag:$0x3] =	stream.linear.gather [hbm4b:s21+s11], $0x80, $0x38;
	[tilespmem:$0x1A600] =	vst v63  }
0x84: {  	v18 =	vld [tilespmem:s29+$0x10400];
	_ =	sdelay $0x4  }
0x85: {  	v18 =	vsub.s32 v18, v0  }
0x86: {  	v18 =	vshll.u32 v18, $0x4  }
0x87: {  	v19 =	vadd.s32 $0x10600, v18  }
0x88: {  	(v2sf) =	vpush v19, $0x0;
	_ =	sdelay $0x6  }
0x89: {  	v18 =	vadd.s32 $0x11600, v18  }
0x8a: {  	(v2sf) =	vpush v18, $0x1;
	_ =	sdelay $0x6  }
0x8b: {  	s16 =	spop (v2sf)  }
0x8c: {  	(v2sf) =	vpush v19, $0x2;
	v20 =	vld [tilespmem:s16+$0x0];
	_ =	sdelay $0x4  }
0x8d: {  	v20 =	vadd.f32 $1.000000000e+00, v20;
	_ =	sdelay $0x1  }
0x8e: {  	s17 =	spop (v2sf);
	[tilespmem:s16+$0x0] =	vst v20  }
0x8f: {  	(v2sf) =	vpush v18, $0x3;
	v20 =	vld [tilespmem:s17+$0x0];
	_ =	sdelay $0x4  }
0x90: {  	v20 =	vadd.f32 $1.000000000e+00, v20;
	_ =	sdelay $0x1  }
0x91: {  	s21 =	spop (v2sf);
	[tilespmem:s17+$0x0] =	vst v20  }
0x92: {  	(v2sf) =	vpush v19, $0x4;
	v20 =	vld [tilespmem:s21+$0x0];
	_ =	sdelay $0x4  }
0x93: {  	v20 =	vadd.f32 $1.000000000e+00, v20;
	_ =	sdelay $0x1  }
0x94: {  	s22 =	spop (v2sf);
	[tilespmem:s21+$0x0] =	vst v20  }
0x95: {  	(v2sf) =	vpush v18, $0x5;
	v20 =	vld [tilespmem:s22+$0x0];
	_ =	sdelay $0x4  }
0x96: {  	v20 =	vadd.f32 $1.000000000e+00, v20;
	_ =	sdelay $0x1  }
0x97: {  	s29 =	spop (v2sf);
	[tilespmem:s22+$0x0] =	vst v20  }
0x98: {  	(v2sf) =	vpush v19, $0x6;
	v20 =	vld [tilespmem:s29+$0x0];
	_ =	sdelay $0x4  }
0x99: {  	v20 =	vadd.f32 $1.000000000e+00, v20;
	_ =	sdelay $0x1  }
0x9a: {  	s16 =	spop (v2sf);
	[tilespmem:s29+$0x0] =	vst v20  }
0x9b: {  	(v2sf) =	vpush v18, $0x7;
	v20 =	vld [tilespmem:s16+$0x0];
	_ =	sdelay $0x4  }
0x9c: {  	v20 =	vadd.f32 $1.000000000e+00, v20;
	_ =	sdelay $0x1  }
0x9d: {  	s17 =	spop (v2sf);
	[tilespmem:s16+$0x0] =	vst v20  }
0x9e: {  	(v2sf) =	vpush v19, $0x8;
	v20 =	vld [tilespmem:s17+$0x0];
	_ =	sdelay $0x4  }
0x9f: {  	v20 =	vadd.f32 $1.000000000e+00, v20;
	_ =	sdelay $0x1  }
0xa0: {  	s21 =	spop (v2sf);
	[tilespmem:s17+$0x0] =	vst v20  }
0xa1: {  	(v2sf) =	vpush v18, $0x9;
	v20 =	vld [tilespmem:s21+$0x0];
	_ =	sdelay $0x4  }
0xa2: {  	v20 =	vadd.f32 $1.000000000e+00, v20;
	_ =	sdelay $0x1  }
0xa3: {  	s22 =	spop (v2sf);
	[tilespmem:s21+$0x0] =	vst v20  }
0xa4: {  	(v2sf) =	vpush v19, $0xA;
	v20 =	vld [tilespmem:s22+$0x0];
	_ =	sdelay $0x4  }
0xa5: {  	v20 =	vadd.f32 $1.000000000e+00, v20;
	_ =	sdelay $0x1  }
0xa6: {  	s29 =	spop (v2sf);
	[tilespmem:s22+$0x0] =	vst v20  }
0xa7: {  	(v2sf) =	vpush v18, $0xB;
	v20 =	vld [tilespmem:s29+$0x0];
	_ =	sdelay $0x4  }
0xa8: {  	v20 =	vadd.f32 $1.000000000e+00, v20;
	_ =	sdelay $0x1  }
0xa9: {  	s16 =	spop (v2sf);
	[tilespmem:s29+$0x0] =	vst v20  }
0xaa: {  	(v2sf) =	vpush v19, $0xC;
	v20 =	vld [tilespmem:s16+$0x0];
	_ =	sdelay $0x4  }
0xab: {  	v20 =	vadd.f32 $1.000000000e+00, v20;
	_ =	sdelay $0x1  }
0xac: {  	s17 =	spop (v2sf);
	[tilespmem:s16+$0x0] =	vst v20  }
0xad: {  	(v2sf) =	vpush v18, $0xD;
	v20 =	vld [tilespmem:s17+$0x0];
	_ =	sdelay $0x4  }
0xae: {  	v20 =	vadd.f32 $1.000000000e+00, v20;
	_ =	sdelay $0x1  }
0xaf: {  	s21 =	spop (v2sf);
	[tilespmem:s17+$0x0] =	vst v20  }
0xb0: {  	(v2sf) =	vpush v19, $0xE;
	v20 =	vld [tilespmem:s21+$0x0];
	_ =	sdelay $0x4  }
0xb1: {  	v19 =	vadd.f32 $1.000000000e+00, v20;
	_ =	sdelay $0x1  }
0xb2: {  	s22 =	spop (v2sf);
	[tilespmem:s21+$0x0] =	vst v19  }
0xb3: {  	(v2sf) =	vpush v18, $0xF;
	v19 =	vld [tilespmem:s22+$0x0];
	_ =	sdelay $0x4  }
0xb4: {  	v18 =	vadd.f32 $1.000000000e+00, v19;
	_ =	sdelay $0x1  }
0xb5: {  	s29 =	spop (v2sf);
	[tilespmem:s22+$0x0] =	vst v18  }
0xb6: {  	v18 =	vld [tilespmem:s29+$0x0];
	_ =	sdelay $0x4  }
0xb7: {  	v18 =	vadd.f32 $1.000000000e+00, v18;
	_ =	sdelay $0x1  }
0xb8: {  	s17 =	spop (v2sf);
	[tilespmem:s29+$0x0] =	vst v18  }
0xb9: {  	v18 =	vld [tilespmem:s17+$0x0];
	_ =	sdelay $0x4  }
0xba: {  	s11 =	simm.s32 $0x40;
	s16 =	simm.s32 $0x80;
	v18 =	vadd.f32 $1.000000000e+00, v18  }
.LBB2_6:
0xbb: {  	p0 =	sne.s32 s16, $0x1C0  }
0xbc: {  	s21 =	sshra.s32 s11, $0x2;
	s11 =	smov.u32 s16;
	s16 =	sadd.s32 $0x40, s16;
	[tilespmem:s17+$0x0] =	vst v18  }
0xbd: {  	v18 =	vld [tilespmem:s21+$0x10400];
	_ =	sdelay $0x4  }
0xbe: {  	v18 =	vsub.s32 v18, v0  }
0xbf: {  	v18 =	vshll.u32 v18, $0x4  }
0xc0: {  	v19 =	vadd.s32 $0x10600, v18;
	v18 =	vadd.s32 $0x11600, v18  }
0xc1: {  	(v2sf) =	vpush v19, $0x0;
	_ =	sdelay $0x7  }
0xc2: {  	(v2sf) =	vpush v18, $0x1;
	_ =	sdelay $0x6  }
0xc3: {  	s17 =	spop (v2sf)  }
0xc4: {  	v20 =	vld [tilespmem:s17+$0x0];
	(v2sf) =	vpush v19, $0x2;
	_ =	sdelay $0x4  }
0xc5: {  	v20 =	vadd.f32 $1.000000000e+00, v20;
	_ =	sdelay $0x1  }
0xc6: {  	[tilespmem:s17+$0x0] =	vst v20;
	s17 =	spop (v2sf)  }
0xc7: {  	v20 =	vld [tilespmem:s17+$0x0];
	(v2sf) =	vpush v18, $0x3;
	_ =	sdelay $0x4  }
0xc8: {  	v20 =	vadd.f32 $1.000000000e+00, v20;
	_ =	sdelay $0x1  }
0xc9: {  	[tilespmem:s17+$0x0] =	vst v20;
	s17 =	spop (v2sf)  }
0xca: {  	v20 =	vld [tilespmem:s17+$0x0];
	(v2sf) =	vpush v19, $0x4;
	_ =	sdelay $0x4  }
0xcb: {  	v20 =	vadd.f32 $1.000000000e+00, v20;
	_ =	sdelay $0x1  }
0xcc: {  	[tilespmem:s17+$0x0] =	vst v20;
	s17 =	spop (v2sf)  }
0xcd: {  	v20 =	vld [tilespmem:s17+$0x0];
	(v2sf) =	vpush v18, $0x5;
	_ =	sdelay $0x4  }
0xce: {  	v20 =	vadd.f32 $1.000000000e+00, v20;
	_ =	sdelay $0x1  }
0xcf: {  	[tilespmem:s17+$0x0] =	vst v20;
	s17 =	spop (v2sf)  }
0xd0: {  	v20 =	vld [tilespmem:s17+$0x0];
	(v2sf) =	vpush v19, $0x6;
	_ =	sdelay $0x4  }
0xd1: {  	v20 =	vadd.f32 $1.000000000e+00, v20;
	_ =	sdelay $0x1  }
0xd2: {  	[tilespmem:s17+$0x0] =	vst v20;
	s17 =	spop (v2sf)  }
0xd3: {  	v20 =	vld [tilespmem:s17+$0x0];
	(v2sf) =	vpush v18, $0x7;
	_ =	sdelay $0x4  }
0xd4: {  	v20 =	vadd.f32 $1.000000000e+00, v20;
	_ =	sdelay $0x1  }
0xd5: {  	[tilespmem:s17+$0x0] =	vst v20;
	s17 =	spop (v2sf)  }
0xd6: {  	v20 =	vld [tilespmem:s17+$0x0];
	(v2sf) =	vpush v19, $0x8;
	_ =	sdelay $0x4  }
0xd7: {  	v20 =	vadd.f32 $1.000000000e+00, v20;
	_ =	sdelay $0x1  }
0xd8: {  	[tilespmem:s17+$0x0] =	vst v20;
	s17 =	spop (v2sf)  }
0xd9: {  	v20 =	vld [tilespmem:s17+$0x0];
	(v2sf) =	vpush v18, $0x9;
	_ =	sdelay $0x4  }
0xda: {  	v20 =	vadd.f32 $1.000000000e+00, v20;
	_ =	sdelay $0x1  }
0xdb: {  	[tilespmem:s17+$0x0] =	vst v20;
	s17 =	spop (v2sf)  }
0xdc: {  	v20 =	vld [tilespmem:s17+$0x0];
	(v2sf) =	vpush v19, $0xA;
	_ =	sdelay $0x4  }
0xdd: {  	v20 =	vadd.f32 $1.000000000e+00, v20;
	_ =	sdelay $0x1  }
0xde: {  	[tilespmem:s17+$0x0] =	vst v20;
	s17 =	spop (v2sf)  }
0xdf: {  	v20 =	vld [tilespmem:s17+$0x0];
	(v2sf) =	vpush v18, $0xB;
	_ =	sdelay $0x4  }
0xe0: {  	v20 =	vadd.f32 $1.000000000e+00, v20;
	_ =	sdelay $0x1  }
0xe1: {  	[tilespmem:s17+$0x0] =	vst v20;
	s17 =	spop (v2sf)  }
0xe2: {  	v20 =	vld [tilespmem:s17+$0x0];
	(v2sf) =	vpush v19, $0xC;
	_ =	sdelay $0x4  }
0xe3: {  	v20 =	vadd.f32 $1.000000000e+00, v20;
	_ =	sdelay $0x1  }
0xe4: {  	[tilespmem:s17+$0x0] =	vst v20;
	s17 =	spop (v2sf)  }
0xe5: {  	v20 =	vld [tilespmem:s17+$0x0];
	(v2sf) =	vpush v18, $0xD;
	_ =	sdelay $0x4  }
0xe6: {  	v20 =	vadd.f32 $1.000000000e+00, v20;
	_ =	sdelay $0x1  }
0xe7: {  	[tilespmem:s17+$0x0] =	vst v20;
	s17 =	spop (v2sf)  }
0xe8: {  	v20 =	vld [tilespmem:s17+$0x0];
	(v2sf) =	vpush v19, $0xE;
	_ =	sdelay $0x4  }
0xe9: {  	v19 =	vadd.f32 $1.000000000e+00, v20;
	_ =	sdelay $0x1  }
0xea: {  	[tilespmem:s17+$0x0] =	vst v19;
	s17 =	spop (v2sf)  }
0xeb: {  	v19 =	vld [tilespmem:s17+$0x0];
	(v2sf) =	vpush v18, $0xF;
	_ =	sdelay $0x4  }
0xec: {  	v18 =	vadd.f32 $1.000000000e+00, v19;
	_ =	sdelay $0x1  }
0xed: {  	[tilespmem:s17+$0x0] =	vst v18;
	s17 =	spop (v2sf)  }
0xee: {  	v18 =	vld [tilespmem:s17+$0x0];
	_ =	sdelay $0x4  }
0xef: {  	v18 =	vadd.f32 $1.000000000e+00, v18;
	_ =	sdelay $0x1  }
0xf0: {  	[tilespmem:s17+$0x0] =	vst v18;
	s17 =	spop (v2sf)  }
0xf1: {  	v18 =	vld [tilespmem:s17+$0x0]  }
.Ltmp2:
0xf2: {  	(pc) =	sbr.rel @p0 .LBB2_6-.Ltmp2, $2  }
0xf3: {  	_ =	sdelay $0x2  }
0xf4: {  	v18 =	vadd.f32 $1.000000000e+00, v18  }
0xf5: {  	_ = 	snop  }
0xf6: {  	s11 =	sshra.s32 s11, $0x2;
	[tilespmem:s17+$0x0] =	vst v18  }
0xf7: {  	v18 =	vld [tilespmem:s11+$0x10400];
	_ =	sdelay $0x4  }
0xf8: {  	v18 =	vsub.s32 v18, v0  }
0xf9: {  	v18 =	vshll.u32 v18, $0x4  }
0xfa: {  	v19 =	vadd.s32 $0x10600, v18  }
0xfb: {  	(v2sf) =	vpush v19, $0x0;
	_ =	sdelay $0x6  }
0xfc: {  	v18 =	vadd.s32 $0x11600, v18  }
0xfd: {  	(v2sf) =	vpush v18, $0x1;
	_ =	sdelay $0x6  }
0xfe: {  	s16 =	spop (v2sf)  }
0xff: {  	(v2sf) =	vpush v19, $0x2;
	v20 =	vld [tilespmem:s16+$0x0];
	_ =	sdelay $0x4  }
0x100: {  	v20 =	vadd.f32 $1.000000000e+00, v20;
	_ =	sdelay $0x1  }
0x101: {  	s17 =	spop (v2sf);
	[tilespmem:s16+$0x0] =	vst v20  }
0x102: {  	(v2sf) =	vpush v18, $0x3;
	v20 =	vld [tilespmem:s17+$0x0];
	_ =	sdelay $0x4  }
0x103: {  	v20 =	vadd.f32 $1.000000000e+00, v20;
	_ =	sdelay $0x1  }
0x104: {  	s21 =	spop (v2sf);
	[tilespmem:s17+$0x0] =	vst v20  }
0x105: {  	(v2sf) =	vpush v19, $0x4;
	v20 =	vld [tilespmem:s21+$0x0];
	_ =	sdelay $0x4  }
0x106: {  	v20 =	vadd.f32 $1.000000000e+00, v20;
	_ =	sdelay $0x1  }
0x107: {  	s22 =	spop (v2sf);
	[tilespmem:s21+$0x0] =	vst v20  }
0x108: {  	(v2sf) =	vpush v18, $0x5;
	v20 =	vld [tilespmem:s22+$0x0];
	_ =	sdelay $0x4  }
0x109: {  	v20 =	vadd.f32 $1.000000000e+00, v20;
	_ =	sdelay $0x1  }
0x10a: {  	s29 =	spop (v2sf);
	[tilespmem:s22+$0x0] =	vst v20  }
0x10b: {  	(v2sf) =	vpush v19, $0x6;
	v20 =	vld [tilespmem:s29+$0x0];
	_ =	sdelay $0x4  }
0x10c: {  	v20 =	vadd.f32 $1.000000000e+00, v20;
	_ =	sdelay $0x1  }
0x10d: {  	s16 =	spop (v2sf);
	[tilespmem:s29+$0x0] =	vst v20  }
0x10e: {  	(v2sf) =	vpush v18, $0x7;
	v20 =	vld [tilespmem:s16+$0x0];
	_ =	sdelay $0x4  }
0x10f: {  	v20 =	vadd.f32 $1.000000000e+00, v20;
	_ =	sdelay $0x1  }
0x110: {  	s17 =	spop (v2sf);
	[tilespmem:s16+$0x0] =	vst v20  }
0x111: {  	(v2sf) =	vpush v19, $0x8;
	v20 =	vld [tilespmem:s17+$0x0];
	_ =	sdelay $0x4  }
0x112: {  	v20 =	vadd.f32 $1.000000000e+00, v20;
	_ =	sdelay $0x1  }
0x113: {  	s21 =	spop (v2sf);
	[tilespmem:s17+$0x0] =	vst v20  }
0x114: {  	(v2sf) =	vpush v18, $0x9;
	v20 =	vld [tilespmem:s21+$0x0];
	_ =	sdelay $0x4  }
0x115: {  	v20 =	vadd.f32 $1.000000000e+00, v20;
	_ =	sdelay $0x1  }
0x116: {  	s22 =	spop (v2sf);
	[tilespmem:s21+$0x0] =	vst v20  }
0x117: {  	(v2sf) =	vpush v19, $0xA;
	v20 =	vld [tilespmem:s22+$0x0];
	_ =	sdelay $0x4  }
0x118: {  	v20 =	vadd.f32 $1.000000000e+00, v20;
	_ =	sdelay $0x1  }
0x119: {  	s29 =	spop (v2sf);
	[tilespmem:s22+$0x0] =	vst v20  }
0x11a: {  	(v2sf) =	vpush v18, $0xB;
	v20 =	vld [tilespmem:s29+$0x0];
	_ =	sdelay $0x4  }
0x11b: {  	v20 =	vadd.f32 $1.000000000e+00, v20;
	_ =	sdelay $0x1  }
0x11c: {  	s16 =	spop (v2sf);
	[tilespmem:s29+$0x0] =	vst v20  }
0x11d: {  	(v2sf) =	vpush v19, $0xC;
	v20 =	vld [tilespmem:s16+$0x0];
	_ =	sdelay $0x4  }
0x11e: {  	v20 =	vadd.f32 $1.000000000e+00, v20;
	_ =	sdelay $0x1  }
0x11f: {  	s17 =	spop (v2sf);
	[tilespmem:s16+$0x0] =	vst v20  }
0x120: {  	(v2sf) =	vpush v18, $0xD;
	v20 =	vld [tilespmem:s17+$0x0];
	_ =	sdelay $0x4  }
0x121: {  	v20 =	vadd.f32 $1.000000000e+00, v20;
	_ =	sdelay $0x1  }
0x122: {  	s21 =	spop (v2sf);
	[tilespmem:s17+$0x0] =	vst v20  }
0x123: {  	(v2sf) =	vpush v19, $0xE;
	v20 =	vld [tilespmem:s21+$0x0];
	_ =	sdelay $0x4  }
0x124: {  	v19 =	vadd.f32 $1.000000000e+00, v20;
	_ =	sdelay $0x1  }
0x125: {  	s22 =	spop (v2sf);
	[tilespmem:s21+$0x0] =	vst v19  }
0x126: {  	(v2sf) =	vpush v18, $0xF;
	v19 =	vld [tilespmem:s22+$0x0];
	_ =	sdelay $0x4  }
0x127: {  	v18 =	vadd.f32 $1.000000000e+00, v19;
	_ =	sdelay $0x1  }
0x128: {  	s29 =	spop (v2sf);
	[tilespmem:s22+$0x0] =	vst v18  }
0x129: {  	v18 =	vld [tilespmem:s29+$0x0];
	_ =	sdelay $0x4  }
0x12a: {  	v18 =	vadd.f32 $1.000000000e+00, v18;
	_ =	sdelay $0x1  }
0x12b: {  	s16 =	spop (v2sf);
	[tilespmem:s29+$0x0] =	vst v18  }
0x12c: {  	v18 =	vld [tilespmem:s16+$0x0];
	_ =	sdelay $0x4  }
0x12d: {  	v18 =	vadd.f32 $1.000000000e+00, v18;
	_ =	sdelay $0x1  }
0x12e: {  	[tilespmem:s16+$0x0] =	vst v18  }
0x12f: {  	_ =	swait.ge [sflag:s18], $0x4000  }
0x130: {  	[sflag:s18] =	ssyncset.done $0x0  }
0x131: {  	[sflag:s18] =	ssyncadd.s32 $0xFFFFC000  }
0x132: {  	_ =	swait.ge [sflag:s18], $0x80  }
0x133: {  	[sflag:s18] =	ssyncset.done $0x0  }
0x134: {  	[sflag:s18] =	ssyncadd.s32 $0xFFFFFF80  }
0x135: {  	_ =	swait.ge [sflag:s18], $0x80  }
0x136: {  	[sflag:s18] =	ssyncset.done $0x0  }
0x137: {  	[sflag:s18] =	ssyncadd.s32 $0xFFFFFF80  }
0x138: {  	v18 =	vld [tilespmem:$0x10080]  }
0x139: {  	v19 =	vld [tilespmem:$0x10280]  }
0x13a: {  	v20 =	vld [tilespmem:$0x10090]  }
0x13b: {  	v21 =	vld [tilespmem:$0x10290]  }
0x13c: {  	v22 =	vld [tilespmem:$0x100A0]  }
0x13d: {  	v23 =	vld [tilespmem:$0x102A0]  }
0x13e: {  	v24 =	vld [tilespmem:$0x100B0]  }
0x13f: {  	v25 =	vld [tilespmem:$0x102B0]  }
0x140: {  	v26 =	vld [tilespmem:$0x100C0]  }
0x141: {  	v27 =	vld [tilespmem:$0x102C0]  }
0x142: {  	v28 =	vld [tilespmem:$0x100D0]  }
0x143: {  	v29 =	vld [tilespmem:$0x102D0]  }
0x144: {  	v30 =	vld [tilespmem:$0x100E0]  }
0x145: {  	v31 =	vld [tilespmem:$0x102E0];
	v18 =	vshll.u32 v18, $0x4;
	v19 =	vadd.s32 v0, v19  }
0x146: {  	v62 =	vld [tilespmem:$0x100F0];
	v18 =	vadd.s32 v18, v19;
	v19 =	vshll.u32 v20, $0x4;
	v20 =	vadd.s32 v0, v21  }
0x147: {  	v63 =	vld [tilespmem:$0x102F0];
	[tilespmem:$0x10480] =	vst v18;
	v18 =	vadd.s32 v19, v20;
	v19 =	vshll.u32 v22, $0x4;
	v20 =	vadd.s32 v0, v23  }
0x148: {  	[tilespmem:$0x10490] =	vst v18;
	v18 =	vadd.s32 v19, v20;
	v19 =	vshll.u32 v24, $0x4;
	v20 =	vadd.s32 v0, v25  }
0x149: {  	[tilespmem:$0x104A0] =	vst v18;
	v18 =	vadd.s32 v19, v20;
	v19 =	vshll.u32 v26, $0x4;
	v20 =	vadd.s32 v0, v27  }
0x14a: {  	[tilespmem:$0x104B0] =	vst v18;
	v18 =	vadd.s32 v19, v20;
	v19 =	vshll.u32 v28, $0x4;
	v20 =	vadd.s32 v0, v29  }
0x14b: {  	[tilespmem:$0x104C0] =	vst v18;
	v18 =	vadd.s32 v19, v20;
	v19 =	vshll.u32 v30, $0x4;
	v20 =	vadd.s32 v0, v31  }
0x14c: {  	[tilespmem:$0x104D0] =	vst v18;
	v18 =	vadd.s32 v19, v20;
	v19 =	vshll.u32 v62, $0x4;
	v20 =	vadd.s32 v0, v63  }
0x14d: {  	[tilespmem:$0x104E0] =	vst v18;
	v18 =	vadd.s32 v19, v20  }
0x14e: {  	[tilespmem:$0x104F0] =	vst v18  }
0x14f: {  	[spmem:s4] =	stream.indirect.scatter.add.f32 [tilespmem:s6], [sflag:$0x6], $0x80, s19, s13, $0xb8;
	[tilespmem:$0x1A600] =	vst v63  }
0x150: {  	s11 =	simm.s32 $0x0;
	s16 =	rddreg [dreg:$0x13]  }
0x151: {  	[tilespmem:s20], [sflag:$0x4] =	stream.linear.gather [hbm4b:s16+s11], $0x4000, $0x38;
	[tilespmem:$0x1A600] =	vst v63  }
0x152: {  	s21 =	simm.s32 $0x10180;
	s17 =	rddreg [dreg:$0x14]  }
0x153: {  	[tilespmem:s21], [sflag:$0x4] =	stream.linear.gather [hbm4b:s17+s11], $0x80, $0x38;
	[tilespmem:$0x1A600] =	vst v63  }
0x154: {  	s29 =	simm.s32 $0x10380;
	s22 =	rddreg [dreg:$0x15];
	s17 =	simm.s32 $0x0  }
0x155: {  	[tilespmem:s29], [sflag:$0x4] =	stream.linear.gather [hbm4b:s22+s11], $0x80, $0x38;
	[tilespmem:$0x1A600] =	vst v63  }
0x156: {  	v18 =	vld [tilespmem:s17+$0x10480];
	_ =	sdelay $0x4  }
0x157: {  	v18 =	vsub.s32 v18, v0  }
0x158: {  	v18 =	vshll.u32 v18, $0x4  }
0x159: {  	v19 =	vadd.s32 $0x10600, v18  }
0x15a: {  	(v2sf) =	vpush v19, $0x0;
	_ =	sdelay $0x6  }
0x15b: {  	v18 =	vadd.s32 $0x11600, v18  }
0x15c: {  	(v2sf) =	vpush v18, $0x1;
	_ =	sdelay $0x6  }
0x15d: {  	s21 =	spop (v2sf)  }
0x15e: {  	(v2sf) =	vpush v19, $0x2;
	v20 =	vld [tilespmem:s21+$0x0];
	_ =	sdelay $0x4  }
0x15f: {  	v20 =	vadd.f32 $1.000000000e+00, v20;
	_ =	sdelay $0x1  }
0x160: {  	s22 =	spop (v2sf);
	[tilespmem:s21+$0x0] =	vst v20  }
0x161: {  	(v2sf) =	vpush v18, $0x3;
	v20 =	vld [tilespmem:s22+$0x0];
	_ =	sdelay $0x4  }
0x162: {  	v20 =	vadd.f32 $1.000000000e+00, v20;
	_ =	sdelay $0x1  }
0x163: {  	s29 =	spop (v2sf);
	[tilespmem:s22+$0x0] =	vst v20  }
0x164: {  	(v2sf) =	vpush v19, $0x4;
	v20 =	vld [tilespmem:s29+$0x0];
	_ =	sdelay $0x4  }
0x165: {  	v20 =	vadd.f32 $1.000000000e+00, v20;
	_ =	sdelay $0x1  }
0x166: {  	s17 =	spop (v2sf);
	[tilespmem:s29+$0x0] =	vst v20  }
0x167: {  	(v2sf) =	vpush v18, $0x5;
	v20 =	vld [tilespmem:s17+$0x0];
	_ =	sdelay $0x4  }
0x168: {  	v20 =	vadd.f32 $1.000000000e+00, v20;
	_ =	sdelay $0x1  }
0x169: {  	s21 =	spop (v2sf);
	[tilespmem:s17+$0x0] =	vst v20  }
0x16a: {  	(v2sf) =	vpush v19, $0x6;
	v20 =	vld [tilespmem:s21+$0x0];
	_ =	sdelay $0x4  }
0x16b: {  	v20 =	vadd.f32 $1.000000000e+00, v20;
	_ =	sdelay $0x1  }
0x16c: {  	s22 =	spop (v2sf);
	[tilespmem:s21+$0x0] =	vst v20  }
0x16d: {  	(v2sf) =	vpush v18, $0x7;
	v20 =	vld [tilespmem:s22+$0x0];
	_ =	sdelay $0x4  }
0x16e: {  	v20 =	vadd.f32 $1.000000000e+00, v20;
	_ =	sdelay $0x1  }
0x16f: {  	s29 =	spop (v2sf);
	[tilespmem:s22+$0x0] =	vst v20  }
0x170: {  	(v2sf) =	vpush v19, $0x8;
	v20 =	vld [tilespmem:s29+$0x0];
	_ =	sdelay $0x4  }
0x171: {  	v20 =	vadd.f32 $1.000000000e+00, v20;
	_ =	sdelay $0x1  }
0x172: {  	s17 =	spop (v2sf);
	[tilespmem:s29+$0x0] =	vst v20  }
0x173: {  	(v2sf) =	vpush v18, $0x9;
	v20 =	vld [tilespmem:s17+$0x0];
	_ =	sdelay $0x4  }
0x174: {  	v20 =	vadd.f32 $1.000000000e+00, v20;
	_ =	sdelay $0x1  }
0x175: {  	s21 =	spop (v2sf);
	[tilespmem:s17+$0x0] =	vst v20  }
0x176: {  	(v2sf) =	vpush v19, $0xA;
	v20 =	vld [tilespmem:s21+$0x0];
	_ =	sdelay $0x4  }
0x177: {  	v20 =	vadd.f32 $1.000000000e+00, v20;
	_ =	sdelay $0x1  }
0x178: {  	s22 =	spop (v2sf);
	[tilespmem:s21+$0x0] =	vst v20  }
0x179: {  	(v2sf) =	vpush v18, $0xB;
	v20 =	vld [tilespmem:s22+$0x0];
	_ =	sdelay $0x4  }
0x17a: {  	v20 =	vadd.f32 $1.000000000e+00, v20;
	_ =	sdelay $0x1  }
0x17b: {  	s29 =	spop (v2sf);
	[tilespmem:s22+$0x0] =	vst v20  }
0x17c: {  	(v2sf) =	vpush v19, $0xC;
	v20 =	vld [tilespmem:s29+$0x0];
	_ =	sdelay $0x4  }
0x17d: {  	v20 =	vadd.f32 $1.000000000e+00, v20;
	_ =	sdelay $0x1  }
0x17e: {  	s17 =	spop (v2sf);
	[tilespmem:s29+$0x0] =	vst v20  }
0x17f: {  	(v2sf) =	vpush v18, $0xD;
	v20 =	vld [tilespmem:s17+$0x0];
	_ =	sdelay $0x4  }
0x180: {  	v20 =	vadd.f32 $1.000000000e+00, v20;
	_ =	sdelay $0x1  }
0x181: {  	s21 =	spop (v2sf);
	[tilespmem:s17+$0x0] =	vst v20  }
0x182: {  	(v2sf) =	vpush v19, $0xE;
	v20 =	vld [tilespmem:s21+$0x0];
	_ =	sdelay $0x4  }
0x183: {  	v19 =	vadd.f32 $1.000000000e+00, v20;
	_ =	sdelay $0x1  }
0x184: {  	s22 =	spop (v2sf);
	[tilespmem:s21+$0x0] =	vst v19  }
0x185: {  	(v2sf) =	vpush v18, $0xF;
	v19 =	vld [tilespmem:s22+$0x0];
	_ =	sdelay $0x4  }
0x186: {  	v18 =	vadd.f32 $1.000000000e+00, v19;
	_ =	sdelay $0x1  }
0x187: {  	s29 =	spop (v2sf);
	[tilespmem:s22+$0x0] =	vst v18  }
0x188: {  	v18 =	vld [tilespmem:s29+$0x0];
	_ =	sdelay $0x4  }
0x189: {  	v18 =	vadd.f32 $1.000000000e+00, v18;
	_ =	sdelay $0x1  }
0x18a: {  	s21 =	spop (v2sf);
	[tilespmem:s29+$0x0] =	vst v18  }
0x18b: {  	v18 =	vld [tilespmem:s21+$0x0];
	_ =	sdelay $0x4  }
0x18c: {  	s16 =	simm.s32 $0x40;
	s17 =	simm.s32 $0x80;
	v18 =	vadd.f32 $1.000000000e+00, v18  }
.LBB2_8:
0x18d: {  	p0 =	sne.s32 s17, $0x1C0  }
0x18e: {  	s22 =	sshra.s32 s16, $0x2;
	s16 =	smov.u32 s17;
	s17 =	sadd.s32 $0x40, s17;
	[tilespmem:s21+$0x0] =	vst v18  }
0x18f: {  	v18 =	vld [tilespmem:s22+$0x10480];
	_ =	sdelay $0x4  }
0x190: {  	v18 =	vsub.s32 v18, v0  }
0x191: {  	v18 =	vshll.u32 v18, $0x4  }
0x192: {  	v19 =	vadd.s32 $0x10600, v18;
	v18 =	vadd.s32 $0x11600, v18  }
0x193: {  	(v2sf) =	vpush v19, $0x0;
	_ =	sdelay $0x7  }
0x194: {  	(v2sf) =	vpush v18, $0x1;
	_ =	sdelay $0x6  }
0x195: {  	s21 =	spop (v2sf)  }
0x196: {  	v20 =	vld [tilespmem:s21+$0x0];
	(v2sf) =	vpush v19, $0x2;
	_ =	sdelay $0x4  }
0x197: {  	v20 =	vadd.f32 $1.000000000e+00, v20;
	_ =	sdelay $0x1  }
0x198: {  	[tilespmem:s21+$0x0] =	vst v20;
	s21 =	spop (v2sf)  }
0x199: {  	v20 =	vld [tilespmem:s21+$0x0];
	(v2sf) =	vpush v18, $0x3;
	_ =	sdelay $0x4  }
0x19a: {  	v20 =	vadd.f32 $1.000000000e+00, v20;
	_ =	sdelay $0x1  }
0x19b: {  	[tilespmem:s21+$0x0] =	vst v20;
	s21 =	spop (v2sf)  }
0x19c: {  	v20 =	vld [tilespmem:s21+$0x0];
	(v2sf) =	vpush v19, $0x4;
	_ =	sdelay $0x4  }
0x19d: {  	v20 =	vadd.f32 $1.000000000e+00, v20;
	_ =	sdelay $0x1  }
0x19e: {  	[tilespmem:s21+$0x0] =	vst v20;
	s21 =	spop (v2sf)  }
0x19f: {  	v20 =	vld [tilespmem:s21+$0x0];
	(v2sf) =	vpush v18, $0x5;
	_ =	sdelay $0x4  }
0x1a0: {  	v20 =	vadd.f32 $1.000000000e+00, v20;
	_ =	sdelay $0x1  }
0x1a1: {  	[tilespmem:s21+$0x0] =	vst v20;
	s21 =	spop (v2sf)  }
0x1a2: {  	v20 =	vld [tilespmem:s21+$0x0];
	(v2sf) =	vpush v19, $0x6;
	_ =	sdelay $0x4  }
0x1a3: {  	v20 =	vadd.f32 $1.000000000e+00, v20;
	_ =	sdelay $0x1  }
0x1a4: {  	[tilespmem:s21+$0x0] =	vst v20;
	s21 =	spop (v2sf)  }
0x1a5: {  	v20 =	vld [tilespmem:s21+$0x0];
	(v2sf) =	vpush v18, $0x7;
	_ =	sdelay $0x4  }
0x1a6: {  	v20 =	vadd.f32 $1.000000000e+00, v20;
	_ =	sdelay $0x1  }
0x1a7: {  	[tilespmem:s21+$0x0] =	vst v20;
	s21 =	spop (v2sf)  }
0x1a8: {  	v20 =	vld [tilespmem:s21+$0x0];
	(v2sf) =	vpush v19, $0x8;
	_ =	sdelay $0x4  }
0x1a9: {  	v20 =	vadd.f32 $1.000000000e+00, v20;
	_ =	sdelay $0x1  }
0x1aa: {  	[tilespmem:s21+$0x0] =	vst v20;
	s21 =	spop (v2sf)  }
0x1ab: {  	v20 =	vld [tilespmem:s21+$0x0];
	(v2sf) =	vpush v18, $0x9;
	_ =	sdelay $0x4  }
0x1ac: {  	v20 =	vadd.f32 $1.000000000e+00, v20;
	_ =	sdelay $0x1  }
0x1ad: {  	[tilespmem:s21+$0x0] =	vst v20;
	s21 =	spop (v2sf)  }
0x1ae: {  	v20 =	vld [tilespmem:s21+$0x0];
	(v2sf) =	vpush v19, $0xA;
	_ =	sdelay $0x4  }
0x1af: {  	v20 =	vadd.f32 $1.000000000e+00, v20;
	_ =	sdelay $0x1  }
0x1b0: {  	[tilespmem:s21+$0x0] =	vst v20;
	s21 =	spop (v2sf)  }
0x1b1: {  	v20 =	vld [tilespmem:s21+$0x0];
	(v2sf) =	vpush v18, $0xB;
	_ =	sdelay $0x4  }
0x1b2: {  	v20 =	vadd.f32 $1.000000000e+00, v20;
	_ =	sdelay $0x1  }
0x1b3: {  	[tilespmem:s21+$0x0] =	vst v20;
	s21 =	spop (v2sf)  }
0x1b4: {  	v20 =	vld [tilespmem:s21+$0x0];
	(v2sf) =	vpush v19, $0xC;
	_ =	sdelay $0x4  }
0x1b5: {  	v20 =	vadd.f32 $1.000000000e+00, v20;
	_ =	sdelay $0x1  }
0x1b6: {  	[tilespmem:s21+$0x0] =	vst v20;
	s21 =	spop (v2sf)  }
0x1b7: {  	v20 =	vld [tilespmem:s21+$0x0];
	(v2sf) =	vpush v18, $0xD;
	_ =	sdelay $0x4  }
0x1b8: {  	v20 =	vadd.f32 $1.000000000e+00, v20;
	_ =	sdelay $0x1  }
0x1b9: {  	[tilespmem:s21+$0x0] =	vst v20;
	s21 =	spop (v2sf)  }
0x1ba: {  	v20 =	vld [tilespmem:s21+$0x0];
	(v2sf) =	vpush v19, $0xE;
	_ =	sdelay $0x4  }
0x1bb: {  	v19 =	vadd.f32 $1.000000000e+00, v20;
	_ =	sdelay $0x1  }
0x1bc: {  	[tilespmem:s21+$0x0] =	vst v19;
	s21 =	spop (v2sf)  }
0x1bd: {  	v19 =	vld [tilespmem:s21+$0x0];
	(v2sf) =	vpush v18, $0xF;
	_ =	sdelay $0x4  }
0x1be: {  	v18 =	vadd.f32 $1.000000000e+00, v19;
	_ =	sdelay $0x1  }
0x1bf: {  	[tilespmem:s21+$0x0] =	vst v18;
	s21 =	spop (v2sf)  }
0x1c0: {  	v18 =	vld [tilespmem:s21+$0x0];
	_ =	sdelay $0x4  }
0x1c1: {  	v18 =	vadd.f32 $1.000000000e+00, v18;
	_ =	sdelay $0x1  }
0x1c2: {  	[tilespmem:s21+$0x0] =	vst v18;
	s21 =	spop (v2sf)  }
0x1c3: {  	v18 =	vld [tilespmem:s21+$0x0]  }
.Ltmp3:
0x1c4: {  	(pc) =	sbr.rel @p0 .LBB2_8-.Ltmp3, $2  }
0x1c5: {  	_ =	sdelay $0x2  }
0x1c6: {  	v18 =	vadd.f32 $1.000000000e+00, v18  }
0x1c7: {  	_ = 	snop  }
0x1c8: {  	s16 =	sshra.s32 s16, $0x2;
	[tilespmem:s21+$0x0] =	vst v18  }
0x1c9: {  	v18 =	vld [tilespmem:s16+$0x10480];
	_ =	sdelay $0x4  }
0x1ca: {  	v18 =	vsub.s32 v18, v0  }
0x1cb: {  	v18 =	vshll.u32 v18, $0x4  }
0x1cc: {  	v19 =	vadd.s32 $0x10600, v18  }
0x1cd: {  	(v2sf) =	vpush v19, $0x0;
	_ =	sdelay $0x6  }
0x1ce: {  	v18 =	vadd.s32 $0x11600, v18  }
0x1cf: {  	(v2sf) =	vpush v18, $0x1;
	_ =	sdelay $0x6  }
0x1d0: {  	s17 =	spop (v2sf)  }
0x1d1: {  	(v2sf) =	vpush v19, $0x2;
	v20 =	vld [tilespmem:s17+$0x0];
	_ =	sdelay $0x4  }
0x1d2: {  	v20 =	vadd.f32 $1.000000000e+00, v20;
	_ =	sdelay $0x1  }
0x1d3: {  	s21 =	spop (v2sf);
	[tilespmem:s17+$0x0] =	vst v20  }
0x1d4: {  	(v2sf) =	vpush v18, $0x3;
	v20 =	vld [tilespmem:s21+$0x0];
	_ =	sdelay $0x4  }
0x1d5: {  	v20 =	vadd.f32 $1.000000000e+00, v20;
	_ =	sdelay $0x1  }
0x1d6: {  	s22 =	spop (v2sf);
	[tilespmem:s21+$0x0] =	vst v20  }
0x1d7: {  	(v2sf) =	vpush v19, $0x4;
	v20 =	vld [tilespmem:s22+$0x0];
	_ =	sdelay $0x4  }
0x1d8: {  	v20 =	vadd.f32 $1.000000000e+00, v20;
	_ =	sdelay $0x1  }
0x1d9: {  	s29 =	spop (v2sf);
	[tilespmem:s22+$0x0] =	vst v20  }
0x1da: {  	(v2sf) =	vpush v18, $0x5;
	v20 =	vld [tilespmem:s29+$0x0];
	_ =	sdelay $0x4  }
0x1db: {  	v20 =	vadd.f32 $1.000000000e+00, v20;
	_ =	sdelay $0x1  }
0x1dc: {  	s17 =	spop (v2sf);
	[tilespmem:s29+$0x0] =	vst v20  }
0x1dd: {  	(v2sf) =	vpush v19, $0x6;
	v20 =	vld [tilespmem:s17+$0x0];
	_ =	sdelay $0x4  }
0x1de: {  	v20 =	vadd.f32 $1.000000000e+00, v20;
	_ =	sdelay $0x1  }
0x1df: {  	s21 =	spop (v2sf);
	[tilespmem:s17+$0x0] =	vst v20  }
0x1e0: {  	(v2sf) =	vpush v18, $0x7;
	v20 =	vld [tilespmem:s21+$0x0];
	_ =	sdelay $0x4  }
0x1e1: {  	v20 =	vadd.f32 $1.000000000e+00, v20;
	_ =	sdelay $0x1  }
0x1e2: {  	s22 =	spop (v2sf);
	[tilespmem:s21+$0x0] =	vst v20  }
0x1e3: {  	(v2sf) =	vpush v19, $0x8;
	v20 =	vld [tilespmem:s22+$0x0];
	_ =	sdelay $0x4  }
0x1e4: {  	v20 =	vadd.f32 $1.000000000e+00, v20;
	_ =	sdelay $0x1  }
0x1e5: {  	s29 =	spop (v2sf);
	[tilespmem:s22+$0x0] =	vst v20  }
0x1e6: {  	(v2sf) =	vpush v18, $0x9;
	v20 =	vld [tilespmem:s29+$0x0];
	_ =	sdelay $0x4  }
0x1e7: {  	v20 =	vadd.f32 $1.000000000e+00, v20;
	_ =	sdelay $0x1  }
0x1e8: {  	s17 =	spop (v2sf);
	[tilespmem:s29+$0x0] =	vst v20  }
0x1e9: {  	(v2sf) =	vpush v19, $0xA;
	v20 =	vld [tilespmem:s17+$0x0];
	_ =	sdelay $0x4  }
0x1ea: {  	v20 =	vadd.f32 $1.000000000e+00, v20;
	_ =	sdelay $0x1  }
0x1eb: {  	s21 =	spop (v2sf);
	[tilespmem:s17+$0x0] =	vst v20  }
0x1ec: {  	(v2sf) =	vpush v18, $0xB;
	v20 =	vld [tilespmem:s21+$0x0];
	_ =	sdelay $0x4  }
0x1ed: {  	v20 =	vadd.f32 $1.000000000e+00, v20;
	_ =	sdelay $0x1  }
0x1ee: {  	s22 =	spop (v2sf);
	[tilespmem:s21+$0x0] =	vst v20  }
0x1ef: {  	(v2sf) =	vpush v19, $0xC;
	v20 =	vld [tilespmem:s22+$0x0];
	_ =	sdelay $0x4  }
0x1f0: {  	v20 =	vadd.f32 $1.000000000e+00, v20;
	_ =	sdelay $0x1  }
0x1f1: {  	s29 =	spop (v2sf);
	[tilespmem:s22+$0x0] =	vst v20  }
0x1f2: {  	(v2sf) =	vpush v18, $0xD;
	v20 =	vld [tilespmem:s29+$0x0];
	_ =	sdelay $0x4  }
0x1f3: {  	v20 =	vadd.f32 $1.000000000e+00, v20;
	_ =	sdelay $0x1  }
0x1f4: {  	s17 =	spop (v2sf);
	[tilespmem:s29+$0x0] =	vst v20  }
0x1f5: {  	(v2sf) =	vpush v19, $0xE;
	v20 =	vld [tilespmem:s17+$0x0];
	_ =	sdelay $0x4  }
0x1f6: {  	v19 =	vadd.f32 $1.000000000e+00, v20;
	_ =	sdelay $0x1  }
0x1f7: {  	s21 =	spop (v2sf);
	[tilespmem:s17+$0x0] =	vst v19  }
0x1f8: {  	(v2sf) =	vpush v18, $0xF;
	v19 =	vld [tilespmem:s21+$0x0];
	_ =	sdelay $0x4  }
0x1f9: {  	v18 =	vadd.f32 $1.000000000e+00, v19;
	_ =	sdelay $0x1  }
0x1fa: {  	s22 =	spop (v2sf);
	[tilespmem:s21+$0x0] =	vst v18  }
0x1fb: {  	v18 =	vld [tilespmem:s22+$0x0];
	_ =	sdelay $0x4  }
0x1fc: {  	v18 =	vadd.f32 $1.000000000e+00, v18;
	_ =	sdelay $0x1  }
0x1fd: {  	s29 =	spop (v2sf);
	[tilespmem:s22+$0x0] =	vst v18  }
0x1fe: {  	v18 =	vld [tilespmem:s29+$0x0];
	_ =	sdelay $0x4  }
0x1ff: {  	v18 =	vadd.f32 $1.000000000e+00, v18;
	_ =	sdelay $0x1  }
0x200: {  	[tilespmem:s29+$0x0] =	vst v18  }
.LBB2_10:
0x201: {  	_ =	swait.ge [sflag:s23], $0x4000  }
0x202: {  	[sflag:s23] =	ssyncset.done $0x0  }
0x203: {  	[sflag:s23] =	ssyncadd.s32 $0xFFFFC000  }
0x204: {  	_ =	swait.ge [sflag:s23], $0x80  }
0x205: {  	[sflag:s23] =	ssyncset.done $0x0  }
0x206: {  	[sflag:s23] =	ssyncadd.s32 $0xFFFFFF80  }
0x207: {  	_ =	swait.ge [sflag:s23], $0x80  }
0x208: {  	[sflag:s23] =	ssyncset.done $0x0  }
0x209: {  	[sflag:s23] =	ssyncadd.s32 $0xFFFFFF80  }
0x20a: {  	v18 =	vld [tilespmem:$0x10100]  }
0x20b: {  	v19 =	vld [tilespmem:$0x10300]  }
0x20c: {  	v20 =	vld [tilespmem:$0x10110]  }
0x20d: {  	v21 =	vld [tilespmem:$0x10310]  }
0x20e: {  	v22 =	vld [tilespmem:$0x10120]  }
0x20f: {  	v23 =	vld [tilespmem:$0x10320]  }
0x210: {  	v24 =	vld [tilespmem:$0x10130]  }
0x211: {  	v25 =	vld [tilespmem:$0x10330]  }
0x212: {  	v26 =	vld [tilespmem:$0x10140]  }
0x213: {  	v27 =	vld [tilespmem:$0x10340]  }
0x214: {  	v28 =	vld [tilespmem:$0x10150]  }
0x215: {  	v29 =	vld [tilespmem:$0x10350]  }
0x216: {  	v30 =	vld [tilespmem:$0x10160]  }
0x217: {  	v31 =	vld [tilespmem:$0x10360];
	v18 =	vshll.u32 v18, $0x4;
	v19 =	vadd.s32 v0, v19  }
0x218: {  	v62 =	vld [tilespmem:$0x10170];
	v18 =	vadd.s32 v18, v19;
	v19 =	vshll.u32 v20, $0x4;
	v20 =	vadd.s32 v0, v21  }
0x219: {  	v63 =	vld [tilespmem:$0x10370];
	[tilespmem:$0x10500] =	vst v18;
	v18 =	vadd.s32 v19, v20;
	v19 =	vshll.u32 v22, $0x4;
	v20 =	vadd.s32 v0, v23  }
0x21a: {  	[tilespmem:$0x10510] =	vst v18;
	v18 =	vadd.s32 v19, v20;
	v19 =	vshll.u32 v24, $0x4;
	v20 =	vadd.s32 v0, v25  }
0x21b: {  	[tilespmem:$0x10520] =	vst v18;
	v18 =	vadd.s32 v19, v20;
	v19 =	vshll.u32 v26, $0x4;
	v20 =	vadd.s32 v0, v27  }
0x21c: {  	[tilespmem:$0x10530] =	vst v18;
	v18 =	vadd.s32 v19, v20;
	v19 =	vshll.u32 v28, $0x4;
	v20 =	vadd.s32 v0, v29  }
0x21d: {  	[tilespmem:$0x10540] =	vst v18;
	v18 =	vadd.s32 v19, v20;
	v19 =	vshll.u32 v30, $0x4;
	v20 =	vadd.s32 v0, v31  }
0x21e: {  	s16 =	sshll.u32 s11, $0x9;
	[tilespmem:$0x10550] =	vst v18;
	v18 =	vadd.s32 v19, v20;
	v19 =	vshll.u32 v62, $0x4;
	v20 =	vadd.s32 v0, v63  }
0x21f: {  	s29 =	sadd.s32 s16, s24;
	[tilespmem:$0x10560] =	vst v18;
	v18 =	vadd.s32 v19, v20  }
0x220: {  	s17 =	simm.s32 $0x10500;
	s21 =	sshll.u32 s29, $0x7;
	[tilespmem:$0x10570] =	vst v18  }
0x221: {  	[spmem:s4] =	stream.indirect.scatter.add.f32 [tilespmem:s15], [sflag:$0x7], $0x80, s17, s13, $0xb8;
	[tilespmem:$0x1A600] =	vst v63  }
0x222: {  	s21 =	sadd.s32 s8, s21;
	_ =	swait.ge [sflag:s9], $0x4000  }
0x223: {  	s22 =	simm.s32 $0x0;
	s21 =	sshrl.u32 s21, $0x3;
	[sflag:s9] =	ssyncset.done $0x0  }
0x224: {  	s21 =	sadd.s32 s1, s21;
	s17 =	sadd.s32 s29, s30;
	[sflag:s9] =	ssyncadd.s32 $0xFFFFC000  }
0x225: {  	[tilespmem:s22], [sflag:$0x1] =	stream.linear.gather [hbm4b:s21+s22], $0x4000, $0x38;
	[tilespmem:$0x1A600] =	vst v63  }
0x226: {  	s29 =	simm.s32 $0x10000;
	s21 =	sadd.s32 s2, s17  }
0x227: {  	[tilespmem:s29], [sflag:$0x1] =	stream.linear.gather [hbm4b:s21+s22], $0x80, $0x38;
	[tilespmem:$0x1A600] =	vst v63  }
0x228: {  	s17 =	sadd.s32 s3, s17;
	s29 =	simm.s32 $0x10200  }
0x229: {  	[tilespmem:s29], [sflag:$0x1] =	stream.linear.gather [hbm4b:s17+s22], $0x80, $0x38;
	[tilespmem:$0x1A600] =	vst v63  }
0x22a: {  	s29 =	simm.s32 $0x0  }
0x22b: {  	v18 =	vld [tilespmem:s29+$0x10500];
	_ =	sdelay $0x4  }
0x22c: {  	v18 =	vsub.s32 v18, v0  }
0x22d: {  	v18 =	vshll.u32 v18, $0x4  }
0x22e: {  	v19 =	vadd.s32 $0x10600, v18  }
0x22f: {  	(v2sf) =	vpush v19, $0x0;
	_ =	sdelay $0x6  }
0x230: {  	v18 =	vadd.s32 $0x11600, v18  }
0x231: {  	(v2sf) =	vpush v18, $0x1;
	_ =	sdelay $0x6  }
0x232: {  	s21 =	spop (v2sf)  }
0x233: {  	(v2sf) =	vpush v19, $0x2;
	v20 =	vld [tilespmem:s21+$0x0];
	_ =	sdelay $0x4  }
0x234: {  	v20 =	vadd.f32 $1.000000000e+00, v20;
	_ =	sdelay $0x1  }
0x235: {  	s22 =	spop (v2sf);
	[tilespmem:s21+$0x0] =	vst v20  }
0x236: {  	(v2sf) =	vpush v18, $0x3;
	v20 =	vld [tilespmem:s22+$0x0];
	_ =	sdelay $0x4  }
0x237: {  	v20 =	vadd.f32 $1.000000000e+00, v20;
	_ =	sdelay $0x1  }
0x238: {  	s29 =	spop (v2sf);
	[tilespmem:s22+$0x0] =	vst v20  }
0x239: {  	(v2sf) =	vpush v19, $0x4;
	v20 =	vld [tilespmem:s29+$0x0];
	_ =	sdelay $0x4  }
0x23a: {  	v20 =	vadd.f32 $1.000000000e+00, v20;
	_ =	sdelay $0x1  }
0x23b: {  	s21 =	spop (v2sf);
	[tilespmem:s29+$0x0] =	vst v20  }
0x23c: {  	(v2sf) =	vpush v18, $0x5;
	v20 =	vld [tilespmem:s21+$0x0];
	_ =	sdelay $0x4  }
0x23d: {  	v20 =	vadd.f32 $1.000000000e+00, v20;
	_ =	sdelay $0x1  }
0x23e: {  	s22 =	spop (v2sf);
	[tilespmem:s21+$0x0] =	vst v20  }
0x23f: {  	(v2sf) =	vpush v19, $0x6;
	v20 =	vld [tilespmem:s22+$0x0];
	_ =	sdelay $0x4  }
0x240: {  	v20 =	vadd.f32 $1.000000000e+00, v20;
	_ =	sdelay $0x1  }
0x241: {  	s29 =	spop (v2sf);
	[tilespmem:s22+$0x0] =	vst v20  }
0x242: {  	(v2sf) =	vpush v18, $0x7;
	v20 =	vld [tilespmem:s29+$0x0];
	_ =	sdelay $0x4  }
0x243: {  	v20 =	vadd.f32 $1.000000000e+00, v20;
	_ =	sdelay $0x1  }
0x244: {  	s21 =	spop (v2sf);
	[tilespmem:s29+$0x0] =	vst v20  }
0x245: {  	(v2sf) =	vpush v19, $0x8;
	v20 =	vld [tilespmem:s21+$0x0];
	_ =	sdelay $0x4  }
0x246: {  	v20 =	vadd.f32 $1.000000000e+00, v20;
	_ =	sdelay $0x1  }
0x247: {  	s22 =	spop (v2sf);
	[tilespmem:s21+$0x0] =	vst v20  }
0x248: {  	(v2sf) =	vpush v18, $0x9;
	v20 =	vld [tilespmem:s22+$0x0];
	_ =	sdelay $0x4  }
0x249: {  	v20 =	vadd.f32 $1.000000000e+00, v20;
	_ =	sdelay $0x1  }
0x24a: {  	s29 =	spop (v2sf);
	[tilespmem:s22+$0x0] =	vst v20  }
0x24b: {  	(v2sf) =	vpush v19, $0xA;
	v20 =	vld [tilespmem:s29+$0x0];
	_ =	sdelay $0x4  }
0x24c: {  	v20 =	vadd.f32 $1.000000000e+00, v20;
	_ =	sdelay $0x1  }
0x24d: {  	s21 =	spop (v2sf);
	[tilespmem:s29+$0x0] =	vst v20  }
0x24e: {  	(v2sf) =	vpush v18, $0xB;
	v20 =	vld [tilespmem:s21+$0x0];
	_ =	sdelay $0x4  }
0x24f: {  	v20 =	vadd.f32 $1.000000000e+00, v20;
	_ =	sdelay $0x1  }
0x250: {  	s22 =	spop (v2sf);
	[tilespmem:s21+$0x0] =	vst v20  }
0x251: {  	(v2sf) =	vpush v19, $0xC;
	v20 =	vld [tilespmem:s22+$0x0];
	_ =	sdelay $0x4  }
0x252: {  	v20 =	vadd.f32 $1.000000000e+00, v20;
	_ =	sdelay $0x1  }
0x253: {  	s29 =	spop (v2sf);
	[tilespmem:s22+$0x0] =	vst v20  }
0x254: {  	(v2sf) =	vpush v18, $0xD;
	v20 =	vld [tilespmem:s29+$0x0];
	_ =	sdelay $0x4  }
0x255: {  	v20 =	vadd.f32 $1.000000000e+00, v20;
	_ =	sdelay $0x1  }
0x256: {  	s21 =	spop (v2sf);
	[tilespmem:s29+$0x0] =	vst v20  }
0x257: {  	(v2sf) =	vpush v19, $0xE;
	v20 =	vld [tilespmem:s21+$0x0];
	_ =	sdelay $0x4  }
0x258: {  	v19 =	vadd.f32 $1.000000000e+00, v20;
	_ =	sdelay $0x1  }
0x259: {  	s22 =	spop (v2sf);
	[tilespmem:s21+$0x0] =	vst v19  }
0x25a: {  	(v2sf) =	vpush v18, $0xF;
	v19 =	vld [tilespmem:s22+$0x0];
	_ =	sdelay $0x4  }
0x25b: {  	v18 =	vadd.f32 $1.000000000e+00, v19;
	_ =	sdelay $0x1  }
0x25c: {  	s29 =	spop (v2sf);
	[tilespmem:s22+$0x0] =	vst v18  }
0x25d: {  	v18 =	vld [tilespmem:s29+$0x0];
	_ =	sdelay $0x4  }
0x25e: {  	v18 =	vadd.f32 $1.000000000e+00, v18;
	_ =	sdelay $0x1  }
0x25f: {  	s22 =	spop (v2sf);
	[tilespmem:s29+$0x0] =	vst v18  }
0x260: {  	v18 =	vld [tilespmem:s22+$0x0];
	_ =	sdelay $0x4  }
0x261: {  	s17 =	simm.s32 $0x40;
	s21 =	simm.s32 $0x80;
	v18 =	vadd.f32 $1.000000000e+00, v18  }
.LBB2_11:
0x262: {  	p0 =	sne.s32 s21, $0x1C0  }
0x263: {  	s29 =	sshra.s32 s17, $0x2;
	s17 =	smov.u32 s21;
	s21 =	sadd.s32 $0x40, s21;
	[tilespmem:s22+$0x0] =	vst v18  }
0x264: {  	v18 =	vld [tilespmem:s29+$0x10500];
	_ =	sdelay $0x4  }
0x265: {  	v18 =	vsub.s32 v18, v0  }
0x266: {  	v18 =	vshll.u32 v18, $0x4  }
0x267: {  	v19 =	vadd.s32 $0x10600, v18;
	v18 =	vadd.s32 $0x11600, v18  }
0x268: {  	(v2sf) =	vpush v19, $0x0;
	_ =	sdelay $0x7  }
0x269: {  	(v2sf) =	vpush v18, $0x1;
	_ =	sdelay $0x6  }
0x26a: {  	s22 =	spop (v2sf)  }
0x26b: {  	v20 =	vld [tilespmem:s22+$0x0];
	(v2sf) =	vpush v19, $0x2;
	_ =	sdelay $0x4  }
0x26c: {  	v20 =	vadd.f32 $1.000000000e+00, v20;
	_ =	sdelay $0x1  }
0x26d: {  	[tilespmem:s22+$0x0] =	vst v20;
	s22 =	spop (v2sf)  }
0x26e: {  	v20 =	vld [tilespmem:s22+$0x0];
	(v2sf) =	vpush v18, $0x3;
	_ =	sdelay $0x4  }
0x26f: {  	v20 =	vadd.f32 $1.000000000e+00, v20;
	_ =	sdelay $0x1  }
0x270: {  	[tilespmem:s22+$0x0] =	vst v20;
	s22 =	spop (v2sf)  }
0x271: {  	v20 =	vld [tilespmem:s22+$0x0];
	(v2sf) =	vpush v19, $0x4;
	_ =	sdelay $0x4  }
0x272: {  	v20 =	vadd.f32 $1.000000000e+00, v20;
	_ =	sdelay $0x1  }
0x273: {  	[tilespmem:s22+$0x0] =	vst v20;
	s22 =	spop (v2sf)  }
0x274: {  	v20 =	vld [tilespmem:s22+$0x0];
	(v2sf) =	vpush v18, $0x5;
	_ =	sdelay $0x4  }
0x275: {  	v20 =	vadd.f32 $1.000000000e+00, v20;
	_ =	sdelay $0x1  }
0x276: {  	[tilespmem:s22+$0x0] =	vst v20;
	s22 =	spop (v2sf)  }
0x277: {  	v20 =	vld [tilespmem:s22+$0x0];
	(v2sf) =	vpush v19, $0x6;
	_ =	sdelay $0x4  }
0x278: {  	v20 =	vadd.f32 $1.000000000e+00, v20;
	_ =	sdelay $0x1  }
0x279: {  	[tilespmem:s22+$0x0] =	vst v20;
	s22 =	spop (v2sf)  }
0x27a: {  	v20 =	vld [tilespmem:s22+$0x0];
	(v2sf) =	vpush v18, $0x7;
	_ =	sdelay $0x4  }
0x27b: {  	v20 =	vadd.f32 $1.000000000e+00, v20;
	_ =	sdelay $0x1  }
0x27c: {  	[tilespmem:s22+$0x0] =	vst v20;
	s22 =	spop (v2sf)  }
0x27d: {  	v20 =	vld [tilespmem:s22+$0x0];
	(v2sf) =	vpush v19, $0x8;
	_ =	sdelay $0x4  }
0x27e: {  	v20 =	vadd.f32 $1.000000000e+00, v20;
	_ =	sdelay $0x1  }
0x27f: {  	[tilespmem:s22+$0x0] =	vst v20;
	s22 =	spop (v2sf)  }
0x280: {  	v20 =	vld [tilespmem:s22+$0x0];
	(v2sf) =	vpush v18, $0x9;
	_ =	sdelay $0x4  }
0x281: {  	v20 =	vadd.f32 $1.000000000e+00, v20;
	_ =	sdelay $0x1  }
0x282: {  	[tilespmem:s22+$0x0] =	vst v20;
	s22 =	spop (v2sf)  }
0x283: {  	v20 =	vld [tilespmem:s22+$0x0];
	(v2sf) =	vpush v19, $0xA;
	_ =	sdelay $0x4  }
0x284: {  	v20 =	vadd.f32 $1.000000000e+00, v20;
	_ =	sdelay $0x1  }
0x285: {  	[tilespmem:s22+$0x0] =	vst v20;
	s22 =	spop (v2sf)  }
0x286: {  	v20 =	vld [tilespmem:s22+$0x0];
	(v2sf) =	vpush v18, $0xB;
	_ =	sdelay $0x4  }
0x287: {  	v20 =	vadd.f32 $1.000000000e+00, v20;
	_ =	sdelay $0x1  }
0x288: {  	[tilespmem:s22+$0x0] =	vst v20;
	s22 =	spop (v2sf)  }
0x289: {  	v20 =	vld [tilespmem:s22+$0x0];
	(v2sf) =	vpush v19, $0xC;
	_ =	sdelay $0x4  }
0x28a: {  	v20 =	vadd.f32 $1.000000000e+00, v20;
	_ =	sdelay $0x1  }
0x28b: {  	[tilespmem:s22+$0x0] =	vst v20;
	s22 =	spop (v2sf)  }
0x28c: {  	v20 =	vld [tilespmem:s22+$0x0];
	(v2sf) =	vpush v18, $0xD;
	_ =	sdelay $0x4  }
0x28d: {  	v20 =	vadd.f32 $1.000000000e+00, v20;
	_ =	sdelay $0x1  }
0x28e: {  	[tilespmem:s22+$0x0] =	vst v20;
	s22 =	spop (v2sf)  }
0x28f: {  	v20 =	vld [tilespmem:s22+$0x0];
	(v2sf) =	vpush v19, $0xE;
	_ =	sdelay $0x4  }
0x290: {  	v19 =	vadd.f32 $1.000000000e+00, v20;
	_ =	sdelay $0x1  }
0x291: {  	[tilespmem:s22+$0x0] =	vst v19;
	s22 =	spop (v2sf)  }
0x292: {  	v19 =	vld [tilespmem:s22+$0x0];
	(v2sf) =	vpush v18, $0xF;
	_ =	sdelay $0x4  }
0x293: {  	v18 =	vadd.f32 $1.000000000e+00, v19;
	_ =	sdelay $0x1  }
0x294: {  	[tilespmem:s22+$0x0] =	vst v18;
	s22 =	spop (v2sf)  }
0x295: {  	v18 =	vld [tilespmem:s22+$0x0];
	_ =	sdelay $0x4  }
0x296: {  	v18 =	vadd.f32 $1.000000000e+00, v18;
	_ =	sdelay $0x1  }
0x297: {  	[tilespmem:s22+$0x0] =	vst v18;
	s22 =	spop (v2sf)  }
0x298: {  	v18 =	vld [tilespmem:s22+$0x0]  }
.Ltmp4:
0x299: {  	(pc) =	sbr.rel @p0 .LBB2_11-.Ltmp4, $2  }
0x29a: {  	_ =	sdelay $0x2  }
0x29b: {  	v18 =	vadd.f32 $1.000000000e+00, v18  }
0x29c: {  	_ = 	snop  }
0x29d: {  	s17 =	sshra.s32 s17, $0x2;
	[tilespmem:s22+$0x0] =	vst v18  }
0x29e: {  	v18 =	vld [tilespmem:s17+$0x10500];
	_ =	sdelay $0x4  }
0x29f: {  	v18 =	vsub.s32 v18, v0  }
0x2a0: {  	v18 =	vshll.u32 v18, $0x4  }
0x2a1: {  	v19 =	vadd.s32 $0x10600, v18  }
0x2a2: {  	(v2sf) =	vpush v19, $0x0;
	_ =	sdelay $0x6  }
0x2a3: {  	v18 =	vadd.s32 $0x11600, v18  }
0x2a4: {  	(v2sf) =	vpush v18, $0x1;
	_ =	sdelay $0x6  }
0x2a5: {  	s22 =	spop (v2sf)  }
0x2a6: {  	(v2sf) =	vpush v19, $0x2;
	v20 =	vld [tilespmem:s22+$0x0];
	_ =	sdelay $0x4  }
0x2a7: {  	v20 =	vadd.f32 $1.000000000e+00, v20;
	_ =	sdelay $0x1  }
0x2a8: {  	s29 =	spop (v2sf);
	[tilespmem:s22+$0x0] =	vst v20  }
0x2a9: {  	(v2sf) =	vpush v18, $0x3;
	v20 =	vld [tilespmem:s29+$0x0];
	_ =	sdelay $0x4  }
0x2aa: {  	v20 =	vadd.f32 $1.000000000e+00, v20;
	_ =	sdelay $0x1  }
0x2ab: {  	s21 =	spop (v2sf);
	[tilespmem:s29+$0x0] =	vst v20  }
0x2ac: {  	(v2sf) =	vpush v19, $0x4;
	v20 =	vld [tilespmem:s21+$0x0];
	_ =	sdelay $0x4  }
0x2ad: {  	v20 =	vadd.f32 $1.000000000e+00, v20;
	_ =	sdelay $0x1  }
0x2ae: {  	s22 =	spop (v2sf);
	[tilespmem:s21+$0x0] =	vst v20  }
0x2af: {  	(v2sf) =	vpush v18, $0x5;
	v20 =	vld [tilespmem:s22+$0x0];
	_ =	sdelay $0x4  }
0x2b0: {  	v20 =	vadd.f32 $1.000000000e+00, v20;
	_ =	sdelay $0x1  }
0x2b1: {  	s29 =	spop (v2sf);
	[tilespmem:s22+$0x0] =	vst v20  }
0x2b2: {  	(v2sf) =	vpush v19, $0x6;
	v20 =	vld [tilespmem:s29+$0x0];
	_ =	sdelay $0x4  }
0x2b3: {  	v20 =	vadd.f32 $1.000000000e+00, v20;
	_ =	sdelay $0x1  }
0x2b4: {  	s21 =	spop (v2sf);
	[tilespmem:s29+$0x0] =	vst v20  }
0x2b5: {  	(v2sf) =	vpush v18, $0x7;
	v20 =	vld [tilespmem:s21+$0x0];
	_ =	sdelay $0x4  }
0x2b6: {  	v20 =	vadd.f32 $1.000000000e+00, v20;
	_ =	sdelay $0x1  }
0x2b7: {  	s22 =	spop (v2sf);
	[tilespmem:s21+$0x0] =	vst v20  }
0x2b8: {  	(v2sf) =	vpush v19, $0x8;
	v20 =	vld [tilespmem:s22+$0x0];
	_ =	sdelay $0x4  }
0x2b9: {  	v20 =	vadd.f32 $1.000000000e+00, v20;
	_ =	sdelay $0x1  }
0x2ba: {  	s29 =	spop (v2sf);
	[tilespmem:s22+$0x0] =	vst v20  }
0x2bb: {  	(v2sf) =	vpush v18, $0x9;
	v20 =	vld [tilespmem:s29+$0x0];
	_ =	sdelay $0x4  }
0x2bc: {  	v20 =	vadd.f32 $1.000000000e+00, v20;
	_ =	sdelay $0x1  }
0x2bd: {  	s21 =	spop (v2sf);
	[tilespmem:s29+$0x0] =	vst v20  }
0x2be: {  	(v2sf) =	vpush v19, $0xA;
	v20 =	vld [tilespmem:s21+$0x0];
	_ =	sdelay $0x4  }
0x2bf: {  	v20 =	vadd.f32 $1.000000000e+00, v20;
	_ =	sdelay $0x1  }
0x2c0: {  	s22 =	spop (v2sf);
	[tilespmem:s21+$0x0] =	vst v20  }
0x2c1: {  	(v2sf) =	vpush v18, $0xB;
	v20 =	vld [tilespmem:s22+$0x0];
	_ =	sdelay $0x4  }
0x2c2: {  	v20 =	vadd.f32 $1.000000000e+00, v20;
	_ =	sdelay $0x1  }
0x2c3: {  	s29 =	spop (v2sf);
	[tilespmem:s22+$0x0] =	vst v20  }
0x2c4: {  	(v2sf) =	vpush v19, $0xC;
	v20 =	vld [tilespmem:s29+$0x0];
	_ =	sdelay $0x4  }
0x2c5: {  	v20 =	vadd.f32 $1.000000000e+00, v20;
	_ =	sdelay $0x1  }
0x2c6: {  	s21 =	spop (v2sf);
	[tilespmem:s29+$0x0] =	vst v20  }
0x2c7: {  	(v2sf) =	vpush v18, $0xD;
	v20 =	vld [tilespmem:s21+$0x0];
	_ =	sdelay $0x4  }
0x2c8: {  	v20 =	vadd.f32 $1.000000000e+00, v20;
	_ =	sdelay $0x1  }
0x2c9: {  	s22 =	spop (v2sf);
	[tilespmem:s21+$0x0] =	vst v20  }
0x2ca: {  	(v2sf) =	vpush v19, $0xE;
	v20 =	vld [tilespmem:s22+$0x0];
	_ =	sdelay $0x4  }
0x2cb: {  	v19 =	vadd.f32 $1.000000000e+00, v20;
	_ =	sdelay $0x1  }
0x2cc: {  	s29 =	spop (v2sf);
	[tilespmem:s22+$0x0] =	vst v19  }
0x2cd: {  	(v2sf) =	vpush v18, $0xF;
	v19 =	vld [tilespmem:s29+$0x0];
	_ =	sdelay $0x4  }
0x2ce: {  	v18 =	vadd.f32 $1.000000000e+00, v19;
	_ =	sdelay $0x1  }
0x2cf: {  	s21 =	spop (v2sf);
	[tilespmem:s29+$0x0] =	vst v18  }
0x2d0: {  	v18 =	vld [tilespmem:s21+$0x0];
	_ =	sdelay $0x4  }
0x2d1: {  	v18 =	vadd.f32 $1.000000000e+00, v18;
	_ =	sdelay $0x1  }
0x2d2: {  	s22 =	spop (v2sf);
	[tilespmem:s21+$0x0] =	vst v18  }
0x2d3: {  	v18 =	vld [tilespmem:s22+$0x0];
	_ =	sdelay $0x4  }
0x2d4: {  	v18 =	vadd.f32 $1.000000000e+00, v18;
	_ =	sdelay $0x1  }
0x2d5: {  	[tilespmem:s22+$0x0] =	vst v18  }
0x2d6: {  	_ =	swait.ge [sflag:s10], $0x4000  }
0x2d7: {  	[sflag:s10] =	ssyncset.done $0x0  }
0x2d8: {  	[sflag:s10] =	ssyncadd.s32 $0xFFFFC000  }
0x2d9: {  	_ =	swait.ge [sflag:s10], $0x80  }
0x2da: {  	[sflag:s10] =	ssyncset.done $0x0  }
0x2db: {  	[sflag:s10] =	ssyncadd.s32 $0xFFFFFF80  }
0x2dc: {  	_ =	swait.ge [sflag:s10], $0x80  }
0x2dd: {  	[sflag:s10] =	ssyncset.done $0x0  }
0x2de: {  	[sflag:s10] =	ssyncadd.s32 $0xFFFFFF80  }
0x2df: {  	v18 =	vld [tilespmem:$0x10180]  }
0x2e0: {  	v19 =	vld [tilespmem:$0x10380]  }
0x2e1: {  	v20 =	vld [tilespmem:$0x10190]  }
0x2e2: {  	v21 =	vld [tilespmem:$0x10390]  }
0x2e3: {  	v22 =	vld [tilespmem:$0x101A0]  }
0x2e4: {  	v23 =	vld [tilespmem:$0x103A0]  }
0x2e5: {  	v24 =	vld [tilespmem:$0x101B0]  }
0x2e6: {  	v25 =	vld [tilespmem:$0x103B0]  }
0x2e7: {  	v26 =	vld [tilespmem:$0x101C0]  }
0x2e8: {  	v27 =	vld [tilespmem:$0x103C0]  }
0x2e9: {  	v28 =	vld [tilespmem:$0x101D0]  }
0x2ea: {  	v29 =	vld [tilespmem:$0x103D0]  }
0x2eb: {  	v30 =	vld [tilespmem:$0x101E0]  }
0x2ec: {  	v31 =	vld [tilespmem:$0x103E0];
	v18 =	vshll.u32 v18, $0x4;
	v19 =	vadd.s32 v0, v19  }
0x2ed: {  	v62 =	vld [tilespmem:$0x101F0];
	v18 =	vadd.s32 v18, v19;
	v19 =	vshll.u32 v20, $0x4;
	v20 =	vadd.s32 v0, v21  }
0x2ee: {  	v63 =	vld [tilespmem:$0x103F0];
	[tilespmem:$0x10580] =	vst v18;
	v18 =	vadd.s32 v19, v20;
	v19 =	vshll.u32 v22, $0x4;
	v20 =	vadd.s32 v0, v23  }
0x2ef: {  	[tilespmem:$0x10590] =	vst v18;
	v18 =	vadd.s32 v19, v20;
	v19 =	vshll.u32 v24, $0x4;
	v20 =	vadd.s32 v0, v25  }
0x2f0: {  	[tilespmem:$0x105A0] =	vst v18;
	v18 =	vadd.s32 v19, v20;
	v19 =	vshll.u32 v26, $0x4;
	v20 =	vadd.s32 v0, v27  }
0x2f1: {  	[tilespmem:$0x105B0] =	vst v18;
	v18 =	vadd.s32 v19, v20;
	v19 =	vshll.u32 v28, $0x4;
	v20 =	vadd.s32 v0, v29  }
0x2f2: {  	[tilespmem:$0x105C0] =	vst v18;
	v18 =	vadd.s32 v19, v20;
	v19 =	vshll.u32 v30, $0x4;
	v20 =	vadd.s32 v0, v31  }
0x2f3: {  	[tilespmem:$0x105D0] =	vst v18;
	v18 =	vadd.s32 v19, v20;
	v19 =	vshll.u32 v62, $0x4;
	v20 =	vadd.s32 v0, v63  }
0x2f4: {  	s29 =	sadd.s32 s16, s25;
	[tilespmem:$0x105E0] =	vst v18;
	v18 =	vadd.s32 v19, v20  }
0x2f5: {  	s21 =	sshll.u32 s29, $0x7;
	[tilespmem:$0x105F0] =	vst v18  }
0x2f6: {  	[spmem:s4] =	stream.indirect.scatter.add.f32 [tilespmem:s20], [sflag:$0x8], $0x80, s31, s13, $0xb8;
	[tilespmem:$0x1A600] =	vst v63  }
0x2f7: {  	s21 =	sadd.s32 s8, s21;
	_ =	swait.ge [sflag:s0], $0x4000  }
0x2f8: {  	s17 =	sadd.s32 s29, s30;
	s21 =	sshrl.u32 s21, $0x3;
	[sflag:s0] =	ssyncset.done $0x0  }
0x2f9: {  	s21 =	sadd.s32 s1, s21;
	s22 =	simm.s32 $0x0;
	[sflag:s0] =	ssyncadd.s32 $0xFFFFC000  }
0x2fa: {  	[tilespmem:s6], [sflag:$0x2] =	stream.linear.gather [hbm4b:s21+s22], $0x4000, $0x38;
	[tilespmem:$0x1A600] =	vst v63  }
0x2fb: {  	s29 =	simm.s32 $0x10080;
	s21 =	sadd.s32 s2, s17  }
0x2fc: {  	[tilespmem:s29], [sflag:$0x2] =	stream.linear.gather [hbm4b:s21+s22], $0x80, $0x38;
	[tilespmem:$0x1A600] =	vst v63  }
0x2fd: {  	s17 =	sadd.s32 s3, s17;
	s29 =	simm.s32 $0x10280  }
0x2fe: {  	[tilespmem:s29], [sflag:$0x2] =	stream.linear.gather [hbm4b:s17+s22], $0x80, $0x38;
	[tilespmem:$0x1A600] =	vst v63  }
0x2ff: {  	s29 =	simm.s32 $0x0  }
0x300: {  	v18 =	vld [tilespmem:s29+$0x10580];
	_ =	sdelay $0x4  }
0x301: {  	v18 =	vsub.s32 v18, v0  }
0x302: {  	v18 =	vshll.u32 v18, $0x4  }
0x303: {  	v19 =	vadd.s32 $0x10600, v18  }
0x304: {  	(v2sf) =	vpush v19, $0x0;
	_ =	sdelay $0x6  }
0x305: {  	v18 =	vadd.s32 $0x11600, v18  }
0x306: {  	(v2sf) =	vpush v18, $0x1;
	_ =	sdelay $0x6  }
0x307: {  	s21 =	spop (v2sf)  }
0x308: {  	(v2sf) =	vpush v19, $0x2;
	v20 =	vld [tilespmem:s21+$0x0];
	_ =	sdelay $0x4  }
0x309: {  	v20 =	vadd.f32 $1.000000000e+00, v20;
	_ =	sdelay $0x1  }
0x30a: {  	s22 =	spop (v2sf);
	[tilespmem:s21+$0x0] =	vst v20  }
0x30b: {  	(v2sf) =	vpush v18, $0x3;
	v20 =	vld [tilespmem:s22+$0x0];
	_ =	sdelay $0x4  }
0x30c: {  	v20 =	vadd.f32 $1.000000000e+00, v20;
	_ =	sdelay $0x1  }
0x30d: {  	s29 =	spop (v2sf);
	[tilespmem:s22+$0x0] =	vst v20  }
0x30e: {  	(v2sf) =	vpush v19, $0x4;
	v20 =	vld [tilespmem:s29+$0x0];
	_ =	sdelay $0x4  }
0x30f: {  	v20 =	vadd.f32 $1.000000000e+00, v20;
	_ =	sdelay $0x1  }
0x310: {  	s21 =	spop (v2sf);
	[tilespmem:s29+$0x0] =	vst v20  }
0x311: {  	(v2sf) =	vpush v18, $0x5;
	v20 =	vld [tilespmem:s21+$0x0];
	_ =	sdelay $0x4  }
0x312: {  	v20 =	vadd.f32 $1.000000000e+00, v20;
	_ =	sdelay $0x1  }
0x313: {  	s22 =	spop (v2sf);
	[tilespmem:s21+$0x0] =	vst v20  }
0x314: {  	(v2sf) =	vpush v19, $0x6;
	v20 =	vld [tilespmem:s22+$0x0];
	_ =	sdelay $0x4  }
0x315: {  	v20 =	vadd.f32 $1.000000000e+00, v20;
	_ =	sdelay $0x1  }
0x316: {  	s29 =	spop (v2sf);
	[tilespmem:s22+$0x0] =	vst v20  }
0x317: {  	(v2sf) =	vpush v18, $0x7;
	v20 =	vld [tilespmem:s29+$0x0];
	_ =	sdelay $0x4  }
0x318: {  	v20 =	vadd.f32 $1.000000000e+00, v20;
	_ =	sdelay $0x1  }
0x319: {  	s21 =	spop (v2sf);
	[tilespmem:s29+$0x0] =	vst v20  }
0x31a: {  	(v2sf) =	vpush v19, $0x8;
	v20 =	vld [tilespmem:s21+$0x0];
	_ =	sdelay $0x4  }
0x31b: {  	v20 =	vadd.f32 $1.000000000e+00, v20;
	_ =	sdelay $0x1  }
0x31c: {  	s22 =	spop (v2sf);
	[tilespmem:s21+$0x0] =	vst v20  }
0x31d: {  	(v2sf) =	vpush v18, $0x9;
	v20 =	vld [tilespmem:s22+$0x0];
	_ =	sdelay $0x4  }
0x31e: {  	v20 =	vadd.f32 $1.000000000e+00, v20;
	_ =	sdelay $0x1  }
0x31f: {  	s29 =	spop (v2sf);
	[tilespmem:s22+$0x0] =	vst v20  }
0x320: {  	(v2sf) =	vpush v19, $0xA;
	v20 =	vld [tilespmem:s29+$0x0];
	_ =	sdelay $0x4  }
0x321: {  	v20 =	vadd.f32 $1.000000000e+00, v20;
	_ =	sdelay $0x1  }
0x322: {  	s21 =	spop (v2sf);
	[tilespmem:s29+$0x0] =	vst v20  }
0x323: {  	(v2sf) =	vpush v18, $0xB;
	v20 =	vld [tilespmem:s21+$0x0];
	_ =	sdelay $0x4  }
0x324: {  	v20 =	vadd.f32 $1.000000000e+00, v20;
	_ =	sdelay $0x1  }
0x325: {  	s22 =	spop (v2sf);
	[tilespmem:s21+$0x0] =	vst v20  }
0x326: {  	(v2sf) =	vpush v19, $0xC;
	v20 =	vld [tilespmem:s22+$0x0];
	_ =	sdelay $0x4  }
0x327: {  	v20 =	vadd.f32 $1.000000000e+00, v20;
	_ =	sdelay $0x1  }
0x328: {  	s29 =	spop (v2sf);
	[tilespmem:s22+$0x0] =	vst v20  }
0x329: {  	(v2sf) =	vpush v18, $0xD;
	v20 =	vld [tilespmem:s29+$0x0];
	_ =	sdelay $0x4  }
0x32a: {  	v20 =	vadd.f32 $1.000000000e+00, v20;
	_ =	sdelay $0x1  }
0x32b: {  	s21 =	spop (v2sf);
	[tilespmem:s29+$0x0] =	vst v20  }
0x32c: {  	(v2sf) =	vpush v19, $0xE;
	v20 =	vld [tilespmem:s21+$0x0];
	_ =	sdelay $0x4  }
0x32d: {  	v19 =	vadd.f32 $1.000000000e+00, v20;
	_ =	sdelay $0x1  }
0x32e: {  	s22 =	spop (v2sf);
	[tilespmem:s21+$0x0] =	vst v19  }
0x32f: {  	(v2sf) =	vpush v18, $0xF;
	v19 =	vld [tilespmem:s22+$0x0];
	_ =	sdelay $0x4  }
0x330: {  	v18 =	vadd.f32 $1.000000000e+00, v19;
	_ =	sdelay $0x1  }
0x331: {  	s29 =	spop (v2sf);
	[tilespmem:s22+$0x0] =	vst v18  }
0x332: {  	v18 =	vld [tilespmem:s29+$0x0];
	_ =	sdelay $0x4  }
0x333: {  	v18 =	vadd.f32 $1.000000000e+00, v18;
	_ =	sdelay $0x1  }
0x334: {  	s22 =	spop (v2sf);
	[tilespmem:s29+$0x0] =	vst v18  }
0x335: {  	v18 =	vld [tilespmem:s22+$0x0];
	_ =	sdelay $0x4  }
0x336: {  	s17 =	simm.s32 $0x40;
	s21 =	simm.s32 $0x80;
	v18 =	vadd.f32 $1.000000000e+00, v18  }
.LBB2_13:
0x337: {  	p0 =	sne.s32 s21, $0x1C0  }
0x338: {  	s29 =	sshra.s32 s17, $0x2;
	s17 =	smov.u32 s21;
	s21 =	sadd.s32 $0x40, s21;
	[tilespmem:s22+$0x0] =	vst v18  }
0x339: {  	v18 =	vld [tilespmem:s29+$0x10580];
	_ =	sdelay $0x4  }
0x33a: {  	v18 =	vsub.s32 v18, v0  }
0x33b: {  	v18 =	vshll.u32 v18, $0x4  }
0x33c: {  	v19 =	vadd.s32 $0x10600, v18;
	v18 =	vadd.s32 $0x11600, v18  }
0x33d: {  	(v2sf) =	vpush v19, $0x0;
	_ =	sdelay $0x7  }
0x33e: {  	(v2sf) =	vpush v18, $0x1;
	_ =	sdelay $0x6  }
0x33f: {  	s22 =	spop (v2sf)  }
0x340: {  	v20 =	vld [tilespmem:s22+$0x0];
	(v2sf) =	vpush v19, $0x2;
	_ =	sdelay $0x4  }
0x341: {  	v20 =	vadd.f32 $1.000000000e+00, v20;
	_ =	sdelay $0x1  }
0x342: {  	[tilespmem:s22+$0x0] =	vst v20;
	s22 =	spop (v2sf)  }
0x343: {  	v20 =	vld [tilespmem:s22+$0x0];
	(v2sf) =	vpush v18, $0x3;
	_ =	sdelay $0x4  }
0x344: {  	v20 =	vadd.f32 $1.000000000e+00, v20;
	_ =	sdelay $0x1  }
0x345: {  	[tilespmem:s22+$0x0] =	vst v20;
	s22 =	spop (v2sf)  }
0x346: {  	v20 =	vld [tilespmem:s22+$0x0];
	(v2sf) =	vpush v19, $0x4;
	_ =	sdelay $0x4  }
0x347: {  	v20 =	vadd.f32 $1.000000000e+00, v20;
	_ =	sdelay $0x1  }
0x348: {  	[tilespmem:s22+$0x0] =	vst v20;
	s22 =	spop (v2sf)  }
0x349: {  	v20 =	vld [tilespmem:s22+$0x0];
	(v2sf) =	vpush v18, $0x5;
	_ =	sdelay $0x4  }
0x34a: {  	v20 =	vadd.f32 $1.000000000e+00, v20;
	_ =	sdelay $0x1  }
0x34b: {  	[tilespmem:s22+$0x0] =	vst v20;
	s22 =	spop (v2sf)  }
0x34c: {  	v20 =	vld [tilespmem:s22+$0x0];
	(v2sf) =	vpush v19, $0x6;
	_ =	sdelay $0x4  }
0x34d: {  	v20 =	vadd.f32 $1.000000000e+00, v20;
	_ =	sdelay $0x1  }
0x34e: {  	[tilespmem:s22+$0x0] =	vst v20;
	s22 =	spop (v2sf)  }
0x34f: {  	v20 =	vld [tilespmem:s22+$0x0];
	(v2sf) =	vpush v18, $0x7;
	_ =	sdelay $0x4  }
0x350: {  	v20 =	vadd.f32 $1.000000000e+00, v20;
	_ =	sdelay $0x1  }
0x351: {  	[tilespmem:s22+$0x0] =	vst v20;
	s22 =	spop (v2sf)  }
0x352: {  	v20 =	vld [tilespmem:s22+$0x0];
	(v2sf) =	vpush v19, $0x8;
	_ =	sdelay $0x4  }
0x353: {  	v20 =	vadd.f32 $1.000000000e+00, v20;
	_ =	sdelay $0x1  }
0x354: {  	[tilespmem:s22+$0x0] =	vst v20;
	s22 =	spop (v2sf)  }
0x355: {  	v20 =	vld [tilespmem:s22+$0x0];
	(v2sf) =	vpush v18, $0x9;
	_ =	sdelay $0x4  }
0x356: {  	v20 =	vadd.f32 $1.000000000e+00, v20;
	_ =	sdelay $0x1  }
0x357: {  	[tilespmem:s22+$0x0] =	vst v20;
	s22 =	spop (v2sf)  }
0x358: {  	v20 =	vld [tilespmem:s22+$0x0];
	(v2sf) =	vpush v19, $0xA;
	_ =	sdelay $0x4  }
0x359: {  	v20 =	vadd.f32 $1.000000000e+00, v20;
	_ =	sdelay $0x1  }
0x35a: {  	[tilespmem:s22+$0x0] =	vst v20;
	s22 =	spop (v2sf)  }
0x35b: {  	v20 =	vld [tilespmem:s22+$0x0];
	(v2sf) =	vpush v18, $0xB;
	_ =	sdelay $0x4  }
0x35c: {  	v20 =	vadd.f32 $1.000000000e+00, v20;
	_ =	sdelay $0x1  }
0x35d: {  	[tilespmem:s22+$0x0] =	vst v20;
	s22 =	spop (v2sf)  }
0x35e: {  	v20 =	vld [tilespmem:s22+$0x0];
	(v2sf) =	vpush v19, $0xC;
	_ =	sdelay $0x4  }
0x35f: {  	v20 =	vadd.f32 $1.000000000e+00, v20;
	_ =	sdelay $0x1  }
0x360: {  	[tilespmem:s22+$0x0] =	vst v20;
	s22 =	spop (v2sf)  }
0x361: {  	v20 =	vld [tilespmem:s22+$0x0];
	(v2sf) =	vpush v18, $0xD;
	_ =	sdelay $0x4  }
0x362: {  	v20 =	vadd.f32 $1.000000000e+00, v20;
	_ =	sdelay $0x1  }
0x363: {  	[tilespmem:s22+$0x0] =	vst v20;
	s22 =	spop (v2sf)  }
0x364: {  	v20 =	vld [tilespmem:s22+$0x0];
	(v2sf) =	vpush v19, $0xE;
	_ =	sdelay $0x4  }
0x365: {  	v19 =	vadd.f32 $1.000000000e+00, v20;
	_ =	sdelay $0x1  }
0x366: {  	[tilespmem:s22+$0x0] =	vst v19;
	s22 =	spop (v2sf)  }
0x367: {  	v19 =	vld [tilespmem:s22+$0x0];
	(v2sf) =	vpush v18, $0xF;
	_ =	sdelay $0x4  }
0x368: {  	v18 =	vadd.f32 $1.000000000e+00, v19;
	_ =	sdelay $0x1  }
0x369: {  	[tilespmem:s22+$0x0] =	vst v18;
	s22 =	spop (v2sf)  }
0x36a: {  	v18 =	vld [tilespmem:s22+$0x0];
	_ =	sdelay $0x4  }
0x36b: {  	v18 =	vadd.f32 $1.000000000e+00, v18;
	_ =	sdelay $0x1  }
0x36c: {  	[tilespmem:s22+$0x0] =	vst v18;
	s22 =	spop (v2sf)  }
0x36d: {  	v18 =	vld [tilespmem:s22+$0x0]  }
.Ltmp5:
0x36e: {  	(pc) =	sbr.rel @p0 .LBB2_13-.Ltmp5, $2  }
0x36f: {  	_ =	sdelay $0x2  }
0x370: {  	v18 =	vadd.f32 $1.000000000e+00, v18  }
0x371: {  	_ = 	snop  }
0x372: {  	s17 =	sshra.s32 s17, $0x2;
	[tilespmem:s22+$0x0] =	vst v18  }
0x373: {  	v18 =	vld [tilespmem:s17+$0x10580];
	_ =	sdelay $0x4  }
0x374: {  	v18 =	vsub.s32 v18, v0  }
0x375: {  	v18 =	vshll.u32 v18, $0x4  }
0x376: {  	v19 =	vadd.s32 $0x10600, v18  }
0x377: {  	(v2sf) =	vpush v19, $0x0;
	_ =	sdelay $0x6  }
0x378: {  	v18 =	vadd.s32 $0x11600, v18  }
0x379: {  	(v2sf) =	vpush v18, $0x1;
	_ =	sdelay $0x6  }
0x37a: {  	s22 =	spop (v2sf)  }
0x37b: {  	(v2sf) =	vpush v19, $0x2;
	v20 =	vld [tilespmem:s22+$0x0];
	_ =	sdelay $0x4  }
0x37c: {  	v20 =	vadd.f32 $1.000000000e+00, v20;
	_ =	sdelay $0x1  }
0x37d: {  	s29 =	spop (v2sf);
	[tilespmem:s22+$0x0] =	vst v20  }
0x37e: {  	(v2sf) =	vpush v18, $0x3;
	v20 =	vld [tilespmem:s29+$0x0];
	_ =	sdelay $0x4  }
0x37f: {  	v20 =	vadd.f32 $1.000000000e+00, v20;
	_ =	sdelay $0x1  }
0x380: {  	s21 =	spop (v2sf);
	[tilespmem:s29+$0x0] =	vst v20  }
0x381: {  	(v2sf) =	vpush v19, $0x4;
	v20 =	vld [tilespmem:s21+$0x0];
	_ =	sdelay $0x4  }
0x382: {  	v20 =	vadd.f32 $1.000000000e+00, v20;
	_ =	sdelay $0x1  }
0x383: {  	s22 =	spop (v2sf);
	[tilespmem:s21+$0x0] =	vst v20  }
0x384: {  	(v2sf) =	vpush v18, $0x5;
	v20 =	vld [tilespmem:s22+$0x0];
	_ =	sdelay $0x4  }
0x385: {  	v20 =	vadd.f32 $1.000000000e+00, v20;
	_ =	sdelay $0x1  }
0x386: {  	s29 =	spop (v2sf);
	[tilespmem:s22+$0x0] =	vst v20  }
0x387: {  	(v2sf) =	vpush v19, $0x6;
	v20 =	vld [tilespmem:s29+$0x0];
	_ =	sdelay $0x4  }
0x388: {  	v20 =	vadd.f32 $1.000000000e+00, v20;
	_ =	sdelay $0x1  }
0x389: {  	s21 =	spop (v2sf);
	[tilespmem:s29+$0x0] =	vst v20  }
0x38a: {  	(v2sf) =	vpush v18, $0x7;
	v20 =	vld [tilespmem:s21+$0x0];
	_ =	sdelay $0x4  }
0x38b: {  	v20 =	vadd.f32 $1.000000000e+00, v20;
	_ =	sdelay $0x1  }
0x38c: {  	s22 =	spop (v2sf);
	[tilespmem:s21+$0x0] =	vst v20  }
0x38d: {  	(v2sf) =	vpush v19, $0x8;
	v20 =	vld [tilespmem:s22+$0x0];
	_ =	sdelay $0x4  }
0x38e: {  	v20 =	vadd.f32 $1.000000000e+00, v20;
	_ =	sdelay $0x1  }
0x38f: {  	s29 =	spop (v2sf);
	[tilespmem:s22+$0x0] =	vst v20  }
0x390: {  	(v2sf) =	vpush v18, $0x9;
	v20 =	vld [tilespmem:s29+$0x0];
	_ =	sdelay $0x4  }
0x391: {  	v20 =	vadd.f32 $1.000000000e+00, v20;
	_ =	sdelay $0x1  }
0x392: {  	s21 =	spop (v2sf);
	[tilespmem:s29+$0x0] =	vst v20  }
0x393: {  	(v2sf) =	vpush v19, $0xA;
	v20 =	vld [tilespmem:s21+$0x0];
	_ =	sdelay $0x4  }
0x394: {  	v20 =	vadd.f32 $1.000000000e+00, v20;
	_ =	sdelay $0x1  }
0x395: {  	s22 =	spop (v2sf);
	[tilespmem:s21+$0x0] =	vst v20  }
0x396: {  	(v2sf) =	vpush v18, $0xB;
	v20 =	vld [tilespmem:s22+$0x0];
	_ =	sdelay $0x4  }
0x397: {  	v20 =	vadd.f32 $1.000000000e+00, v20;
	_ =	sdelay $0x1  }
0x398: {  	s29 =	spop (v2sf);
	[tilespmem:s22+$0x0] =	vst v20  }
0x399: {  	(v2sf) =	vpush v19, $0xC;
	v20 =	vld [tilespmem:s29+$0x0];
	_ =	sdelay $0x4  }
0x39a: {  	v20 =	vadd.f32 $1.000000000e+00, v20;
	_ =	sdelay $0x1  }
0x39b: {  	s21 =	spop (v2sf);
	[tilespmem:s29+$0x0] =	vst v20  }
0x39c: {  	(v2sf) =	vpush v18, $0xD;
	v20 =	vld [tilespmem:s21+$0x0];
	_ =	sdelay $0x4  }
0x39d: {  	v20 =	vadd.f32 $1.000000000e+00, v20;
	_ =	sdelay $0x1  }
0x39e: {  	s22 =	spop (v2sf);
	[tilespmem:s21+$0x0] =	vst v20  }
0x39f: {  	(v2sf) =	vpush v19, $0xE;
	v20 =	vld [tilespmem:s22+$0x0];
	_ =	sdelay $0x4  }
0x3a0: {  	v19 =	vadd.f32 $1.000000000e+00, v20;
	_ =	sdelay $0x1  }
0x3a1: {  	s29 =	spop (v2sf);
	[tilespmem:s22+$0x0] =	vst v19  }
0x3a2: {  	(v2sf) =	vpush v18, $0xF;
	v19 =	vld [tilespmem:s29+$0x0];
	_ =	sdelay $0x4  }
0x3a3: {  	v18 =	vadd.f32 $1.000000000e+00, v19;
	_ =	sdelay $0x1  }
0x3a4: {  	s21 =	spop (v2sf);
	[tilespmem:s29+$0x0] =	vst v18  }
0x3a5: {  	v18 =	vld [tilespmem:s21+$0x0];
	_ =	sdelay $0x4  }
0x3a6: {  	v18 =	vadd.f32 $1.000000000e+00, v18;
	_ =	sdelay $0x1  }
0x3a7: {  	s22 =	spop (v2sf);
	[tilespmem:s21+$0x0] =	vst v18  }
0x3a8: {  	v18 =	vld [tilespmem:s22+$0x0];
	_ =	sdelay $0x4  }
0x3a9: {  	v18 =	vadd.f32 $1.000000000e+00, v18;
	_ =	sdelay $0x1  }
0x3aa: {  	[tilespmem:s22+$0x0] =	vst v18  }
0x3ab: {  	_ =	swait.ge [sflag:s12], $0x4000  }
0x3ac: {  	[sflag:s12] =	ssyncset.done $0x0  }
0x3ad: {  	[sflag:s12] =	ssyncadd.s32 $0xFFFFC000  }
0x3ae: {  	_ =	swait.ge [sflag:s12], $0x80  }
0x3af: {  	[sflag:s12] =	ssyncset.done $0x0  }
0x3b0: {  	[sflag:s12] =	ssyncadd.s32 $0xFFFFFF80  }
0x3b1: {  	_ =	swait.ge [sflag:s12], $0x80  }
0x3b2: {  	[sflag:s12] =	ssyncset.done $0x0  }
0x3b3: {  	[sflag:s12] =	ssyncadd.s32 $0xFFFFFF80  }
0x3b4: {  	v18 =	vld [tilespmem:$0x10000]  }
0x3b5: {  	v19 =	vld [tilespmem:$0x10200]  }
0x3b6: {  	v20 =	vld [tilespmem:$0x10010]  }
0x3b7: {  	v21 =	vld [tilespmem:$0x10210]  }
0x3b8: {  	v22 =	vld [tilespmem:$0x10020]  }
0x3b9: {  	v23 =	vld [tilespmem:$0x10220]  }
0x3ba: {  	v24 =	vld [tilespmem:$0x10030]  }
0x3bb: {  	v25 =	vld [tilespmem:$0x10230]  }
0x3bc: {  	v26 =	vld [tilespmem:$0x10040]  }
0x3bd: {  	v27 =	vld [tilespmem:$0x10240]  }
0x3be: {  	v28 =	vld [tilespmem:$0x10050]  }
0x3bf: {  	v29 =	vld [tilespmem:$0x10250]  }
0x3c0: {  	v30 =	vld [tilespmem:$0x10060]  }
0x3c1: {  	v31 =	vld [tilespmem:$0x10260];
	v18 =	vshll.u32 v18, $0x4;
	v19 =	vadd.s32 v0, v19  }
0x3c2: {  	v62 =	vld [tilespmem:$0x10070];
	v18 =	vadd.s32 v18, v19;
	v19 =	vshll.u32 v20, $0x4;
	v20 =	vadd.s32 v0, v21  }
0x3c3: {  	v63 =	vld [tilespmem:$0x10270];
	[tilespmem:$0x10400] =	vst v18;
	v18 =	vadd.s32 v19, v20;
	v19 =	vshll.u32 v22, $0x4;
	v20 =	vadd.s32 v0, v23  }
0x3c4: {  	[tilespmem:$0x10410] =	vst v18;
	v18 =	vadd.s32 v19, v20;
	v19 =	vshll.u32 v24, $0x4;
	v20 =	vadd.s32 v0, v25  }
0x3c5: {  	[tilespmem:$0x10420] =	vst v18;
	v18 =	vadd.s32 v19, v20;
	v19 =	vshll.u32 v26, $0x4;
	v20 =	vadd.s32 v0, v27  }
0x3c6: {  	[tilespmem:$0x10430] =	vst v18;
	v18 =	vadd.s32 v19, v20;
	v19 =	vshll.u32 v28, $0x4;
	v20 =	vadd.s32 v0, v29  }
0x3c7: {  	[tilespmem:$0x10440] =	vst v18;
	v18 =	vadd.s32 v19, v20;
	v19 =	vshll.u32 v30, $0x4;
	v20 =	vadd.s32 v0, v31  }
0x3c8: {  	[tilespmem:$0x10450] =	vst v18;
	v18 =	vadd.s32 v19, v20;
	v19 =	vshll.u32 v62, $0x4;
	v20 =	vadd.s32 v0, v63  }
0x3c9: {  	s21 =	sadd.s32 s16, s26;
	[tilespmem:$0x10460] =	vst v18;
	v18 =	vadd.s32 v19, v20  }
0x3ca: {  	s17 =	simm.s32 $0x0;
	s29 =	sshll.u32 s21, $0x7;
	[tilespmem:$0x10470] =	vst v18  }
0x3cb: {  	[spmem:s4] =	stream.indirect.scatter.add.f32 [tilespmem:s17], [sflag:$0x5], $0x80, s14, s13, $0xb8;
	[tilespmem:$0x1A600] =	vst v63  }
0x3cc: {  	s22 =	sadd.s32 s8, s29;
	_ =	swait.ge [sflag:s7], $0x4000  }
0x3cd: {  	s22 =	sshrl.u32 s22, $0x3;
	[sflag:s7] =	ssyncset.done $0x0  }
0x3ce: {  	s21 =	sadd.s32 s21, s30;
	s22 =	sadd.s32 s1, s22;
	[sflag:s7] =	ssyncadd.s32 $0xFFFFC000  }
0x3cf: {  	[tilespmem:s15], [sflag:$0x3] =	stream.linear.gather [hbm4b:s22+s17], $0x4000, $0x38;
	[tilespmem:$0x1A600] =	vst v63  }
0x3d0: {  	s29 =	simm.s32 $0x10100;
	s22 =	sadd.s32 s2, s21  }
0x3d1: {  	[tilespmem:s29], [sflag:$0x3] =	stream.linear.gather [hbm4b:s22+s17], $0x80, $0x38;
	[tilespmem:$0x1A600] =	vst v63  }
0x3d2: {  	s21 =	sadd.s32 s3, s21;
	s29 =	simm.s32 $0x10300  }
0x3d3: {  	[tilespmem:s29], [sflag:$0x3] =	stream.linear.gather [hbm4b:s21+s17], $0x80, $0x38;
	[tilespmem:$0x1A600] =	vst v63  }
0x3d4: {  	s29 =	simm.s32 $0x0  }
0x3d5: {  	v18 =	vld [tilespmem:s29+$0x10400];
	_ =	sdelay $0x4  }
0x3d6: {  	v18 =	vsub.s32 v18, v0  }
0x3d7: {  	v18 =	vshll.u32 v18, $0x4  }
0x3d8: {  	v19 =	vadd.s32 $0x10600, v18  }
0x3d9: {  	(v2sf) =	vpush v19, $0x0;
	_ =	sdelay $0x6  }
0x3da: {  	v18 =	vadd.s32 $0x11600, v18  }
0x3db: {  	(v2sf) =	vpush v18, $0x1;
	_ =	sdelay $0x6  }
0x3dc: {  	s21 =	spop (v2sf)  }
0x3dd: {  	(v2sf) =	vpush v19, $0x2;
	v20 =	vld [tilespmem:s21+$0x0];
	_ =	sdelay $0x4  }
0x3de: {  	v20 =	vadd.f32 $1.000000000e+00, v20;
	_ =	sdelay $0x1  }
0x3df: {  	s22 =	spop (v2sf);
	[tilespmem:s21+$0x0] =	vst v20  }
0x3e0: {  	(v2sf) =	vpush v18, $0x3;
	v20 =	vld [tilespmem:s22+$0x0];
	_ =	sdelay $0x4  }
0x3e1: {  	v20 =	vadd.f32 $1.000000000e+00, v20;
	_ =	sdelay $0x1  }
0x3e2: {  	s29 =	spop (v2sf);
	[tilespmem:s22+$0x0] =	vst v20  }
0x3e3: {  	(v2sf) =	vpush v19, $0x4;
	v20 =	vld [tilespmem:s29+$0x0];
	_ =	sdelay $0x4  }
0x3e4: {  	v20 =	vadd.f32 $1.000000000e+00, v20;
	_ =	sdelay $0x1  }
0x3e5: {  	s21 =	spop (v2sf);
	[tilespmem:s29+$0x0] =	vst v20  }
0x3e6: {  	(v2sf) =	vpush v18, $0x5;
	v20 =	vld [tilespmem:s21+$0x0];
	_ =	sdelay $0x4  }
0x3e7: {  	v20 =	vadd.f32 $1.000000000e+00, v20;
	_ =	sdelay $0x1  }
0x3e8: {  	s22 =	spop (v2sf);
	[tilespmem:s21+$0x0] =	vst v20  }
0x3e9: {  	(v2sf) =	vpush v19, $0x6;
	v20 =	vld [tilespmem:s22+$0x0];
	_ =	sdelay $0x4  }
0x3ea: {  	v20 =	vadd.f32 $1.000000000e+00, v20;
	_ =	sdelay $0x1  }
0x3eb: {  	s29 =	spop (v2sf);
	[tilespmem:s22+$0x0] =	vst v20  }
0x3ec: {  	(v2sf) =	vpush v18, $0x7;
	v20 =	vld [tilespmem:s29+$0x0];
	_ =	sdelay $0x4  }
0x3ed: {  	v20 =	vadd.f32 $1.000000000e+00, v20;
	_ =	sdelay $0x1  }
0x3ee: {  	s21 =	spop (v2sf);
	[tilespmem:s29+$0x0] =	vst v20  }
0x3ef: {  	(v2sf) =	vpush v19, $0x8;
	v20 =	vld [tilespmem:s21+$0x0];
	_ =	sdelay $0x4  }
0x3f0: {  	v20 =	vadd.f32 $1.000000000e+00, v20;
	_ =	sdelay $0x1  }
0x3f1: {  	s22 =	spop (v2sf);
	[tilespmem:s21+$0x0] =	vst v20  }
0x3f2: {  	(v2sf) =	vpush v18, $0x9;
	v20 =	vld [tilespmem:s22+$0x0];
	_ =	sdelay $0x4  }
0x3f3: {  	v20 =	vadd.f32 $1.000000000e+00, v20;
	_ =	sdelay $0x1  }
0x3f4: {  	s29 =	spop (v2sf);
	[tilespmem:s22+$0x0] =	vst v20  }
0x3f5: {  	(v2sf) =	vpush v19, $0xA;
	v20 =	vld [tilespmem:s29+$0x0];
	_ =	sdelay $0x4  }
0x3f6: {  	v20 =	vadd.f32 $1.000000000e+00, v20;
	_ =	sdelay $0x1  }
0x3f7: {  	s21 =	spop (v2sf);
	[tilespmem:s29+$0x0] =	vst v20  }
0x3f8: {  	(v2sf) =	vpush v18, $0xB;
	v20 =	vld [tilespmem:s21+$0x0];
	_ =	sdelay $0x4  }
0x3f9: {  	v20 =	vadd.f32 $1.000000000e+00, v20;
	_ =	sdelay $0x1  }
0x3fa: {  	s22 =	spop (v2sf);
	[tilespmem:s21+$0x0] =	vst v20  }
0x3fb: {  	(v2sf) =	vpush v19, $0xC;
	v20 =	vld [tilespmem:s22+$0x0];
	_ =	sdelay $0x4  }
0x3fc: {  	v20 =	vadd.f32 $1.000000000e+00, v20;
	_ =	sdelay $0x1  }
0x3fd: {  	s29 =	spop (v2sf);
	[tilespmem:s22+$0x0] =	vst v20  }
0x3fe: {  	(v2sf) =	vpush v18, $0xD;
	v20 =	vld [tilespmem:s29+$0x0];
	_ =	sdelay $0x4  }
0x3ff: {  	v20 =	vadd.f32 $1.000000000e+00, v20;
	_ =	sdelay $0x1  }
0x400: {  	s21 =	spop (v2sf);
	[tilespmem:s29+$0x0] =	vst v20  }
0x401: {  	(v2sf) =	vpush v19, $0xE;
	v20 =	vld [tilespmem:s21+$0x0];
	_ =	sdelay $0x4  }
0x402: {  	v19 =	vadd.f32 $1.000000000e+00, v20;
	_ =	sdelay $0x1  }
0x403: {  	s22 =	spop (v2sf);
	[tilespmem:s21+$0x0] =	vst v19  }
0x404: {  	(v2sf) =	vpush v18, $0xF;
	v19 =	vld [tilespmem:s22+$0x0];
	_ =	sdelay $0x4  }
0x405: {  	v18 =	vadd.f32 $1.000000000e+00, v19;
	_ =	sdelay $0x1  }
0x406: {  	s29 =	spop (v2sf);
	[tilespmem:s22+$0x0] =	vst v18  }
0x407: {  	v18 =	vld [tilespmem:s29+$0x0];
	_ =	sdelay $0x4  }
0x408: {  	v18 =	vadd.f32 $1.000000000e+00, v18;
	_ =	sdelay $0x1  }
0x409: {  	s22 =	spop (v2sf);
	[tilespmem:s29+$0x0] =	vst v18  }
0x40a: {  	v18 =	vld [tilespmem:s22+$0x0];
	_ =	sdelay $0x4  }
0x40b: {  	s17 =	simm.s32 $0x40;
	s21 =	simm.s32 $0x80;
	v18 =	vadd.f32 $1.000000000e+00, v18  }
.LBB2_15:
0x40c: {  	p0 =	sne.s32 s21, $0x1C0  }
0x40d: {  	s29 =	sshra.s32 s17, $0x2;
	s17 =	smov.u32 s21;
	s21 =	sadd.s32 $0x40, s21;
	[tilespmem:s22+$0x0] =	vst v18  }
0x40e: {  	v18 =	vld [tilespmem:s29+$0x10400];
	_ =	sdelay $0x4  }
0x40f: {  	v18 =	vsub.s32 v18, v0  }
0x410: {  	v18 =	vshll.u32 v18, $0x4  }
0x411: {  	v19 =	vadd.s32 $0x10600, v18;
	v18 =	vadd.s32 $0x11600, v18  }
0x412: {  	(v2sf) =	vpush v19, $0x0;
	_ =	sdelay $0x7  }
0x413: {  	(v2sf) =	vpush v18, $0x1;
	_ =	sdelay $0x6  }
0x414: {  	s22 =	spop (v2sf)  }
0x415: {  	v20 =	vld [tilespmem:s22+$0x0];
	(v2sf) =	vpush v19, $0x2;
	_ =	sdelay $0x4  }
0x416: {  	v20 =	vadd.f32 $1.000000000e+00, v20;
	_ =	sdelay $0x1  }
0x417: {  	[tilespmem:s22+$0x0] =	vst v20;
	s22 =	spop (v2sf)  }
0x418: {  	v20 =	vld [tilespmem:s22+$0x0];
	(v2sf) =	vpush v18, $0x3;
	_ =	sdelay $0x4  }
0x419: {  	v20 =	vadd.f32 $1.000000000e+00, v20;
	_ =	sdelay $0x1  }
0x41a: {  	[tilespmem:s22+$0x0] =	vst v20;
	s22 =	spop (v2sf)  }
0x41b: {  	v20 =	vld [tilespmem:s22+$0x0];
	(v2sf) =	vpush v19, $0x4;
	_ =	sdelay $0x4  }
0x41c: {  	v20 =	vadd.f32 $1.000000000e+00, v20;
	_ =	sdelay $0x1  }
0x41d: {  	[tilespmem:s22+$0x0] =	vst v20;
	s22 =	spop (v2sf)  }
0x41e: {  	v20 =	vld [tilespmem:s22+$0x0];
	(v2sf) =	vpush v18, $0x5;
	_ =	sdelay $0x4  }
0x41f: {  	v20 =	vadd.f32 $1.000000000e+00, v20;
	_ =	sdelay $0x1  }
0x420: {  	[tilespmem:s22+$0x0] =	vst v20;
	s22 =	spop (v2sf)  }
0x421: {  	v20 =	vld [tilespmem:s22+$0x0];
	(v2sf) =	vpush v19, $0x6;
	_ =	sdelay $0x4  }
0x422: {  	v20 =	vadd.f32 $1.000000000e+00, v20;
	_ =	sdelay $0x1  }
0x423: {  	[tilespmem:s22+$0x0] =	vst v20;
	s22 =	spop (v2sf)  }
0x424: {  	v20 =	vld [tilespmem:s22+$0x0];
	(v2sf) =	vpush v18, $0x7;
	_ =	sdelay $0x4  }
0x425: {  	v20 =	vadd.f32 $1.000000000e+00, v20;
	_ =	sdelay $0x1  }
0x426: {  	[tilespmem:s22+$0x0] =	vst v20;
	s22 =	spop (v2sf)  }
0x427: {  	v20 =	vld [tilespmem:s22+$0x0];
	(v2sf) =	vpush v19, $0x8;
	_ =	sdelay $0x4  }
0x428: {  	v20 =	vadd.f32 $1.000000000e+00, v20;
	_ =	sdelay $0x1  }
0x429: {  	[tilespmem:s22+$0x0] =	vst v20;
	s22 =	spop (v2sf)  }
0x42a: {  	v20 =	vld [tilespmem:s22+$0x0];
	(v2sf) =	vpush v18, $0x9;
	_ =	sdelay $0x4  }
0x42b: {  	v20 =	vadd.f32 $1.000000000e+00, v20;
	_ =	sdelay $0x1  }
0x42c: {  	[tilespmem:s22+$0x0] =	vst v20;
	s22 =	spop (v2sf)  }
0x42d: {  	v20 =	vld [tilespmem:s22+$0x0];
	(v2sf) =	vpush v19, $0xA;
	_ =	sdelay $0x4  }
0x42e: {  	v20 =	vadd.f32 $1.000000000e+00, v20;
	_ =	sdelay $0x1  }
0x42f: {  	[tilespmem:s22+$0x0] =	vst v20;
	s22 =	spop (v2sf)  }
0x430: {  	v20 =	vld [tilespmem:s22+$0x0];
	(v2sf) =	vpush v18, $0xB;
	_ =	sdelay $0x4  }
0x431: {  	v20 =	vadd.f32 $1.000000000e+00, v20;
	_ =	sdelay $0x1  }
0x432: {  	[tilespmem:s22+$0x0] =	vst v20;
	s22 =	spop (v2sf)  }
0x433: {  	v20 =	vld [tilespmem:s22+$0x0];
	(v2sf) =	vpush v19, $0xC;
	_ =	sdelay $0x4  }
0x434: {  	v20 =	vadd.f32 $1.000000000e+00, v20;
	_ =	sdelay $0x1  }
0x435: {  	[tilespmem:s22+$0x0] =	vst v20;
	s22 =	spop (v2sf)  }
0x436: {  	v20 =	vld [tilespmem:s22+$0x0];
	(v2sf) =	vpush v18, $0xD;
	_ =	sdelay $0x4  }
0x437: {  	v20 =	vadd.f32 $1.000000000e+00, v20;
	_ =	sdelay $0x1  }
0x438: {  	[tilespmem:s22+$0x0] =	vst v20;
	s22 =	spop (v2sf)  }
0x439: {  	v20 =	vld [tilespmem:s22+$0x0];
	(v2sf) =	vpush v19, $0xE;
	_ =	sdelay $0x4  }
0x43a: {  	v19 =	vadd.f32 $1.000000000e+00, v20;
	_ =	sdelay $0x1  }
0x43b: {  	[tilespmem:s22+$0x0] =	vst v19;
	s22 =	spop (v2sf)  }
0x43c: {  	v19 =	vld [tilespmem:s22+$0x0];
	(v2sf) =	vpush v18, $0xF;
	_ =	sdelay $0x4  }
0x43d: {  	v18 =	vadd.f32 $1.000000000e+00, v19;
	_ =	sdelay $0x1  }
0x43e: {  	[tilespmem:s22+$0x0] =	vst v18;
	s22 =	spop (v2sf)  }
0x43f: {  	v18 =	vld [tilespmem:s22+$0x0];
	_ =	sdelay $0x4  }
0x440: {  	v18 =	vadd.f32 $1.000000000e+00, v18;
	_ =	sdelay $0x1  }
0x441: {  	[tilespmem:s22+$0x0] =	vst v18;
	s22 =	spop (v2sf)  }
0x442: {  	v18 =	vld [tilespmem:s22+$0x0]  }
.Ltmp6:
0x443: {  	(pc) =	sbr.rel @p0 .LBB2_15-.Ltmp6, $2  }
0x444: {  	_ =	sdelay $0x2  }
0x445: {  	v18 =	vadd.f32 $1.000000000e+00, v18  }
0x446: {  	_ = 	snop  }
0x447: {  	s17 =	sshra.s32 s17, $0x2;
	[tilespmem:s22+$0x0] =	vst v18  }
0x448: {  	v18 =	vld [tilespmem:s17+$0x10400];
	_ =	sdelay $0x4  }
0x449: {  	v18 =	vsub.s32 v18, v0  }
0x44a: {  	v18 =	vshll.u32 v18, $0x4  }
0x44b: {  	v19 =	vadd.s32 $0x10600, v18  }
0x44c: {  	(v2sf) =	vpush v19, $0x0;
	_ =	sdelay $0x6  }
0x44d: {  	v18 =	vadd.s32 $0x11600, v18  }
0x44e: {  	(v2sf) =	vpush v18, $0x1;
	_ =	sdelay $0x6  }
0x44f: {  	s29 =	spop (v2sf)  }
0x450: {  	(v2sf) =	vpush v19, $0x2;
	v20 =	vld [tilespmem:s29+$0x0];
	_ =	sdelay $0x4  }
0x451: {  	v20 =	vadd.f32 $1.000000000e+00, v20;
	_ =	sdelay $0x1  }
0x452: {  	s21 =	spop (v2sf);
	[tilespmem:s29+$0x0] =	vst v20  }
0x453: {  	(v2sf) =	vpush v18, $0x3;
	v20 =	vld [tilespmem:s21+$0x0];
	_ =	sdelay $0x4  }
0x454: {  	v20 =	vadd.f32 $1.000000000e+00, v20;
	_ =	sdelay $0x1  }
0x455: {  	s22 =	spop (v2sf);
	[tilespmem:s21+$0x0] =	vst v20  }
0x456: {  	(v2sf) =	vpush v19, $0x4;
	v20 =	vld [tilespmem:s22+$0x0];
	_ =	sdelay $0x4  }
0x457: {  	v20 =	vadd.f32 $1.000000000e+00, v20;
	_ =	sdelay $0x1  }
0x458: {  	s29 =	spop (v2sf);
	[tilespmem:s22+$0x0] =	vst v20  }
0x459: {  	(v2sf) =	vpush v18, $0x5;
	v20 =	vld [tilespmem:s29+$0x0];
	_ =	sdelay $0x4  }
0x45a: {  	v20 =	vadd.f32 $1.000000000e+00, v20;
	_ =	sdelay $0x1  }
0x45b: {  	s21 =	spop (v2sf);
	[tilespmem:s29+$0x0] =	vst v20  }
0x45c: {  	(v2sf) =	vpush v19, $0x6;
	v20 =	vld [tilespmem:s21+$0x0];
	_ =	sdelay $0x4  }
0x45d: {  	v20 =	vadd.f32 $1.000000000e+00, v20;
	_ =	sdelay $0x1  }
0x45e: {  	s22 =	spop (v2sf);
	[tilespmem:s21+$0x0] =	vst v20  }
0x45f: {  	(v2sf) =	vpush v18, $0x7;
	v20 =	vld [tilespmem:s22+$0x0];
	_ =	sdelay $0x4  }
0x460: {  	v20 =	vadd.f32 $1.000000000e+00, v20;
	_ =	sdelay $0x1  }
0x461: {  	s29 =	spop (v2sf);
	[tilespmem:s22+$0x0] =	vst v20  }
0x462: {  	(v2sf) =	vpush v19, $0x8;
	v20 =	vld [tilespmem:s29+$0x0];
	_ =	sdelay $0x4  }
0x463: {  	v20 =	vadd.f32 $1.000000000e+00, v20;
	_ =	sdelay $0x1  }
0x464: {  	s21 =	spop (v2sf);
	[tilespmem:s29+$0x0] =	vst v20  }
0x465: {  	(v2sf) =	vpush v18, $0x9;
	v20 =	vld [tilespmem:s21+$0x0];
	_ =	sdelay $0x4  }
0x466: {  	v20 =	vadd.f32 $1.000000000e+00, v20;
	_ =	sdelay $0x1  }
0x467: {  	s22 =	spop (v2sf);
	[tilespmem:s21+$0x0] =	vst v20  }
0x468: {  	(v2sf) =	vpush v19, $0xA;
	v20 =	vld [tilespmem:s22+$0x0];
	_ =	sdelay $0x4  }
0x469: {  	v20 =	vadd.f32 $1.000000000e+00, v20;
	_ =	sdelay $0x1  }
0x46a: {  	s29 =	spop (v2sf);
	[tilespmem:s22+$0x0] =	vst v20  }
0x46b: {  	(v2sf) =	vpush v18, $0xB;
	v20 =	vld [tilespmem:s29+$0x0];
	_ =	sdelay $0x4  }
0x46c: {  	v20 =	vadd.f32 $1.000000000e+00, v20;
	_ =	sdelay $0x1  }
0x46d: {  	s21 =	spop (v2sf);
	[tilespmem:s29+$0x0] =	vst v20  }
0x46e: {  	(v2sf) =	vpush v19, $0xC;
	v20 =	vld [tilespmem:s21+$0x0];
	_ =	sdelay $0x4  }
0x46f: {  	v20 =	vadd.f32 $1.000000000e+00, v20;
	_ =	sdelay $0x1  }
0x470: {  	s22 =	spop (v2sf);
	[tilespmem:s21+$0x0] =	vst v20  }
0x471: {  	(v2sf) =	vpush v18, $0xD;
	v20 =	vld [tilespmem:s22+$0x0];
	_ =	sdelay $0x4  }
0x472: {  	v20 =	vadd.f32 $1.000000000e+00, v20;
	_ =	sdelay $0x1  }
0x473: {  	s29 =	spop (v2sf);
	[tilespmem:s22+$0x0] =	vst v20  }
0x474: {  	(v2sf) =	vpush v19, $0xE;
	v20 =	vld [tilespmem:s29+$0x0];
	_ =	sdelay $0x4  }
0x475: {  	v19 =	vadd.f32 $1.000000000e+00, v20;
	_ =	sdelay $0x1  }
0x476: {  	s21 =	spop (v2sf);
	[tilespmem:s29+$0x0] =	vst v19  }
0x477: {  	(v2sf) =	vpush v18, $0xF;
	v19 =	vld [tilespmem:s21+$0x0];
	_ =	sdelay $0x4  }
0x478: {  	v18 =	vadd.f32 $1.000000000e+00, v19;
	_ =	sdelay $0x1  }
0x479: {  	s22 =	spop (v2sf);
	[tilespmem:s21+$0x0] =	vst v18  }
0x47a: {  	v18 =	vld [tilespmem:s22+$0x0];
	_ =	sdelay $0x4  }
0x47b: {  	v18 =	vadd.f32 $1.000000000e+00, v18;
	_ =	sdelay $0x1  }
0x47c: {  	s29 =	spop (v2sf);
	[tilespmem:s22+$0x0] =	vst v18  }
0x47d: {  	v18 =	vld [tilespmem:s29+$0x0];
	_ =	sdelay $0x4  }
0x47e: {  	v18 =	vadd.f32 $1.000000000e+00, v18;
	_ =	sdelay $0x1  }
0x47f: {  	[tilespmem:s29+$0x0] =	vst v18  }
0x480: {  	_ =	swait.ge [sflag:s18], $0x4000  }
0x481: {  	[sflag:s18] =	ssyncset.done $0x0  }
0x482: {  	[sflag:s18] =	ssyncadd.s32 $0xFFFFC000  }
0x483: {  	_ =	swait.ge [sflag:s18], $0x80  }
0x484: {  	[sflag:s18] =	ssyncset.done $0x0  }
0x485: {  	[sflag:s18] =	ssyncadd.s32 $0xFFFFFF80  }
0x486: {  	_ =	swait.ge [sflag:s18], $0x80  }
0x487: {  	[sflag:s18] =	ssyncset.done $0x0  }
0x488: {  	[sflag:s18] =	ssyncadd.s32 $0xFFFFFF80  }
0x489: {  	v18 =	vld [tilespmem:$0x10080]  }
0x48a: {  	v19 =	vld [tilespmem:$0x10280]  }
0x48b: {  	v20 =	vld [tilespmem:$0x10090]  }
0x48c: {  	v21 =	vld [tilespmem:$0x10290]  }
0x48d: {  	v22 =	vld [tilespmem:$0x100A0]  }
0x48e: {  	v23 =	vld [tilespmem:$0x102A0]  }
0x48f: {  	v24 =	vld [tilespmem:$0x100B0]  }
0x490: {  	v25 =	vld [tilespmem:$0x102B0]  }
0x491: {  	v26 =	vld [tilespmem:$0x100C0]  }
0x492: {  	v27 =	vld [tilespmem:$0x102C0]  }
0x493: {  	v28 =	vld [tilespmem:$0x100D0]  }
0x494: {  	v29 =	vld [tilespmem:$0x102D0]  }
0x495: {  	v30 =	vld [tilespmem:$0x100E0]  }
0x496: {  	v31 =	vld [tilespmem:$0x102E0];
	v18 =	vshll.u32 v18, $0x4;
	v19 =	vadd.s32 v0, v19  }
0x497: {  	v62 =	vld [tilespmem:$0x100F0];
	v18 =	vadd.s32 v18, v19;
	v19 =	vshll.u32 v20, $0x4;
	v20 =	vadd.s32 v0, v21  }
0x498: {  	v63 =	vld [tilespmem:$0x102F0];
	[tilespmem:$0x10480] =	vst v18;
	v18 =	vadd.s32 v19, v20;
	v19 =	vshll.u32 v22, $0x4;
	v20 =	vadd.s32 v0, v23  }
0x499: {  	[tilespmem:$0x10490] =	vst v18;
	v18 =	vadd.s32 v19, v20;
	v19 =	vshll.u32 v24, $0x4;
	v20 =	vadd.s32 v0, v25  }
0x49a: {  	[tilespmem:$0x104A0] =	vst v18;
	v18 =	vadd.s32 v19, v20;
	v19 =	vshll.u32 v26, $0x4;
	v20 =	vadd.s32 v0, v27  }
0x49b: {  	[tilespmem:$0x104B0] =	vst v18;
	v18 =	vadd.s32 v19, v20;
	v19 =	vshll.u32 v28, $0x4;
	v20 =	vadd.s32 v0, v29  }
0x49c: {  	[tilespmem:$0x104C0] =	vst v18;
	v18 =	vadd.s32 v19, v20;
	v19 =	vshll.u32 v30, $0x4;
	v20 =	vadd.s32 v0, v31  }
0x49d: {  	[tilespmem:$0x104D0] =	vst v18;
	v18 =	vadd.s32 v19, v20;
	v19 =	vshll.u32 v62, $0x4;
	v20 =	vadd.s32 v0, v63  }
0x49e: {  	s16 =	sadd.s32 s16, s28;
	[tilespmem:$0x104E0] =	vst v18;
	v18 =	vadd.s32 v19, v20  }
0x49f: {  	s21 =	sshll.u32 s16, $0x7;
	[tilespmem:$0x104F0] =	vst v18  }
0x4a0: {  	[spmem:s4] =	stream.indirect.scatter.add.f32 [tilespmem:s6], [sflag:$0x6], $0x80, s19, s13, $0xb8;
	[tilespmem:$0x1A600] =	vst v63  }
0x4a1: {  	s17 =	sadd.s32 s8, s21;
	_ =	swait.ge [sflag:s5], $0x4000  }
0x4a2: {  	s16 =	sadd.s32 s16, s30;
	s17 =	sshrl.u32 s17, $0x3;
	[sflag:s5] =	ssyncset.done $0x0  }
0x4a3: {  	s21 =	simm.s32 $0x0;
	s17 =	sadd.s32 s1, s17;
	[sflag:s5] =	ssyncadd.s32 $0xFFFFC000  }
0x4a4: {  	[tilespmem:s20], [sflag:$0x4] =	stream.linear.gather [hbm4b:s17+s21], $0x4000, $0x38;
	[tilespmem:$0x1A600] =	vst v63  }
0x4a5: {  	s22 =	sadd.s32 s2, s16;
	s29 =	simm.s32 $0x10180  }
0x4a6: {  	[tilespmem:s29], [sflag:$0x4] =	stream.linear.gather [hbm4b:s22+s21], $0x80, $0x38;
	[tilespmem:$0x1A600] =	vst v63  }
0x4a7: {  	s16 =	sadd.s32 s3, s16;
	s17 =	simm.s32 $0x0;
	s29 =	simm.s32 $0x10380  }
0x4a8: {  	[tilespmem:s29], [sflag:$0x4] =	stream.linear.gather [hbm4b:s16+s21], $0x80, $0x38;
	[tilespmem:$0x1A600] =	vst v63  }
0x4a9: {  	v18 =	vld [tilespmem:s17+$0x10480];
	_ =	sdelay $0x4  }
0x4aa: {  	v18 =	vsub.s32 v18, v0  }
0x4ab: {  	v18 =	vshll.u32 v18, $0x4  }
0x4ac: {  	v19 =	vadd.s32 $0x10600, v18  }
0x4ad: {  	(v2sf) =	vpush v19, $0x0;
	_ =	sdelay $0x6  }
0x4ae: {  	v18 =	vadd.s32 $0x11600, v18  }
0x4af: {  	(v2sf) =	vpush v18, $0x1;
	_ =	sdelay $0x6  }
0x4b0: {  	s21 =	spop (v2sf)  }
0x4b1: {  	(v2sf) =	vpush v19, $0x2;
	v20 =	vld [tilespmem:s21+$0x0];
	_ =	sdelay $0x4  }
0x4b2: {  	v20 =	vadd.f32 $1.000000000e+00, v20;
	_ =	sdelay $0x1  }
0x4b3: {  	s22 =	spop (v2sf);
	[tilespmem:s21+$0x0] =	vst v20  }
0x4b4: {  	(v2sf) =	vpush v18, $0x3;
	v20 =	vld [tilespmem:s22+$0x0];
	_ =	sdelay $0x4  }
0x4b5: {  	v20 =	vadd.f32 $1.000000000e+00, v20;
	_ =	sdelay $0x1  }
0x4b6: {  	s29 =	spop (v2sf);
	[tilespmem:s22+$0x0] =	vst v20  }
0x4b7: {  	(v2sf) =	vpush v19, $0x4;
	v20 =	vld [tilespmem:s29+$0x0];
	_ =	sdelay $0x4  }
0x4b8: {  	v20 =	vadd.f32 $1.000000000e+00, v20;
	_ =	sdelay $0x1  }
0x4b9: {  	s17 =	spop (v2sf);
	[tilespmem:s29+$0x0] =	vst v20  }
0x4ba: {  	(v2sf) =	vpush v18, $0x5;
	v20 =	vld [tilespmem:s17+$0x0];
	_ =	sdelay $0x4  }
0x4bb: {  	v20 =	vadd.f32 $1.000000000e+00, v20;
	_ =	sdelay $0x1  }
0x4bc: {  	s21 =	spop (v2sf);
	[tilespmem:s17+$0x0] =	vst v20  }
0x4bd: {  	(v2sf) =	vpush v19, $0x6;
	v20 =	vld [tilespmem:s21+$0x0];
	_ =	sdelay $0x4  }
0x4be: {  	v20 =	vadd.f32 $1.000000000e+00, v20;
	_ =	sdelay $0x1  }
0x4bf: {  	s22 =	spop (v2sf);
	[tilespmem:s21+$0x0] =	vst v20  }
0x4c0: {  	(v2sf) =	vpush v18, $0x7;
	v20 =	vld [tilespmem:s22+$0x0];
	_ =	sdelay $0x4  }
0x4c1: {  	v20 =	vadd.f32 $1.000000000e+00, v20;
	_ =	sdelay $0x1  }
0x4c2: {  	s29 =	spop (v2sf);
	[tilespmem:s22+$0x0] =	vst v20  }
0x4c3: {  	(v2sf) =	vpush v19, $0x8;
	v20 =	vld [tilespmem:s29+$0x0];
	_ =	sdelay $0x4  }
0x4c4: {  	v20 =	vadd.f32 $1.000000000e+00, v20;
	_ =	sdelay $0x1  }
0x4c5: {  	s17 =	spop (v2sf);
	[tilespmem:s29+$0x0] =	vst v20  }
0x4c6: {  	(v2sf) =	vpush v18, $0x9;
	v20 =	vld [tilespmem:s17+$0x0];
	_ =	sdelay $0x4  }
0x4c7: {  	v20 =	vadd.f32 $1.000000000e+00, v20;
	_ =	sdelay $0x1  }
0x4c8: {  	s21 =	spop (v2sf);
	[tilespmem:s17+$0x0] =	vst v20  }
0x4c9: {  	(v2sf) =	vpush v19, $0xA;
	v20 =	vld [tilespmem:s21+$0x0];
	_ =	sdelay $0x4  }
0x4ca: {  	v20 =	vadd.f32 $1.000000000e+00, v20;
	_ =	sdelay $0x1  }
0x4cb: {  	s22 =	spop (v2sf);
	[tilespmem:s21+$0x0] =	vst v20  }
0x4cc: {  	(v2sf) =	vpush v18, $0xB;
	v20 =	vld [tilespmem:s22+$0x0];
	_ =	sdelay $0x4  }
0x4cd: {  	v20 =	vadd.f32 $1.000000000e+00, v20;
	_ =	sdelay $0x1  }
0x4ce: {  	s29 =	spop (v2sf);
	[tilespmem:s22+$0x0] =	vst v20  }
0x4cf: {  	(v2sf) =	vpush v19, $0xC;
	v20 =	vld [tilespmem:s29+$0x0];
	_ =	sdelay $0x4  }
0x4d0: {  	v20 =	vadd.f32 $1.000000000e+00, v20;
	_ =	sdelay $0x1  }
0x4d1: {  	s17 =	spop (v2sf);
	[tilespmem:s29+$0x0] =	vst v20  }
0x4d2: {  	(v2sf) =	vpush v18, $0xD;
	v20 =	vld [tilespmem:s17+$0x0];
	_ =	sdelay $0x4  }
0x4d3: {  	v20 =	vadd.f32 $1.000000000e+00, v20;
	_ =	sdelay $0x1  }
0x4d4: {  	s21 =	spop (v2sf);
	[tilespmem:s17+$0x0] =	vst v20  }
0x4d5: {  	(v2sf) =	vpush v19, $0xE;
	v20 =	vld [tilespmem:s21+$0x0];
	_ =	sdelay $0x4  }
0x4d6: {  	v19 =	vadd.f32 $1.000000000e+00, v20;
	_ =	sdelay $0x1  }
0x4d7: {  	s22 =	spop (v2sf);
	[tilespmem:s21+$0x0] =	vst v19  }
0x4d8: {  	(v2sf) =	vpush v18, $0xF;
	v19 =	vld [tilespmem:s22+$0x0];
	_ =	sdelay $0x4  }
0x4d9: {  	v18 =	vadd.f32 $1.000000000e+00, v19;
	_ =	sdelay $0x1  }
0x4da: {  	s29 =	spop (v2sf);
	[tilespmem:s22+$0x0] =	vst v18  }
0x4db: {  	v18 =	vld [tilespmem:s29+$0x0];
	_ =	sdelay $0x4  }
0x4dc: {  	v18 =	vadd.f32 $1.000000000e+00, v18;
	_ =	sdelay $0x1  }
0x4dd: {  	s21 =	spop (v2sf);
	[tilespmem:s29+$0x0] =	vst v18  }
0x4de: {  	v18 =	vld [tilespmem:s21+$0x0];
	_ =	sdelay $0x4  }
0x4df: {  	s16 =	simm.s32 $0x40;
	s17 =	simm.s32 $0x80;
	v18 =	vadd.f32 $1.000000000e+00, v18  }
.LBB2_17:
0x4e0: {  	p0 =	sne.s32 s17, $0x1C0  }
0x4e1: {  	s22 =	sshra.s32 s16, $0x2;
	s16 =	smov.u32 s17;
	s17 =	sadd.s32 $0x40, s17;
	[tilespmem:s21+$0x0] =	vst v18  }
0x4e2: {  	v18 =	vld [tilespmem:s22+$0x10480];
	_ =	sdelay $0x4  }
0x4e3: {  	v18 =	vsub.s32 v18, v0  }
0x4e4: {  	v18 =	vshll.u32 v18, $0x4  }
0x4e5: {  	v19 =	vadd.s32 $0x10600, v18;
	v18 =	vadd.s32 $0x11600, v18  }
0x4e6: {  	(v2sf) =	vpush v19, $0x0;
	_ =	sdelay $0x7  }
0x4e7: {  	(v2sf) =	vpush v18, $0x1;
	_ =	sdelay $0x6  }
0x4e8: {  	s21 =	spop (v2sf)  }
0x4e9: {  	v20 =	vld [tilespmem:s21+$0x0];
	(v2sf) =	vpush v19, $0x2;
	_ =	sdelay $0x4  }
0x4ea: {  	v20 =	vadd.f32 $1.000000000e+00, v20;
	_ =	sdelay $0x1  }
0x4eb: {  	[tilespmem:s21+$0x0] =	vst v20;
	s21 =	spop (v2sf)  }
0x4ec: {  	v20 =	vld [tilespmem:s21+$0x0];
	(v2sf) =	vpush v18, $0x3;
	_ =	sdelay $0x4  }
0x4ed: {  	v20 =	vadd.f32 $1.000000000e+00, v20;
	_ =	sdelay $0x1  }
0x4ee: {  	[tilespmem:s21+$0x0] =	vst v20;
	s21 =	spop (v2sf)  }
0x4ef: {  	v20 =	vld [tilespmem:s21+$0x0];
	(v2sf) =	vpush v19, $0x4;
	_ =	sdelay $0x4  }
0x4f0: {  	v20 =	vadd.f32 $1.000000000e+00, v20;
	_ =	sdelay $0x1  }
0x4f1: {  	[tilespmem:s21+$0x0] =	vst v20;
	s21 =	spop (v2sf)  }
0x4f2: {  	v20 =	vld [tilespmem:s21+$0x0];
	(v2sf) =	vpush v18, $0x5;
	_ =	sdelay $0x4  }
0x4f3: {  	v20 =	vadd.f32 $1.000000000e+00, v20;
	_ =	sdelay $0x1  }
0x4f4: {  	[tilespmem:s21+$0x0] =	vst v20;
	s21 =	spop (v2sf)  }
0x4f5: {  	v20 =	vld [tilespmem:s21+$0x0];
	(v2sf) =	vpush v19, $0x6;
	_ =	sdelay $0x4  }
0x4f6: {  	v20 =	vadd.f32 $1.000000000e+00, v20;
	_ =	sdelay $0x1  }
0x4f7: {  	[tilespmem:s21+$0x0] =	vst v20;
	s21 =	spop (v2sf)  }
0x4f8: {  	v20 =	vld [tilespmem:s21+$0x0];
	(v2sf) =	vpush v18, $0x7;
	_ =	sdelay $0x4  }
0x4f9: {  	v20 =	vadd.f32 $1.000000000e+00, v20;
	_ =	sdelay $0x1  }
0x4fa: {  	[tilespmem:s21+$0x0] =	vst v20;
	s21 =	spop (v2sf)  }
0x4fb: {  	v20 =	vld [tilespmem:s21+$0x0];
	(v2sf) =	vpush v19, $0x8;
	_ =	sdelay $0x4  }
0x4fc: {  	v20 =	vadd.f32 $1.000000000e+00, v20;
	_ =	sdelay $0x1  }
0x4fd: {  	[tilespmem:s21+$0x0] =	vst v20;
	s21 =	spop (v2sf)  }
0x4fe: {  	v20 =	vld [tilespmem:s21+$0x0];
	(v2sf) =	vpush v18, $0x9;
	_ =	sdelay $0x4  }
0x4ff: {  	v20 =	vadd.f32 $1.000000000e+00, v20;
	_ =	sdelay $0x1  }
0x500: {  	[tilespmem:s21+$0x0] =	vst v20;
	s21 =	spop (v2sf)  }
0x501: {  	v20 =	vld [tilespmem:s21+$0x0];
	(v2sf) =	vpush v19, $0xA;
	_ =	sdelay $0x4  }
0x502: {  	v20 =	vadd.f32 $1.000000000e+00, v20;
	_ =	sdelay $0x1  }
0x503: {  	[tilespmem:s21+$0x0] =	vst v20;
	s21 =	spop (v2sf)  }
0x504: {  	v20 =	vld [tilespmem:s21+$0x0];
	(v2sf) =	vpush v18, $0xB;
	_ =	sdelay $0x4  }
0x505: {  	v20 =	vadd.f32 $1.000000000e+00, v20;
	_ =	sdelay $0x1  }
0x506: {  	[tilespmem:s21+$0x0] =	vst v20;
	s21 =	spop (v2sf)  }
0x507: {  	v20 =	vld [tilespmem:s21+$0x0];
	(v2sf) =	vpush v19, $0xC;
	_ =	sdelay $0x4  }
0x508: {  	v20 =	vadd.f32 $1.000000000e+00, v20;
	_ =	sdelay $0x1  }
0x509: {  	[tilespmem:s21+$0x0] =	vst v20;
	s21 =	spop (v2sf)  }
0x50a: {  	v20 =	vld [tilespmem:s21+$0x0];
	(v2sf) =	vpush v18, $0xD;
	_ =	sdelay $0x4  }
0x50b: {  	v20 =	vadd.f32 $1.000000000e+00, v20;
	_ =	sdelay $0x1  }
0x50c: {  	[tilespmem:s21+$0x0] =	vst v20;
	s21 =	spop (v2sf)  }
0x50d: {  	v20 =	vld [tilespmem:s21+$0x0];
	(v2sf) =	vpush v19, $0xE;
	_ =	sdelay $0x4  }
0x50e: {  	v19 =	vadd.f32 $1.000000000e+00, v20;
	_ =	sdelay $0x1  }
0x50f: {  	[tilespmem:s21+$0x0] =	vst v19;
	s21 =	spop (v2sf)  }
0x510: {  	v19 =	vld [tilespmem:s21+$0x0];
	(v2sf) =	vpush v18, $0xF;
	_ =	sdelay $0x4  }
0x511: {  	v18 =	vadd.f32 $1.000000000e+00, v19;
	_ =	sdelay $0x1  }
0x512: {  	[tilespmem:s21+$0x0] =	vst v18;
	s21 =	spop (v2sf)  }
0x513: {  	v18 =	vld [tilespmem:s21+$0x0];
	_ =	sdelay $0x4  }
0x514: {  	v18 =	vadd.f32 $1.000000000e+00, v18;
	_ =	sdelay $0x1  }
0x515: {  	[tilespmem:s21+$0x0] =	vst v18;
	s21 =	spop (v2sf)  }
0x516: {  	v18 =	vld [tilespmem:s21+$0x0]  }
.Ltmp7:
0x517: {  	(pc) =	sbr.rel @p0 .LBB2_17-.Ltmp7, $2  }
0x518: {  	_ =	sdelay $0x2  }
0x519: {  	v18 =	vadd.f32 $1.000000000e+00, v18  }
0x51a: {  	_ = 	snop  }
0x51b: {  	s16 =	sshra.s32 s16, $0x2;
	[tilespmem:s21+$0x0] =	vst v18  }
0x51c: {  	v18 =	vld [tilespmem:s16+$0x10480];
	_ =	sdelay $0x4  }
0x51d: {  	v18 =	vsub.s32 v18, v0  }
0x51e: {  	v18 =	vshll.u32 v18, $0x4  }
0x51f: {  	v19 =	vadd.s32 $0x10600, v18  }
0x520: {  	(v2sf) =	vpush v19, $0x0;
	_ =	sdelay $0x6  }
0x521: {  	v18 =	vadd.s32 $0x11600, v18  }
0x522: {  	(v2sf) =	vpush v18, $0x1;
	_ =	sdelay $0x6  }
0x523: {  	s17 =	spop (v2sf)  }
0x524: {  	(v2sf) =	vpush v19, $0x2;
	v20 =	vld [tilespmem:s17+$0x0];
	_ =	sdelay $0x4  }
0x525: {  	v20 =	vadd.f32 $1.000000000e+00, v20;
	_ =	sdelay $0x1  }
0x526: {  	s21 =	spop (v2sf);
	[tilespmem:s17+$0x0] =	vst v20  }
0x527: {  	(v2sf) =	vpush v18, $0x3;
	v20 =	vld [tilespmem:s21+$0x0];
	_ =	sdelay $0x4  }
0x528: {  	v20 =	vadd.f32 $1.000000000e+00, v20;
	_ =	sdelay $0x1  }
0x529: {  	s22 =	spop (v2sf);
	[tilespmem:s21+$0x0] =	vst v20  }
0x52a: {  	(v2sf) =	vpush v19, $0x4;
	v20 =	vld [tilespmem:s22+$0x0];
	_ =	sdelay $0x4  }
0x52b: {  	v20 =	vadd.f32 $1.000000000e+00, v20;
	_ =	sdelay $0x1  }
0x52c: {  	s29 =	spop (v2sf);
	[tilespmem:s22+$0x0] =	vst v20  }
0x52d: {  	(v2sf) =	vpush v18, $0x5;
	v20 =	vld [tilespmem:s29+$0x0];
	_ =	sdelay $0x4  }
0x52e: {  	v20 =	vadd.f32 $1.000000000e+00, v20;
	_ =	sdelay $0x1  }
0x52f: {  	s17 =	spop (v2sf);
	[tilespmem:s29+$0x0] =	vst v20  }
0x530: {  	(v2sf) =	vpush v19, $0x6;
	v20 =	vld [tilespmem:s17+$0x0];
	_ =	sdelay $0x4  }
0x531: {  	v20 =	vadd.f32 $1.000000000e+00, v20;
	_ =	sdelay $0x1  }
0x532: {  	s21 =	spop (v2sf);
	[tilespmem:s17+$0x0] =	vst v20  }
0x533: {  	(v2sf) =	vpush v18, $0x7;
	v20 =	vld [tilespmem:s21+$0x0];
	_ =	sdelay $0x4  }
0x534: {  	v20 =	vadd.f32 $1.000000000e+00, v20;
	_ =	sdelay $0x1  }
0x535: {  	s22 =	spop (v2sf);
	[tilespmem:s21+$0x0] =	vst v20  }
0x536: {  	(v2sf) =	vpush v19, $0x8;
	v20 =	vld [tilespmem:s22+$0x0];
	_ =	sdelay $0x4  }
0x537: {  	v20 =	vadd.f32 $1.000000000e+00, v20;
	_ =	sdelay $0x1  }
0x538: {  	s29 =	spop (v2sf);
	[tilespmem:s22+$0x0] =	vst v20  }
0x539: {  	(v2sf) =	vpush v18, $0x9;
	v20 =	vld [tilespmem:s29+$0x0];
	_ =	sdelay $0x4  }
0x53a: {  	v20 =	vadd.f32 $1.000000000e+00, v20;
	_ =	sdelay $0x1  }
0x53b: {  	s17 =	spop (v2sf);
	[tilespmem:s29+$0x0] =	vst v20  }
0x53c: {  	(v2sf) =	vpush v19, $0xA;
	v20 =	vld [tilespmem:s17+$0x0];
	_ =	sdelay $0x4  }
0x53d: {  	v20 =	vadd.f32 $1.000000000e+00, v20;
	_ =	sdelay $0x1  }
0x53e: {  	s21 =	spop (v2sf);
	[tilespmem:s17+$0x0] =	vst v20  }
0x53f: {  	(v2sf) =	vpush v18, $0xB;
	v20 =	vld [tilespmem:s21+$0x0];
	_ =	sdelay $0x4  }
0x540: {  	v20 =	vadd.f32 $1.000000000e+00, v20;
	_ =	sdelay $0x1  }
0x541: {  	s22 =	spop (v2sf);
	[tilespmem:s21+$0x0] =	vst v20  }
0x542: {  	(v2sf) =	vpush v19, $0xC;
	v20 =	vld [tilespmem:s22+$0x0];
	_ =	sdelay $0x4  }
0x543: {  	v20 =	vadd.f32 $1.000000000e+00, v20;
	_ =	sdelay $0x1  }
0x544: {  	s29 =	spop (v2sf);
	[tilespmem:s22+$0x0] =	vst v20  }
0x545: {  	(v2sf) =	vpush v18, $0xD;
	v20 =	vld [tilespmem:s29+$0x0];
	_ =	sdelay $0x4  }
0x546: {  	v20 =	vadd.f32 $1.000000000e+00, v20;
	_ =	sdelay $0x1  }
0x547: {  	s17 =	spop (v2sf);
	[tilespmem:s29+$0x0] =	vst v20  }
0x548: {  	(v2sf) =	vpush v19, $0xE;
	v20 =	vld [tilespmem:s17+$0x0];
	_ =	sdelay $0x4  }
0x549: {  	v19 =	vadd.f32 $1.000000000e+00, v20;
	_ =	sdelay $0x1  }
0x54a: {  	s21 =	spop (v2sf);
	[tilespmem:s17+$0x0] =	vst v19  }
0x54b: {  	(v2sf) =	vpush v18, $0xF;
	v19 =	vld [tilespmem:s21+$0x0];
	_ =	sdelay $0x4  }
0x54c: {  	v18 =	vadd.f32 $1.000000000e+00, v19;
	_ =	sdelay $0x1  }
0x54d: {  	s22 =	spop (v2sf);
	[tilespmem:s21+$0x0] =	vst v18  }
0x54e: {  	v18 =	vld [tilespmem:s22+$0x0];
	_ =	sdelay $0x4  }
0x54f: {  	v18 =	vadd.f32 $1.000000000e+00, v18;
	_ =	sdelay $0x1  }
0x550: {  	s29 =	spop (v2sf);
	[tilespmem:s22+$0x0] =	vst v18  }
0x551: {  	v18 =	vld [tilespmem:s29+$0x0]  }
0x552: {  	s11 =	sadd.s32 $0x1, s11  }
0x553: {  	p0 =	sne.s32 s11, $0xF  }
.Ltmp8:
0x554: {  	_ = 	snop;
	(pc) =	sbr.rel @p0 .LBB2_10-.Ltmp8, $3  }
0x555: {  	_ = 	snop  }
0x556: {  	v18 =	vadd.f32 $1.000000000e+00, v18;
	_ =	sdelay $0x1  }
0x557: {  	[tilespmem:s29+$0x0] =	vst v18  }
0x558: {  	_ =	swait.ge [sflag:s23], $0x4000  }
0x559: {  	[sflag:s23] =	ssyncset.done $0x0  }
0x55a: {  	[sflag:s23] =	ssyncadd.s32 $0xFFFFC000  }
0x55b: {  	_ =	swait.ge [sflag:s23], $0x80  }
0x55c: {  	[sflag:s23] =	ssyncset.done $0x0  }
0x55d: {  	[sflag:s23] =	ssyncadd.s32 $0xFFFFFF80  }
0x55e: {  	_ =	swait.ge [sflag:s23], $0x80  }
0x55f: {  	[sflag:s23] =	ssyncset.done $0x0  }
0x560: {  	[sflag:s23] =	ssyncadd.s32 $0xFFFFFF80  }
0x561: {  	v18 =	vld [tilespmem:$0x10100]  }
0x562: {  	v19 =	vld [tilespmem:$0x10300]  }
0x563: {  	v20 =	vld [tilespmem:$0x10110]  }
0x564: {  	v21 =	vld [tilespmem:$0x10310]  }
0x565: {  	v22 =	vld [tilespmem:$0x10120]  }
0x566: {  	v23 =	vld [tilespmem:$0x10320]  }
0x567: {  	v24 =	vld [tilespmem:$0x10130]  }
0x568: {  	v25 =	vld [tilespmem:$0x10330]  }
0x569: {  	v26 =	vld [tilespmem:$0x10140]  }
0x56a: {  	v27 =	vld [tilespmem:$0x10340]  }
0x56b: {  	v28 =	vld [tilespmem:$0x10150]  }
0x56c: {  	v29 =	vld [tilespmem:$0x10350]  }
0x56d: {  	v30 =	vld [tilespmem:$0x10160]  }
0x56e: {  	v31 =	vld [tilespmem:$0x10360];
	v18 =	vshll.u32 v18, $0x4;
	v19 =	vadd.s32 v0, v19  }
0x56f: {  	v62 =	vld [tilespmem:$0x10170];
	v18 =	vadd.s32 v18, v19;
	v19 =	vshll.u32 v20, $0x4;
	v20 =	vadd.s32 v0, v21  }
0x570: {  	v63 =	vld [tilespmem:$0x10370];
	[tilespmem:$0x10500] =	vst v18;
	v18 =	vadd.s32 v19, v20;
	v19 =	vshll.u32 v22, $0x4;
	v20 =	vadd.s32 v0, v23  }
0x571: {  	[tilespmem:$0x10510] =	vst v18;
	v18 =	vadd.s32 v19, v20;
	v19 =	vshll.u32 v24, $0x4;
	v20 =	vadd.s32 v0, v25  }
0x572: {  	[tilespmem:$0x10520] =	vst v18;
	v18 =	vadd.s32 v19, v20;
	v19 =	vshll.u32 v26, $0x4;
	v20 =	vadd.s32 v0, v27  }
0x573: {  	[tilespmem:$0x10530] =	vst v18;
	v18 =	vadd.s32 v19, v20;
	v19 =	vshll.u32 v28, $0x4;
	v20 =	vadd.s32 v0, v29  }
0x574: {  	[tilespmem:$0x10540] =	vst v18;
	v18 =	vadd.s32 v19, v20;
	v19 =	vshll.u32 v30, $0x4;
	v20 =	vadd.s32 v0, v31  }
0x575: {  	[tilespmem:$0x10550] =	vst v18;
	v18 =	vadd.s32 v19, v20;
	v19 =	vshll.u32 v62, $0x4;
	v20 =	vadd.s32 v0, v63  }
0x576: {  	[tilespmem:$0x10560] =	vst v18;
	v18 =	vadd.s32 v19, v20  }
0x577: {  	s11 =	simm.s32 $0x10500;
	[tilespmem:$0x10570] =	vst v18  }
0x578: {  	[spmem:s4] =	stream.indirect.scatter.add.f32 [tilespmem:s15], [sflag:$0x7], $0x80, s11, s13, $0xb8;
	[tilespmem:$0x1A600] =	vst v63  }
0x579: {  	_ =	swait.ge [sflag:s9], $0x4000  }
0x57a: {  	[sflag:s9] =	ssyncset.done $0x0  }
0x57b: {  	s29 =	simm.s32 $0x0;
	[sflag:s9] =	ssyncadd.s32 $0xFFFFC000  }
0x57c: {  	v18 =	vld [tilespmem:s29+$0x10500];
	_ =	sdelay $0x4  }
0x57d: {  	v18 =	vsub.s32 v18, v0  }
0x57e: {  	v18 =	vshll.u32 v18, $0x4  }
0x57f: {  	v19 =	vadd.s32 $0x10600, v18  }
0x580: {  	(v2sf) =	vpush v19, $0x0;
	_ =	sdelay $0x6  }
0x581: {  	v18 =	vadd.s32 $0x11600, v18  }
0x582: {  	(v2sf) =	vpush v18, $0x1;
	_ =	sdelay $0x6  }
0x583: {  	s16 =	spop (v2sf)  }
0x584: {  	(v2sf) =	vpush v19, $0x2;
	v20 =	vld [tilespmem:s16+$0x0];
	_ =	sdelay $0x4  }
0x585: {  	v20 =	vadd.f32 $1.000000000e+00, v20;
	_ =	sdelay $0x1  }
0x586: {  	s17 =	spop (v2sf);
	[tilespmem:s16+$0x0] =	vst v20  }
0x587: {  	(v2sf) =	vpush v18, $0x3;
	v20 =	vld [tilespmem:s17+$0x0];
	_ =	sdelay $0x4  }
0x588: {  	v20 =	vadd.f32 $1.000000000e+00, v20;
	_ =	sdelay $0x1  }
0x589: {  	s21 =	spop (v2sf);
	[tilespmem:s17+$0x0] =	vst v20  }
0x58a: {  	(v2sf) =	vpush v19, $0x4;
	v20 =	vld [tilespmem:s21+$0x0];
	_ =	sdelay $0x4  }
0x58b: {  	v20 =	vadd.f32 $1.000000000e+00, v20;
	_ =	sdelay $0x1  }
0x58c: {  	s22 =	spop (v2sf);
	[tilespmem:s21+$0x0] =	vst v20  }
0x58d: {  	(v2sf) =	vpush v18, $0x5;
	v20 =	vld [tilespmem:s22+$0x0];
	_ =	sdelay $0x4  }
0x58e: {  	v20 =	vadd.f32 $1.000000000e+00, v20;
	_ =	sdelay $0x1  }
0x58f: {  	s29 =	spop (v2sf);
	[tilespmem:s22+$0x0] =	vst v20  }
0x590: {  	(v2sf) =	vpush v19, $0x6;
	v20 =	vld [tilespmem:s29+$0x0];
	_ =	sdelay $0x4  }
0x591: {  	v20 =	vadd.f32 $1.000000000e+00, v20;
	_ =	sdelay $0x1  }
0x592: {  	s16 =	spop (v2sf);
	[tilespmem:s29+$0x0] =	vst v20  }
0x593: {  	(v2sf) =	vpush v18, $0x7;
	v20 =	vld [tilespmem:s16+$0x0];
	_ =	sdelay $0x4  }
0x594: {  	v20 =	vadd.f32 $1.000000000e+00, v20;
	_ =	sdelay $0x1  }
0x595: {  	s17 =	spop (v2sf);
	[tilespmem:s16+$0x0] =	vst v20  }
0x596: {  	(v2sf) =	vpush v19, $0x8;
	v20 =	vld [tilespmem:s17+$0x0];
	_ =	sdelay $0x4  }
0x597: {  	v20 =	vadd.f32 $1.000000000e+00, v20;
	_ =	sdelay $0x1  }
0x598: {  	s21 =	spop (v2sf);
	[tilespmem:s17+$0x0] =	vst v20  }
0x599: {  	(v2sf) =	vpush v18, $0x9;
	v20 =	vld [tilespmem:s21+$0x0];
	_ =	sdelay $0x4  }
0x59a: {  	v20 =	vadd.f32 $1.000000000e+00, v20;
	_ =	sdelay $0x1  }
0x59b: {  	s22 =	spop (v2sf);
	[tilespmem:s21+$0x0] =	vst v20  }
0x59c: {  	(v2sf) =	vpush v19, $0xA;
	v20 =	vld [tilespmem:s22+$0x0];
	_ =	sdelay $0x4  }
0x59d: {  	v20 =	vadd.f32 $1.000000000e+00, v20;
	_ =	sdelay $0x1  }
0x59e: {  	s29 =	spop (v2sf);
	[tilespmem:s22+$0x0] =	vst v20  }
0x59f: {  	(v2sf) =	vpush v18, $0xB;
	v20 =	vld [tilespmem:s29+$0x0];
	_ =	sdelay $0x4  }
0x5a0: {  	v20 =	vadd.f32 $1.000000000e+00, v20;
	_ =	sdelay $0x1  }
0x5a1: {  	s16 =	spop (v2sf);
	[tilespmem:s29+$0x0] =	vst v20  }
0x5a2: {  	(v2sf) =	vpush v19, $0xC;
	v20 =	vld [tilespmem:s16+$0x0];
	_ =	sdelay $0x4  }
0x5a3: {  	v20 =	vadd.f32 $1.000000000e+00, v20;
	_ =	sdelay $0x1  }
0x5a4: {  	s17 =	spop (v2sf);
	[tilespmem:s16+$0x0] =	vst v20  }
0x5a5: {  	(v2sf) =	vpush v18, $0xD;
	v20 =	vld [tilespmem:s17+$0x0];
	_ =	sdelay $0x4  }
0x5a6: {  	v20 =	vadd.f32 $1.000000000e+00, v20;
	_ =	sdelay $0x1  }
0x5a7: {  	s21 =	spop (v2sf);
	[tilespmem:s17+$0x0] =	vst v20  }
0x5a8: {  	(v2sf) =	vpush v19, $0xE;
	v20 =	vld [tilespmem:s21+$0x0];
	_ =	sdelay $0x4  }
0x5a9: {  	v19 =	vadd.f32 $1.000000000e+00, v20;
	_ =	sdelay $0x1  }
0x5aa: {  	s22 =	spop (v2sf);
	[tilespmem:s21+$0x0] =	vst v19  }
0x5ab: {  	(v2sf) =	vpush v18, $0xF;
	v19 =	vld [tilespmem:s22+$0x0];
	_ =	sdelay $0x4  }
0x5ac: {  	v18 =	vadd.f32 $1.000000000e+00, v19;
	_ =	sdelay $0x1  }
0x5ad: {  	s29 =	spop (v2sf);
	[tilespmem:s22+$0x0] =	vst v18  }
0x5ae: {  	v18 =	vld [tilespmem:s29+$0x0];
	_ =	sdelay $0x4  }
0x5af: {  	v18 =	vadd.f32 $1.000000000e+00, v18;
	_ =	sdelay $0x1  }
0x5b0: {  	s17 =	spop (v2sf);
	[tilespmem:s29+$0x0] =	vst v18  }
0x5b1: {  	v18 =	vld [tilespmem:s17+$0x0];
	_ =	sdelay $0x4  }
0x5b2: {  	s11 =	simm.s32 $0x40;
	s16 =	simm.s32 $0x80;
	v18 =	vadd.f32 $1.000000000e+00, v18  }
.LBB2_20:
0x5b3: {  	p0 =	sne.s32 s16, $0x1C0  }
0x5b4: {  	s21 =	sshra.s32 s11, $0x2;
	s11 =	smov.u32 s16;
	s16 =	sadd.s32 $0x40, s16;
	[tilespmem:s17+$0x0] =	vst v18  }
0x5b5: {  	v18 =	vld [tilespmem:s21+$0x10500];
	_ =	sdelay $0x4  }
0x5b6: {  	v18 =	vsub.s32 v18, v0  }
0x5b7: {  	v18 =	vshll.u32 v18, $0x4  }
0x5b8: {  	v19 =	vadd.s32 $0x10600, v18;
	v18 =	vadd.s32 $0x11600, v18  }
0x5b9: {  	(v2sf) =	vpush v19, $0x0;
	_ =	sdelay $0x7  }
0x5ba: {  	(v2sf) =	vpush v18, $0x1;
	_ =	sdelay $0x6  }
0x5bb: {  	s17 =	spop (v2sf)  }
0x5bc: {  	v20 =	vld [tilespmem:s17+$0x0];
	(v2sf) =	vpush v19, $0x2;
	_ =	sdelay $0x4  }
0x5bd: {  	v20 =	vadd.f32 $1.000000000e+00, v20;
	_ =	sdelay $0x1  }
0x5be: {  	[tilespmem:s17+$0x0] =	vst v20;
	s17 =	spop (v2sf)  }
0x5bf: {  	v20 =	vld [tilespmem:s17+$0x0];
	(v2sf) =	vpush v18, $0x3;
	_ =	sdelay $0x4  }
0x5c0: {  	v20 =	vadd.f32 $1.000000000e+00, v20;
	_ =	sdelay $0x1  }
0x5c1: {  	[tilespmem:s17+$0x0] =	vst v20;
	s17 =	spop (v2sf)  }
0x5c2: {  	v20 =	vld [tilespmem:s17+$0x0];
	(v2sf) =	vpush v19, $0x4;
	_ =	sdelay $0x4  }
0x5c3: {  	v20 =	vadd.f32 $1.000000000e+00, v20;
	_ =	sdelay $0x1  }
0x5c4: {  	[tilespmem:s17+$0x0] =	vst v20;
	s17 =	spop (v2sf)  }
0x5c5: {  	v20 =	vld [tilespmem:s17+$0x0];
	(v2sf) =	vpush v18, $0x5;
	_ =	sdelay $0x4  }
0x5c6: {  	v20 =	vadd.f32 $1.000000000e+00, v20;
	_ =	sdelay $0x1  }
0x5c7: {  	[tilespmem:s17+$0x0] =	vst v20;
	s17 =	spop (v2sf)  }
0x5c8: {  	v20 =	vld [tilespmem:s17+$0x0];
	(v2sf) =	vpush v19, $0x6;
	_ =	sdelay $0x4  }
0x5c9: {  	v20 =	vadd.f32 $1.000000000e+00, v20;
	_ =	sdelay $0x1  }
0x5ca: {  	[tilespmem:s17+$0x0] =	vst v20;
	s17 =	spop (v2sf)  }
0x5cb: {  	v20 =	vld [tilespmem:s17+$0x0];
	(v2sf) =	vpush v18, $0x7;
	_ =	sdelay $0x4  }
0x5cc: {  	v20 =	vadd.f32 $1.000000000e+00, v20;
	_ =	sdelay $0x1  }
0x5cd: {  	[tilespmem:s17+$0x0] =	vst v20;
	s17 =	spop (v2sf)  }
0x5ce: {  	v20 =	vld [tilespmem:s17+$0x0];
	(v2sf) =	vpush v19, $0x8;
	_ =	sdelay $0x4  }
0x5cf: {  	v20 =	vadd.f32 $1.000000000e+00, v20;
	_ =	sdelay $0x1  }
0x5d0: {  	[tilespmem:s17+$0x0] =	vst v20;
	s17 =	spop (v2sf)  }
0x5d1: {  	v20 =	vld [tilespmem:s17+$0x0];
	(v2sf) =	vpush v18, $0x9;
	_ =	sdelay $0x4  }
0x5d2: {  	v20 =	vadd.f32 $1.000000000e+00, v20;
	_ =	sdelay $0x1  }
0x5d3: {  	[tilespmem:s17+$0x0] =	vst v20;
	s17 =	spop (v2sf)  }
0x5d4: {  	v20 =	vld [tilespmem:s17+$0x0];
	(v2sf) =	vpush v19, $0xA;
	_ =	sdelay $0x4  }
0x5d5: {  	v20 =	vadd.f32 $1.000000000e+00, v20;
	_ =	sdelay $0x1  }
0x5d6: {  	[tilespmem:s17+$0x0] =	vst v20;
	s17 =	spop (v2sf)  }
0x5d7: {  	v20 =	vld [tilespmem:s17+$0x0];
	(v2sf) =	vpush v18, $0xB;
	_ =	sdelay $0x4  }
0x5d8: {  	v20 =	vadd.f32 $1.000000000e+00, v20;
	_ =	sdelay $0x1  }
0x5d9: {  	[tilespmem:s17+$0x0] =	vst v20;
	s17 =	spop (v2sf)  }
0x5da: {  	v20 =	vld [tilespmem:s17+$0x0];
	(v2sf) =	vpush v19, $0xC;
	_ =	sdelay $0x4  }
0x5db: {  	v20 =	vadd.f32 $1.000000000e+00, v20;
	_ =	sdelay $0x1  }
0x5dc: {  	[tilespmem:s17+$0x0] =	vst v20;
	s17 =	spop (v2sf)  }
0x5dd: {  	v20 =	vld [tilespmem:s17+$0x0];
	(v2sf) =	vpush v18, $0xD;
	_ =	sdelay $0x4  }
0x5de: {  	v20 =	vadd.f32 $1.000000000e+00, v20;
	_ =	sdelay $0x1  }
0x5df: {  	[tilespmem:s17+$0x0] =	vst v20;
	s17 =	spop (v2sf)  }
0x5e0: {  	v20 =	vld [tilespmem:s17+$0x0];
	(v2sf) =	vpush v19, $0xE;
	_ =	sdelay $0x4  }
0x5e1: {  	v19 =	vadd.f32 $1.000000000e+00, v20;
	_ =	sdelay $0x1  }
0x5e2: {  	[tilespmem:s17+$0x0] =	vst v19;
	s17 =	spop (v2sf)  }
0x5e3: {  	v19 =	vld [tilespmem:s17+$0x0];
	(v2sf) =	vpush v18, $0xF;
	_ =	sdelay $0x4  }
0x5e4: {  	v18 =	vadd.f32 $1.000000000e+00, v19;
	_ =	sdelay $0x1  }
0x5e5: {  	[tilespmem:s17+$0x0] =	vst v18;
	s17 =	spop (v2sf)  }
0x5e6: {  	v18 =	vld [tilespmem:s17+$0x0];
	_ =	sdelay $0x4  }
0x5e7: {  	v18 =	vadd.f32 $1.000000000e+00, v18;
	_ =	sdelay $0x1  }
0x5e8: {  	[tilespmem:s17+$0x0] =	vst v18;
	s17 =	spop (v2sf)  }
0x5e9: {  	v18 =	vld [tilespmem:s17+$0x0]  }
.Ltmp9:
0x5ea: {  	(pc) =	sbr.rel @p0 .LBB2_20-.Ltmp9, $2  }
0x5eb: {  	_ =	sdelay $0x2  }
0x5ec: {  	v18 =	vadd.f32 $1.000000000e+00, v18  }
0x5ed: {  	_ = 	snop  }
0x5ee: {  	s11 =	sshra.s32 s11, $0x2;
	[tilespmem:s17+$0x0] =	vst v18  }
0x5ef: {  	v18 =	vld [tilespmem:s11+$0x10500];
	_ =	sdelay $0x4  }
0x5f0: {  	v18 =	vsub.s32 v18, v0  }
0x5f1: {  	v18 =	vshll.u32 v18, $0x4  }
0x5f2: {  	v19 =	vadd.s32 $0x10600, v18  }
0x5f3: {  	(v2sf) =	vpush v19, $0x0;
	_ =	sdelay $0x6  }
0x5f4: {  	v18 =	vadd.s32 $0x11600, v18  }
0x5f5: {  	(v2sf) =	vpush v18, $0x1;
	_ =	sdelay $0x6  }
0x5f6: {  	s16 =	spop (v2sf)  }
0x5f7: {  	(v2sf) =	vpush v19, $0x2;
	v20 =	vld [tilespmem:s16+$0x0];
	_ =	sdelay $0x4  }
0x5f8: {  	v20 =	vadd.f32 $1.000000000e+00, v20;
	_ =	sdelay $0x1  }
0x5f9: {  	s17 =	spop (v2sf);
	[tilespmem:s16+$0x0] =	vst v20  }
0x5fa: {  	(v2sf) =	vpush v18, $0x3;
	v20 =	vld [tilespmem:s17+$0x0];
	_ =	sdelay $0x4  }
0x5fb: {  	v20 =	vadd.f32 $1.000000000e+00, v20;
	_ =	sdelay $0x1  }
0x5fc: {  	s21 =	spop (v2sf);
	[tilespmem:s17+$0x0] =	vst v20  }
0x5fd: {  	(v2sf) =	vpush v19, $0x4;
	v20 =	vld [tilespmem:s21+$0x0];
	_ =	sdelay $0x4  }
0x5fe: {  	v20 =	vadd.f32 $1.000000000e+00, v20;
	_ =	sdelay $0x1  }
0x5ff: {  	s22 =	spop (v2sf);
	[tilespmem:s21+$0x0] =	vst v20  }
0x600: {  	(v2sf) =	vpush v18, $0x5;
	v20 =	vld [tilespmem:s22+$0x0];
	_ =	sdelay $0x4  }
0x601: {  	v20 =	vadd.f32 $1.000000000e+00, v20;
	_ =	sdelay $0x1  }
0x602: {  	s16 =	spop (v2sf);
	[tilespmem:s22+$0x0] =	vst v20  }
0x603: {  	(v2sf) =	vpush v19, $0x6;
	v20 =	vld [tilespmem:s16+$0x0];
	_ =	sdelay $0x4  }
0x604: {  	v20 =	vadd.f32 $1.000000000e+00, v20;
	_ =	sdelay $0x1  }
0x605: {  	s17 =	spop (v2sf);
	[tilespmem:s16+$0x0] =	vst v20  }
0x606: {  	(v2sf) =	vpush v18, $0x7;
	v20 =	vld [tilespmem:s17+$0x0];
	_ =	sdelay $0x4  }
0x607: {  	v20 =	vadd.f32 $1.000000000e+00, v20;
	_ =	sdelay $0x1  }
0x608: {  	s21 =	spop (v2sf);
	[tilespmem:s17+$0x0] =	vst v20  }
0x609: {  	(v2sf) =	vpush v19, $0x8;
	v20 =	vld [tilespmem:s21+$0x0];
	_ =	sdelay $0x4  }
0x60a: {  	v20 =	vadd.f32 $1.000000000e+00, v20;
	_ =	sdelay $0x1  }
0x60b: {  	s22 =	spop (v2sf);
	[tilespmem:s21+$0x0] =	vst v20  }
0x60c: {  	(v2sf) =	vpush v18, $0x9;
	v20 =	vld [tilespmem:s22+$0x0];
	_ =	sdelay $0x4  }
0x60d: {  	v20 =	vadd.f32 $1.000000000e+00, v20;
	_ =	sdelay $0x1  }
0x60e: {  	s16 =	spop (v2sf);
	[tilespmem:s22+$0x0] =	vst v20  }
0x60f: {  	(v2sf) =	vpush v19, $0xA;
	v20 =	vld [tilespmem:s16+$0x0];
	_ =	sdelay $0x4  }
0x610: {  	v20 =	vadd.f32 $1.000000000e+00, v20;
	_ =	sdelay $0x1  }
0x611: {  	s17 =	spop (v2sf);
	[tilespmem:s16+$0x0] =	vst v20  }
0x612: {  	(v2sf) =	vpush v18, $0xB;
	v20 =	vld [tilespmem:s17+$0x0];
	_ =	sdelay $0x4  }
0x613: {  	v20 =	vadd.f32 $1.000000000e+00, v20;
	_ =	sdelay $0x1  }
0x614: {  	s21 =	spop (v2sf);
	[tilespmem:s17+$0x0] =	vst v20  }
0x615: {  	(v2sf) =	vpush v19, $0xC;
	v20 =	vld [tilespmem:s21+$0x0];
	_ =	sdelay $0x4  }
0x616: {  	v20 =	vadd.f32 $1.000000000e+00, v20;
	_ =	sdelay $0x1  }
0x617: {  	s22 =	spop (v2sf);
	[tilespmem:s21+$0x0] =	vst v20  }
0x618: {  	(v2sf) =	vpush v18, $0xD;
	v20 =	vld [tilespmem:s22+$0x0];
	_ =	sdelay $0x4  }
0x619: {  	v20 =	vadd.f32 $1.000000000e+00, v20;
	_ =	sdelay $0x1  }
0x61a: {  	s16 =	spop (v2sf);
	[tilespmem:s22+$0x0] =	vst v20  }
0x61b: {  	(v2sf) =	vpush v19, $0xE;
	v20 =	vld [tilespmem:s16+$0x0];
	_ =	sdelay $0x4  }
0x61c: {  	v19 =	vadd.f32 $1.000000000e+00, v20;
	_ =	sdelay $0x1  }
0x61d: {  	s17 =	spop (v2sf);
	[tilespmem:s16+$0x0] =	vst v19  }
0x61e: {  	(v2sf) =	vpush v18, $0xF;
	v19 =	vld [tilespmem:s17+$0x0];
	_ =	sdelay $0x4  }
0x61f: {  	v18 =	vadd.f32 $1.000000000e+00, v19;
	_ =	sdelay $0x1  }
0x620: {  	s21 =	spop (v2sf);
	[tilespmem:s17+$0x0] =	vst v18  }
0x621: {  	v18 =	vld [tilespmem:s21+$0x0];
	_ =	sdelay $0x4  }
0x622: {  	v18 =	vadd.f32 $1.000000000e+00, v18;
	_ =	sdelay $0x1  }
0x623: {  	s22 =	spop (v2sf);
	[tilespmem:s21+$0x0] =	vst v18  }
0x624: {  	v18 =	vld [tilespmem:s22+$0x0];
	_ =	sdelay $0x4  }
0x625: {  	v18 =	vadd.f32 $1.000000000e+00, v18;
	_ =	sdelay $0x1  }
0x626: {  	[tilespmem:s22+$0x0] =	vst v18  }
0x627: {  	_ =	swait.ge [sflag:s10], $0x4000  }
0x628: {  	[sflag:s10] =	ssyncset.done $0x0  }
0x629: {  	[sflag:s10] =	ssyncadd.s32 $0xFFFFC000  }
0x62a: {  	_ =	swait.ge [sflag:s10], $0x80  }
0x62b: {  	[sflag:s10] =	ssyncset.done $0x0  }
0x62c: {  	[sflag:s10] =	ssyncadd.s32 $0xFFFFFF80  }
0x62d: {  	_ =	swait.ge [sflag:s10], $0x80  }
0x62e: {  	[sflag:s10] =	ssyncset.done $0x0  }
0x62f: {  	[sflag:s10] =	ssyncadd.s32 $0xFFFFFF80  }
0x630: {  	v18 =	vld [tilespmem:$0x10180]  }
0x631: {  	v19 =	vld [tilespmem:$0x10380]  }
0x632: {  	v20 =	vld [tilespmem:$0x10190]  }
0x633: {  	v21 =	vld [tilespmem:$0x10390]  }
0x634: {  	v22 =	vld [tilespmem:$0x101A0]  }
0x635: {  	v23 =	vld [tilespmem:$0x103A0]  }
0x636: {  	v24 =	vld [tilespmem:$0x101B0]  }
0x637: {  	v25 =	vld [tilespmem:$0x103B0]  }
0x638: {  	v26 =	vld [tilespmem:$0x101C0]  }
0x639: {  	v27 =	vld [tilespmem:$0x103C0]  }
0x63a: {  	v28 =	vld [tilespmem:$0x101D0]  }
0x63b: {  	v29 =	vld [tilespmem:$0x103D0]  }
0x63c: {  	v30 =	vld [tilespmem:$0x101E0]  }
0x63d: {  	v31 =	vld [tilespmem:$0x103E0];
	v18 =	vshll.u32 v18, $0x4;
	v19 =	vadd.s32 v0, v19  }
0x63e: {  	v62 =	vld [tilespmem:$0x101F0];
	v18 =	vadd.s32 v18, v19;
	v19 =	vshll.u32 v20, $0x4;
	v20 =	vadd.s32 v0, v21  }
0x63f: {  	v63 =	vld [tilespmem:$0x103F0];
	[tilespmem:$0x10580] =	vst v18;
	v18 =	vadd.s32 v19, v20;
	v19 =	vshll.u32 v22, $0x4;
	v20 =	vadd.s32 v0, v23  }
0x640: {  	[tilespmem:$0x10590] =	vst v18;
	v18 =	vadd.s32 v19, v20;
	v19 =	vshll.u32 v24, $0x4;
	v20 =	vadd.s32 v0, v25  }
0x641: {  	[tilespmem:$0x105A0] =	vst v18;
	v18 =	vadd.s32 v19, v20;
	v19 =	vshll.u32 v26, $0x4;
	v20 =	vadd.s32 v0, v27  }
0x642: {  	[tilespmem:$0x105B0] =	vst v18;
	v18 =	vadd.s32 v19, v20;
	v19 =	vshll.u32 v28, $0x4;
	v20 =	vadd.s32 v0, v29  }
0x643: {  	[tilespmem:$0x105C0] =	vst v18;
	v18 =	vadd.s32 v19, v20;
	v19 =	vshll.u32 v30, $0x4;
	v20 =	vadd.s32 v0, v31  }
0x644: {  	[tilespmem:$0x105D0] =	vst v18;
	v18 =	vadd.s32 v19, v20;
	v19 =	vshll.u32 v62, $0x4;
	v20 =	vadd.s32 v0, v63  }
0x645: {  	[tilespmem:$0x105E0] =	vst v18;
	v18 =	vadd.s32 v19, v20  }
0x646: {  	[tilespmem:$0x105F0] =	vst v18  }
0x647: {  	[spmem:s4] =	stream.indirect.scatter.add.f32 [tilespmem:s20], [sflag:$0x8], $0x80, s31, s13, $0xb8;
	[tilespmem:$0x1A600] =	vst v63  }
0x648: {  	_ =	swait.ge [sflag:s0], $0x4000  }
0x649: {  	[sflag:s0] =	ssyncset.done $0x0  }
0x64a: {  	s16 =	simm.s32 $0x0;
	[sflag:s0] =	ssyncadd.s32 $0xFFFFC000  }
0x64b: {  	v18 =	vld [tilespmem:s16+$0x10580];
	_ =	sdelay $0x4  }
0x64c: {  	v18 =	vsub.s32 v18, v0  }
0x64d: {  	v18 =	vshll.u32 v18, $0x4  }
0x64e: {  	v19 =	vadd.s32 $0x10600, v18  }
0x64f: {  	(v2sf) =	vpush v19, $0x0;
	_ =	sdelay $0x6  }
0x650: {  	v18 =	vadd.s32 $0x11600, v18  }
0x651: {  	(v2sf) =	vpush v18, $0x1;
	_ =	sdelay $0x6  }
0x652: {  	s17 =	spop (v2sf)  }
0x653: {  	(v2sf) =	vpush v19, $0x2;
	v20 =	vld [tilespmem:s17+$0x0];
	_ =	sdelay $0x4  }
0x654: {  	v20 =	vadd.f32 $1.000000000e+00, v20;
	_ =	sdelay $0x1  }
0x655: {  	s21 =	spop (v2sf);
	[tilespmem:s17+$0x0] =	vst v20  }
0x656: {  	(v2sf) =	vpush v18, $0x3;
	v20 =	vld [tilespmem:s21+$0x0];
	_ =	sdelay $0x4  }
0x657: {  	v20 =	vadd.f32 $1.000000000e+00, v20;
	_ =	sdelay $0x1  }
0x658: {  	s22 =	spop (v2sf);
	[tilespmem:s21+$0x0] =	vst v20  }
0x659: {  	(v2sf) =	vpush v19, $0x4;
	v20 =	vld [tilespmem:s22+$0x0];
	_ =	sdelay $0x4  }
0x65a: {  	v20 =	vadd.f32 $1.000000000e+00, v20;
	_ =	sdelay $0x1  }
0x65b: {  	s16 =	spop (v2sf);
	[tilespmem:s22+$0x0] =	vst v20  }
0x65c: {  	(v2sf) =	vpush v18, $0x5;
	v20 =	vld [tilespmem:s16+$0x0];
	_ =	sdelay $0x4  }
0x65d: {  	v20 =	vadd.f32 $1.000000000e+00, v20;
	_ =	sdelay $0x1  }
0x65e: {  	s17 =	spop (v2sf);
	[tilespmem:s16+$0x0] =	vst v20  }
0x65f: {  	(v2sf) =	vpush v19, $0x6;
	v20 =	vld [tilespmem:s17+$0x0];
	_ =	sdelay $0x4  }
0x660: {  	v20 =	vadd.f32 $1.000000000e+00, v20;
	_ =	sdelay $0x1  }
0x661: {  	s21 =	spop (v2sf);
	[tilespmem:s17+$0x0] =	vst v20  }
0x662: {  	(v2sf) =	vpush v18, $0x7;
	v20 =	vld [tilespmem:s21+$0x0];
	_ =	sdelay $0x4  }
0x663: {  	v20 =	vadd.f32 $1.000000000e+00, v20;
	_ =	sdelay $0x1  }
0x664: {  	s22 =	spop (v2sf);
	[tilespmem:s21+$0x0] =	vst v20  }
0x665: {  	(v2sf) =	vpush v19, $0x8;
	v20 =	vld [tilespmem:s22+$0x0];
	_ =	sdelay $0x4  }
0x666: {  	v20 =	vadd.f32 $1.000000000e+00, v20;
	_ =	sdelay $0x1  }
0x667: {  	s16 =	spop (v2sf);
	[tilespmem:s22+$0x0] =	vst v20  }
0x668: {  	(v2sf) =	vpush v18, $0x9;
	v20 =	vld [tilespmem:s16+$0x0];
	_ =	sdelay $0x4  }
0x669: {  	v20 =	vadd.f32 $1.000000000e+00, v20;
	_ =	sdelay $0x1  }
0x66a: {  	s17 =	spop (v2sf);
	[tilespmem:s16+$0x0] =	vst v20  }
0x66b: {  	(v2sf) =	vpush v19, $0xA;
	v20 =	vld [tilespmem:s17+$0x0];
	_ =	sdelay $0x4  }
0x66c: {  	v20 =	vadd.f32 $1.000000000e+00, v20;
	_ =	sdelay $0x1  }
0x66d: {  	s21 =	spop (v2sf);
	[tilespmem:s17+$0x0] =	vst v20  }
0x66e: {  	(v2sf) =	vpush v18, $0xB;
	v20 =	vld [tilespmem:s21+$0x0];
	_ =	sdelay $0x4  }
0x66f: {  	v20 =	vadd.f32 $1.000000000e+00, v20;
	_ =	sdelay $0x1  }
0x670: {  	s22 =	spop (v2sf);
	[tilespmem:s21+$0x0] =	vst v20  }
0x671: {  	(v2sf) =	vpush v19, $0xC;
	v20 =	vld [tilespmem:s22+$0x0];
	_ =	sdelay $0x4  }
0x672: {  	v20 =	vadd.f32 $1.000000000e+00, v20;
	_ =	sdelay $0x1  }
0x673: {  	s16 =	spop (v2sf);
	[tilespmem:s22+$0x0] =	vst v20  }
0x674: {  	(v2sf) =	vpush v18, $0xD;
	v20 =	vld [tilespmem:s16+$0x0];
	_ =	sdelay $0x4  }
0x675: {  	v20 =	vadd.f32 $1.000000000e+00, v20;
	_ =	sdelay $0x1  }
0x676: {  	s17 =	spop (v2sf);
	[tilespmem:s16+$0x0] =	vst v20  }
0x677: {  	(v2sf) =	vpush v19, $0xE;
	v20 =	vld [tilespmem:s17+$0x0];
	_ =	sdelay $0x4  }
0x678: {  	v19 =	vadd.f32 $1.000000000e+00, v20;
	_ =	sdelay $0x1  }
0x679: {  	s21 =	spop (v2sf);
	[tilespmem:s17+$0x0] =	vst v19  }
0x67a: {  	(v2sf) =	vpush v18, $0xF;
	v19 =	vld [tilespmem:s21+$0x0];
	_ =	sdelay $0x4  }
0x67b: {  	v18 =	vadd.f32 $1.000000000e+00, v19;
	_ =	sdelay $0x1  }
0x67c: {  	s22 =	spop (v2sf);
	[tilespmem:s21+$0x0] =	vst v18  }
0x67d: {  	v18 =	vld [tilespmem:s22+$0x0];
	_ =	sdelay $0x4  }
0x67e: {  	v18 =	vadd.f32 $1.000000000e+00, v18;
	_ =	sdelay $0x1  }
0x67f: {  	s17 =	spop (v2sf);
	[tilespmem:s22+$0x0] =	vst v18  }
0x680: {  	v18 =	vld [tilespmem:s17+$0x0];
	_ =	sdelay $0x3  }
0x681: {  	s29 =	rddreg [dreg:$0x7]  }
0x682: {  	s11 =	simm.s32 $0x40;
	s16 =	simm.s32 $0x80;
	s22 =	rddreg [dreg:$0x5];
	v18 =	vadd.f32 $1.000000000e+00, v18  }
.LBB2_22:
0x683: {  	p0 =	sne.s32 s16, $0x1C0  }
0x684: {  	s21 =	sshra.s32 s11, $0x2;
	s11 =	smov.u32 s16;
	s16 =	sadd.s32 $0x40, s16;
	[tilespmem:s17+$0x0] =	vst v18  }
0x685: {  	v18 =	vld [tilespmem:s21+$0x10580];
	_ =	sdelay $0x4  }
0x686: {  	v18 =	vsub.s32 v18, v0  }
0x687: {  	v18 =	vshll.u32 v18, $0x4  }
0x688: {  	v19 =	vadd.s32 $0x10600, v18;
	v18 =	vadd.s32 $0x11600, v18  }
0x689: {  	(v2sf) =	vpush v19, $0x0;
	_ =	sdelay $0x7  }
0x68a: {  	(v2sf) =	vpush v18, $0x1;
	_ =	sdelay $0x6  }
0x68b: {  	s17 =	spop (v2sf)  }
0x68c: {  	v20 =	vld [tilespmem:s17+$0x0];
	(v2sf) =	vpush v19, $0x2;
	_ =	sdelay $0x4  }
0x68d: {  	v20 =	vadd.f32 $1.000000000e+00, v20;
	_ =	sdelay $0x1  }
0x68e: {  	[tilespmem:s17+$0x0] =	vst v20;
	s17 =	spop (v2sf)  }
0x68f: {  	v20 =	vld [tilespmem:s17+$0x0];
	(v2sf) =	vpush v18, $0x3;
	_ =	sdelay $0x4  }
0x690: {  	v20 =	vadd.f32 $1.000000000e+00, v20;
	_ =	sdelay $0x1  }
0x691: {  	[tilespmem:s17+$0x0] =	vst v20;
	s17 =	spop (v2sf)  }
0x692: {  	v20 =	vld [tilespmem:s17+$0x0];
	(v2sf) =	vpush v19, $0x4;
	_ =	sdelay $0x4  }
0x693: {  	v20 =	vadd.f32 $1.000000000e+00, v20;
	_ =	sdelay $0x1  }
0x694: {  	[tilespmem:s17+$0x0] =	vst v20;
	s17 =	spop (v2sf)  }
0x695: {  	v20 =	vld [tilespmem:s17+$0x0];
	(v2sf) =	vpush v18, $0x5;
	_ =	sdelay $0x4  }
0x696: {  	v20 =	vadd.f32 $1.000000000e+00, v20;
	_ =	sdelay $0x1  }
0x697: {  	[tilespmem:s17+$0x0] =	vst v20;
	s17 =	spop (v2sf)  }
0x698: {  	v20 =	vld [tilespmem:s17+$0x0];
	(v2sf) =	vpush v19, $0x6;
	_ =	sdelay $0x4  }
0x699: {  	v20 =	vadd.f32 $1.000000000e+00, v20;
	_ =	sdelay $0x1  }
0x69a: {  	[tilespmem:s17+$0x0] =	vst v20;
	s17 =	spop (v2sf)  }
0x69b: {  	v20 =	vld [tilespmem:s17+$0x0];
	(v2sf) =	vpush v18, $0x7;
	_ =	sdelay $0x4  }
0x69c: {  	v20 =	vadd.f32 $1.000000000e+00, v20;
	_ =	sdelay $0x1  }
0x69d: {  	[tilespmem:s17+$0x0] =	vst v20;
	s17 =	spop (v2sf)  }
0x69e: {  	v20 =	vld [tilespmem:s17+$0x0];
	(v2sf) =	vpush v19, $0x8;
	_ =	sdelay $0x4  }
0x69f: {  	v20 =	vadd.f32 $1.000000000e+00, v20;
	_ =	sdelay $0x1  }
0x6a0: {  	[tilespmem:s17+$0x0] =	vst v20;
	s17 =	spop (v2sf)  }
0x6a1: {  	v20 =	vld [tilespmem:s17+$0x0];
	(v2sf) =	vpush v18, $0x9;
	_ =	sdelay $0x4  }
0x6a2: {  	v20 =	vadd.f32 $1.000000000e+00, v20;
	_ =	sdelay $0x1  }
0x6a3: {  	[tilespmem:s17+$0x0] =	vst v20;
	s17 =	spop (v2sf)  }
0x6a4: {  	v20 =	vld [tilespmem:s17+$0x0];
	(v2sf) =	vpush v19, $0xA;
	_ =	sdelay $0x4  }
0x6a5: {  	v20 =	vadd.f32 $1.000000000e+00, v20;
	_ =	sdelay $0x1  }
0x6a6: {  	[tilespmem:s17+$0x0] =	vst v20;
	s17 =	spop (v2sf)  }
0x6a7: {  	v20 =	vld [tilespmem:s17+$0x0];
	(v2sf) =	vpush v18, $0xB;
	_ =	sdelay $0x4  }
0x6a8: {  	v20 =	vadd.f32 $1.000000000e+00, v20;
	_ =	sdelay $0x1  }
0x6a9: {  	[tilespmem:s17+$0x0] =	vst v20;
	s17 =	spop (v2sf)  }
0x6aa: {  	v20 =	vld [tilespmem:s17+$0x0];
	(v2sf) =	vpush v19, $0xC;
	_ =	sdelay $0x4  }
0x6ab: {  	v20 =	vadd.f32 $1.000000000e+00, v20;
	_ =	sdelay $0x1  }
0x6ac: {  	[tilespmem:s17+$0x0] =	vst v20;
	s17 =	spop (v2sf)  }
0x6ad: {  	v20 =	vld [tilespmem:s17+$0x0];
	(v2sf) =	vpush v18, $0xD;
	_ =	sdelay $0x4  }
0x6ae: {  	v20 =	vadd.f32 $1.000000000e+00, v20;
	_ =	sdelay $0x1  }
0x6af: {  	[tilespmem:s17+$0x0] =	vst v20;
	s17 =	spop (v2sf)  }
0x6b0: {  	v20 =	vld [tilespmem:s17+$0x0];
	(v2sf) =	vpush v19, $0xE;
	_ =	sdelay $0x4  }
0x6b1: {  	v19 =	vadd.f32 $1.000000000e+00, v20;
	_ =	sdelay $0x1  }
0x6b2: {  	[tilespmem:s17+$0x0] =	vst v19;
	s17 =	spop (v2sf)  }
0x6b3: {  	v19 =	vld [tilespmem:s17+$0x0];
	(v2sf) =	vpush v18, $0xF;
	_ =	sdelay $0x4  }
0x6b4: {  	v18 =	vadd.f32 $1.000000000e+00, v19;
	_ =	sdelay $0x1  }
0x6b5: {  	[tilespmem:s17+$0x0] =	vst v18;
	s17 =	spop (v2sf)  }
0x6b6: {  	v18 =	vld [tilespmem:s17+$0x0];
	_ =	sdelay $0x4  }
0x6b7: {  	v18 =	vadd.f32 $1.000000000e+00, v18;
	_ =	sdelay $0x1  }
0x6b8: {  	[tilespmem:s17+$0x0] =	vst v18;
	s17 =	spop (v2sf)  }
0x6b9: {  	v18 =	vld [tilespmem:s17+$0x0]  }
.Ltmp10:
0x6ba: {  	(pc) =	sbr.rel @p0 .LBB2_22-.Ltmp10, $2  }
0x6bb: {  	_ =	sdelay $0x2  }
0x6bc: {  	v18 =	vadd.f32 $1.000000000e+00, v18  }
0x6bd: {  	_ = 	snop  }
0x6be: {  	s11 =	sshra.s32 s11, $0x2;
	[tilespmem:s17+$0x0] =	vst v18  }
0x6bf: {  	v18 =	vld [tilespmem:s11+$0x10580];
	_ =	sdelay $0x4  }
0x6c0: {  	v18 =	vsub.s32 v18, v0  }
0x6c1: {  	v18 =	vshll.u32 v18, $0x4  }
0x6c2: {  	v19 =	vadd.s32 $0x10600, v18  }
0x6c3: {  	(v2sf) =	vpush v19, $0x0;
	_ =	sdelay $0x6  }
0x6c4: {  	v18 =	vadd.s32 $0x11600, v18  }
0x6c5: {  	(v2sf) =	vpush v18, $0x1;
	_ =	sdelay $0x6  }
0x6c6: {  	s17 =	spop (v2sf)  }
0x6c7: {  	(v2sf) =	vpush v19, $0x2;
	v20 =	vld [tilespmem:s17+$0x0];
	_ =	sdelay $0x4  }
0x6c8: {  	v20 =	vadd.f32 $1.000000000e+00, v20;
	_ =	sdelay $0x1  }
0x6c9: {  	s21 =	spop (v2sf);
	[tilespmem:s17+$0x0] =	vst v20  }
0x6ca: {  	(v2sf) =	vpush v18, $0x3;
	v20 =	vld [tilespmem:s21+$0x0];
	_ =	sdelay $0x4  }
0x6cb: {  	v20 =	vadd.f32 $1.000000000e+00, v20;
	_ =	sdelay $0x1  }
0x6cc: {  	s16 =	spop (v2sf);
	[tilespmem:s21+$0x0] =	vst v20  }
0x6cd: {  	(v2sf) =	vpush v19, $0x4;
	v20 =	vld [tilespmem:s16+$0x0];
	_ =	sdelay $0x4  }
0x6ce: {  	v20 =	vadd.f32 $1.000000000e+00, v20;
	_ =	sdelay $0x1  }
0x6cf: {  	s17 =	spop (v2sf);
	[tilespmem:s16+$0x0] =	vst v20  }
0x6d0: {  	(v2sf) =	vpush v18, $0x5;
	v20 =	vld [tilespmem:s17+$0x0];
	_ =	sdelay $0x4  }
0x6d1: {  	v20 =	vadd.f32 $1.000000000e+00, v20;
	_ =	sdelay $0x1  }
0x6d2: {  	s21 =	spop (v2sf);
	[tilespmem:s17+$0x0] =	vst v20  }
0x6d3: {  	(v2sf) =	vpush v19, $0x6;
	v20 =	vld [tilespmem:s21+$0x0];
	_ =	sdelay $0x4  }
0x6d4: {  	v20 =	vadd.f32 $1.000000000e+00, v20;
	_ =	sdelay $0x1  }
0x6d5: {  	s16 =	spop (v2sf);
	[tilespmem:s21+$0x0] =	vst v20  }
0x6d6: {  	(v2sf) =	vpush v18, $0x7;
	v20 =	vld [tilespmem:s16+$0x0];
	_ =	sdelay $0x4  }
0x6d7: {  	v20 =	vadd.f32 $1.000000000e+00, v20;
	_ =	sdelay $0x1  }
0x6d8: {  	s17 =	spop (v2sf);
	[tilespmem:s16+$0x0] =	vst v20  }
0x6d9: {  	(v2sf) =	vpush v19, $0x8;
	v20 =	vld [tilespmem:s17+$0x0];
	_ =	sdelay $0x4  }
0x6da: {  	v20 =	vadd.f32 $1.000000000e+00, v20;
	_ =	sdelay $0x1  }
0x6db: {  	s21 =	spop (v2sf);
	[tilespmem:s17+$0x0] =	vst v20  }
0x6dc: {  	(v2sf) =	vpush v18, $0x9;
	v20 =	vld [tilespmem:s21+$0x0];
	_ =	sdelay $0x4  }
0x6dd: {  	v20 =	vadd.f32 $1.000000000e+00, v20;
	_ =	sdelay $0x1  }
0x6de: {  	s16 =	spop (v2sf);
	[tilespmem:s21+$0x0] =	vst v20  }
0x6df: {  	(v2sf) =	vpush v19, $0xA;
	v20 =	vld [tilespmem:s16+$0x0];
	_ =	sdelay $0x4  }
0x6e0: {  	v20 =	vadd.f32 $1.000000000e+00, v20;
	_ =	sdelay $0x1  }
0x6e1: {  	s17 =	spop (v2sf);
	[tilespmem:s16+$0x0] =	vst v20  }
0x6e2: {  	(v2sf) =	vpush v18, $0xB;
	v20 =	vld [tilespmem:s17+$0x0];
	_ =	sdelay $0x4  }
0x6e3: {  	v20 =	vadd.f32 $1.000000000e+00, v20;
	_ =	sdelay $0x1  }
0x6e4: {  	s21 =	spop (v2sf);
	[tilespmem:s17+$0x0] =	vst v20  }
0x6e5: {  	(v2sf) =	vpush v19, $0xC;
	v20 =	vld [tilespmem:s21+$0x0];
	_ =	sdelay $0x4  }
0x6e6: {  	v20 =	vadd.f32 $1.000000000e+00, v20;
	_ =	sdelay $0x1  }
0x6e7: {  	s16 =	spop (v2sf);
	[tilespmem:s21+$0x0] =	vst v20  }
0x6e8: {  	(v2sf) =	vpush v18, $0xD;
	v20 =	vld [tilespmem:s16+$0x0];
	_ =	sdelay $0x4  }
0x6e9: {  	v20 =	vadd.f32 $1.000000000e+00, v20;
	_ =	sdelay $0x1  }
0x6ea: {  	s17 =	spop (v2sf);
	[tilespmem:s16+$0x0] =	vst v20  }
0x6eb: {  	(v2sf) =	vpush v19, $0xE;
	v20 =	vld [tilespmem:s17+$0x0];
	_ =	sdelay $0x4  }
0x6ec: {  	v19 =	vadd.f32 $1.000000000e+00, v20;
	_ =	sdelay $0x1  }
0x6ed: {  	s21 =	spop (v2sf);
	[tilespmem:s17+$0x0] =	vst v19  }
0x6ee: {  	(v2sf) =	vpush v18, $0xF;
	v19 =	vld [tilespmem:s21+$0x0];
	_ =	sdelay $0x4  }
0x6ef: {  	v18 =	vadd.f32 $1.000000000e+00, v19;
	_ =	sdelay $0x1  }
0x6f0: {  	s16 =	spop (v2sf);
	[tilespmem:s21+$0x0] =	vst v18  }
0x6f1: {  	v18 =	vld [tilespmem:s16+$0x0];
	_ =	sdelay $0x4  }
0x6f2: {  	v18 =	vadd.f32 $1.000000000e+00, v18;
	_ =	sdelay $0x1  }
0x6f3: {  	s17 =	spop (v2sf);
	[tilespmem:s16+$0x0] =	vst v18  }
0x6f4: {  	v18 =	vld [tilespmem:s17+$0x0];
	_ =	sdelay $0x4  }
0x6f5: {  	v18 =	vadd.f32 $1.000000000e+00, v18;
	_ =	sdelay $0x1  }
0x6f6: {  	[tilespmem:s17+$0x0] =	vst v18  }
0x6f7: {  	_ =	swait.ge [sflag:s7], $0x4000  }
0x6f8: {  	[sflag:s7] =	ssyncset.done $0x0  }
0x6f9: {  	[sflag:s7] =	ssyncadd.s32 $0xFFFFC000  }
0x6fa: {  	_ =	swait.ge [sflag:s5], $0x4000  }
0x6fb: {  	[sflag:s5] =	ssyncset.done $0x0  }
0x6fc: {  	s21 =	simm.s32 $0x0;
	[sflag:s5] =	ssyncadd.s32 $0xFFFFC000  }
0x6fd: {  	v18 =	vld [tilespmem:s21+$0x11600]  }
0x6fe: {  	v19 =	vld [tilespmem:s21+$0x10600];
	_ =	sdelay $0x4  }
0x6ff: {  	v18 =	vadd.f32 v18, v19  }
0x700: {  	s11 =	simm.s32 $0x40  }
0x701: {  	[tilespmem:s11+$0xFFFFFFC0] =	vst v18  }
0x702: {  	[tilespmem:s11+$0xFFFFFFD0] =	vst v18  }
0x703: {  	[tilespmem:s11+$0xFFFFFFE0] =	vst v18  }
0x704: {  	[tilespmem:s11+$0xFFFFFFF0] =	vst v18  }
0x705: {  	[tilespmem:s11+$0x0] =	vst v18  }
0x706: {  	[tilespmem:s11+$0x10] =	vst v18  }
0x707: {  	[tilespmem:s11+$0x20] =	vst v18  }
0x708: {  	s17 =	simm.s32 $0x10;
	[tilespmem:s11+$0x30] =	vst v18  }
0x709: {  	s16 =	simm.s32 $0x80;
	v18 =	vld [tilespmem:s17+$0x11600]  }
.LBB2_24:
0x70a: {  	p0 =	sne.s32 s16, $0x1FC0;
	v19 =	vld [tilespmem:s17+$0x10600];
	_ =	sdelay $0x4  }
0x70b: {  	v18 =	vadd.f32 v18, v19  }
0x70c: {  	s11 =	sadd.s32 $0x80, s11  }
0x70d: {  	[tilespmem:s11+$0xFFFFFFC0] =	vst v18  }
0x70e: {  	[tilespmem:s11+$0xFFFFFFD0] =	vst v18  }
0x70f: {  	[tilespmem:s11+$0xFFFFFFE0] =	vst v18  }
0x710: {  	[tilespmem:s11+$0xFFFFFFF0] =	vst v18  }
.Ltmp11:
0x711: {  	[tilespmem:s11+$0x0] =	vst v18;
	(pc) =	sbr.rel @p0 .LBB2_24-.Ltmp11, $4  }
0x712: {  	[tilespmem:s11+$0x10] =	vst v18  }
0x713: {  	[tilespmem:s11+$0x20] =	vst v18  }
0x714: {  	s17 =	sshra.s32 s16, $0x2;
	[tilespmem:s11+$0x30] =	vst v18  }
0x715: {  	s16 =	sadd.s32 $0x40, s16;
	v18 =	vld [tilespmem:s17+$0x11600]  }
0x716: {  	v19 =	vld [tilespmem:s17+$0x10600];
	_ =	sdelay $0x4  }
0x717: {  	v18 =	vadd.f32 v18, v19  }
0x718: {  	s11 =	sadd.s32 $0x80, s11  }
0x719: {  	[tilespmem:s11+$0xFFFFFFC0] =	vst v18  }
0x71a: {  	[tilespmem:s11+$0xFFFFFFD0] =	vst v18  }
0x71b: {  	[tilespmem:s11+$0xFFFFFFE0] =	vst v18  }
0x71c: {  	[tilespmem:s11+$0xFFFFFFF0] =	vst v18  }
0x71d: {  	[tilespmem:s11+$0x0] =	vst v18  }
0x71e: {  	[tilespmem:s11+$0x10] =	vst v18  }
0x71f: {  	[tilespmem:s11+$0x20] =	vst v18  }
0x720: {  	[tilespmem:s11+$0x30] =	vst v18  }
0x721: {  	[tilespmem:$0x10400] =	vst v1  }
0x722: {  	[tilespmem:$0x10410] =	vst v2  }
0x723: {  	[tilespmem:$0x10420] =	vst v3  }
0x724: {  	[tilespmem:$0x10430] =	vst v4  }
0x725: {  	[tilespmem:$0x10440] =	vst v5  }
0x726: {  	[tilespmem:$0x10450] =	vst v6  }
0x727: {  	[tilespmem:$0x10460] =	vst v7  }
0x728: {  	s17 =	simm.s32 $0x0;
	s21 =	simm.s32 $0x0;
	[tilespmem:$0x10470] =	vst v8  }
0x729: {  	[spmem:s22] =	stream.indirect.scatter.add.f32 [tilespmem:s17], [sflag:$0x5], $0x80, s14, s13, $0xb8;
	[tilespmem:$0x1A600] =	vst v63  }
0x72a: {  	v18 =	vld [tilespmem:s21+$0x11E00]  }
0x72b: {  	v19 =	vld [tilespmem:s21+$0x10E00];
	_ =	sdelay $0x4  }
0x72c: {  	v18 =	vadd.f32 v18, v19  }
0x72d: {  	s11 =	simm.s32 $0x4040  }
0x72e: {  	[tilespmem:s11+$0xFFFFFFC0] =	vst v18  }
0x72f: {  	[tilespmem:s11+$0xFFFFFFD0] =	vst v18  }
0x730: {  	[tilespmem:s11+$0xFFFFFFE0] =	vst v18  }
0x731: {  	[tilespmem:s11+$0xFFFFFFF0] =	vst v18  }
0x732: {  	[tilespmem:s11+$0x0] =	vst v18  }
0x733: {  	[tilespmem:s11+$0x10] =	vst v18  }
0x734: {  	[tilespmem:s11+$0x20] =	vst v18  }
0x735: {  	s17 =	simm.s32 $0x10;
	[tilespmem:s11+$0x30] =	vst v18  }
0x736: {  	s16 =	simm.s32 $0x80;
	v18 =	vld [tilespmem:s17+$0x11E00]  }
.LBB2_26:
0x737: {  	p0 =	sne.s32 s16, $0x1FC0;
	v19 =	vld [tilespmem:s17+$0x10E00];
	_ =	sdelay $0x4  }
0x738: {  	v18 =	vadd.f32 v18, v19  }
0x739: {  	s11 =	sadd.s32 $0x80, s11  }
0x73a: {  	[tilespmem:s11+$0xFFFFFFC0] =	vst v18  }
0x73b: {  	[tilespmem:s11+$0xFFFFFFD0] =	vst v18  }
0x73c: {  	[tilespmem:s11+$0xFFFFFFE0] =	vst v18  }
0x73d: {  	[tilespmem:s11+$0xFFFFFFF0] =	vst v18  }
.Ltmp12:
0x73e: {  	[tilespmem:s11+$0x0] =	vst v18;
	(pc) =	sbr.rel @p0 .LBB2_26-.Ltmp12, $4  }
0x73f: {  	[tilespmem:s11+$0x10] =	vst v18  }
0x740: {  	[tilespmem:s11+$0x20] =	vst v18  }
0x741: {  	s17 =	sshra.s32 s16, $0x2;
	[tilespmem:s11+$0x30] =	vst v18  }
0x742: {  	s16 =	sadd.s32 $0x40, s16;
	v18 =	vld [tilespmem:s17+$0x11E00]  }
0x743: {  	v19 =	vld [tilespmem:s17+$0x10E00];
	_ =	sdelay $0x4  }
0x744: {  	v18 =	vadd.f32 v18, v19  }
0x745: {  	s11 =	sadd.s32 $0x80, s11  }
0x746: {  	[tilespmem:s11+$0xFFFFFFC0] =	vst v18  }
0x747: {  	[tilespmem:s11+$0xFFFFFFD0] =	vst v18  }
0x748: {  	[tilespmem:s11+$0xFFFFFFE0] =	vst v18  }
0x749: {  	[tilespmem:s11+$0xFFFFFFF0] =	vst v18  }
0x74a: {  	[tilespmem:s11+$0x0] =	vst v18  }
0x74b: {  	[tilespmem:s11+$0x10] =	vst v18  }
0x74c: {  	[tilespmem:s11+$0x20] =	vst v18  }
0x74d: {  	[tilespmem:s11+$0x30] =	vst v18  }
0x74e: {  	[tilespmem:$0x10480] =	vst v9  }
0x74f: {  	[tilespmem:$0x10490] =	vst v10  }
0x750: {  	[tilespmem:$0x104A0] =	vst v11  }
0x751: {  	[tilespmem:$0x104B0] =	vst v12  }
0x752: {  	[tilespmem:$0x104C0] =	vst v13  }
0x753: {  	[tilespmem:$0x104D0] =	vst v14  }
0x754: {  	[tilespmem:$0x104E0] =	vst v15  }
0x755: {  	[tilespmem:$0x104F0] =	vst v16  }
0x756: {  	[spmem:s22] =	stream.indirect.scatter.add.f32 [tilespmem:s6], [sflag:$0x6], $0x80, s19, s13, $0xb8;
	[tilespmem:$0x1A600] =	vst v63  }
0x757: {  	_ =	swait.ge [sflag:s9], $0x4000  }
0x758: {  	[sflag:s9] =	ssyncset.done $0x0  }
0x759: {  	[sflag:s9] =	ssyncadd.s32 $0xFFFFC000  }
0x75a: {  	_ =	swait.ge [sflag:s0], $0x4000  }
0x75b: {  	[sflag:s0] =	ssyncset.done $0x0  }
0x75c: {  	[sflag:s0] =	ssyncadd.s32 $0xFFFFC000  }
0x75d: {  	s17 =	simm.s32 $0x0;
	s22 =	simm.s32 $0x9;
	[bflag:$0x0] =	sbarrier.arrive $0xFFFF  }
0x75e: {  	[tilespmem:s17], [sflag:$0x9] =	stream.linear.gather [spmem:s29], $0x4000, $0x38;
	[tilespmem:$0x1A600] =	vst v63  }
0x75f: {  	_ =	swait.ge [sflag:s22], $0x4000  }
0x760: {  	[sflag:s22] =	ssyncset.done $0x0  }
0x761: {  	s21 =	rddreg [dreg:$0x8];
	[sflag:s22] =	ssyncadd.s32 $0xFFFFC000  }
0x762: {  	[tilespmem:s6], [sflag:$0x9] =	stream.linear.gather [spmem:s21], $0x4000, $0x38;
	[tilespmem:$0x1A600] =	vst v63  }
0x763: {  	_ =	swait.ge [sflag:s22], $0x4000  }
0x764: {  	[sflag:s22] =	ssyncset.done $0x0  }
0x765: {  	s16 =	simm.s32 $0x0;
	[sflag:s22] =	ssyncadd.s32 $0xFFFFC000  }
0x766: {  	v18 =	vld [tilespmem:s16+$0x4000];
	_ =	sdelay $0x4  }
0x767: {  	v18 =	vmax.f32 v18, $1.000000000e+00  }
0x768: {  	s11 =	simm.s32 $0x80;
	(erf) = vrcp.f32 v18  }
0x769: {  	v18 =	vld [tilespmem:s11+$0x4000];
	_ =	sdelay $0x2  }
0x76a: {  	v23 =	vld [tilespmem:s16+$0x0]  }
0x76b: {  	v24 =	vld [tilespmem:s16+$0x10]  }
0x76c: {  	v22 =	vld [tilespmem:s16+$0x20];
	v18 =	vmax.f32 v18, $1.000000000e+00  }
0x76d: {  	v20 =	vld [tilespmem:s16+$0x30]  }
0x76e: {  	v21 =	vld [tilespmem:s16+$0x40]  }
0x76f: {  	v19 =	vld [tilespmem:s16+$0x50];
	(erf) = vrcp.f32 v18;
	v18 =	vpop (erf)  }
0x770: {  	s17 =	simm.s32 $0x400;
	v25 =	vmul.f32 v18, v23;
	v24 =	vmul.f32 v24, v18;
	v23 =	vld [tilespmem:s16+$0x60]  }
.LBB2_28:
0x771: {  	s21 =	sshra.s32 s17, $0x2;
	p0 =	sne.s32 s17, $0xFE00;
	s17 =	sadd.s32 $0x200, s17;
	v22 =	vmul.f32 v22, v18;
	v26 =	vld [tilespmem:s16+$0x70]  }
0x772: {  	v27 =	vld [tilespmem:s21+$0x4000];
	[tilespmem:s16+$0x0] =	vst v25;
	v20 =	vmul.f32 v20, v18  }
0x773: {  	v25 =	vld [tilespmem:s11+$0x0];
	[tilespmem:s16+$0x10] =	vst v24;
	v21 =	vmul.f32 v21, v18  }
0x774: {  	v24 =	vld [tilespmem:s11+$0x10];
	[tilespmem:s16+$0x20] =	vst v22;
	v19 =	vmul.f32 v19, v18  }
.Ltmp13:
0x775: {  	v22 =	vld [tilespmem:s11+$0x20];
	[tilespmem:s16+$0x30] =	vst v20;
	v23 =	vmul.f32 v23, v18;
	(pc) =	sbr.rel @p0 .LBB2_28-.Ltmp13, $4  }
0x776: {  	v20 =	vld [tilespmem:s11+$0x30];
	[tilespmem:s16+$0x40] =	vst v21;
	v26 =	vmul.f32 v26, v18  }
0x777: {  	v27 =	vmax.f32 v27, $1.000000000e+00;
	v21 =	vld [tilespmem:s11+$0x40];
	[tilespmem:s16+$0x50] =	vst v19  }
0x778: {  	(erf) = vrcp.f32 v27;
	v19 =	vld [tilespmem:s11+$0x50];
	v18 =	vpop (erf);
	[tilespmem:s16+$0x60] =	vst v23  }
0x779: {  	v25 =	vmul.f32 v18, v25;
	v24 =	vmul.f32 v24, v18;
	v23 =	vld [tilespmem:s11+$0x60];
	[tilespmem:s16+$0x70] =	vst v26;
	s16 =	smov.u32 s11;
	s11 =	smov.u32 s21  }
0x77a: {  	_ =	sdelay $0x1  }
0x77b: {  	v26 =	vld [tilespmem:s16+$0x70];
	v22 =	vmul.f32 v22, v18;
	[tilespmem:s16+$0x0] =	vst v25  }
0x77c: {  	v20 =	vmul.f32 v20, v18;
	v25 =	vld [tilespmem:s11+$0x0];
	[tilespmem:s16+$0x10] =	vst v24  }
0x77d: {  	v21 =	vmul.f32 v21, v18;
	v24 =	vld [tilespmem:s11+$0x10];
	[tilespmem:s16+$0x20] =	vst v22  }
0x77e: {  	v19 =	vmul.f32 v19, v18;
	v22 =	vld [tilespmem:s11+$0x20];
	[tilespmem:s16+$0x30] =	vst v20  }
0x77f: {  	v23 =	vmul.f32 v23, v18;
	v20 =	vld [tilespmem:s11+$0x30];
	[tilespmem:s16+$0x40] =	vst v21  }
0x780: {  	v18 =	vmul.f32 v26, v18;
	v21 =	vld [tilespmem:s11+$0x40];
	[tilespmem:s16+$0x50] =	vst v19;
	v60 =	vpop (erf)  }
0x781: {  	v19 =	vld [tilespmem:s11+$0x50];
	[tilespmem:s16+$0x60] =	vst v23;
	v25 =	vmul.f32 v60, v25  }
0x782: {  	v61 =	vld [tilespmem:s11+$0x60];
	[tilespmem:s16+$0x70] =	vst v18;
	v18 =	vmul.f32 v24, v60  }
0x783: {  	v62 =	vld [tilespmem:s11+$0x70];
	v22 =	vmul.f32 v22, v60;
	[tilespmem:s11+$0x0] =	vst v25  }
0x784: {  	v20 =	vmul.f32 v20, v60;
	[tilespmem:s11+$0x10] =	vst v18  }
0x785: {  	v18 =	vmul.f32 v21, v60;
	[tilespmem:s11+$0x20] =	vst v22  }
0x786: {  	v19 =	vmul.f32 v19, v60;
	[tilespmem:s11+$0x30] =	vst v20  }
0x787: {  	v63 =	vmul.f32 v61, v60;
	[tilespmem:s11+$0x40] =	vst v18  }
0x788: {  	v18 =	vmul.f32 v62, v60;
	[tilespmem:s11+$0x50] =	vst v19  }
0x789: {  	[tilespmem:s11+$0x60] =	vst v63  }
0x78a: {  	s17 =	simm.s32 $0x0;
	s21 =	rddreg [dreg:$0x10];
	[tilespmem:s11+$0x70] =	vst v18  }
0x78b: {  	[hbm4b:s21+s17] =	stream.linear.scatter [tilespmem:s17], [sflag:$0x9], $0x4000, $0x38;
	[tilespmem:$0x1A600] =	vst v63  }
0x78c: {  	_ =	swait.ge [sflag:s22], $0x4000  }
0x78d: {  	s17 =	rddreg [dreg:$0x17]  }
0x78e: {  	s21 =	rddreg [dreg:$0x16];
	s16 =	sadd.s32 $0x1, s17  }
0x78f: {  	p0 =	sne.s32 s16, s21  }
.Ltmp14:
0x790: {  	_ = 	snop;
	(pc) =	sbr.rel @p0 .LBB2_1-.Ltmp14, $3  }
0x791: {  	_ =	sdelay $0x1  }
0x792: {  	[sflag:s22] =	ssyncset.done $0x0  }
0x793: {  	[sflag:s22] =	ssyncadd.s32 $0xFFFFC000  }
0x794: {  	_ =	sfence.sel $0x180000  }
0x795: {  	[bflag:$0x0] =	sbarrier.arrive $0xFFFF  }
0x796: {  	_ =	strace $0x90000047  }
0x797: {  	s0 =	stileid.u32;
	[bflag:$0x2] =	sbarrier.arrive $0xFFFF  }
0x798: {  	p0 =	sne.s32 s0, $0x0;
	s0 =	rddreg [dreg:$0x6]  }
0x799: {  	s0 =	sadd.s32 @!p0 $0x100000, s0  }
0x79a: {  	[sflag:s0] =	ssyncadd.tile.s32 @!p0 $0x1;
	_ =	shalt  }
.Lfunc_end2:
_tile_overlayer_lowered:
.L_overlay_start_2:
0x79b: {  	(tag) =	ssettag $0x2  }
0x79c: {  	s0 =	rddreg [dreg:$0x0];
	s2 =	stileid.u32  }
0x79d: {  	s1 =	rddreg [dreg:$0x1];
	p0 =	sne.s32 s2, $0x0  }
0x79e: {  	s3 =	rddreg [dreg:$0x2];
	[bflag:$0x3] =	sbarrier.arrive $0xFFFF;
	s2 =	simm.s32 @!p0 $0x1C09  }
0x79f: {  	[timem:s3], [sflag:s2] =	dma.local @!p0 [hbm:s0], s1  }
0x7a0: {  	s0 =	simm.s32 @!p0 $0x9  }
0x7a1: {  	_ =	swait.ge @!p0 [sflag:s0], s1  }
0x7a2: {  	s1 =	ssub.s32 @!p0 $0x0, s1;
	[sflag:s0] =	ssyncset.done @!p0 $0x0  }
0x7a3: {  	[sflag:s0] =	ssyncadd.s32 @!p0 s1  }
0x7a4: {  	[bflag:$0x3] =	sbarrier.arrive $0xFFFF  }
0x7a5: {  	_ =	shalt  }

</sc_bundles>
